<compile_context>
chip_gen: v7x
topology: tpu7x:2x2x1
jax: 0.10.2.dev20260603
libtpu: 0.0.44.dev20260713+nightly
codegen_flags: <defaults>
</compile_context>

<pallas_src>
import dataclasses
import functools

import jax
import jax.numpy as jnp
from jax import lax
from jax.experimental import pallas as pl
from jax.experimental.pallas import tpu as pltpu
from jax.experimental.pallas import tpu_sc as plsc

B, L, K, C, H, W_ = 16, 1000, 17, 96, 64, 64
TOPK = 4
HIDDEN = 64
IN_DIM = K * (TOPK + 1)
N = B * L * K
NT = 4 * N
NI = 2 * N
CHUNK = 64
NW = 32
CPW = 134
NCHUNK_PAD = NW * (CPW + 2)
N_PAD = NW * CPW * CHUNK
NT_PAD = 4 * NCHUNK_PAD * CHUNK
NI_PAD = 2 * NCHUNK_PAD * CHUNK
LANES = 16


def _sc_gather_combine(idx, w, table):
    mesh = plsc.VectorSubcoreMesh(core_axis_name="c", subcore_axis_name="s")
    cp = pltpu.CompilerParams()
    if "needs_layout_passes" in pltpu.CompilerParams.__dataclass_fields__:
        cp = dataclasses.replace(cp, needs_layout_passes=False)
    if "use_tc_tiling_on_sc" in pltpu.CompilerParams.__dataclass_fields__:
        cp = dataclasses.replace(cp, use_tc_tiling_on_sc=False)

    @functools.partial(
        pl.kernel,
        compiler_params=cp,
        out_type=jax.ShapeDtypeStruct((N_PAD, C), jnp.float32),
        mesh=mesh,
        scratch_types=(
            [pltpu.VMEM((2 * CHUNK,), jnp.int32)] * 2
            + [pltpu.VMEM((4 * CHUNK,), jnp.float32)] * 2
            + [pltpu.VMEM((2 * CHUNK, 2 * C), jnp.float32)] * 2
            + [pltpu.VMEM((CHUNK, C), jnp.float32)] * 2
            + [pltpu.SemaphoreType.DMA] * 6
        ),
    )
    def k(idx_hbm, w_hbm, table_hbm, sv_hbm,
          idx0, idx1, w0, w1, rows0, rows1, out0, out1,
          siw0, siw1, sg0, sg1, swb0, swb1):
        wid = lax.axis_index("c") * 16 + lax.axis_index("s")
        bufs = [(idx0, w0, rows0, out0, siw0, sg0, swb0),
                (idx1, w1, rows1, out1, siw1, sg1, swb1)]

        def start_idxw(b, cid):
            idx_v, w_v, _, _, siw, _, _ = bufs[b]
            pltpu.make_async_copy(
                idx_hbm.at[pl.ds(cid * (2 * CHUNK), 2 * CHUNK)],
                idx_v, siw).start()
            pltpu.make_async_copy(
                w_hbm.at[pl.ds(cid * (4 * CHUNK), 4 * CHUNK)],
                w_v, siw).start()

        def wait_idxw(b):
            idx_v, w_v, _, _, siw, _, _ = bufs[b]
            pltpu.make_async_copy(
                idx_hbm.at[pl.ds(0, 2 * CHUNK)], idx_v, siw).wait()
            pltpu.make_async_copy(
                w_hbm.at[pl.ds(0, 4 * CHUNK)], w_v, siw).wait()

        def gather_copies(b):
            idx_v, _, rows_v, _, _, sg, _ = bufs[b]
            return [pltpu.make_async_copy(
                        table_hbm.at[idx_v], rows_v, sg)]

        def start_wb(b, cid):
            _, _, _, out_v, _, _, swb = bufs[b]
            pltpu.make_async_copy(
                out_v, sv_hbm.at[pl.ds(cid * CHUNK, CHUNK)], swb).start()

        def wait_wb(b):
            _, _, _, out_v, _, _, swb = bufs[b]
            pltpu.make_async_copy(
                out_v, sv_hbm.at[pl.ds(0, CHUNK)], swb).wait()

        def compute(b):
            _, w_v, rows_v, out_v, _, _, _ = bufs[b]

            @plsc.parallel_loop(0, CHUNK, unroll=4)
            def _(i):
                r0 = 2 * i
                wv = [plsc.load_gather(w_v, [jnp.full((LANES,), 4 * i + t,
                                                      jnp.int32)])
                      for t in range(4)]
                for c6 in range(C // LANES):
                    lo = pl.ds(LANES * c6, LANES)
                    hi = pl.ds(C + LANES * c6, LANES)
                    acc = (wv[0] * rows_v[r0, lo] + wv[1] * rows_v[r0, hi]
                           + wv[2] * rows_v[r0 + 1, lo]
                           + wv[3] * rows_v[r0 + 1, hi])
                    out_v[i, lo] = acc

        def phase(b, cid, first):
            ob = 1 - b
            wait_idxw(ob)
            for cp in gather_copies(ob):
                cp.start()
            for cp in gather_copies(b):
                cp.wait()
            if not first:
                wait_wb(b)
            compute(b)
            start_wb(b, cid)
            start_idxw(b, cid + 2 * NW)

        start_idxw(0, wid)
        start_idxw(1, wid + NW)
        wait_idxw(0)
        for cp in gather_copies(0):
            cp.start()
        phase(0, wid, True)
        phase(1, wid + NW, True)

        @pl.loop(1, CPW // 2)
        def _(u):
            c0 = wid + (2 * u) * NW
            phase(0, c0, False)
            phase(1, c0 + NW, False)

        for cp in gather_copies(0):
            cp.wait()
        wait_idxw(1)
        wait_wb(0)
        wait_wb(1)

    return k(idx, w, table)


ROWS = 64
GRID = B * L // ROWS


def _tc_head(sv_flat, scores2, W1, b1r, W2, b2r):

    def body(sv_ref, sc_ref, w1_ref, b1_ref, w2_ref, b2_ref, out_ref):
        v = sv_ref[...].reshape(ROWS, K, C)
        iot = lax.broadcasted_iota(jnp.int32, v.shape, 2)
        tops = []
        for _ in range(TOPK):
            m = jnp.max(v, axis=-1, keepdims=True)
            tops.append(m)
            amax = jnp.argmax(v, axis=-1)[..., None]
            v = jnp.where(iot == amax, -jnp.inf, v)
        mean = (tops[0] + tops[1] + tops[2] + tops[3]) * 0.25
        stat = jnp.concatenate(tops + [mean], axis=-1)
        x85 = stat.reshape(ROWS, IN_DIM)
        h = lax.dot_general(x85, w1_ref[...], (((1,), (1,)), ((), ())),
                            preferred_element_type=jnp.float32) + b1_ref[...]
        h = jnp.maximum(h, 0.0)
        q = jnp.sum(h * w2_ref[...], axis=-1, keepdims=True) + b2_ref[0]
        out_ref[...] = sc_ref[...] + q

    return pl.pallas_call(
        body,
        grid=(GRID,),
        in_specs=[
            pl.BlockSpec((ROWS * K, C), lambda i: (i, 0)),
            pl.BlockSpec((ROWS, 1), lambda i: (i, 0)),
            pl.BlockSpec((HIDDEN, IN_DIM), lambda i: (0, 0)),
            pl.BlockSpec((1, HIDDEN), lambda i: (0, 0)),
            pl.BlockSpec((1, HIDDEN), lambda i: (0, 0)),
            pl.BlockSpec(memory_space=pltpu.SMEM),
        ],
        out_specs=pl.BlockSpec((ROWS, 1), lambda i: (i, 0)),
        out_shape=jax.ShapeDtypeStruct((B * L, 1), jnp.float32),
    )(sv_flat, scores2, W1, b1r, W2, b2r)


def kernel(scores, pred_poses, feat, W1, b1, W2, b2):
    table = feat.transpose(0, 2, 3, 1).reshape(B * H * W_, C)
    table2 = jnp.concatenate([table[:-1], table[1:]], axis=1)
    pp = pred_poses.reshape(B, L, K, 2)
    ix = pp[..., 0] * W_ - 0.5
    iy = pp[..., 1] * H - 0.5
    ix0 = jnp.floor(ix)
    iy0 = jnp.floor(iy)
    wx1 = ix - ix0
    wy1 = iy - iy0
    boff = (jnp.arange(B, dtype=jnp.int32) * (H * W_))[:, None, None]

    xlo = jnp.clip(ix0, 0, W_ - 2).astype(jnp.int32)
    wl = (1.0 - wx1) * ((ix0 >= 0) & (ix0 <= W_ - 1)).astype(jnp.float32)
    wh = wx1 * ((ix0 + 1 >= 0) & (ix0 + 1 <= W_ - 1)).astype(jnp.float32)
    s0 = jnp.clip(ix0, 0, W_ - 1).astype(jnp.int32) - xlo
    s1 = jnp.clip(ix0 + 1, 0, W_ - 1).astype(jnp.int32) - xlo
    wslot0 = wl * (s0 == 0).astype(jnp.float32) \
        + wh * (s1 == 0).astype(jnp.float32)
    wslot1 = wl * (s0 == 1).astype(jnp.float32) \
        + wh * (s1 == 1).astype(jnp.float32)

    idx_list, w_list = [], []
    for dy in (0, 1):
        yt = iy0 + dy
        vy = ((yt >= 0) & (yt <= H - 1)).astype(jnp.float32)
        yi = jnp.clip(yt, 0, H - 1).astype(jnp.int32)
        wy = (wy1 if dy else 1.0 - wy1) * vy
        idx_list.append(boff + yi * W_ + xlo)
        w_list.append(wy * wslot0)
        w_list.append(wy * wslot1)
    idx = jnp.pad(jnp.stack(idx_list, axis=-1).reshape(NI), (0, NI_PAD - NI))
    w = jnp.pad(jnp.stack(w_list, axis=-1).reshape(NT), (0, NT_PAD - NT))

    sv = _sc_gather_combine(idx, w, table2)
    out = _tc_head(sv, scores.reshape(B * L, 1),
                   W1, b1.reshape(1, HIDDEN), W2, b2)
    return out.reshape(B, L, 1)

# --- scband reference (transcript-rebuilt; emitter-appended) ---
"""Pipeline reference for scband-lqepose-19988777796195 (READ-ONLY COPY).

The authoritative reference and input builder live on the scoring server;
editing this copy changes nothing except your own understanding.
"""

import jax, jax.numpy as jnp
import numpy as np

B, L, K, C, H, W = 16, 1000, 17, 96, 64, 64
TOPK = 4
HIDDEN = 64
IN_DIM = K * (TOPK + 1)


def grid_sample_bilinear_zeros(feat, grid):
    # feat: [B, C, H, W]; grid: [B, Hg, Wg, 2] in [-1, 1], align_corners=False
    Bf, Cf, Hf, Wf = feat.shape
    gx = grid[..., 0]
    gy = grid[..., 1]
    ix = ((gx + 1.0) * Wf - 1.0) / 2.0
    iy = ((gy + 1.0) * Hf - 1.0) / 2.0
    ix0 = jnp.floor(ix)
    iy0 = jnp.floor(iy)
    ix1 = ix0 + 1.0
    iy1 = iy0 + 1.0
    wx1 = ix - ix0
    wx0 = 1.0 - wx1
    wy1 = iy - iy0
    wy0 = 1.0 - wy1

    def gather(iyf, ixf):
        valid = (ixf >= 0) & (ixf <= Wf - 1) & (iyf >= 0) & (iyf <= Hf - 1)
        ixc = jnp.clip(ixf, 0, Wf - 1).astype(jnp.int32)
        iyc = jnp.clip(iyf, 0, Hf - 1).astype(jnp.int32)
        bidx = jnp.arange(Bf)[:, None, None]
        v = feat[bidx, :, iyc, ixc]  # [B, Hg, Wg, C]
        return v * valid[..., None].astype(feat.dtype)

    v00 = gather(iy0, ix0)
    v01 = gather(iy0, ix1)
    v10 = gather(iy1, ix0)
    v11 = gather(iy1, ix1)
    out = (v00 * (wy0 * wx0)[..., None] + v01 * (wy0 * wx1)[..., None]
           + v10 * (wy1 * wx0)[..., None] + v11 * (wy1 * wx1)[..., None])
    return out  # [B, Hg, Wg, C]  (== torch grid_sample output permuted (0,2,3,1))


def setup_inputs(seed: int = 0) -> dict:
    key = jax.random.key(seed)
    ks = jax.random.split(key, 7)
    scores = jax.random.normal(ks[0], (B, L, 1), dtype=jnp.float32)
    pred_poses = jax.random.uniform(ks[1], (B, L, K * 2), dtype=jnp.float32)
    feat = jax.random.normal(ks[2], (B, C, H, W), dtype=jnp.float32)
    W1 = jax.random.normal(ks[3], (HIDDEN, IN_DIM), dtype=jnp.float32) * (1.0 / np.sqrt(IN_DIM))
    b1 = jax.random.normal(ks[4], (HIDDEN,), dtype=jnp.float32) * 0.01
    W2 = jax.random.normal(ks[5], (1, HIDDEN), dtype=jnp.float32) * (1.0 / np.sqrt(HIDDEN))
    b2 = jax.random.normal(ks[6], (1,), dtype=jnp.float32) * 0.01
    return {"scores": scores, "pred_poses": pred_poses, "feat": feat,
            "W1": W1, "b1": b1, "W2": W2, "b2": b2}


def reference(scores, pred_poses, feat, W1, b1, W2, b2):
    b, l = pred_poses.shape[:2]
    pp = pred_poses.reshape(b, l, K, 2)
    grid = 2.0 * pp - 1.0
    sampling_values = grid_sample_bilinear_zeros(feat, grid)  # [b, l, K, C]
    prob_topk = jax.lax.top_k(sampling_values, TOPK)[0]       # [b, l, K, TOPK]
    stat = jnp.concatenate([prob_topk, prob_topk.mean(axis=-1, keepdims=True)], axis=-1)
    x = stat.reshape(b, l, K * (TOPK + 1))
    h = jax.nn.relu(x @ W1.T + b1)
    quality = h @ W2.T + b2
    return scores + quality

if __name__ == "__main__":
    import jax
    _d = setup_inputs()
    print(jax.jit(kernel)(*tuple(_d.values())))

</pallas_src>

<mosaic_0001>
#map = affine_map<(d0, d1) -> (0)>
#map1 = affine_map<(d0, d1) -> (0, 0)>
module attributes {stable_mosaic.version = 14 : i64} {
  func.func @k(%arg0: i32, %arg1: i32, %arg2: memref<557056xi32, #tpu.memory_space<hbm>>, %arg3: memref<1114112xf32, #tpu.memory_space<hbm>>, %arg4: memref<65535x192xf32, #tpu.memory_space<hbm>>, %arg5: memref<274432x96xf32, #tpu.memory_space<hbm>>, %arg6: memref<128xi32, #tpu.memory_space<vmem>>, %arg7: memref<128xi32, #tpu.memory_space<vmem>>, %arg8: memref<256xf32, #tpu.memory_space<vmem>>, %arg9: memref<256xf32, #tpu.memory_space<vmem>>, %arg10: memref<128x192xf32, #tpu.memory_space<vmem>>, %arg11: memref<128x192xf32, #tpu.memory_space<vmem>>, %arg12: memref<64x96xf32, #tpu.memory_space<vmem>>, %arg13: memref<64x96xf32, #tpu.memory_space<vmem>>, %arg14: memref<!tpu.dma_semaphore, #tpu.memory_space<semaphore_mem>>, %arg15: memref<!tpu.dma_semaphore, #tpu.memory_space<semaphore_mem>>, %arg16: memref<!tpu.dma_semaphore, #tpu.memory_space<semaphore_mem>>, %arg17: memref<!tpu.dma_semaphore, #tpu.memory_space<semaphore_mem>>, %arg18: memref<!tpu.dma_semaphore, #tpu.memory_space<semaphore_mem>>, %arg19: memref<!tpu.dma_semaphore, #tpu.memory_space<semaphore_mem>>) attributes {dimension_semantics = [#tpu.dimension_semantics<core_parallel>, #tpu.dimension_semantics<subcore_parallel>], iteration_bounds = array<i64: 2, 16>, scalar_prefetch = 0 : i64, scratch_operands = 14 : i64, tpu.core_type = #tpu.core_type<sc_vector_subcore>, window_params = [{transform_indices = #map}, {transform_indices = #map}, {transform_indices = #map1}, {transform_indices = #map1}]} {
    %mul3A = arith.constant 16 : i32
    %mul3A_0 = arith.muli %arg0, %mul3A : i32
    %add3A = arith.addi %mul3A_0, %arg1 : i32
    %mul3A_1 = arith.constant 128 : i32
    %mul3A_2 = arith.muli %add3A, %mul3A_1 : i32
    %dma_start3A = tpu.memref_slice %arg2[%mul3A_2] : memref<557056xi32, #tpu.memory_space<hbm>> -> memref<128xi32, #tpu.memory_space<hbm>>
    %dma_start3A_3 = tpu.memref_slice %arg2[%mul3A_2] : memref<557056xi32, #tpu.memory_space<hbm>> -> memref<128xi32, #tpu.memory_space<hbm>>
    tpu.enqueue_dma source(%dma_start3A_3 : memref<128xi32, #tpu.memory_space<hbm>>) target(%arg6 : memref<128xi32, #tpu.memory_space<vmem>>) target_semaphore(%arg14 : memref<!tpu.dma_semaphore, #tpu.memory_space<semaphore_mem>>)
    %mul3A_4 = arith.constant 256 : i32
    %mul3A_5 = arith.muli %add3A, %mul3A_4 : i32
    %dma_start3A_6 = tpu.memref_slice %arg3[%mul3A_5] : memref<1114112xf32, #tpu.memory_space<hbm>> -> memref<256xf32, #tpu.memory_space<hbm>>
    %dma_start3A_7 = tpu.memref_slice %arg3[%mul3A_5] : memref<1114112xf32, #tpu.memory_space<hbm>> -> memref<256xf32, #tpu.memory_space<hbm>>
    tpu.enqueue_dma source(%dma_start3A_7 : memref<256xf32, #tpu.memory_space<hbm>>) target(%arg8 : memref<256xf32, #tpu.memory_space<vmem>>) target_semaphore(%arg14 : memref<!tpu.dma_semaphore, #tpu.memory_space<semaphore_mem>>)
    %add3A_8 = arith.constant 32 : i32
    %add3A_9 = arith.addi %add3A, %add3A_8 : i32
    %mul3A_10 = arith.constant 128 : i32
    %mul3A_11 = arith.muli %add3A_9, %mul3A_10 : i32
    %dma_start3A_12 = tpu.memref_slice %arg2[%mul3A_11] : memref<557056xi32, #tpu.memory_space<hbm>> -> memref<128xi32, #tpu.memory_space<hbm>>
    %dma_start3A_13 = tpu.memref_slice %arg2[%mul3A_11] : memref<557056xi32, #tpu.memory_space<hbm>> -> memref<128xi32, #tpu.memory_space<hbm>>
    tpu.enqueue_dma source(%dma_start3A_13 : memref<128xi32, #tpu.memory_space<hbm>>) target(%arg7 : memref<128xi32, #tpu.memory_space<vmem>>) target_semaphore(%arg15 : memref<!tpu.dma_semaphore, #tpu.memory_space<semaphore_mem>>)
    %mul3A_14 = arith.constant 256 : i32
    %mul3A_15 = arith.muli %add3A_9, %mul3A_14 : i32
    %dma_start3A_16 = tpu.memref_slice %arg3[%mul3A_15] : memref<1114112xf32, #tpu.memory_space<hbm>> -> memref<256xf32, #tpu.memory_space<hbm>>
    %dma_start3A_17 = tpu.memref_slice %arg3[%mul3A_15] : memref<1114112xf32, #tpu.memory_space<hbm>> -> memref<256xf32, #tpu.memory_space<hbm>>
    tpu.enqueue_dma source(%dma_start3A_17 : memref<256xf32, #tpu.memory_space<hbm>>) target(%arg9 : memref<256xf32, #tpu.memory_space<vmem>>) target_semaphore(%arg15 : memref<!tpu.dma_semaphore, #tpu.memory_space<semaphore_mem>>)
    %dma_wait3A = arith.constant 0 : i32
    %dma_wait3A_18 = tpu.memref_slice %arg2[%dma_wait3A] : memref<557056xi32, #tpu.memory_space<hbm>> -> memref<128xi32, #tpu.memory_space<hbm>>
    %dma_wait3A_19 = arith.constant 0 : i32
    %dma_wait3A_20 = tpu.memref_slice %arg2[%dma_wait3A_19] : memref<557056xi32, #tpu.memory_space<hbm>> -> memref<128xi32, #tpu.memory_space<hbm>>
    tpu.wait_dma2 semaphore(%arg14 : memref<!tpu.dma_semaphore, #tpu.memory_space<semaphore_mem>>) src(%dma_wait3A_20 : memref<128xi32, #tpu.memory_space<hbm>>) dst(%arg6 : memref<128xi32, #tpu.memory_space<vmem>>)
    %dma_wait3A_21 = arith.constant 0 : i32
    %dma_wait3A_22 = tpu.memref_slice %arg3[%dma_wait3A_21] : memref<1114112xf32, #tpu.memory_space<hbm>> -> memref<256xf32, #tpu.memory_space<hbm>>
    %dma_wait3A_23 = arith.constant 0 : i32
    %dma_wait3A_24 = tpu.memref_slice %arg3[%dma_wait3A_23] : memref<1114112xf32, #tpu.memory_space<hbm>> -> memref<256xf32, #tpu.memory_space<hbm>>
    tpu.wait_dma2 semaphore(%arg14 : memref<!tpu.dma_semaphore, #tpu.memory_space<semaphore_mem>>) src(%dma_wait3A_24 : memref<256xf32, #tpu.memory_space<hbm>>) dst(%arg8 : memref<256xf32, #tpu.memory_space<vmem>>)
    %dma_start3A_25 = arith.constant 0 : i32
    %dma_start3A_26 = arith.constant 0 : i32
    %dma_start3A_27 = tpu.memref_slice %arg4[%dma_start3A_25, %dma_start3A_26] : memref<65535x192xf32, #tpu.memory_space<hbm>> -> memref<65535x192xf32, #tpu.memory_space<hbm>>
    tpu.enqueue_indirect_dma source(%dma_start3A_27 : memref<65535x192xf32, #tpu.memory_space<hbm>>) target(%arg10 : memref<128x192xf32, #tpu.memory_space<vmem>>) offsets(%arg6 : memref<128xi32, #tpu.memory_space<vmem>>) semaphore(%arg16 : memref<!tpu.dma_semaphore, #tpu.memory_space<semaphore_mem>>)
    %dma_wait3A_28 = arith.constant 0 : i32
    %dma_wait3A_29 = tpu.memref_slice %arg2[%dma_wait3A_28] : memref<557056xi32, #tpu.memory_space<hbm>> -> memref<128xi32, #tpu.memory_space<hbm>>
    %dma_wait3A_30 = arith.constant 0 : i32
    %dma_wait3A_31 = tpu.memref_slice %arg2[%dma_wait3A_30] : memref<557056xi32, #tpu.memory_space<hbm>> -> memref<128xi32, #tpu.memory_space<hbm>>
    tpu.wait_dma2 semaphore(%arg15 : memref<!tpu.dma_semaphore, #tpu.memory_space<semaphore_mem>>) src(%dma_wait3A_31 : memref<128xi32, #tpu.memory_space<hbm>>) dst(%arg7 : memref<128xi32, #tpu.memory_space<vmem>>)
    %dma_wait3A_32 = arith.constant 0 : i32
    %dma_wait3A_33 = tpu.memref_slice %arg3[%dma_wait3A_32] : memref<1114112xf32, #tpu.memory_space<hbm>> -> memref<256xf32, #tpu.memory_space<hbm>>
    %dma_wait3A_34 = arith.constant 0 : i32
    %dma_wait3A_35 = tpu.memref_slice %arg3[%dma_wait3A_34] : memref<1114112xf32, #tpu.memory_space<hbm>> -> memref<256xf32, #tpu.memory_space<hbm>>
    tpu.wait_dma2 semaphore(%arg15 : memref<!tpu.dma_semaphore, #tpu.memory_space<semaphore_mem>>) src(%dma_wait3A_35 : memref<256xf32, #tpu.memory_space<hbm>>) dst(%arg9 : memref<256xf32, #tpu.memory_space<vmem>>)
    %dma_start3A_36 = arith.constant 0 : i32
    %dma_start3A_37 = arith.constant 0 : i32
    %dma_start3A_38 = tpu.memref_slice %arg4[%dma_start3A_36, %dma_start3A_37] : memref<65535x192xf32, #tpu.memory_space<hbm>> -> memref<65535x192xf32, #tpu.memory_space<hbm>>
    tpu.enqueue_indirect_dma source(%dma_start3A_38 : memref<65535x192xf32, #tpu.memory_space<hbm>>) target(%arg11 : memref<128x192xf32, #tpu.memory_space<vmem>>) offsets(%arg7 : memref<128xi32, #tpu.memory_space<vmem>>) semaphore(%arg17 : memref<!tpu.dma_semaphore, #tpu.memory_space<semaphore_mem>>)
    %dma_wait3A_39 = arith.constant 0 : i32
    %dma_wait3A_40 = arith.constant 0 : i32
    %dma_wait3A_41 = tpu.memref_slice %arg4[%dma_wait3A_39, %dma_wait3A_40] : memref<65535x192xf32, #tpu.memory_space<hbm>> -> memref<65535x192xf32, #tpu.memory_space<hbm>>
    tpu.wait_indirect_dma semaphore(%arg16 : memref<!tpu.dma_semaphore, #tpu.memory_space<semaphore_mem>>) src(%dma_wait3A_41 : memref<65535x192xf32, #tpu.memory_space<hbm>>) dst(%arg10 : memref<128x192xf32, #tpu.memory_space<vmem>>)
    %parallel_loop3A = arith.constant 0 : i32
    %parallel_loop3A_42 = arith.constant 64 : i32
    %parallel_loop3A_43 = arith.constant 1 : i32
    scf.for %parallel_loop3A_122 = %parallel_loop3A to %parallel_loop3A_42 step %parallel_loop3A_43  : i32 {
      %parallel_loop3A_123 = arith.constant 2 : i32
      %parallel_loop3A_124 = arith.muli %parallel_loop3A_123, %parallel_loop3A_122 : i32
      %parallel_loop3A_125 = arith.constant 4 : i32
      %parallel_loop3A_126 = arith.muli %parallel_loop3A_125, %parallel_loop3A_122 : i32
      %parallel_loop3A_127 = arith.constant 0 : i32
      %parallel_loop3A_128 = arith.addi %parallel_loop3A_126, %parallel_loop3A_127 : i32
      %parallel_loop3A_129 = vector.broadcast %parallel_loop3A_128 : i32 to vector<16xi32>
      %parallel_loop3A_130 = tpu.vector_load_idx %arg8[%parallel_loop3A_129] : memref<256xf32, #tpu.memory_space<vmem>>[vector<16xi32>], vector<16xf32>,
      %parallel_loop3A_131 = arith.constant 4 : i32
      %parallel_loop3A_132 = arith.muli %parallel_loop3A_131, %parallel_loop3A_122 : i32
      %parallel_loop3A_133 = arith.constant 1 : i32
      %parallel_loop3A_134 = arith.addi %parallel_loop3A_132, %parallel_loop3A_133 : i32
      %parallel_loop3A_135 = vector.broadcast %parallel_loop3A_134 : i32 to vector<16xi32>
      %parallel_loop3A_136 = tpu.vector_load_idx %arg8[%parallel_loop3A_135] : memref<256xf32, #tpu.memory_space<vmem>>[vector<16xi32>], vector<16xf32>,
      %parallel_loop3A_137 = arith.constant 4 : i32
      %parallel_loop3A_138 = arith.muli %parallel_loop3A_137, %parallel_loop3A_122 : i32
      %parallel_loop3A_139 = arith.constant 2 : i32
      %parallel_loop3A_140 = arith.addi %parallel_loop3A_138, %parallel_loop3A_139 : i32
      %parallel_loop3A_141 = vector.broadcast %parallel_loop3A_140 : i32 to vector<16xi32>
      %parallel_loop3A_142 = tpu.vector_load_idx %arg8[%parallel_loop3A_141] : memref<256xf32, #tpu.memory_space<vmem>>[vector<16xi32>], vector<16xf32>,
      %parallel_loop3A_143 = arith.constant 4 : i32
      %parallel_loop3A_144 = arith.muli %parallel_loop3A_143, %parallel_loop3A_122 : i32
      %parallel_loop3A_145 = arith.constant 3 : i32
      %parallel_loop3A_146 = arith.addi %parallel_loop3A_144, %parallel_loop3A_145 : i32
      %parallel_loop3A_147 = vector.broadcast %parallel_loop3A_146 : i32 to vector<16xi32>
      %parallel_loop3A_148 = tpu.vector_load_idx %arg8[%parallel_loop3A_147] : memref<256xf32, #tpu.memory_space<vmem>>[vector<16xi32>], vector<16xf32>,
      %parallel_loop3A_149 = arith.index_cast %parallel_loop3A_124 : i32 to index
      %parallel_loop3A_150 = arith.constant 0 : index
      %parallel_loop3A_151 = tpu.vector_load %arg10[%parallel_loop3A_149, %parallel_loop3A_150] {strides = array<i32>} : memref<128x192xf32, #tpu.memory_space<vmem>>, vector<16xf32>,
      %parallel_loop3A_152 = arith.mulf %parallel_loop3A_130, %parallel_loop3A_151 : vector<16xf32>
      %parallel_loop3A_153 = arith.index_cast %parallel_loop3A_124 : i32 to index
      %parallel_loop3A_154 = arith.constant 96 : index
      %parallel_loop3A_155 = tpu.vector_load %arg10[%parallel_loop3A_153, %parallel_loop3A_154] {strides = array<i32>} : memref<128x192xf32, #tpu.memory_space<vmem>>, vector<16xf32>,
      %parallel_loop3A_156 = arith.mulf %parallel_loop3A_136, %parallel_loop3A_155 : vector<16xf32>
      %parallel_loop3A_157 = arith.addf %parallel_loop3A_152, %parallel_loop3A_156 : vector<16xf32>
      %parallel_loop3A_158 = arith.constant 1 : i32
      %parallel_loop3A_159 = arith.addi %parallel_loop3A_124, %parallel_loop3A_158 : i32
      %parallel_loop3A_160 = arith.index_cast %parallel_loop3A_159 : i32 to index
      %parallel_loop3A_161 = arith.constant 0 : index
      %parallel_loop3A_162 = tpu.vector_load %arg10[%parallel_loop3A_160, %parallel_loop3A_161] {strides = array<i32>} : memref<128x192xf32, #tpu.memory_space<vmem>>, vector<16xf32>,
      %parallel_loop3A_163 = arith.mulf %parallel_loop3A_142, %parallel_loop3A_162 : vector<16xf32>
      %parallel_loop3A_164 = arith.addf %parallel_loop3A_157, %parallel_loop3A_163 : vector<16xf32>
      %parallel_loop3A_165 = arith.constant 1 : i32
      %parallel_loop3A_166 = arith.addi %parallel_loop3A_124, %parallel_loop3A_165 : i32
      %parallel_loop3A_167 = arith.index_cast %parallel_loop3A_166 : i32 to index
      %parallel_loop3A_168 = arith.constant 96 : index
      %parallel_loop3A_169 = tpu.vector_load %arg10[%parallel_loop3A_167, %parallel_loop3A_168] {strides = array<i32>} : memref<128x192xf32, #tpu.memory_space<vmem>>, vector<16xf32>,
      %parallel_loop3A_170 = arith.mulf %parallel_loop3A_148, %parallel_loop3A_169 : vector<16xf32>
      %parallel_loop3A_171 = arith.addf %parallel_loop3A_164, %parallel_loop3A_170 : vector<16xf32>
      %parallel_loop3A_172 = arith.index_cast %parallel_loop3A_122 : i32 to index
      %parallel_loop3A_173 = arith.constant 0 : index
      %parallel_loop3A_174 = tpu.vector_load %arg12[%parallel_loop3A_172, %parallel_loop3A_173] {strides = array<i32>} : memref<64x96xf32, #tpu.memory_space<vmem>>, vector<16xf32>,
      tpu.vector_store %arg12[%parallel_loop3A_172, %parallel_loop3A_173], %parallel_loop3A_171 {strides = array<i32>} : memref<64x96xf32, #tpu.memory_space<vmem>>, vector<16xf32>,
      %parallel_loop3A_175 = arith.index_cast %parallel_loop3A_124 : i32 to index
      %parallel_loop3A_176 = arith.constant 16 : index
      %parallel_loop3A_177 = tpu.vector_load %arg10[%parallel_loop3A_175, %parallel_loop3A_176] {strides = array<i32>} : memref<128x192xf32, #tpu.memory_space<vmem>>, vector<16xf32>,
      %parallel_loop3A_178 = arith.mulf %parallel_loop3A_130, %parallel_loop3A_177 : vector<16xf32>
      %parallel_loop3A_179 = arith.index_cast %parallel_loop3A_124 : i32 to index
      %parallel_loop3A_180 = arith.constant 112 : index
      %parallel_loop3A_181 = tpu.vector_load %arg10[%parallel_loop3A_179, %parallel_loop3A_180] {strides = array<i32>} : memref<128x192xf32, #tpu.memory_space<vmem>>, vector<16xf32>,
      %parallel_loop3A_182 = arith.mulf %parallel_loop3A_136, %parallel_loop3A_181 : vector<16xf32>
      %parallel_loop3A_183 = arith.addf %parallel_loop3A_178, %parallel_loop3A_182 : vector<16xf32>
      %parallel_loop3A_184 = arith.constant 1 : i32
      %parallel_loop3A_185 = arith.addi %parallel_loop3A_124, %parallel_loop3A_184 : i32
      %parallel_loop3A_186 = arith.index_cast %parallel_loop3A_185 : i32 to index
      %parallel_loop3A_187 = arith.constant 16 : index
      %parallel_loop3A_188 = tpu.vector_load %arg10[%parallel_loop3A_186, %parallel_loop3A_187] {strides = array<i32>} : memref<128x192xf32, #tpu.memory_space<vmem>>, vector<16xf32>,
      %parallel_loop3A_189 = arith.mulf %parallel_loop3A_142, %parallel_loop3A_188 : vector<16xf32>
      %parallel_loop3A_190 = arith.addf %parallel_loop3A_183, %parallel_loop3A_189 : vector<16xf32>
      %parallel_loop3A_191 = arith.constant 1 : i32
      %parallel_loop3A_192 = arith.addi %parallel_loop3A_124, %parallel_loop3A_191 : i32
      %parallel_loop3A_193 = arith.index_cast %parallel_loop3A_192 : i32 to index
      %parallel_loop3A_194 = arith.constant 112 : index
      %parallel_loop3A_195 = tpu.vector_load %arg10[%parallel_loop3A_193, %parallel_loop3A_194] {strides = array<i32>} : memref<128x192xf32, #tpu.memory_space<vmem>>, vector<16xf32>,
      %parallel_loop3A_196 = arith.mulf %parallel_loop3A_148, %parallel_loop3A_195 : vector<16xf32>
      %parallel_loop3A_197 = arith.addf %parallel_loop3A_190, %parallel_loop3A_196 : vector<16xf32>
      %parallel_loop3A_198 = arith.index_cast %parallel_loop3A_122 : i32 to index
      %parallel_loop3A_199 = arith.constant 16 : index
      %parallel_loop3A_200 = tpu.vector_load %arg12[%parallel_loop3A_198, %parallel_loop3A_199] {strides = array<i32>} : memref<64x96xf32, #tpu.memory_space<vmem>>, vector<16xf32>,
      tpu.vector_store %arg12[%parallel_loop3A_198, %parallel_loop3A_199], %parallel_loop3A_197 {strides = array<i32>} : memref<64x96xf32, #tpu.memory_space<vmem>>, vector<16xf32>,
      %parallel_loop3A_201 = arith.index_cast %parallel_loop3A_124 : i32 to index
      %parallel_loop3A_202 = arith.constant 32 : index
      %parallel_loop3A_203 = tpu.vector_load %arg10[%parallel_loop3A_201, %parallel_loop3A_202] {strides = array<i32>} : memref<128x192xf32, #tpu.memory_space<vmem>>, vector<16xf32>,
      %parallel_loop3A_204 = arith.mulf %parallel_loop3A_130, %parallel_loop3A_203 : vector<16xf32>
      %parallel_loop3A_205 = arith.index_cast %parallel_loop3A_124 : i32 to index
      %parallel_loop3A_206 = arith.constant 128 : index
      %parallel_loop3A_207 = tpu.vector_load %arg10[%parallel_loop3A_205, %parallel_loop3A_206] {strides = array<i32>} : memref<128x192xf32, #tpu.memory_space<vmem>>, vector<16xf32>,
      %parallel_loop3A_208 = arith.mulf %parallel_loop3A_136, %parallel_loop3A_207 : vector<16xf32>
      %parallel_loop3A_209 = arith.addf %parallel_loop3A_204, %parallel_loop3A_208 : vector<16xf32>
      %parallel_loop3A_210 = arith.constant 1 : i32
      %parallel_loop3A_211 = arith.addi %parallel_loop3A_124, %parallel_loop3A_210 : i32
      %parallel_loop3A_212 = arith.index_cast %parallel_loop3A_211 : i32 to index
      %parallel_loop3A_213 = arith.constant 32 : index
      %parallel_loop3A_214 = tpu.vector_load %arg10[%parallel_loop3A_212, %parallel_loop3A_213] {strides = array<i32>} : memref<128x192xf32, #tpu.memory_space<vmem>>, vector<16xf32>,
      %parallel_loop3A_215 = arith.mulf %parallel_loop3A_142, %parallel_loop3A_214 : vector<16xf32>
      %parallel_loop3A_216 = arith.addf %parallel_loop3A_209, %parallel_loop3A_215 : vector<16xf32>
      %parallel_loop3A_217 = arith.constant 1 : i32
      %parallel_loop3A_218 = arith.addi %parallel_loop3A_124, %parallel_loop3A_217 : i32
      %parallel_loop3A_219 = arith.index_cast %parallel_loop3A_218 : i32 to index
      %parallel_loop3A_220 = arith.constant 128 : index
      %parallel_loop3A_221 = tpu.vector_load %arg10[%parallel_loop3A_219, %parallel_loop3A_220] {strides = array<i32>} : memref<128x192xf32, #tpu.memory_space<vmem>>, vector<16xf32>,
      %parallel_loop3A_222 = arith.mulf %parallel_loop3A_148, %parallel_loop3A_221 : vector<16xf32>
      %parallel_loop3A_223 = arith.addf %parallel_loop3A_216, %parallel_loop3A_222 : vector<16xf32>
      %parallel_loop3A_224 = arith.index_cast %parallel_loop3A_122 : i32 to index
      %parallel_loop3A_225 = arith.constant 32 : index
      %parallel_loop3A_226 = tpu.vector_load %arg12[%parallel_loop3A_224, %parallel_loop3A_225] {strides = array<i32>} : memref<64x96xf32, #tpu.memory_space<vmem>>, vector<16xf32>,
      tpu.vector_store %arg12[%parallel_loop3A_224, %parallel_loop3A_225], %parallel_loop3A_223 {strides = array<i32>} : memref<64x96xf32, #tpu.memory_space<vmem>>, vector<16xf32>,
      %parallel_loop3A_227 = arith.index_cast %parallel_loop3A_124 : i32 to index
      %parallel_loop3A_228 = arith.constant 48 : index
      %parallel_loop3A_229 = tpu.vector_load %arg10[%parallel_loop3A_227, %parallel_loop3A_228] {strides = array<i32>} : memref<128x192xf32, #tpu.memory_space<vmem>>, vector<16xf32>,
      %parallel_loop3A_230 = arith.mulf %parallel_loop3A_130, %parallel_loop3A_229 : vector<16xf32>
      %parallel_loop3A_231 = arith.index_cast %parallel_loop3A_124 : i32 to index
      %parallel_loop3A_232 = arith.constant 144 : index
      %parallel_loop3A_233 = tpu.vector_load %arg10[%parallel_loop3A_231, %parallel_loop3A_232] {strides = array<i32>} : memref<128x192xf32, #tpu.memory_space<vmem>>, vector<16xf32>,
      %parallel_loop3A_234 = arith.mulf %parallel_loop3A_136, %parallel_loop3A_233 : vector<16xf32>
      %parallel_loop3A_235 = arith.addf %parallel_loop3A_230, %parallel_loop3A_234 : vector<16xf32>
      %parallel_loop3A_236 = arith.constant 1 : i32
      %parallel_loop3A_237 = arith.addi %parallel_loop3A_124, %parallel_loop3A_236 : i32
      %parallel_loop3A_238 = arith.index_cast %parallel_loop3A_237 : i32 to index
      %parallel_loop3A_239 = arith.constant 48 : index
      %parallel_loop3A_240 = tpu.vector_load %arg10[%parallel_loop3A_238, %parallel_loop3A_239] {strides = array<i32>} : memref<128x192xf32, #tpu.memory_space<vmem>>, vector<16xf32>,
      %parallel_loop3A_241 = arith.mulf %parallel_loop3A_142, %parallel_loop3A_240 : vector<16xf32>
      %parallel_loop3A_242 = arith.addf %parallel_loop3A_235, %parallel_loop3A_241 : vector<16xf32>
      %parallel_loop3A_243 = arith.constant 1 : i32
      %parallel_loop3A_244 = arith.addi %parallel_loop3A_124, %parallel_loop3A_243 : i32
      %parallel_loop3A_245 = arith.index_cast %parallel_loop3A_244 : i32 to index
      %parallel_loop3A_246 = arith.constant 144 : index
      %parallel_loop3A_247 = tpu.vector_load %arg10[%parallel_loop3A_245, %parallel_loop3A_246] {strides = array<i32>} : memref<128x192xf32, #tpu.memory_space<vmem>>, vector<16xf32>,
      %parallel_loop3A_248 = arith.mulf %parallel_loop3A_148, %parallel_loop3A_247 : vector<16xf32>
      %parallel_loop3A_249 = arith.addf %parallel_loop3A_242, %parallel_loop3A_248 : vector<16xf32>
      %parallel_loop3A_250 = arith.index_cast %parallel_loop3A_122 : i32 to index
      %parallel_loop3A_251 = arith.constant 48 : index
      %parallel_loop3A_252 = tpu.vector_load %arg12[%parallel_loop3A_250, %parallel_loop3A_251] {strides = array<i32>} : memref<64x96xf32, #tpu.memory_space<vmem>>, vector<16xf32>,
      tpu.vector_store %arg12[%parallel_loop3A_250, %parallel_loop3A_251], %parallel_loop3A_249 {strides = array<i32>} : memref<64x96xf32, #tpu.memory_space<vmem>>, vector<16xf32>,
      %parallel_loop3A_253 = arith.index_cast %parallel_loop3A_124 : i32 to index
      %parallel_loop3A_254 = arith.constant 64 : index
      %parallel_loop3A_255 = tpu.vector_load %arg10[%parallel_loop3A_253, %parallel_loop3A_254] {strides = array<i32>} : memref<128x192xf32, #tpu.memory_space<vmem>>, vector<16xf32>,
      %parallel_loop3A_256 = arith.mulf %parallel_loop3A_130, %parallel_loop3A_255 : vector<16xf32>
      %parallel_loop3A_257 = arith.index_cast %parallel_loop3A_124 : i32 to index
      %parallel_loop3A_258 = arith.constant 160 : index
      %parallel_loop3A_259 = tpu.vector_load %arg10[%parallel_loop3A_257, %parallel_loop3A_258] {strides = array<i32>} : memref<128x192xf32, #tpu.memory_space<vmem>>, vector<16xf32>,
      %parallel_loop3A_260 = arith.mulf %parallel_loop3A_136, %parallel_loop3A_259 : vector<16xf32>
      %parallel_loop3A_261 = arith.addf %parallel_loop3A_256, %parallel_loop3A_260 : vector<16xf32>
      %parallel_loop3A_262 = arith.constant 1 : i32
      %parallel_loop3A_263 = arith.addi %parallel_loop3A_124, %parallel_loop3A_262 : i32
      %parallel_loop3A_264 = arith.index_cast %parallel_loop3A_263 : i32 to index
      %parallel_loop3A_265 = arith.constant 64 : index
      %parallel_loop3A_266 = tpu.vector_load %arg10[%parallel_loop3A_264, %parallel_loop3A_265] {strides = array<i32>} : memref<128x192xf32, #tpu.memory_space<vmem>>, vector<16xf32>,
      %parallel_loop3A_267 = arith.mulf %parallel_loop3A_142, %parallel_loop3A_266 : vector<16xf32>
      %parallel_loop3A_268 = arith.addf %parallel_loop3A_261, %parallel_loop3A_267 : vector<16xf32>
      %parallel_loop3A_269 = arith.constant 1 : i32
      %parallel_loop3A_270 = arith.addi %parallel_loop3A_124, %parallel_loop3A_269 : i32
      %parallel_loop3A_271 = arith.index_cast %parallel_loop3A_270 : i32 to index
      %parallel_loop3A_272 = arith.constant 160 : index
      %parallel_loop3A_273 = tpu.vector_load %arg10[%parallel_loop3A_271, %parallel_loop3A_272] {strides = array<i32>} : memref<128x192xf32, #tpu.memory_space<vmem>>, vector<16xf32>,
      %parallel_loop3A_274 = arith.mulf %parallel_loop3A_148, %parallel_loop3A_273 : vector<16xf32>
      %parallel_loop3A_275 = arith.addf %parallel_loop3A_268, %parallel_loop3A_274 : vector<16xf32>
      %parallel_loop3A_276 = arith.index_cast %parallel_loop3A_122 : i32 to index
      %parallel_loop3A_277 = arith.constant 64 : index
      %parallel_loop3A_278 = tpu.vector_load %arg12[%parallel_loop3A_276, %parallel_loop3A_277] {strides = array<i32>} : memref<64x96xf32, #tpu.memory_space<vmem>>, vector<16xf32>,
      tpu.vector_store %arg12[%parallel_loop3A_276, %parallel_loop3A_277], %parallel_loop3A_275 {strides = array<i32>} : memref<64x96xf32, #tpu.memory_space<vmem>>, vector<16xf32>,
      %parallel_loop3A_279 = arith.index_cast %parallel_loop3A_124 : i32 to index
      %parallel_loop3A_280 = arith.constant 80 : index
      %parallel_loop3A_281 = tpu.vector_load %arg10[%parallel_loop3A_279, %parallel_loop3A_280] {strides = array<i32>} : memref<128x192xf32, #tpu.memory_space<vmem>>, vector<16xf32>,
      %parallel_loop3A_282 = arith.mulf %parallel_loop3A_130, %parallel_loop3A_281 : vector<16xf32>
      %parallel_loop3A_283 = arith.index_cast %parallel_loop3A_124 : i32 to index
      %parallel_loop3A_284 = arith.constant 176 : index
      %parallel_loop3A_285 = tpu.vector_load %arg10[%parallel_loop3A_283, %parallel_loop3A_284] {strides = array<i32>} : memref<128x192xf32, #tpu.memory_space<vmem>>, vector<16xf32>,
      %parallel_loop3A_286 = arith.mulf %parallel_loop3A_136, %parallel_loop3A_285 : vector<16xf32>
      %parallel_loop3A_287 = arith.addf %parallel_loop3A_282, %parallel_loop3A_286 : vector<16xf32>
      %parallel_loop3A_288 = arith.constant 1 : i32
      %parallel_loop3A_289 = arith.addi %parallel_loop3A_124, %parallel_loop3A_288 : i32
      %parallel_loop3A_290 = arith.index_cast %parallel_loop3A_289 : i32 to index
      %parallel_loop3A_291 = arith.constant 80 : index
      %parallel_loop3A_292 = tpu.vector_load %arg10[%parallel_loop3A_290, %parallel_loop3A_291] {strides = array<i32>} : memref<128x192xf32, #tpu.memory_space<vmem>>, vector<16xf32>,
      %parallel_loop3A_293 = arith.mulf %parallel_loop3A_142, %parallel_loop3A_292 : vector<16xf32>
      %parallel_loop3A_294 = arith.addf %parallel_loop3A_287, %parallel_loop3A_293 : vector<16xf32>
      %parallel_loop3A_295 = arith.constant 1 : i32
      %parallel_loop3A_296 = arith.addi %parallel_loop3A_124, %parallel_loop3A_295 : i32
      %parallel_loop3A_297 = arith.index_cast %parallel_loop3A_296 : i32 to index
      %parallel_loop3A_298 = arith.constant 176 : index
      %parallel_loop3A_299 = tpu.vector_load %arg10[%parallel_loop3A_297, %parallel_loop3A_298] {strides = array<i32>} : memref<128x192xf32, #tpu.memory_space<vmem>>, vector<16xf32>,
      %parallel_loop3A_300 = arith.mulf %parallel_loop3A_148, %parallel_loop3A_299 : vector<16xf32>
      %parallel_loop3A_301 = arith.addf %parallel_loop3A_294, %parallel_loop3A_300 : vector<16xf32>
      %parallel_loop3A_302 = arith.index_cast %parallel_loop3A_122 : i32 to index
      %parallel_loop3A_303 = arith.constant 80 : index
      %parallel_loop3A_304 = tpu.vector_load %arg12[%parallel_loop3A_302, %parallel_loop3A_303] {strides = array<i32>} : memref<64x96xf32, #tpu.memory_space<vmem>>, vector<16xf32>,
      tpu.vector_store %arg12[%parallel_loop3A_302, %parallel_loop3A_303], %parallel_loop3A_301 {strides = array<i32>} : memref<64x96xf32, #tpu.memory_space<vmem>>, vector<16xf32>,
    } {sc.loop_unroll_factor = 4 : i64, sc.parallel_access}
    %mul3A_44 = arith.constant 64 : i32
    %mul3A_45 = arith.muli %add3A, %mul3A_44 : i32
    %dma_start3A_46 = arith.constant 0 : i32
    %dma_start3A_47 = tpu.memref_slice %arg5[%mul3A_45, %dma_start3A_46] : memref<274432x96xf32, #tpu.memory_space<hbm>> -> memref<64x96xf32, #tpu.memory_space<hbm>>
    %dma_start3A_48 = arith.constant 0 : i32
    %dma_start3A_49 = tpu.memref_slice %arg5[%mul3A_45, %dma_start3A_48] : memref<274432x96xf32, #tpu.memory_space<hbm>> -> memref<64x96xf32, #tpu.memory_space<hbm>>
    tpu.enqueue_dma source(%arg12 : memref<64x96xf32, #tpu.memory_space<vmem>>) target(%dma_start3A_49 : memref<64x96xf32, #tpu.memory_space<hbm>>) target_semaphore(%arg18 : memref<!tpu.dma_semaphore, #tpu.memory_space<semaphore_mem>>)
    %add3A_50 = arith.constant 64 : i32
    %add3A_51 = arith.addi %add3A, %add3A_50 : i32
    %mul3A_52 = arith.constant 128 : i32
    %mul3A_53 = arith.muli %add3A_51, %mul3A_52 : i32
    %dma_start3A_54 = tpu.memref_slice %arg2[%mul3A_53] : memref<557056xi32, #tpu.memory_space<hbm>> -> memref<128xi32, #tpu.memory_space<hbm>>
    %dma_start3A_55 = tpu.memref_slice %arg2[%mul3A_53] : memref<557056xi32, #tpu.memory_space<hbm>> -> memref<128xi32, #tpu.memory_space<hbm>>
    tpu.enqueue_dma source(%dma_start3A_55 : memref<128xi32, #tpu.memory_space<hbm>>) target(%arg6 : memref<128xi32, #tpu.memory_space<vmem>>) target_semaphore(%arg14 : memref<!tpu.dma_semaphore, #tpu.memory_space<semaphore_mem>>)
    %mul3A_56 = arith.constant 256 : i32
    %mul3A_57 = arith.muli %add3A_51, %mul3A_56 : i32
    %dma_start3A_58 = tpu.memref_slice %arg3[%mul3A_57] : memref<1114112xf32, #tpu.memory_space<hbm>> -> memref<256xf32, #tpu.memory_space<hbm>>
    %dma_start3A_59 = tpu.memref_slice %arg3[%mul3A_57] : memref<1114112xf32, #tpu.memory_space<hbm>> -> memref<256xf32, #tpu.memory_space<hbm>>
    tpu.enqueue_dma source(%dma_start3A_59 : memref<256xf32, #tpu.memory_space<hbm>>) target(%arg8 : memref<256xf32, #tpu.memory_space<vmem>>) target_semaphore(%arg14 : memref<!tpu.dma_semaphore, #tpu.memory_space<semaphore_mem>>)
    %add3A_60 = arith.constant 32 : i32
    %add3A_61 = arith.addi %add3A, %add3A_60 : i32
    %dma_wait3A_62 = arith.constant 0 : i32
    %dma_wait3A_63 = tpu.memref_slice %arg2[%dma_wait3A_62] : memref<557056xi32, #tpu.memory_space<hbm>> -> memref<128xi32, #tpu.memory_space<hbm>>
    %dma_wait3A_64 = arith.constant 0 : i32
    %dma_wait3A_65 = tpu.memref_slice %arg2[%dma_wait3A_64] : memref<557056xi32, #tpu.memory_space<hbm>> -> memref<128xi32, #tpu.memory_space<hbm>>
    tpu.wait_dma2 semaphore(%arg14 : memref<!tpu.dma_semaphore, #tpu.memory_space<semaphore_mem>>) src(%dma_wait3A_65 : memref<128xi32, #tpu.memory_space<hbm>>) dst(%arg6 : memref<128xi32, #tpu.memory_space<vmem>>)
    %dma_wait3A_66 = arith.constant 0 : i32
    %dma_wait3A_67 = tpu.memref_slice %arg3[%dma_wait3A_66] : memref<1114112xf32, #tpu.memory_space<hbm>> -> memref<256xf32, #tpu.memory_space<hbm>>
    %dma_wait3A_68 = arith.constant 0 : i32
    %dma_wait3A_69 = tpu.memref_slice %arg3[%dma_wait3A_68] : memref<1114112xf32, #tpu.memory_space<hbm>> -> memref<256xf32, #tpu.memory_space<hbm>>
    tpu.wait_dma2 semaphore(%arg14 : memref<!tpu.dma_semaphore, #tpu.memory_space<semaphore_mem>>) src(%dma_wait3A_69 : memref<256xf32, #tpu.memory_space<hbm>>) dst(%arg8 : memref<256xf32, #tpu.memory_space<vmem>>)
    %dma_start3A_70 = arith.constant 0 : i32
    %dma_start3A_71 = arith.constant 0 : i32
    %dma_start3A_72 = tpu.memref_slice %arg4[%dma_start3A_70, %dma_start3A_71] : memref<65535x192xf32, #tpu.memory_space<hbm>> -> memref<65535x192xf32, #tpu.memory_space<hbm>>
    tpu.enqueue_indirect_dma source(%dma_start3A_72 : memref<65535x192xf32, #tpu.memory_space<hbm>>) target(%arg10 : memref<128x192xf32, #tpu.memory_space<vmem>>) offsets(%arg6 : memref<128xi32, #tpu.memory_space<vmem>>) semaphore(%arg16 : memref<!tpu.dma_semaphore, #tpu.memory_space<semaphore_mem>>)
    %dma_wait3A_73 = arith.constant 0 : i32
    %dma_wait3A_74 = arith.constant 0 : i32
    %dma_wait3A_75 = tpu.memref_slice %arg4[%dma_wait3A_73, %dma_wait3A_74] : memref<65535x192xf32, #tpu.memory_space<hbm>> -> memref<65535x192xf32, #tpu.memory_space<hbm>>
    tpu.wait_indirect_dma semaphore(%arg17 : memref<!tpu.dma_semaphore, #tpu.memory_space<semaphore_mem>>) src(%dma_wait3A_75 : memref<65535x192xf32, #tpu.memory_space<hbm>>) dst(%arg11 : memref<128x192xf32, #tpu.memory_space<vmem>>)
    %parallel_loop3A_76 = arith.constant 0 : i32
    %parallel_loop3A_77 = arith.constant 64 : i32
    %parallel_loop3A_78 = arith.constant 1 : i32
    scf.for %parallel_loop3A_122 = %parallel_loop3A_76 to %parallel_loop3A_77 step %parallel_loop3A_78  : i32 {
      %parallel_loop3A_123 = arith.constant 2 : i32
      %parallel_loop3A_124 = arith.muli %parallel_loop3A_123, %parallel_loop3A_122 : i32
      %parallel_loop3A_125 = arith.constant 4 : i32
      %parallel_loop3A_126 = arith.muli %parallel_loop3A_125, %parallel_loop3A_122 : i32
      %parallel_loop3A_127 = arith.constant 0 : i32
      %parallel_loop3A_128 = arith.addi %parallel_loop3A_126, %parallel_loop3A_127 : i32
      %parallel_loop3A_129 = vector.broadcast %parallel_loop3A_128 : i32 to vector<16xi32>
      %parallel_loop3A_130 = tpu.vector_load_idx %arg9[%parallel_loop3A_129] : memref<256xf32, #tpu.memory_space<vmem>>[vector<16xi32>], vector<16xf32>,
      %parallel_loop3A_131 = arith.constant 4 : i32
      %parallel_loop3A_132 = arith.muli %parallel_loop3A_131, %parallel_loop3A_122 : i32
      %parallel_loop3A_133 = arith.constant 1 : i32
      %parallel_loop3A_134 = arith.addi %parallel_loop3A_132, %parallel_loop3A_133 : i32
      %parallel_loop3A_135 = vector.broadcast %parallel_loop3A_134 : i32 to vector<16xi32>
      %parallel_loop3A_136 = tpu.vector_load_idx %arg9[%parallel_loop3A_135] : memref<256xf32, #tpu.memory_space<vmem>>[vector<16xi32>], vector<16xf32>,
      %parallel_loop3A_137 = arith.constant 4 : i32
      %parallel_loop3A_138 = arith.muli %parallel_loop3A_137, %parallel_loop3A_122 : i32
      %parallel_loop3A_139 = arith.constant 2 : i32
      %parallel_loop3A_140 = arith.addi %parallel_loop3A_138, %parallel_loop3A_139 : i32
      %parallel_loop3A_141 = vector.broadcast %parallel_loop3A_140 : i32 to vector<16xi32>
      %parallel_loop3A_142 = tpu.vector_load_idx %arg9[%parallel_loop3A_141] : memref<256xf32, #tpu.memory_space<vmem>>[vector<16xi32>], vector<16xf32>,
      %parallel_loop3A_143 = arith.constant 4 : i32
      %parallel_loop3A_144 = arith.muli %parallel_loop3A_143, %parallel_loop3A_122 : i32
      %parallel_loop3A_145 = arith.constant 3 : i32
      %parallel_loop3A_146 = arith.addi %parallel_loop3A_144, %parallel_loop3A_145 : i32
      %parallel_loop3A_147 = vector.broadcast %parallel_loop3A_146 : i32 to vector<16xi32>
      %parallel_loop3A_148 = tpu.vector_load_idx %arg9[%parallel_loop3A_147] : memref<256xf32, #tpu.memory_space<vmem>>[vector<16xi32>], vector<16xf32>,
      %parallel_loop3A_149 = arith.index_cast %parallel_loop3A_124 : i32 to index
      %parallel_loop3A_150 = arith.constant 0 : index
      %parallel_loop3A_151 = tpu.vector_load %arg11[%parallel_loop3A_149, %parallel_loop3A_150] {strides = array<i32>} : memref<128x192xf32, #tpu.memory_space<vmem>>, vector<16xf32>,
      %parallel_loop3A_152 = arith.mulf %parallel_loop3A_130, %parallel_loop3A_151 : vector<16xf32>
      %parallel_loop3A_153 = arith.index_cast %parallel_loop3A_124 : i32 to index
      %parallel_loop3A_154 = arith.constant 96 : index
      %parallel_loop3A_155 = tpu.vector_load %arg11[%parallel_loop3A_153, %parallel_loop3A_154] {strides = array<i32>} : memref<128x192xf32, #tpu.memory_space<vmem>>, vector<16xf32>,
      %parallel_loop3A_156 = arith.mulf %parallel_loop3A_136, %parallel_loop3A_155 : vector<16xf32>
      %parallel_loop3A_157 = arith.addf %parallel_loop3A_152, %parallel_loop3A_156 : vector<16xf32>
      %parallel_loop3A_158 = arith.constant 1 : i32
      %parallel_loop3A_159 = arith.addi %parallel_loop3A_124, %parallel_loop3A_158 : i32
      %parallel_loop3A_160 = arith.index_cast %parallel_loop3A_159 : i32 to index
      %parallel_loop3A_161 = arith.constant 0 : index
      %parallel_loop3A_162 = tpu.vector_load %arg11[%parallel_loop3A_160, %parallel_loop3A_161] {strides = array<i32>} : memref<128x192xf32, #tpu.memory_space<vmem>>, vector<16xf32>,
      %parallel_loop3A_163 = arith.mulf %parallel_loop3A_142, %parallel_loop3A_162 : vector<16xf32>
      %parallel_loop3A_164 = arith.addf %parallel_loop3A_157, %parallel_loop3A_163 : vector<16xf32>
      %parallel_loop3A_165 = arith.constant 1 : i32
      %parallel_loop3A_166 = arith.addi %parallel_loop3A_124, %parallel_loop3A_165 : i32
      %parallel_loop3A_167 = arith.index_cast %parallel_loop3A_166 : i32 to index
      %parallel_loop3A_168 = arith.constant 96 : index
      %parallel_loop3A_169 = tpu.vector_load %arg11[%parallel_loop3A_167, %parallel_loop3A_168] {strides = array<i32>} : memref<128x192xf32, #tpu.memory_space<vmem>>, vector<16xf32>,
      %parallel_loop3A_170 = arith.mulf %parallel_loop3A_148, %parallel_loop3A_169 : vector<16xf32>
      %parallel_loop3A_171 = arith.addf %parallel_loop3A_164, %parallel_loop3A_170 : vector<16xf32>
      %parallel_loop3A_172 = arith.index_cast %parallel_loop3A_122 : i32 to index
      %parallel_loop3A_173 = arith.constant 0 : index
      %parallel_loop3A_174 = tpu.vector_load %arg13[%parallel_loop3A_172, %parallel_loop3A_173] {strides = array<i32>} : memref<64x96xf32, #tpu.memory_space<vmem>>, vector<16xf32>,
      tpu.vector_store %arg13[%parallel_loop3A_172, %parallel_loop3A_173], %parallel_loop3A_171 {strides = array<i32>} : memref<64x96xf32, #tpu.memory_space<vmem>>, vector<16xf32>,
      %parallel_loop3A_175 = arith.index_cast %parallel_loop3A_124 : i32 to index
      %parallel_loop3A_176 = arith.constant 16 : index
      %parallel_loop3A_177 = tpu.vector_load %arg11[%parallel_loop3A_175, %parallel_loop3A_176] {strides = array<i32>} : memref<128x192xf32, #tpu.memory_space<vmem>>, vector<16xf32>,
      %parallel_loop3A_178 = arith.mulf %parallel_loop3A_130, %parallel_loop3A_177 : vector<16xf32>
      %parallel_loop3A_179 = arith.index_cast %parallel_loop3A_124 : i32 to index
      %parallel_loop3A_180 = arith.constant 112 : index
      %parallel_loop3A_181 = tpu.vector_load %arg11[%parallel_loop3A_179, %parallel_loop3A_180] {strides = array<i32>} : memref<128x192xf32, #tpu.memory_space<vmem>>, vector<16xf32>,
      %parallel_loop3A_182 = arith.mulf %parallel_loop3A_136, %parallel_loop3A_181 : vector<16xf32>
      %parallel_loop3A_183 = arith.addf %parallel_loop3A_178, %parallel_loop3A_182 : vector<16xf32>
      %parallel_loop3A_184 = arith.constant 1 : i32
      %parallel_loop3A_185 = arith.addi %parallel_loop3A_124, %parallel_loop3A_184 : i32
      %parallel_loop3A_186 = arith.index_cast %parallel_loop3A_185 : i32 to index
      %parallel_loop3A_187 = arith.constant 16 : index
      %parallel_loop3A_188 = tpu.vector_load %arg11[%parallel_loop3A_186, %parallel_loop3A_187] {strides = array<i32>} : memref<128x192xf32, #tpu.memory_space<vmem>>, vector<16xf32>,
      %parallel_loop3A_189 = arith.mulf %parallel_loop3A_142, %parallel_loop3A_188 : vector<16xf32>
      %parallel_loop3A_190 = arith.addf %parallel_loop3A_183, %parallel_loop3A_189 : vector<16xf32>
      %parallel_loop3A_191 = arith.constant 1 : i32
      %parallel_loop3A_192 = arith.addi %parallel_loop3A_124, %parallel_loop3A_191 : i32
      %parallel_loop3A_193 = arith.index_cast %parallel_loop3A_192 : i32 to index
      %parallel_loop3A_194 = arith.constant 112 : index
      %parallel_loop3A_195 = tpu.vector_load %arg11[%parallel_loop3A_193, %parallel_loop3A_194] {strides = array<i32>} : memref<128x192xf32, #tpu.memory_space<vmem>>, vector<16xf32>,
      %parallel_loop3A_196 = arith.mulf %parallel_loop3A_148, %parallel_loop3A_195 : vector<16xf32>
      %parallel_loop3A_197 = arith.addf %parallel_loop3A_190, %parallel_loop3A_196 : vector<16xf32>
      %parallel_loop3A_198 = arith.index_cast %parallel_loop3A_122 : i32 to index
      %parallel_loop3A_199 = arith.constant 16 : index
      %parallel_loop3A_200 = tpu.vector_load %arg13[%parallel_loop3A_198, %parallel_loop3A_199] {strides = array<i32>} : memref<64x96xf32, #tpu.memory_space<vmem>>, vector<16xf32>,
      tpu.vector_store %arg13[%parallel_loop3A_198, %parallel_loop3A_199], %parallel_loop3A_197 {strides = array<i32>} : memref<64x96xf32, #tpu.memory_space<vmem>>, vector<16xf32>,
      %parallel_loop3A_201 = arith.index_cast %parallel_loop3A_124 : i32 to index
      %parallel_loop3A_202 = arith.constant 32 : index
      %parallel_loop3A_203 = tpu.vector_load %arg11[%parallel_loop3A_201, %parallel_loop3A_202] {strides = array<i32>} : memref<128x192xf32, #tpu.memory_space<vmem>>, vector<16xf32>,
      %parallel_loop3A_204 = arith.mulf %parallel_loop3A_130, %parallel_loop3A_203 : vector<16xf32>
      %parallel_loop3A_205 = arith.index_cast %parallel_loop3A_124 : i32 to index
      %parallel_loop3A_206 = arith.constant 128 : index
      %parallel_loop3A_207 = tpu.vector_load %arg11[%parallel_loop3A_205, %parallel_loop3A_206] {strides = array<i32>} : memref<128x192xf32, #tpu.memory_space<vmem>>, vector<16xf32>,
      %parallel_loop3A_208 = arith.mulf %parallel_loop3A_136, %parallel_loop3A_207 : vector<16xf32>
      %parallel_loop3A_209 = arith.addf %parallel_loop3A_204, %parallel_loop3A_208 : vector<16xf32>
      %parallel_loop3A_210 = arith.constant 1 : i32
      %parallel_loop3A_211 = arith.addi %parallel_loop3A_124, %parallel_loop3A_210 : i32
      %parallel_loop3A_212 = arith.index_cast %parallel_loop3A_211 : i32 to index
      %parallel_loop3A_213 = arith.constant 32 : index
      %parallel_loop3A_214 = tpu.vector_load %arg11[%parallel_loop3A_212, %parallel_loop3A_213] {strides = array<i32>} : memref<128x192xf32, #tpu.memory_space<vmem>>, vector<16xf32>,
      %parallel_loop3A_215 = arith.mulf %parallel_loop3A_142, %parallel_loop3A_214 : vector<16xf32>
      %parallel_loop3A_216 = arith.addf %parallel_loop3A_209, %parallel_loop3A_215 : vector<16xf32>
      %parallel_loop3A_217 = arith.constant 1 : i32
      %parallel_loop3A_218 = arith.addi %parallel_loop3A_124, %parallel_loop3A_217 : i32
      %parallel_loop3A_219 = arith.index_cast %parallel_loop3A_218 : i32 to index
      %parallel_loop3A_220 = arith.constant 128 : index
      %parallel_loop3A_221 = tpu.vector_load %arg11[%parallel_loop3A_219, %parallel_loop3A_220] {strides = array<i32>} : memref<128x192xf32, #tpu.memory_space<vmem>>, vector<16xf32>,
      %parallel_loop3A_222 = arith.mulf %parallel_loop3A_148, %parallel_loop3A_221 : vector<16xf32>
      %parallel_loop3A_223 = arith.addf %parallel_loop3A_216, %parallel_loop3A_222 : vector<16xf32>
      %parallel_loop3A_224 = arith.index_cast %parallel_loop3A_122 : i32 to index
      %parallel_loop3A_225 = arith.constant 32 : index
      %parallel_loop3A_226 = tpu.vector_load %arg13[%parallel_loop3A_224, %parallel_loop3A_225] {strides = array<i32>} : memref<64x96xf32, #tpu.memory_space<vmem>>, vector<16xf32>,
      tpu.vector_store %arg13[%parallel_loop3A_224, %parallel_loop3A_225], %parallel_loop3A_223 {strides = array<i32>} : memref<64x96xf32, #tpu.memory_space<vmem>>, vector<16xf32>,
      %parallel_loop3A_227 = arith.index_cast %parallel_loop3A_124 : i32 to index
      %parallel_loop3A_228 = arith.constant 48 : index
      %parallel_loop3A_229 = tpu.vector_load %arg11[%parallel_loop3A_227, %parallel_loop3A_228] {strides = array<i32>} : memref<128x192xf32, #tpu.memory_space<vmem>>, vector<16xf32>,
      %parallel_loop3A_230 = arith.mulf %parallel_loop3A_130, %parallel_loop3A_229 : vector<16xf32>
      %parallel_loop3A_231 = arith.index_cast %parallel_loop3A_124 : i32 to index
      %parallel_loop3A_232 = arith.constant 144 : index
      %parallel_loop3A_233 = tpu.vector_load %arg11[%parallel_loop3A_231, %parallel_loop3A_232] {strides = array<i32>} : memref<128x192xf32, #tpu.memory_space<vmem>>, vector<16xf32>,
      %parallel_loop3A_234 = arith.mulf %parallel_loop3A_136, %parallel_loop3A_233 : vector<16xf32>
      %parallel_loop3A_235 = arith.addf %parallel_loop3A_230, %parallel_loop3A_234 : vector<16xf32>
      %parallel_loop3A_236 = arith.constant 1 : i32
      %parallel_loop3A_237 = arith.addi %parallel_loop3A_124, %parallel_loop3A_236 : i32
      %parallel_loop3A_238 = arith.index_cast %parallel_loop3A_237 : i32 to index
      %parallel_loop3A_239 = arith.constant 48 : index
      %parallel_loop3A_240 = tpu.vector_load %arg11[%parallel_loop3A_238, %parallel_loop3A_239] {strides = array<i32>} : memref<128x192xf32, #tpu.memory_space<vmem>>, vector<16xf32>,
      %parallel_loop3A_241 = arith.mulf %parallel_loop3A_142, %parallel_loop3A_240 : vector<16xf32>
      %parallel_loop3A_242 = arith.addf %parallel_loop3A_235, %parallel_loop3A_241 : vector<16xf32>
      %parallel_loop3A_243 = arith.constant 1 : i32
      %parallel_loop3A_244 = arith.addi %parallel_loop3A_124, %parallel_loop3A_243 : i32
      %parallel_loop3A_245 = arith.index_cast %parallel_loop3A_244 : i32 to index
      %parallel_loop3A_246 = arith.constant 144 : index
      %parallel_loop3A_247 = tpu.vector_load %arg11[%parallel_loop3A_245, %parallel_loop3A_246] {strides = array<i32>} : memref<128x192xf32, #tpu.memory_space<vmem>>, vector<16xf32>,
      %parallel_loop3A_248 = arith.mulf %parallel_loop3A_148, %parallel_loop3A_247 : vector<16xf32>
      %parallel_loop3A_249 = arith.addf %parallel_loop3A_242, %parallel_loop3A_248 : vector<16xf32>
      %parallel_loop3A_250 = arith.index_cast %parallel_loop3A_122 : i32 to index
      %parallel_loop3A_251 = arith.constant 48 : index
      %parallel_loop3A_252 = tpu.vector_load %arg13[%parallel_loop3A_250, %parallel_loop3A_251] {strides = array<i32>} : memref<64x96xf32, #tpu.memory_space<vmem>>, vector<16xf32>,
      tpu.vector_store %arg13[%parallel_loop3A_250, %parallel_loop3A_251], %parallel_loop3A_249 {strides = array<i32>} : memref<64x96xf32, #tpu.memory_space<vmem>>, vector<16xf32>,
      %parallel_loop3A_253 = arith.index_cast %parallel_loop3A_124 : i32 to index
      %parallel_loop3A_254 = arith.constant 64 : index
      %parallel_loop3A_255 = tpu.vector_load %arg11[%parallel_loop3A_253, %parallel_loop3A_254] {strides = array<i32>} : memref<128x192xf32, #tpu.memory_space<vmem>>, vector<16xf32>,
      %parallel_loop3A_256 = arith.mulf %parallel_loop3A_130, %parallel_loop3A_255 : vector<16xf32>
      %parallel_loop3A_257 = arith.index_cast %parallel_loop3A_124 : i32 to index
      %parallel_loop3A_258 = arith.constant 160 : index
      %parallel_loop3A_259 = tpu.vector_load %arg11[%parallel_loop3A_257, %parallel_loop3A_258] {strides = array<i32>} : memref<128x192xf32, #tpu.memory_space<vmem>>, vector<16xf32>,
      %parallel_loop3A_260 = arith.mulf %parallel_loop3A_136, %parallel_loop3A_259 : vector<16xf32>
      %parallel_loop3A_261 = arith.addf %parallel_loop3A_256, %parallel_loop3A_260 : vector<16xf32>
      %parallel_loop3A_262 = arith.constant 1 : i32
      %parallel_loop3A_263 = arith.addi %parallel_loop3A_124, %parallel_loop3A_262 : i32
      %parallel_loop3A_264 = arith.index_cast %parallel_loop3A_263 : i32 to index
      %parallel_loop3A_265 = arith.constant 64 : index
      %parallel_loop3A_266 = tpu.vector_load %arg11[%parallel_loop3A_264, %parallel_loop3A_265] {strides = array<i32>} : memref<128x192xf32, #tpu.memory_space<vmem>>, vector<16xf32>,
      %parallel_loop3A_267 = arith.mulf %parallel_loop3A_142, %parallel_loop3A_266 : vector<16xf32>
      %parallel_loop3A_268 = arith.addf %parallel_loop3A_261, %parallel_loop3A_267 : vector<16xf32>
      %parallel_loop3A_269 = arith.constant 1 : i32
      %parallel_loop3A_270 = arith.addi %parallel_loop3A_124, %parallel_loop3A_269 : i32
      %parallel_loop3A_271 = arith.index_cast %parallel_loop3A_270 : i32 to index
      %parallel_loop3A_272 = arith.constant 160 : index
      %parallel_loop3A_273 = tpu.vector_load %arg11[%parallel_loop3A_271, %parallel_loop3A_272] {strides = array<i32>} : memref<128x192xf32, #tpu.memory_space<vmem>>, vector<16xf32>,
      %parallel_loop3A_274 = arith.mulf %parallel_loop3A_148, %parallel_loop3A_273 : vector<16xf32>
      %parallel_loop3A_275 = arith.addf %parallel_loop3A_268, %parallel_loop3A_274 : vector<16xf32>
      %parallel_loop3A_276 = arith.index_cast %parallel_loop3A_122 : i32 to index
      %parallel_loop3A_277 = arith.constant 64 : index
      %parallel_loop3A_278 = tpu.vector_load %arg13[%parallel_loop3A_276, %parallel_loop3A_277] {strides = array<i32>} : memref<64x96xf32, #tpu.memory_space<vmem>>, vector<16xf32>,
      tpu.vector_store %arg13[%parallel_loop3A_276, %parallel_loop3A_277], %parallel_loop3A_275 {strides = array<i32>} : memref<64x96xf32, #tpu.memory_space<vmem>>, vector<16xf32>,
      %parallel_loop3A_279 = arith.index_cast %parallel_loop3A_124 : i32 to index
      %parallel_loop3A_280 = arith.constant 80 : index
      %parallel_loop3A_281 = tpu.vector_load %arg11[%parallel_loop3A_279, %parallel_loop3A_280] {strides = array<i32>} : memref<128x192xf32, #tpu.memory_space<vmem>>, vector<16xf32>,
      %parallel_loop3A_282 = arith.mulf %parallel_loop3A_130, %parallel_loop3A_281 : vector<16xf32>
      %parallel_loop3A_283 = arith.index_cast %parallel_loop3A_124 : i32 to index
      %parallel_loop3A_284 = arith.constant 176 : index
      %parallel_loop3A_285 = tpu.vector_load %arg11[%parallel_loop3A_283, %parallel_loop3A_284] {strides = array<i32>} : memref<128x192xf32, #tpu.memory_space<vmem>>, vector<16xf32>,
      %parallel_loop3A_286 = arith.mulf %parallel_loop3A_136, %parallel_loop3A_285 : vector<16xf32>
      %parallel_loop3A_287 = arith.addf %parallel_loop3A_282, %parallel_loop3A_286 : vector<16xf32>
      %parallel_loop3A_288 = arith.constant 1 : i32
      %parallel_loop3A_289 = arith.addi %parallel_loop3A_124, %parallel_loop3A_288 : i32
      %parallel_loop3A_290 = arith.index_cast %parallel_loop3A_289 : i32 to index
      %parallel_loop3A_291 = arith.constant 80 : index
      %parallel_loop3A_292 = tpu.vector_load %arg11[%parallel_loop3A_290, %parallel_loop3A_291] {strides = array<i32>} : memref<128x192xf32, #tpu.memory_space<vmem>>, vector<16xf32>,
      %parallel_loop3A_293 = arith.mulf %parallel_loop3A_142, %parallel_loop3A_292 : vector<16xf32>
      %parallel_loop3A_294 = arith.addf %parallel_loop3A_287, %parallel_loop3A_293 : vector<16xf32>
      %parallel_loop3A_295 = arith.constant 1 : i32
      %parallel_loop3A_296 = arith.addi %parallel_loop3A_124, %parallel_loop3A_295 : i32
      %parallel_loop3A_297 = arith.index_cast %parallel_loop3A_296 : i32 to index
      %parallel_loop3A_298 = arith.constant 176 : index
      %parallel_loop3A_299 = tpu.vector_load %arg11[%parallel_loop3A_297, %parallel_loop3A_298] {strides = array<i32>} : memref<128x192xf32, #tpu.memory_space<vmem>>, vector<16xf32>,
      %parallel_loop3A_300 = arith.mulf %parallel_loop3A_148, %parallel_loop3A_299 : vector<16xf32>
      %parallel_loop3A_301 = arith.addf %parallel_loop3A_294, %parallel_loop3A_300 : vector<16xf32>
      %parallel_loop3A_302 = arith.index_cast %parallel_loop3A_122 : i32 to index
      %parallel_loop3A_303 = arith.constant 80 : index
      %parallel_loop3A_304 = tpu.vector_load %arg13[%parallel_loop3A_302, %parallel_loop3A_303] {strides = array<i32>} : memref<64x96xf32, #tpu.memory_space<vmem>>, vector<16xf32>,
      tpu.vector_store %arg13[%parallel_loop3A_302, %parallel_loop3A_303], %parallel_loop3A_301 {strides = array<i32>} : memref<64x96xf32, #tpu.memory_space<vmem>>, vector<16xf32>,
    } {sc.loop_unroll_factor = 4 : i64, sc.parallel_access}
    %mul3A_79 = arith.constant 64 : i32
    %mul3A_80 = arith.muli %add3A_61, %mul3A_79 : i32
    %dma_start3A_81 = arith.constant 0 : i32
    %dma_start3A_82 = tpu.memref_slice %arg5[%mul3A_80, %dma_start3A_81] : memref<274432x96xf32, #tpu.memory_space<hbm>> -> memref<64x96xf32, #tpu.memory_space<hbm>>
    %dma_start3A_83 = arith.constant 0 : i32
    %dma_start3A_84 = tpu.memref_slice %arg5[%mul3A_80, %dma_start3A_83] : memref<274432x96xf32, #tpu.memory_space<hbm>> -> memref<64x96xf32, #tpu.memory_space<hbm>>
    tpu.enqueue_dma source(%arg13 : memref<64x96xf32, #tpu.memory_space<vmem>>) target(%dma_start3A_84 : memref<64x96xf32, #tpu.memory_space<hbm>>) target_semaphore(%arg19 : memref<!tpu.dma_semaphore, #tpu.memory_space<semaphore_mem>>)
    %add3A_85 = arith.constant 64 : i32
    %add3A_86 = arith.addi %add3A_61, %add3A_85 : i32
    %mul3A_87 = arith.constant 128 : i32
    %mul3A_88 = arith.muli %add3A_86, %mul3A_87 : i32
    %dma_start3A_89 = tpu.memref_slice %arg2[%mul3A_88] : memref<557056xi32, #tpu.memory_space<hbm>> -> memref<128xi32, #tpu.memory_space<hbm>>
    %dma_start3A_90 = tpu.memref_slice %arg2[%mul3A_88] : memref<557056xi32, #tpu.memory_space<hbm>> -> memref<128xi32, #tpu.memory_space<hbm>>
    tpu.enqueue_dma source(%dma_start3A_90 : memref<128xi32, #tpu.memory_space<hbm>>) target(%arg7 : memref<128xi32, #tpu.memory_space<vmem>>) target_semaphore(%arg15 : memref<!tpu.dma_semaphore, #tpu.memory_space<semaphore_mem>>)
    %mul3A_91 = arith.constant 256 : i32
    %mul3A_92 = arith.muli %add3A_86, %mul3A_91 : i32
    %dma_start3A_93 = tpu.memref_slice %arg3[%mul3A_92] : memref<1114112xf32, #tpu.memory_space<hbm>> -> memref<256xf32, #tpu.memory_space<hbm>>
    %dma_start3A_94 = tpu.memref_slice %arg3[%mul3A_92] : memref<1114112xf32, #tpu.memory_space<hbm>> -> memref<256xf32, #tpu.memory_space<hbm>>
    tpu.enqueue_dma source(%dma_start3A_94 : memref<256xf32, #tpu.memory_space<hbm>>) target(%arg9 : memref<256xf32, #tpu.memory_space<vmem>>) target_semaphore(%arg15 : memref<!tpu.dma_semaphore, #tpu.memory_space<semaphore_mem>>)
    %scan3A = arith.constant 0 : i32
    %scan3A_95 = arith.constant 66 : i32
    %scan3A_96 = arith.addi %scan3A, %scan3A_95 : i32
    %scan3A_97 = arith.constant 1 : i32
    scf.for %scan3A_122 = %scan3A to %scan3A_96 step %scan3A_97  : i32 {
      %mul3A_123 = arith.constant 1 : i32
      %mul3A_124 = arith.muli %scan3A_122, %mul3A_123 : i32
      %add3A_125 = arith.constant 1 : i32
      %add3A_126 = arith.addi %add3A_125, %mul3A_124 : i32
      %mul3A_127 = arith.constant 2 : i32
      %mul3A_128 = arith.muli %mul3A_127, %add3A_126 : i32
      %mul3A_129 = arith.constant 32 : i32
      %mul3A_130 = arith.muli %mul3A_128, %mul3A_129 : i32
      %add3A_131 = arith.addi %add3A, %mul3A_130 : i32
      %dma_wait3A_132 = arith.constant 0 : i32
      %dma_wait3A_133 = tpu.memref_slice %arg2[%dma_wait3A_132] : memref<557056xi32, #tpu.memory_space<hbm>> -> memref<128xi32, #tpu.memory_space<hbm>>
      %dma_wait3A_134 = arith.constant 0 : i32
      %dma_wait3A_135 = tpu.memref_slice %arg2[%dma_wait3A_134] : memref<557056xi32, #tpu.memory_space<hbm>> -> memref<128xi32, #tpu.memory_space<hbm>>
      tpu.wait_dma2 semaphore(%arg15 : memref<!tpu.dma_semaphore, #tpu.memory_space<semaphore_mem>>) src(%dma_wait3A_135 : memref<128xi32, #tpu.memory_space<hbm>>) dst(%arg7 : memref<128xi32, #tpu.memory_space<vmem>>)
      %dma_wait3A_136 = arith.constant 0 : i32
      %dma_wait3A_137 = tpu.memref_slice %arg3[%dma_wait3A_136] : memref<1114112xf32, #tpu.memory_space<hbm>> -> memref<256xf32, #tpu.memory_space<hbm>>
      %dma_wait3A_138 = arith.constant 0 : i32
      %dma_wait3A_139 = tpu.memref_slice %arg3[%dma_wait3A_138] : memref<1114112xf32, #tpu.memory_space<hbm>> -> memref<256xf32, #tpu.memory_space<hbm>>
      tpu.wait_dma2 semaphore(%arg15 : memref<!tpu.dma_semaphore, #tpu.memory_space<semaphore_mem>>) src(%dma_wait3A_139 : memref<256xf32, #tpu.memory_space<hbm>>) dst(%arg9 : memref<256xf32, #tpu.memory_space<vmem>>)
      %dma_start3A_140 = arith.constant 0 : i32
      %dma_start3A_141 = arith.constant 0 : i32
      %dma_start3A_142 = tpu.memref_slice %arg4[%dma_start3A_140, %dma_start3A_141] : memref<65535x192xf32, #tpu.memory_space<hbm>> -> memref<65535x192xf32, #tpu.memory_space<hbm>>
      tpu.enqueue_indirect_dma source(%dma_start3A_142 : memref<65535x192xf32, #tpu.memory_space<hbm>>) target(%arg11 : memref<128x192xf32, #tpu.memory_space<vmem>>) offsets(%arg7 : memref<128xi32, #tpu.memory_space<vmem>>) semaphore(%arg17 : memref<!tpu.dma_semaphore, #tpu.memory_space<semaphore_mem>>)
      %dma_wait3A_143 = arith.constant 0 : i32
      %dma_wait3A_144 = arith.constant 0 : i32
      %dma_wait3A_145 = tpu.memref_slice %arg4[%dma_wait3A_143, %dma_wait3A_144] : memref<65535x192xf32, #tpu.memory_space<hbm>> -> memref<65535x192xf32, #tpu.memory_space<hbm>>
      tpu.wait_indirect_dma semaphore(%arg16 : memref<!tpu.dma_semaphore, #tpu.memory_space<semaphore_mem>>) src(%dma_wait3A_145 : memref<65535x192xf32, #tpu.memory_space<hbm>>) dst(%arg10 : memref<128x192xf32, #tpu.memory_space<vmem>>)
      %dma_wait3A_146 = arith.constant 0 : i32
      %dma_wait3A_147 = arith.constant 0 : i32
      %dma_wait3A_148 = tpu.memref_slice %arg5[%dma_wait3A_146, %dma_wait3A_147] : memref<274432x96xf32, #tpu.memory_space<hbm>> -> memref<64x96xf32, #tpu.memory_space<hbm>>
      %dma_wait3A_149 = arith.constant 0 : i32
      %dma_wait3A_150 = arith.constant 0 : i32
      %dma_wait3A_151 = tpu.memref_slice %arg5[%dma_wait3A_149, %dma_wait3A_150] : memref<274432x96xf32, #tpu.memory_space<hbm>> -> memref<64x96xf32, #tpu.memory_space<hbm>>
      tpu.wait_dma2 semaphore(%arg18 : memref<!tpu.dma_semaphore, #tpu.memory_space<semaphore_mem>>) src(%arg12 : memref<64x96xf32, #tpu.memory_space<vmem>>) dst(%dma_wait3A_151 : memref<64x96xf32, #tpu.memory_space<hbm>>)
      %parallel_loop3A_152 = arith.constant 0 : i32
      %parallel_loop3A_153 = arith.constant 64 : i32
      %parallel_loop3A_154 = arith.constant 1 : i32
      scf.for %parallel_loop3A_212 = %parallel_loop3A_152 to %parallel_loop3A_153 step %parallel_loop3A_154  : i32 {
        %parallel_loop3A_213 = arith.constant 2 : i32
        %parallel_loop3A_214 = arith.muli %parallel_loop3A_213, %parallel_loop3A_212 : i32
        %parallel_loop3A_215 = arith.constant 4 : i32
        %parallel_loop3A_216 = arith.muli %parallel_loop3A_215, %parallel_loop3A_212 : i32
        %parallel_loop3A_217 = arith.constant 0 : i32
        %parallel_loop3A_218 = arith.addi %parallel_loop3A_216, %parallel_loop3A_217 : i32
        %parallel_loop3A_219 = vector.broadcast %parallel_loop3A_218 : i32 to vector<16xi32>
        %parallel_loop3A_220 = tpu.vector_load_idx %arg8[%parallel_loop3A_219] : memref<256xf32, #tpu.memory_space<vmem>>[vector<16xi32>], vector<16xf32>,
        %parallel_loop3A_221 = arith.constant 4 : i32
        %parallel_loop3A_222 = arith.muli %parallel_loop3A_221, %parallel_loop3A_212 : i32
        %parallel_loop3A_223 = arith.constant 1 : i32
        %parallel_loop3A_224 = arith.addi %parallel_loop3A_222, %parallel_loop3A_223 : i32
        %parallel_loop3A_225 = vector.broadcast %parallel_loop3A_224 : i32 to vector<16xi32>
        %parallel_loop3A_226 = tpu.vector_load_idx %arg8[%parallel_loop3A_225] : memref<256xf32, #tpu.memory_space<vmem>>[vector<16xi32>], vector<16xf32>,
        %parallel_loop3A_227 = arith.constant 4 : i32
        %parallel_loop3A_228 = arith.muli %parallel_loop3A_227, %parallel_loop3A_212 : i32
        %parallel_loop3A_229 = arith.constant 2 : i32
        %parallel_loop3A_230 = arith.addi %parallel_loop3A_228, %parallel_loop3A_229 : i32
        %parallel_loop3A_231 = vector.broadcast %parallel_loop3A_230 : i32 to vector<16xi32>
        %parallel_loop3A_232 = tpu.vector_load_idx %arg8[%parallel_loop3A_231] : memref<256xf32, #tpu.memory_space<vmem>>[vector<16xi32>], vector<16xf32>,
        %parallel_loop3A_233 = arith.constant 4 : i32
        %parallel_loop3A_234 = arith.muli %parallel_loop3A_233, %parallel_loop3A_212 : i32
        %parallel_loop3A_235 = arith.constant 3 : i32
        %parallel_loop3A_236 = arith.addi %parallel_loop3A_234, %parallel_loop3A_235 : i32
        %parallel_loop3A_237 = vector.broadcast %parallel_loop3A_236 : i32 to vector<16xi32>
        %parallel_loop3A_238 = tpu.vector_load_idx %arg8[%parallel_loop3A_237] : memref<256xf32, #tpu.memory_space<vmem>>[vector<16xi32>], vector<16xf32>,
        %parallel_loop3A_239 = arith.index_cast %parallel_loop3A_214 : i32 to index
        %parallel_loop3A_240 = arith.constant 0 : index
        %parallel_loop3A_241 = tpu.vector_load %arg10[%parallel_loop3A_239, %parallel_loop3A_240] {strides = array<i32>} : memref<128x192xf32, #tpu.memory_space<vmem>>, vector<16xf32>,
        %parallel_loop3A_242 = arith.mulf %parallel_loop3A_220, %parallel_loop3A_241 : vector<16xf32>
        %parallel_loop3A_243 = arith.index_cast %parallel_loop3A_214 : i32 to index
        %parallel_loop3A_244 = arith.constant 96 : index
        %parallel_loop3A_245 = tpu.vector_load %arg10[%parallel_loop3A_243, %parallel_loop3A_244] {strides = array<i32>} : memref<128x192xf32, #tpu.memory_space<vmem>>, vector<16xf32>,
        %parallel_loop3A_246 = arith.mulf %parallel_loop3A_226, %parallel_loop3A_245 : vector<16xf32>
        %parallel_loop3A_247 = arith.addf %parallel_loop3A_242, %parallel_loop3A_246 : vector<16xf32>
        %parallel_loop3A_248 = arith.constant 1 : i32
        %parallel_loop3A_249 = arith.addi %parallel_loop3A_214, %parallel_loop3A_248 : i32
        %parallel_loop3A_250 = arith.index_cast %parallel_loop3A_249 : i32 to index
        %parallel_loop3A_251 = arith.constant 0 : index
        %parallel_loop3A_252 = tpu.vector_load %arg10[%parallel_loop3A_250, %parallel_loop3A_251] {strides = array<i32>} : memref<128x192xf32, #tpu.memory_space<vmem>>, vector<16xf32>,
        %parallel_loop3A_253 = arith.mulf %parallel_loop3A_232, %parallel_loop3A_252 : vector<16xf32>
        %parallel_loop3A_254 = arith.addf %parallel_loop3A_247, %parallel_loop3A_253 : vector<16xf32>
        %parallel_loop3A_255 = arith.constant 1 : i32
        %parallel_loop3A_256 = arith.addi %parallel_loop3A_214, %parallel_loop3A_255 : i32
        %parallel_loop3A_257 = arith.index_cast %parallel_loop3A_256 : i32 to index
        %parallel_loop3A_258 = arith.constant 96 : index
        %parallel_loop3A_259 = tpu.vector_load %arg10[%parallel_loop3A_257, %parallel_loop3A_258] {strides = array<i32>} : memref<128x192xf32, #tpu.memory_space<vmem>>, vector<16xf32>,
        %parallel_loop3A_260 = arith.mulf %parallel_loop3A_238, %parallel_loop3A_259 : vector<16xf32>
        %parallel_loop3A_261 = arith.addf %parallel_loop3A_254, %parallel_loop3A_260 : vector<16xf32>
        %parallel_loop3A_262 = arith.index_cast %parallel_loop3A_212 : i32 to index
        %parallel_loop3A_263 = arith.constant 0 : index
        %parallel_loop3A_264 = tpu.vector_load %arg12[%parallel_loop3A_262, %parallel_loop3A_263] {strides = array<i32>} : memref<64x96xf32, #tpu.memory_space<vmem>>, vector<16xf32>,
        tpu.vector_store %arg12[%parallel_loop3A_262, %parallel_loop3A_263], %parallel_loop3A_261 {strides = array<i32>} : memref<64x96xf32, #tpu.memory_space<vmem>>, vector<16xf32>,
        %parallel_loop3A_265 = arith.index_cast %parallel_loop3A_214 : i32 to index
        %parallel_loop3A_266 = arith.constant 16 : index
        %parallel_loop3A_267 = tpu.vector_load %arg10[%parallel_loop3A_265, %parallel_loop3A_266] {strides = array<i32>} : memref<128x192xf32, #tpu.memory_space<vmem>>, vector<16xf32>,
        %parallel_loop3A_268 = arith.mulf %parallel_loop3A_220, %parallel_loop3A_267 : vector<16xf32>
        %parallel_loop3A_269 = arith.index_cast %parallel_loop3A_214 : i32 to index
        %parallel_loop3A_270 = arith.constant 112 : index
        %parallel_loop3A_271 = tpu.vector_load %arg10[%parallel_loop3A_269, %parallel_loop3A_270] {strides = array<i32>} : memref<128x192xf32, #tpu.memory_space<vmem>>, vector<16xf32>,
        %parallel_loop3A_272 = arith.mulf %parallel_loop3A_226, %parallel_loop3A_271 : vector<16xf32>
        %parallel_loop3A_273 = arith.addf %parallel_loop3A_268, %parallel_loop3A_272 : vector<16xf32>
        %parallel_loop3A_274 = arith.constant 1 : i32
        %parallel_loop3A_275 = arith.addi %parallel_loop3A_214, %parallel_loop3A_274 : i32
        %parallel_loop3A_276 = arith.index_cast %parallel_loop3A_275 : i32 to index
        %parallel_loop3A_277 = arith.constant 16 : index
        %parallel_loop3A_278 = tpu.vector_load %arg10[%parallel_loop3A_276, %parallel_loop3A_277] {strides = array<i32>} : memref<128x192xf32, #tpu.memory_space<vmem>>, vector<16xf32>,
        %parallel_loop3A_279 = arith.mulf %parallel_loop3A_232, %parallel_loop3A_278 : vector<16xf32>
        %parallel_loop3A_280 = arith.addf %parallel_loop3A_273, %parallel_loop3A_279 : vector<16xf32>
        %parallel_loop3A_281 = arith.constant 1 : i32
        %parallel_loop3A_282 = arith.addi %parallel_loop3A_214, %parallel_loop3A_281 : i32
        %parallel_loop3A_283 = arith.index_cast %parallel_loop3A_282 : i32 to index
        %parallel_loop3A_284 = arith.constant 112 : index
        %parallel_loop3A_285 = tpu.vector_load %arg10[%parallel_loop3A_283, %parallel_loop3A_284] {strides = array<i32>} : memref<128x192xf32, #tpu.memory_space<vmem>>, vector<16xf32>,
        %parallel_loop3A_286 = arith.mulf %parallel_loop3A_238, %parallel_loop3A_285 : vector<16xf32>
        %parallel_loop3A_287 = arith.addf %parallel_loop3A_280, %parallel_loop3A_286 : vector<16xf32>
        %parallel_loop3A_288 = arith.index_cast %parallel_loop3A_212 : i32 to index
        %parallel_loop3A_289 = arith.constant 16 : index
        %parallel_loop3A_290 = tpu.vector_load %arg12[%parallel_loop3A_288, %parallel_loop3A_289] {strides = array<i32>} : memref<64x96xf32, #tpu.memory_space<vmem>>, vector<16xf32>,
        tpu.vector_store %arg12[%parallel_loop3A_288, %parallel_loop3A_289], %parallel_loop3A_287 {strides = array<i32>} : memref<64x96xf32, #tpu.memory_space<vmem>>, vector<16xf32>,
        %parallel_loop3A_291 = arith.index_cast %parallel_loop3A_214 : i32 to index
        %parallel_loop3A_292 = arith.constant 32 : index
        %parallel_loop3A_293 = tpu.vector_load %arg10[%parallel_loop3A_291, %parallel_loop3A_292] {strides = array<i32>} : memref<128x192xf32, #tpu.memory_space<vmem>>, vector<16xf32>,
        %parallel_loop3A_294 = arith.mulf %parallel_loop3A_220, %parallel_loop3A_293 : vector<16xf32>
        %parallel_loop3A_295 = arith.index_cast %parallel_loop3A_214 : i32 to index
        %parallel_loop3A_296 = arith.constant 128 : index
        %parallel_loop3A_297 = tpu.vector_load %arg10[%parallel_loop3A_295, %parallel_loop3A_296] {strides = array<i32>} : memref<128x192xf32, #tpu.memory_space<vmem>>, vector<16xf32>,
        %parallel_loop3A_298 = arith.mulf %parallel_loop3A_226, %parallel_loop3A_297 : vector<16xf32>
        %parallel_loop3A_299 = arith.addf %parallel_loop3A_294, %parallel_loop3A_298 : vector<16xf32>
        %parallel_loop3A_300 = arith.constant 1 : i32
        %parallel_loop3A_301 = arith.addi %parallel_loop3A_214, %parallel_loop3A_300 : i32
        %parallel_loop3A_302 = arith.index_cast %parallel_loop3A_301 : i32 to index
        %parallel_loop3A_303 = arith.constant 32 : index
        %parallel_loop3A_304 = tpu.vector_load %arg10[%parallel_loop3A_302, %parallel_loop3A_303] {strides = array<i32>} : memref<128x192xf32, #tpu.memory_space<vmem>>, vector<16xf32>,
        %parallel_loop3A_305 = arith.mulf %parallel_loop3A_232, %parallel_loop3A_304 : vector<16xf32>
        %parallel_loop3A_306 = arith.addf %parallel_loop3A_299, %parallel_loop3A_305 : vector<16xf32>
        %parallel_loop3A_307 = arith.constant 1 : i32
        %parallel_loop3A_308 = arith.addi %parallel_loop3A_214, %parallel_loop3A_307 : i32
        %parallel_loop3A_309 = arith.index_cast %parallel_loop3A_308 : i32 to index
        %parallel_loop3A_310 = arith.constant 128 : index
        %parallel_loop3A_311 = tpu.vector_load %arg10[%parallel_loop3A_309, %parallel_loop3A_310] {strides = array<i32>} : memref<128x192xf32, #tpu.memory_space<vmem>>, vector<16xf32>,
        %parallel_loop3A_312 = arith.mulf %parallel_loop3A_238, %parallel_loop3A_311 : vector<16xf32>
        %parallel_loop3A_313 = arith.addf %parallel_loop3A_306, %parallel_loop3A_312 : vector<16xf32>
        %parallel_loop3A_314 = arith.index_cast %parallel_loop3A_212 : i32 to index
        %parallel_loop3A_315 = arith.constant 32 : index
        %parallel_loop3A_316 = tpu.vector_load %arg12[%parallel_loop3A_314, %parallel_loop3A_315] {strides = array<i32>} : memref<64x96xf32, #tpu.memory_space<vmem>>, vector<16xf32>,
        tpu.vector_store %arg12[%parallel_loop3A_314, %parallel_loop3A_315], %parallel_loop3A_313 {strides = array<i32>} : memref<64x96xf32, #tpu.memory_space<vmem>>, vector<16xf32>,
        %parallel_loop3A_317 = arith.index_cast %parallel_loop3A_214 : i32 to index
        %parallel_loop3A_318 = arith.constant 48 : index
        %parallel_loop3A_319 = tpu.vector_load %arg10[%parallel_loop3A_317, %parallel_loop3A_318] {strides = array<i32>} : memref<128x192xf32, #tpu.memory_space<vmem>>, vector<16xf32>,
        %parallel_loop3A_320 = arith.mulf %parallel_loop3A_220, %parallel_loop3A_319 : vector<16xf32>
        %parallel_loop3A_321 = arith.index_cast %parallel_loop3A_214 : i32 to index
        %parallel_loop3A_322 = arith.constant 144 : index
        %parallel_loop3A_323 = tpu.vector_load %arg10[%parallel_loop3A_321, %parallel_loop3A_322] {strides = array<i32>} : memref<128x192xf32, #tpu.memory_space<vmem>>, vector<16xf32>,
        %parallel_loop3A_324 = arith.mulf %parallel_loop3A_226, %parallel_loop3A_323 : vector<16xf32>
        %parallel_loop3A_325 = arith.addf %parallel_loop3A_320, %parallel_loop3A_324 : vector<16xf32>
        %parallel_loop3A_326 = arith.constant 1 : i32
        %parallel_loop3A_327 = arith.addi %parallel_loop3A_214, %parallel_loop3A_326 : i32
        %parallel_loop3A_328 = arith.index_cast %parallel_loop3A_327 : i32 to index
        %parallel_loop3A_329 = arith.constant 48 : index
        %parallel_loop3A_330 = tpu.vector_load %arg10[%parallel_loop3A_328, %parallel_loop3A_329] {strides = array<i32>} : memref<128x192xf32, #tpu.memory_space<vmem>>, vector<16xf32>,
        %parallel_loop3A_331 = arith.mulf %parallel_loop3A_232, %parallel_loop3A_330 : vector<16xf32>
        %parallel_loop3A_332 = arith.addf %parallel_loop3A_325, %parallel_loop3A_331 : vector<16xf32>
        %parallel_loop3A_333 = arith.constant 1 : i32
        %parallel_loop3A_334 = arith.addi %parallel_loop3A_214, %parallel_loop3A_333 : i32
        %parallel_loop3A_335 = arith.index_cast %parallel_loop3A_334 : i32 to index
        %parallel_loop3A_336 = arith.constant 144 : index
        %parallel_loop3A_337 = tpu.vector_load %arg10[%parallel_loop3A_335, %parallel_loop3A_336] {strides = array<i32>} : memref<128x192xf32, #tpu.memory_space<vmem>>, vector<16xf32>,
        %parallel_loop3A_338 = arith.mulf %parallel_loop3A_238, %parallel_loop3A_337 : vector<16xf32>
        %parallel_loop3A_339 = arith.addf %parallel_loop3A_332, %parallel_loop3A_338 : vector<16xf32>
        %parallel_loop3A_340 = arith.index_cast %parallel_loop3A_212 : i32 to index
        %parallel_loop3A_341 = arith.constant 48 : index
        %parallel_loop3A_342 = tpu.vector_load %arg12[%parallel_loop3A_340, %parallel_loop3A_341] {strides = array<i32>} : memref<64x96xf32, #tpu.memory_space<vmem>>, vector<16xf32>,
        tpu.vector_store %arg12[%parallel_loop3A_340, %parallel_loop3A_341], %parallel_loop3A_339 {strides = array<i32>} : memref<64x96xf32, #tpu.memory_space<vmem>>, vector<16xf32>,
        %parallel_loop3A_343 = arith.index_cast %parallel_loop3A_214 : i32 to index
        %parallel_loop3A_344 = arith.constant 64 : index
        %parallel_loop3A_345 = tpu.vector_load %arg10[%parallel_loop3A_343, %parallel_loop3A_344] {strides = array<i32>} : memref<128x192xf32, #tpu.memory_space<vmem>>, vector<16xf32>,
        %parallel_loop3A_346 = arith.mulf %parallel_loop3A_220, %parallel_loop3A_345 : vector<16xf32>
        %parallel_loop3A_347 = arith.index_cast %parallel_loop3A_214 : i32 to index
        %parallel_loop3A_348 = arith.constant 160 : index
        %parallel_loop3A_349 = tpu.vector_load %arg10[%parallel_loop3A_347, %parallel_loop3A_348] {strides = array<i32>} : memref<128x192xf32, #tpu.memory_space<vmem>>, vector<16xf32>,
        %parallel_loop3A_350 = arith.mulf %parallel_loop3A_226, %parallel_loop3A_349 : vector<16xf32>
        %parallel_loop3A_351 = arith.addf %parallel_loop3A_346, %parallel_loop3A_350 : vector<16xf32>
        %parallel_loop3A_352 = arith.constant 1 : i32
        %parallel_loop3A_353 = arith.addi %parallel_loop3A_214, %parallel_loop3A_352 : i32
        %parallel_loop3A_354 = arith.index_cast %parallel_loop3A_353 : i32 to index
        %parallel_loop3A_355 = arith.constant 64 : index
        %parallel_loop3A_356 = tpu.vector_load %arg10[%parallel_loop3A_354, %parallel_loop3A_355] {strides = array<i32>} : memref<128x192xf32, #tpu.memory_space<vmem>>, vector<16xf32>,
        %parallel_loop3A_357 = arith.mulf %parallel_loop3A_232, %parallel_loop3A_356 : vector<16xf32>
        %parallel_loop3A_358 = arith.addf %parallel_loop3A_351, %parallel_loop3A_357 : vector<16xf32>
        %parallel_loop3A_359 = arith.constant 1 : i32
        %parallel_loop3A_360 = arith.addi %parallel_loop3A_214, %parallel_loop3A_359 : i32
        %parallel_loop3A_361 = arith.index_cast %parallel_loop3A_360 : i32 to index
        %parallel_loop3A_362 = arith.constant 160 : index
        %parallel_loop3A_363 = tpu.vector_load %arg10[%parallel_loop3A_361, %parallel_loop3A_362] {strides = array<i32>} : memref<128x192xf32, #tpu.memory_space<vmem>>, vector<16xf32>,
        %parallel_loop3A_364 = arith.mulf %parallel_loop3A_238, %parallel_loop3A_363 : vector<16xf32>
        %parallel_loop3A_365 = arith.addf %parallel_loop3A_358, %parallel_loop3A_364 : vector<16xf32>
        %parallel_loop3A_366 = arith.index_cast %parallel_loop3A_212 : i32 to index
        %parallel_loop3A_367 = arith.constant 64 : index
        %parallel_loop3A_368 = tpu.vector_load %arg12[%parallel_loop3A_366, %parallel_loop3A_367] {strides = array<i32>} : memref<64x96xf32, #tpu.memory_space<vmem>>, vector<16xf32>,
        tpu.vector_store %arg12[%parallel_loop3A_366, %parallel_loop3A_367], %parallel_loop3A_365 {strides = array<i32>} : memref<64x96xf32, #tpu.memory_space<vmem>>, vector<16xf32>,
        %parallel_loop3A_369 = arith.index_cast %parallel_loop3A_214 : i32 to index
        %parallel_loop3A_370 = arith.constant 80 : index
        %parallel_loop3A_371 = tpu.vector_load %arg10[%parallel_loop3A_369, %parallel_loop3A_370] {strides = array<i32>} : memref<128x192xf32, #tpu.memory_space<vmem>>, vector<16xf32>,
        %parallel_loop3A_372 = arith.mulf %parallel_loop3A_220, %parallel_loop3A_371 : vector<16xf32>
        %parallel_loop3A_373 = arith.index_cast %parallel_loop3A_214 : i32 to index
        %parallel_loop3A_374 = arith.constant 176 : index
        %parallel_loop3A_375 = tpu.vector_load %arg10[%parallel_loop3A_373, %parallel_loop3A_374] {strides = array<i32>} : memref<128x192xf32, #tpu.memory_space<vmem>>, vector<16xf32>,
        %parallel_loop3A_376 = arith.mulf %parallel_loop3A_226, %parallel_loop3A_375 : vector<16xf32>
        %parallel_loop3A_377 = arith.addf %parallel_loop3A_372, %parallel_loop3A_376 : vector<16xf32>
        %parallel_loop3A_378 = arith.constant 1 : i32
        %parallel_loop3A_379 = arith.addi %parallel_loop3A_214, %parallel_loop3A_378 : i32
        %parallel_loop3A_380 = arith.index_cast %parallel_loop3A_379 : i32 to index
        %parallel_loop3A_381 = arith.constant 80 : index
        %parallel_loop3A_382 = tpu.vector_load %arg10[%parallel_loop3A_380, %parallel_loop3A_381] {strides = array<i32>} : memref<128x192xf32, #tpu.memory_space<vmem>>, vector<16xf32>,
        %parallel_loop3A_383 = arith.mulf %parallel_loop3A_232, %parallel_loop3A_382 : vector<16xf32>
        %parallel_loop3A_384 = arith.addf %parallel_loop3A_377, %parallel_loop3A_383 : vector<16xf32>
        %parallel_loop3A_385 = arith.constant 1 : i32
        %parallel_loop3A_386 = arith.addi %parallel_loop3A_214, %parallel_loop3A_385 : i32
        %parallel_loop3A_387 = arith.index_cast %parallel_loop3A_386 : i32 to index
        %parallel_loop3A_388 = arith.constant 176 : index
        %parallel_loop3A_389 = tpu.vector_load %arg10[%parallel_loop3A_387, %parallel_loop3A_388] {strides = array<i32>} : memref<128x192xf32, #tpu.memory_space<vmem>>, vector<16xf32>,
        %parallel_loop3A_390 = arith.mulf %parallel_loop3A_238, %parallel_loop3A_389 : vector<16xf32>
        %parallel_loop3A_391 = arith.addf %parallel_loop3A_384, %parallel_loop3A_390 : vector<16xf32>
        %parallel_loop3A_392 = arith.index_cast %parallel_loop3A_212 : i32 to index
        %parallel_loop3A_393 = arith.constant 80 : index
        %parallel_loop3A_394 = tpu.vector_load %arg12[%parallel_loop3A_392, %parallel_loop3A_393] {strides = array<i32>} : memref<64x96xf32, #tpu.memory_space<vmem>>, vector<16xf32>,
        tpu.vector_store %arg12[%parallel_loop3A_392, %parallel_loop3A_393], %parallel_loop3A_391 {strides = array<i32>} : memref<64x96xf32, #tpu.memory_space<vmem>>, vector<16xf32>,
      } {sc.loop_unroll_factor = 4 : i64, sc.parallel_access}
      %mul3A_155 = arith.constant 64 : i32
      %mul3A_156 = arith.muli %add3A_131, %mul3A_155 : i32
      %dma_start3A_157 = arith.constant 0 : i32
      %dma_start3A_158 = tpu.memref_slice %arg5[%mul3A_156, %dma_start3A_157] : memref<274432x96xf32, #tpu.memory_space<hbm>> -> memref<64x96xf32, #tpu.memory_space<hbm>>
      %dma_start3A_159 = arith.constant 0 : i32
      %dma_start3A_160 = tpu.memref_slice %arg5[%mul3A_156, %dma_start3A_159] : memref<274432x96xf32, #tpu.memory_space<hbm>> -> memref<64x96xf32, #tpu.memory_space<hbm>>
      tpu.enqueue_dma source(%arg12 : memref<64x96xf32, #tpu.memory_space<vmem>>) target(%dma_start3A_160 : memref<64x96xf32, #tpu.memory_space<hbm>>) target_semaphore(%arg18 : memref<!tpu.dma_semaphore, #tpu.memory_space<semaphore_mem>>)
      %add3A_161 = arith.constant 64 : i32
      %add3A_162 = arith.addi %add3A_131, %add3A_161 : i32
      %mul3A_163 = arith.constant 128 : i32
      %mul3A_164 = arith.muli %add3A_162, %mul3A_163 : i32
      %dma_start3A_165 = tpu.memref_slice %arg2[%mul3A_164] : memref<557056xi32, #tpu.memory_space<hbm>> -> memref<128xi32, #tpu.memory_space<hbm>>
      %dma_start3A_166 = tpu.memref_slice %arg2[%mul3A_164] : memref<557056xi32, #tpu.memory_space<hbm>> -> memref<128xi32, #tpu.memory_space<hbm>>
      tpu.enqueue_dma source(%dma_start3A_166 : memref<128xi32, #tpu.memory_space<hbm>>) target(%arg6 : memref<128xi32, #tpu.memory_space<vmem>>) target_semaphore(%arg14 : memref<!tpu.dma_semaphore, #tpu.memory_space<semaphore_mem>>)
      %mul3A_167 = arith.constant 256 : i32
      %mul3A_168 = arith.muli %add3A_162, %mul3A_167 : i32
      %dma_start3A_169 = tpu.memref_slice %arg3[%mul3A_168] : memref<1114112xf32, #tpu.memory_space<hbm>> -> memref<256xf32, #tpu.memory_space<hbm>>
      %dma_start3A_170 = tpu.memref_slice %arg3[%mul3A_168] : memref<1114112xf32, #tpu.memory_space<hbm>> -> memref<256xf32, #tpu.memory_space<hbm>>
      tpu.enqueue_dma source(%dma_start3A_170 : memref<256xf32, #tpu.memory_space<hbm>>) target(%arg8 : memref<256xf32, #tpu.memory_space<vmem>>) target_semaphore(%arg14 : memref<!tpu.dma_semaphore, #tpu.memory_space<semaphore_mem>>)
      %add3A_171 = arith.constant 32 : i32
      %add3A_172 = arith.addi %add3A_131, %add3A_171 : i32
      %dma_wait3A_173 = arith.constant 0 : i32
      %dma_wait3A_174 = tpu.memref_slice %arg2[%dma_wait3A_173] : memref<557056xi32, #tpu.memory_space<hbm>> -> memref<128xi32, #tpu.memory_space<hbm>>
      %dma_wait3A_175 = arith.constant 0 : i32
      %dma_wait3A_176 = tpu.memref_slice %arg2[%dma_wait3A_175] : memref<557056xi32, #tpu.memory_space<hbm>> -> memref<128xi32, #tpu.memory_space<hbm>>
      tpu.wait_dma2 semaphore(%arg14 : memref<!tpu.dma_semaphore, #tpu.memory_space<semaphore_mem>>) src(%dma_wait3A_176 : memref<128xi32, #tpu.memory_space<hbm>>) dst(%arg6 : memref<128xi32, #tpu.memory_space<vmem>>)
      %dma_wait3A_177 = arith.constant 0 : i32
      %dma_wait3A_178 = tpu.memref_slice %arg3[%dma_wait3A_177] : memref<1114112xf32, #tpu.memory_space<hbm>> -> memref<256xf32, #tpu.memory_space<hbm>>
      %dma_wait3A_179 = arith.constant 0 : i32
      %dma_wait3A_180 = tpu.memref_slice %arg3[%dma_wait3A_179] : memref<1114112xf32, #tpu.memory_space<hbm>> -> memref<256xf32, #tpu.memory_space<hbm>>
      tpu.wait_dma2 semaphore(%arg14 : memref<!tpu.dma_semaphore, #tpu.memory_space<semaphore_mem>>) src(%dma_wait3A_180 : memref<256xf32, #tpu.memory_space<hbm>>) dst(%arg8 : memref<256xf32, #tpu.memory_space<vmem>>)
      %dma_start3A_181 = arith.constant 0 : i32
      %dma_start3A_182 = arith.constant 0 : i32
      %dma_start3A_183 = tpu.memref_slice %arg4[%dma_start3A_181, %dma_start3A_182] : memref<65535x192xf32, #tpu.memory_space<hbm>> -> memref<65535x192xf32, #tpu.memory_space<hbm>>
      tpu.enqueue_indirect_dma source(%dma_start3A_183 : memref<65535x192xf32, #tpu.memory_space<hbm>>) target(%arg10 : memref<128x192xf32, #tpu.memory_space<vmem>>) offsets(%arg6 : memref<128xi32, #tpu.memory_space<vmem>>) semaphore(%arg16 : memref<!tpu.dma_semaphore, #tpu.memory_space<semaphore_mem>>)
      %dma_wait3A_184 = arith.constant 0 : i32
      %dma_wait3A_185 = arith.constant 0 : i32
      %dma_wait3A_186 = tpu.memref_slice %arg4[%dma_wait3A_184, %dma_wait3A_185] : memref<65535x192xf32, #tpu.memory_space<hbm>> -> memref<65535x192xf32, #tpu.memory_space<hbm>>
      tpu.wait_indirect_dma semaphore(%arg17 : memref<!tpu.dma_semaphore, #tpu.memory_space<semaphore_mem>>) src(%dma_wait3A_186 : memref<65535x192xf32, #tpu.memory_space<hbm>>) dst(%arg11 : memref<128x192xf32, #tpu.memory_space<vmem>>)
      %dma_wait3A_187 = arith.constant 0 : i32
      %dma_wait3A_188 = arith.constant 0 : i32
      %dma_wait3A_189 = tpu.memref_slice %arg5[%dma_wait3A_187, %dma_wait3A_188] : memref<274432x96xf32, #tpu.memory_space<hbm>> -> memref<64x96xf32, #tpu.memory_space<hbm>>
      %dma_wait3A_190 = arith.constant 0 : i32
      %dma_wait3A_191 = arith.constant 0 : i32
      %dma_wait3A_192 = tpu.memref_slice %arg5[%dma_wait3A_190, %dma_wait3A_191] : memref<274432x96xf32, #tpu.memory_space<hbm>> -> memref<64x96xf32, #tpu.memory_space<hbm>>
      tpu.wait_dma2 semaphore(%arg19 : memref<!tpu.dma_semaphore, #tpu.memory_space<semaphore_mem>>) src(%arg13 : memref<64x96xf32, #tpu.memory_space<vmem>>) dst(%dma_wait3A_192 : memref<64x96xf32, #tpu.memory_space<hbm>>)
      %parallel_loop3A_193 = arith.constant 0 : i32
      %parallel_loop3A_194 = arith.constant 64 : i32
      %parallel_loop3A_195 = arith.constant 1 : i32
      scf.for %parallel_loop3A_212 = %parallel_loop3A_193 to %parallel_loop3A_194 step %parallel_loop3A_195  : i32 {
        %parallel_loop3A_213 = arith.constant 2 : i32
        %parallel_loop3A_214 = arith.muli %parallel_loop3A_213, %parallel_loop3A_212 : i32
        %parallel_loop3A_215 = arith.constant 4 : i32
        %parallel_loop3A_216 = arith.muli %parallel_loop3A_215, %parallel_loop3A_212 : i32
        %parallel_loop3A_217 = arith.constant 0 : i32
        %parallel_loop3A_218 = arith.addi %parallel_loop3A_216, %parallel_loop3A_217 : i32
        %parallel_loop3A_219 = vector.broadcast %parallel_loop3A_218 : i32 to vector<16xi32>
        %parallel_loop3A_220 = tpu.vector_load_idx %arg9[%parallel_loop3A_219] : memref<256xf32, #tpu.memory_space<vmem>>[vector<16xi32>], vector<16xf32>,
        %parallel_loop3A_221 = arith.constant 4 : i32
        %parallel_loop3A_222 = arith.muli %parallel_loop3A_221, %parallel_loop3A_212 : i32
        %parallel_loop3A_223 = arith.constant 1 : i32
        %parallel_loop3A_224 = arith.addi %parallel_loop3A_222, %parallel_loop3A_223 : i32
        %parallel_loop3A_225 = vector.broadcast %parallel_loop3A_224 : i32 to vector<16xi32>
        %parallel_loop3A_226 = tpu.vector_load_idx %arg9[%parallel_loop3A_225] : memref<256xf32, #tpu.memory_space<vmem>>[vector<16xi32>], vector<16xf32>,
        %parallel_loop3A_227 = arith.constant 4 : i32
        %parallel_loop3A_228 = arith.muli %parallel_loop3A_227, %parallel_loop3A_212 : i32
        %parallel_loop3A_229 = arith.constant 2 : i32
        %parallel_loop3A_230 = arith.addi %parallel_loop3A_228, %parallel_loop3A_229 : i32
        %parallel_loop3A_231 = vector.broadcast %parallel_loop3A_230 : i32 to vector<16xi32>
        %parallel_loop3A_232 = tpu.vector_load_idx %arg9[%parallel_loop3A_231] : memref<256xf32, #tpu.memory_space<vmem>>[vector<16xi32>], vector<16xf32>,
        %parallel_loop3A_233 = arith.constant 4 : i32
        %parallel_loop3A_234 = arith.muli %parallel_loop3A_233, %parallel_loop3A_212 : i32
        %parallel_loop3A_235 = arith.constant 3 : i32
        %parallel_loop3A_236 = arith.addi %parallel_loop3A_234, %parallel_loop3A_235 : i32
        %parallel_loop3A_237 = vector.broadcast %parallel_loop3A_236 : i32 to vector<16xi32>
        %parallel_loop3A_238 = tpu.vector_load_idx %arg9[%parallel_loop3A_237] : memref<256xf32, #tpu.memory_space<vmem>>[vector<16xi32>], vector<16xf32>,
        %parallel_loop3A_239 = arith.index_cast %parallel_loop3A_214 : i32 to index
        %parallel_loop3A_240 = arith.constant 0 : index
        %parallel_loop3A_241 = tpu.vector_load %arg11[%parallel_loop3A_239, %parallel_loop3A_240] {strides = array<i32>} : memref<128x192xf32, #tpu.memory_space<vmem>>, vector<16xf32>,
        %parallel_loop3A_242 = arith.mulf %parallel_loop3A_220, %parallel_loop3A_241 : vector<16xf32>
        %parallel_loop3A_243 = arith.index_cast %parallel_loop3A_214 : i32 to index
        %parallel_loop3A_244 = arith.constant 96 : index
        %parallel_loop3A_245 = tpu.vector_load %arg11[%parallel_loop3A_243, %parallel_loop3A_244] {strides = array<i32>} : memref<128x192xf32, #tpu.memory_space<vmem>>, vector<16xf32>,
        %parallel_loop3A_246 = arith.mulf %parallel_loop3A_226, %parallel_loop3A_245 : vector<16xf32>
        %parallel_loop3A_247 = arith.addf %parallel_loop3A_242, %parallel_loop3A_246 : vector<16xf32>
        %parallel_loop3A_248 = arith.constant 1 : i32
        %parallel_loop3A_249 = arith.addi %parallel_loop3A_214, %parallel_loop3A_248 : i32
        %parallel_loop3A_250 = arith.index_cast %parallel_loop3A_249 : i32 to index
        %parallel_loop3A_251 = arith.constant 0 : index
        %parallel_loop3A_252 = tpu.vector_load %arg11[%parallel_loop3A_250, %parallel_loop3A_251] {strides = array<i32>} : memref<128x192xf32, #tpu.memory_space<vmem>>, vector<16xf32>,
        %parallel_loop3A_253 = arith.mulf %parallel_loop3A_232, %parallel_loop3A_252 : vector<16xf32>
        %parallel_loop3A_254 = arith.addf %parallel_loop3A_247, %parallel_loop3A_253 : vector<16xf32>
        %parallel_loop3A_255 = arith.constant 1 : i32
        %parallel_loop3A_256 = arith.addi %parallel_loop3A_214, %parallel_loop3A_255 : i32
        %parallel_loop3A_257 = arith.index_cast %parallel_loop3A_256 : i32 to index
        %parallel_loop3A_258 = arith.constant 96 : index
        %parallel_loop3A_259 = tpu.vector_load %arg11[%parallel_loop3A_257, %parallel_loop3A_258] {strides = array<i32>} : memref<128x192xf32, #tpu.memory_space<vmem>>, vector<16xf32>,
        %parallel_loop3A_260 = arith.mulf %parallel_loop3A_238, %parallel_loop3A_259 : vector<16xf32>
        %parallel_loop3A_261 = arith.addf %parallel_loop3A_254, %parallel_loop3A_260 : vector<16xf32>
        %parallel_loop3A_262 = arith.index_cast %parallel_loop3A_212 : i32 to index
        %parallel_loop3A_263 = arith.constant 0 : index
        %parallel_loop3A_264 = tpu.vector_load %arg13[%parallel_loop3A_262, %parallel_loop3A_263] {strides = array<i32>} : memref<64x96xf32, #tpu.memory_space<vmem>>, vector<16xf32>,
        tpu.vector_store %arg13[%parallel_loop3A_262, %parallel_loop3A_263], %parallel_loop3A_261 {strides = array<i32>} : memref<64x96xf32, #tpu.memory_space<vmem>>, vector<16xf32>,
        %parallel_loop3A_265 = arith.index_cast %parallel_loop3A_214 : i32 to index
        %parallel_loop3A_266 = arith.constant 16 : index
        %parallel_loop3A_267 = tpu.vector_load %arg11[%parallel_loop3A_265, %parallel_loop3A_266] {strides = array<i32>} : memref<128x192xf32, #tpu.memory_space<vmem>>, vector<16xf32>,
        %parallel_loop3A_268 = arith.mulf %parallel_loop3A_220, %parallel_loop3A_267 : vector<16xf32>
        %parallel_loop3A_269 = arith.index_cast %parallel_loop3A_214 : i32 to index
        %parallel_loop3A_270 = arith.constant 112 : index
        %parallel_loop3A_271 = tpu.vector_load %arg11[%parallel_loop3A_269, %parallel_loop3A_270] {strides = array<i32>} : memref<128x192xf32, #tpu.memory_space<vmem>>, vector<16xf32>,
        %parallel_loop3A_272 = arith.mulf %parallel_loop3A_226, %parallel_loop3A_271 : vector<16xf32>
        %parallel_loop3A_273 = arith.addf %parallel_loop3A_268, %parallel_loop3A_272 : vector<16xf32>
        %parallel_loop3A_274 = arith.constant 1 : i32
        %parallel_loop3A_275 = arith.addi %parallel_loop3A_214, %parallel_loop3A_274 : i32
        %parallel_loop3A_276 = arith.index_cast %parallel_loop3A_275 : i32 to index
        %parallel_loop3A_277 = arith.constant 16 : index
        %parallel_loop3A_278 = tpu.vector_load %arg11[%parallel_loop3A_276, %parallel_loop3A_277] {strides = array<i32>} : memref<128x192xf32, #tpu.memory_space<vmem>>, vector<16xf32>,
        %parallel_loop3A_279 = arith.mulf %parallel_loop3A_232, %parallel_loop3A_278 : vector<16xf32>
        %parallel_loop3A_280 = arith.addf %parallel_loop3A_273, %parallel_loop3A_279 : vector<16xf32>
        %parallel_loop3A_281 = arith.constant 1 : i32
        %parallel_loop3A_282 = arith.addi %parallel_loop3A_214, %parallel_loop3A_281 : i32
        %parallel_loop3A_283 = arith.index_cast %parallel_loop3A_282 : i32 to index
        %parallel_loop3A_284 = arith.constant 112 : index
        %parallel_loop3A_285 = tpu.vector_load %arg11[%parallel_loop3A_283, %parallel_loop3A_284] {strides = array<i32>} : memref<128x192xf32, #tpu.memory_space<vmem>>, vector<16xf32>,
        %parallel_loop3A_286 = arith.mulf %parallel_loop3A_238, %parallel_loop3A_285 : vector<16xf32>
        %parallel_loop3A_287 = arith.addf %parallel_loop3A_280, %parallel_loop3A_286 : vector<16xf32>
        %parallel_loop3A_288 = arith.index_cast %parallel_loop3A_212 : i32 to index
        %parallel_loop3A_289 = arith.constant 16 : index
        %parallel_loop3A_290 = tpu.vector_load %arg13[%parallel_loop3A_288, %parallel_loop3A_289] {strides = array<i32>} : memref<64x96xf32, #tpu.memory_space<vmem>>, vector<16xf32>,
        tpu.vector_store %arg13[%parallel_loop3A_288, %parallel_loop3A_289], %parallel_loop3A_287 {strides = array<i32>} : memref<64x96xf32, #tpu.memory_space<vmem>>, vector<16xf32>,
        %parallel_loop3A_291 = arith.index_cast %parallel_loop3A_214 : i32 to index
        %parallel_loop3A_292 = arith.constant 32 : index
        %parallel_loop3A_293 = tpu.vector_load %arg11[%parallel_loop3A_291, %parallel_loop3A_292] {strides = array<i32>} : memref<128x192xf32, #tpu.memory_space<vmem>>, vector<16xf32>,
        %parallel_loop3A_294 = arith.mulf %parallel_loop3A_220, %parallel_loop3A_293 : vector<16xf32>
        %parallel_loop3A_295 = arith.index_cast %parallel_loop3A_214 : i32 to index
        %parallel_loop3A_296 = arith.constant 128 : index
        %parallel_loop3A_297 = tpu.vector_load %arg11[%parallel_loop3A_295, %parallel_loop3A_296] {strides = array<i32>} : memref<128x192xf32, #tpu.memory_space<vmem>>, vector<16xf32>,
        %parallel_loop3A_298 = arith.mulf %parallel_loop3A_226, %parallel_loop3A_297 : vector<16xf32>
        %parallel_loop3A_299 = arith.addf %parallel_loop3A_294, %parallel_loop3A_298 : vector<16xf32>
        %parallel_loop3A_300 = arith.constant 1 : i32
        %parallel_loop3A_301 = arith.addi %parallel_loop3A_214, %parallel_loop3A_300 : i32
        %parallel_loop3A_302 = arith.index_cast %parallel_loop3A_301 : i32 to index
        %parallel_loop3A_303 = arith.constant 32 : index
        %parallel_loop3A_304 = tpu.vector_load %arg11[%parallel_loop3A_302, %parallel_loop3A_303] {strides = array<i32>} : memref<128x192xf32, #tpu.memory_space<vmem>>, vector<16xf32>,
        %parallel_loop3A_305 = arith.mulf %parallel_loop3A_232, %parallel_loop3A_304 : vector<16xf32>
        %parallel_loop3A_306 = arith.addf %parallel_loop3A_299, %parallel_loop3A_305 : vector<16xf32>
        %parallel_loop3A_307 = arith.constant 1 : i32
        %parallel_loop3A_308 = arith.addi %parallel_loop3A_214, %parallel_loop3A_307 : i32
        %parallel_loop3A_309 = arith.index_cast %parallel_loop3A_308 : i32 to index
        %parallel_loop3A_310 = arith.constant 128 : index
        %parallel_loop3A_311 = tpu.vector_load %arg11[%parallel_loop3A_309, %parallel_loop3A_310] {strides = array<i32>} : memref<128x192xf32, #tpu.memory_space<vmem>>, vector<16xf32>,
        %parallel_loop3A_312 = arith.mulf %parallel_loop3A_238, %parallel_loop3A_311 : vector<16xf32>
        %parallel_loop3A_313 = arith.addf %parallel_loop3A_306, %parallel_loop3A_312 : vector<16xf32>
        %parallel_loop3A_314 = arith.index_cast %parallel_loop3A_212 : i32 to index
        %parallel_loop3A_315 = arith.constant 32 : index
        %parallel_loop3A_316 = tpu.vector_load %arg13[%parallel_loop3A_314, %parallel_loop3A_315] {strides = array<i32>} : memref<64x96xf32, #tpu.memory_space<vmem>>, vector<16xf32>,
        tpu.vector_store %arg13[%parallel_loop3A_314, %parallel_loop3A_315], %parallel_loop3A_313 {strides = array<i32>} : memref<64x96xf32, #tpu.memory_space<vmem>>, vector<16xf32>,
        %parallel_loop3A_317 = arith.index_cast %parallel_loop3A_214 : i32 to index
        %parallel_loop3A_318 = arith.constant 48 : index
        %parallel_loop3A_319 = tpu.vector_load %arg11[%parallel_loop3A_317, %parallel_loop3A_318] {strides = array<i32>} : memref<128x192xf32, #tpu.memory_space<vmem>>, vector<16xf32>,
        %parallel_loop3A_320 = arith.mulf %parallel_loop3A_220, %parallel_loop3A_319 : vector<16xf32>
        %parallel_loop3A_321 = arith.index_cast %parallel_loop3A_214 : i32 to index
        %parallel_loop3A_322 = arith.constant 144 : index
        %parallel_loop3A_323 = tpu.vector_load %arg11[%parallel_loop3A_321, %parallel_loop3A_322] {strides = array<i32>} : memref<128x192xf32, #tpu.memory_space<vmem>>, vector<16xf32>,
        %parallel_loop3A_324 = arith.mulf %parallel_loop3A_226, %parallel_loop3A_323 : vector<16xf32>
        %parallel_loop3A_325 = arith.addf %parallel_loop3A_320, %parallel_loop3A_324 : vector<16xf32>
        %parallel_loop3A_326 = arith.constant 1 : i32
        %parallel_loop3A_327 = arith.addi %parallel_loop3A_214, %parallel_loop3A_326 : i32
        %parallel_loop3A_328 = arith.index_cast %parallel_loop3A_327 : i32 to index
        %parallel_loop3A_329 = arith.constant 48 : index
        %parallel_loop3A_330 = tpu.vector_load %arg11[%parallel_loop3A_328, %parallel_loop3A_329] {strides = array<i32>} : memref<128x192xf32, #tpu.memory_space<vmem>>, vector<16xf32>,
        %parallel_loop3A_331 = arith.mulf %parallel_loop3A_232, %parallel_loop3A_330 : vector<16xf32>
        %parallel_loop3A_332 = arith.addf %parallel_loop3A_325, %parallel_loop3A_331 : vector<16xf32>
        %parallel_loop3A_333 = arith.constant 1 : i32
        %parallel_loop3A_334 = arith.addi %parallel_loop3A_214, %parallel_loop3A_333 : i32
        %parallel_loop3A_335 = arith.index_cast %parallel_loop3A_334 : i32 to index
        %parallel_loop3A_336 = arith.constant 144 : index
        %parallel_loop3A_337 = tpu.vector_load %arg11[%parallel_loop3A_335, %parallel_loop3A_336] {strides = array<i32>} : memref<128x192xf32, #tpu.memory_space<vmem>>, vector<16xf32>,
        %parallel_loop3A_338 = arith.mulf %parallel_loop3A_238, %parallel_loop3A_337 : vector<16xf32>
        %parallel_loop3A_339 = arith.addf %parallel_loop3A_332, %parallel_loop3A_338 : vector<16xf32>
        %parallel_loop3A_340 = arith.index_cast %parallel_loop3A_212 : i32 to index
        %parallel_loop3A_341 = arith.constant 48 : index
        %parallel_loop3A_342 = tpu.vector_load %arg13[%parallel_loop3A_340, %parallel_loop3A_341] {strides = array<i32>} : memref<64x96xf32, #tpu.memory_space<vmem>>, vector<16xf32>,
        tpu.vector_store %arg13[%parallel_loop3A_340, %parallel_loop3A_341], %parallel_loop3A_339 {strides = array<i32>} : memref<64x96xf32, #tpu.memory_space<vmem>>, vector<16xf32>,
        %parallel_loop3A_343 = arith.index_cast %parallel_loop3A_214 : i32 to index
        %parallel_loop3A_344 = arith.constant 64 : index
        %parallel_loop3A_345 = tpu.vector_load %arg11[%parallel_loop3A_343, %parallel_loop3A_344] {strides = array<i32>} : memref<128x192xf32, #tpu.memory_space<vmem>>, vector<16xf32>,
        %parallel_loop3A_346 = arith.mulf %parallel_loop3A_220, %parallel_loop3A_345 : vector<16xf32>
        %parallel_loop3A_347 = arith.index_cast %parallel_loop3A_214 : i32 to index
        %parallel_loop3A_348 = arith.constant 160 : index
        %parallel_loop3A_349 = tpu.vector_load %arg11[%parallel_loop3A_347, %parallel_loop3A_348] {strides = array<i32>} : memref<128x192xf32, #tpu.memory_space<vmem>>, vector<16xf32>,
        %parallel_loop3A_350 = arith.mulf %parallel_loop3A_226, %parallel_loop3A_349 : vector<16xf32>
        %parallel_loop3A_351 = arith.addf %parallel_loop3A_346, %parallel_loop3A_350 : vector<16xf32>
        %parallel_loop3A_352 = arith.constant 1 : i32
        %parallel_loop3A_353 = arith.addi %parallel_loop3A_214, %parallel_loop3A_352 : i32
        %parallel_loop3A_354 = arith.index_cast %parallel_loop3A_353 : i32 to index
        %parallel_loop3A_355 = arith.constant 64 : index
        %parallel_loop3A_356 = tpu.vector_load %arg11[%parallel_loop3A_354, %parallel_loop3A_355] {strides = array<i32>} : memref<128x192xf32, #tpu.memory_space<vmem>>, vector<16xf32>,
        %parallel_loop3A_357 = arith.mulf %parallel_loop3A_232, %parallel_loop3A_356 : vector<16xf32>
        %parallel_loop3A_358 = arith.addf %parallel_loop3A_351, %parallel_loop3A_357 : vector<16xf32>
        %parallel_loop3A_359 = arith.constant 1 : i32
        %parallel_loop3A_360 = arith.addi %parallel_loop3A_214, %parallel_loop3A_359 : i32
        %parallel_loop3A_361 = arith.index_cast %parallel_loop3A_360 : i32 to index
        %parallel_loop3A_362 = arith.constant 160 : index
        %parallel_loop3A_363 = tpu.vector_load %arg11[%parallel_loop3A_361, %parallel_loop3A_362] {strides = array<i32>} : memref<128x192xf32, #tpu.memory_space<vmem>>, vector<16xf32>,
        %parallel_loop3A_364 = arith.mulf %parallel_loop3A_238, %parallel_loop3A_363 : vector<16xf32>
        %parallel_loop3A_365 = arith.addf %parallel_loop3A_358, %parallel_loop3A_364 : vector<16xf32>
        %parallel_loop3A_366 = arith.index_cast %parallel_loop3A_212 : i32 to index
        %parallel_loop3A_367 = arith.constant 64 : index
        %parallel_loop3A_368 = tpu.vector_load %arg13[%parallel_loop3A_366, %parallel_loop3A_367] {strides = array<i32>} : memref<64x96xf32, #tpu.memory_space<vmem>>, vector<16xf32>,
        tpu.vector_store %arg13[%parallel_loop3A_366, %parallel_loop3A_367], %parallel_loop3A_365 {strides = array<i32>} : memref<64x96xf32, #tpu.memory_space<vmem>>, vector<16xf32>,
        %parallel_loop3A_369 = arith.index_cast %parallel_loop3A_214 : i32 to index
        %parallel_loop3A_370 = arith.constant 80 : index
        %parallel_loop3A_371 = tpu.vector_load %arg11[%parallel_loop3A_369, %parallel_loop3A_370] {strides = array<i32>} : memref<128x192xf32, #tpu.memory_space<vmem>>, vector<16xf32>,
        %parallel_loop3A_372 = arith.mulf %parallel_loop3A_220, %parallel_loop3A_371 : vector<16xf32>
        %parallel_loop3A_373 = arith.index_cast %parallel_loop3A_214 : i32 to index
        %parallel_loop3A_374 = arith.constant 176 : index
        %parallel_loop3A_375 = tpu.vector_load %arg11[%parallel_loop3A_373, %parallel_loop3A_374] {strides = array<i32>} : memref<128x192xf32, #tpu.memory_space<vmem>>, vector<16xf32>,
        %parallel_loop3A_376 = arith.mulf %parallel_loop3A_226, %parallel_loop3A_375 : vector<16xf32>
        %parallel_loop3A_377 = arith.addf %parallel_loop3A_372, %parallel_loop3A_376 : vector<16xf32>
        %parallel_loop3A_378 = arith.constant 1 : i32
        %parallel_loop3A_379 = arith.addi %parallel_loop3A_214, %parallel_loop3A_378 : i32
        %parallel_loop3A_380 = arith.index_cast %parallel_loop3A_379 : i32 to index
        %parallel_loop3A_381 = arith.constant 80 : index
        %parallel_loop3A_382 = tpu.vector_load %arg11[%parallel_loop3A_380, %parallel_loop3A_381] {strides = array<i32>} : memref<128x192xf32, #tpu.memory_space<vmem>>, vector<16xf32>,
        %parallel_loop3A_383 = arith.mulf %parallel_loop3A_232, %parallel_loop3A_382 : vector<16xf32>
        %parallel_loop3A_384 = arith.addf %parallel_loop3A_377, %parallel_loop3A_383 : vector<16xf32>
        %parallel_loop3A_385 = arith.constant 1 : i32
        %parallel_loop3A_386 = arith.addi %parallel_loop3A_214, %parallel_loop3A_385 : i32
        %parallel_loop3A_387 = arith.index_cast %parallel_loop3A_386 : i32 to index
        %parallel_loop3A_388 = arith.constant 176 : index
        %parallel_loop3A_389 = tpu.vector_load %arg11[%parallel_loop3A_387, %parallel_loop3A_388] {strides = array<i32>} : memref<128x192xf32, #tpu.memory_space<vmem>>, vector<16xf32>,
        %parallel_loop3A_390 = arith.mulf %parallel_loop3A_238, %parallel_loop3A_389 : vector<16xf32>
        %parallel_loop3A_391 = arith.addf %parallel_loop3A_384, %parallel_loop3A_390 : vector<16xf32>
        %parallel_loop3A_392 = arith.index_cast %parallel_loop3A_212 : i32 to index
        %parallel_loop3A_393 = arith.constant 80 : index
        %parallel_loop3A_394 = tpu.vector_load %arg13[%parallel_loop3A_392, %parallel_loop3A_393] {strides = array<i32>} : memref<64x96xf32, #tpu.memory_space<vmem>>, vector<16xf32>,
        tpu.vector_store %arg13[%parallel_loop3A_392, %parallel_loop3A_393], %parallel_loop3A_391 {strides = array<i32>} : memref<64x96xf32, #tpu.memory_space<vmem>>, vector<16xf32>,
      } {sc.loop_unroll_factor = 4 : i64, sc.parallel_access}
      %mul3A_196 = arith.constant 64 : i32
      %mul3A_197 = arith.muli %add3A_172, %mul3A_196 : i32
      %dma_start3A_198 = arith.constant 0 : i32
      %dma_start3A_199 = tpu.memref_slice %arg5[%mul3A_197, %dma_start3A_198] : memref<274432x96xf32, #tpu.memory_space<hbm>> -> memref<64x96xf32, #tpu.memory_space<hbm>>
      %dma_start3A_200 = arith.constant 0 : i32
      %dma_start3A_201 = tpu.memref_slice %arg5[%mul3A_197, %dma_start3A_200] : memref<274432x96xf32, #tpu.memory_space<hbm>> -> memref<64x96xf32, #tpu.memory_space<hbm>>
      tpu.enqueue_dma source(%arg13 : memref<64x96xf32, #tpu.memory_space<vmem>>) target(%dma_start3A_201 : memref<64x96xf32, #tpu.memory_space<hbm>>) target_semaphore(%arg19 : memref<!tpu.dma_semaphore, #tpu.memory_space<semaphore_mem>>)
      %add3A_202 = arith.constant 64 : i32
      %add3A_203 = arith.addi %add3A_172, %add3A_202 : i32
      %mul3A_204 = arith.constant 128 : i32
      %mul3A_205 = arith.muli %add3A_203, %mul3A_204 : i32
      %dma_start3A_206 = tpu.memref_slice %arg2[%mul3A_205] : memref<557056xi32, #tpu.memory_space<hbm>> -> memref<128xi32, #tpu.memory_space<hbm>>
      %dma_start3A_207 = tpu.memref_slice %arg2[%mul3A_205] : memref<557056xi32, #tpu.memory_space<hbm>> -> memref<128xi32, #tpu.memory_space<hbm>>
      tpu.enqueue_dma source(%dma_start3A_207 : memref<128xi32, #tpu.memory_space<hbm>>) target(%arg7 : memref<128xi32, #tpu.memory_space<vmem>>) target_semaphore(%arg15 : memref<!tpu.dma_semaphore, #tpu.memory_space<semaphore_mem>>)
      %mul3A_208 = arith.constant 256 : i32
      %mul3A_209 = arith.muli %add3A_203, %mul3A_208 : i32
      %dma_start3A_210 = tpu.memref_slice %arg3[%mul3A_209] : memref<1114112xf32, #tpu.memory_space<hbm>> -> memref<256xf32, #tpu.memory_space<hbm>>
      %dma_start3A_211 = tpu.memref_slice %arg3[%mul3A_209] : memref<1114112xf32, #tpu.memory_space<hbm>> -> memref<256xf32, #tpu.memory_space<hbm>>
      tpu.enqueue_dma source(%dma_start3A_211 : memref<256xf32, #tpu.memory_space<hbm>>) target(%arg9 : memref<256xf32, #tpu.memory_space<vmem>>) target_semaphore(%arg15 : memref<!tpu.dma_semaphore, #tpu.memory_space<semaphore_mem>>)
    }
    %scan3A_98 = arith.constant 66 : i32
    %dma_wait3A_99 = arith.constant 0 : i32
    %dma_wait3A_100 = arith.constant 0 : i32
    %dma_wait3A_101 = tpu.memref_slice %arg4[%dma_wait3A_99, %dma_wait3A_100] : memref<65535x192xf32, #tpu.memory_space<hbm>> -> memref<65535x192xf32, #tpu.memory_space<hbm>>
    tpu.wait_indirect_dma semaphore(%arg16 : memref<!tpu.dma_semaphore, #tpu.memory_space<semaphore_mem>>) src(%dma_wait3A_101 : memref<65535x192xf32, #tpu.memory_space<hbm>>) dst(%arg10 : memref<128x192xf32, #tpu.memory_space<vmem>>)
    %dma_wait3A_102 = arith.constant 0 : i32
    %dma_wait3A_103 = tpu.memref_slice %arg2[%dma_wait3A_102] : memref<557056xi32, #tpu.memory_space<hbm>> -> memref<128xi32, #tpu.memory_space<hbm>>
    %dma_wait3A_104 = arith.constant 0 : i32
    %dma_wait3A_105 = tpu.memref_slice %arg2[%dma_wait3A_104] : memref<557056xi32, #tpu.memory_space<hbm>> -> memref<128xi32, #tpu.memory_space<hbm>>
    tpu.wait_dma2 semaphore(%arg15 : memref<!tpu.dma_semaphore, #tpu.memory_space<semaphore_mem>>) src(%dma_wait3A_105 : memref<128xi32, #tpu.memory_space<hbm>>) dst(%arg7 : memref<128xi32, #tpu.memory_space<vmem>>)
    %dma_wait3A_106 = arith.constant 0 : i32
    %dma_wait3A_107 = tpu.memref_slice %arg3[%dma_wait3A_106] : memref<1114112xf32, #tpu.memory_space<hbm>> -> memref<256xf32, #tpu.memory_space<hbm>>
    %dma_wait3A_108 = arith.constant 0 : i32
    %dma_wait3A_109 = tpu.memref_slice %arg3[%dma_wait3A_108] : memref<1114112xf32, #tpu.memory_space<hbm>> -> memref<256xf32, #tpu.memory_space<hbm>>
    tpu.wait_dma2 semaphore(%arg15 : memref<!tpu.dma_semaphore, #tpu.memory_space<semaphore_mem>>) src(%dma_wait3A_109 : memref<256xf32, #tpu.memory_space<hbm>>) dst(%arg9 : memref<256xf32, #tpu.memory_space<vmem>>)
    %dma_wait3A_110 = arith.constant 0 : i32
    %dma_wait3A_111 = arith.constant 0 : i32
    %dma_wait3A_112 = tpu.memref_slice %arg5[%dma_wait3A_110, %dma_wait3A_111] : memref<274432x96xf32, #tpu.memory_space<hbm>> -> memref<64x96xf32, #tpu.memory_space<hbm>>
    %dma_wait3A_113 = arith.constant 0 : i32
    %dma_wait3A_114 = arith.constant 0 : i32
    %dma_wait3A_115 = tpu.memref_slice %arg5[%dma_wait3A_113, %dma_wait3A_114] : memref<274432x96xf32, #tpu.memory_space<hbm>> -> memref<64x96xf32, #tpu.memory_space<hbm>>
    tpu.wait_dma2 semaphore(%arg18 : memref<!tpu.dma_semaphore, #tpu.memory_space<semaphore_mem>>) src(%arg12 : memref<64x96xf32, #tpu.memory_space<vmem>>) dst(%dma_wait3A_115 : memref<64x96xf32, #tpu.memory_space<hbm>>)
    %dma_wait3A_116 = arith.constant 0 : i32
    %dma_wait3A_117 = arith.constant 0 : i32
    %dma_wait3A_118 = tpu.memref_slice %arg5[%dma_wait3A_116, %dma_wait3A_117] : memref<274432x96xf32, #tpu.memory_space<hbm>> -> memref<64x96xf32, #tpu.memory_space<hbm>>
    %dma_wait3A_119 = arith.constant 0 : i32
    %dma_wait3A_120 = arith.constant 0 : i32
    %dma_wait3A_121 = tpu.memref_slice %arg5[%dma_wait3A_119, %dma_wait3A_120] : memref<274432x96xf32, #tpu.memory_space<hbm>> -> memref<64x96xf32, #tpu.memory_space<hbm>>
    tpu.wait_dma2 semaphore(%arg19 : memref<!tpu.dma_semaphore, #tpu.memory_space<semaphore_mem>>) src(%arg13 : memref<64x96xf32, #tpu.memory_space<vmem>>) dst(%dma_wait3A_121 : memref<64x96xf32, #tpu.memory_space<hbm>>)
    return
  }
}

module attributes {stable_mosaic.version = 14 : i64} {
  func.func @body(%arg0: i32, %arg1: memref<1088x96xf32, #tpu.memory_space<vmem>>, %arg2: memref<64x1xf32, #tpu.memory_space<vmem>>, %arg3: memref<64x85xf32, #tpu.memory_space<vmem>>, %arg4: memref<1x64xf32, #tpu.memory_space<vmem>>, %arg5: memref<1x64xf32, #tpu.memory_space<vmem>>, %arg6: memref<1xf32, #tpu.memory_space<smem>>, %arg7: memref<64x1xf32, #tpu.memory_space<vmem>>) attributes {dimension_semantics = [#tpu.dimension_semantics<arbitrary>], iteration_bounds = array<i64: 250>, scalar_prefetch = 0 : i64, scratch_operands = 0 : i64, tpu.core_type = #tpu.core_type<tc>, window_params = [{transform_indices = @transform_0, window_bounds = array<i64: 1088, 96>}, {transform_indices = @transform_1, window_bounds = array<i64: 64, 1>}, {pipeline_mode = #tpu.pipeline_mode<synchronous>, transform_indices = @transform_2, window_bounds = array<i64: 64, 85>}, {pipeline_mode = #tpu.pipeline_mode<synchronous>, transform_indices = @transform_3, window_bounds = array<i64: 1, 64>}, {pipeline_mode = #tpu.pipeline_mode<synchronous>, transform_indices = @transform_4, window_bounds = array<i64: 1, 64>}, {transform_indices = @transform_5, window_bounds = array<i64: 1>}, {transform_indices = @transform_6, window_bounds = array<i64: 64, 1>}]} {
    %get3A = arith.constant 0 : index
    %get3A_0 = arith.constant 0 : index
    %get3A_1 = vector.load %arg1[%get3A, %get3A_0] : memref<1088x96xf32, #tpu.memory_space<vmem>>, vector<1088x96xf32>
    %reshape3A = vector.shape_cast %get3A_1 : vector<1088x96xf32> to vector<64x17x96xf32>
    %iota3A = tpu.iota {dimensions = array<i32: 2>} : vector<64x17x96xi32>
    %reduce_max3A = arith.constant dense<0xFF800000> : vector<64x17xf32>
    %reduce_max3A_2 = vector.multi_reduction <maximumf>, %reshape3A, %reduce_max3A [2] : vector<64x17x96xf32> to vector<64x17xf32>
    %broadcast_in_dim3A = vector.shape_cast %reduce_max3A_2 : vector<64x17xf32> to vector<64x17x1xf32>
    %argmax3A = tpu.reduce_index %reshape3A {axis = 2 : i32, kind = #tpu.reduction_kind<arg_max>} : vector<64x17x96xf32> -> vector<64x17xi32>
    %broadcast_in_dim3A_3 = vector.shape_cast %argmax3A : vector<64x17xi32> to vector<64x17x1xi32>
    %eq3A = vector.broadcast %broadcast_in_dim3A_3 : vector<64x17x1xi32> to vector<64x17x96xi32>
    %eq3A_4 = arith.cmpi eq, %iota3A, %eq3A : vector<64x17x96xi32>
    %jit3A = arith.constant 0xFF800000 : f32
    %broadcast_in_dim3A_5 = vector.broadcast %jit3A : f32 to vector<64x17x96xf32>
    %select_n3A = arith.select %eq3A_4, %broadcast_in_dim3A_5, %reshape3A : vector<64x17x96xi1>, vector<64x17x96xf32>
    %reduce_max3A_6 = arith.constant dense<0xFF800000> : vector<64x17xf32>
    %reduce_max3A_7 = vector.multi_reduction <maximumf>, %select_n3A, %reduce_max3A_6 [2] : vector<64x17x96xf32> to vector<64x17xf32>
    %broadcast_in_dim3A_8 = vector.shape_cast %reduce_max3A_7 : vector<64x17xf32> to vector<64x17x1xf32>
    %argmax3A_9 = tpu.reduce_index %select_n3A {axis = 2 : i32, kind = #tpu.reduction_kind<arg_max>} : vector<64x17x96xf32> -> vector<64x17xi32>
    %broadcast_in_dim3A_10 = vector.shape_cast %argmax3A_9 : vector<64x17xi32> to vector<64x17x1xi32>
    %eq3A_11 = vector.broadcast %broadcast_in_dim3A_10 : vector<64x17x1xi32> to vector<64x17x96xi32>
    %eq3A_12 = arith.cmpi eq, %iota3A, %eq3A_11 : vector<64x17x96xi32>
    %jit3A_13 = arith.constant 0xFF800000 : f32
    %broadcast_in_dim3A_14 = vector.broadcast %jit3A_13 : f32 to vector<64x17x96xf32>
    %select_n3A_15 = arith.select %eq3A_12, %broadcast_in_dim3A_14, %select_n3A : vector<64x17x96xi1>, vector<64x17x96xf32>
    %reduce_max3A_16 = arith.constant dense<0xFF800000> : vector<64x17xf32>
    %reduce_max3A_17 = vector.multi_reduction <maximumf>, %select_n3A_15, %reduce_max3A_16 [2] : vector<64x17x96xf32> to vector<64x17xf32>
    %broadcast_in_dim3A_18 = vector.shape_cast %reduce_max3A_17 : vector<64x17xf32> to vector<64x17x1xf32>
    %argmax3A_19 = tpu.reduce_index %select_n3A_15 {axis = 2 : i32, kind = #tpu.reduction_kind<arg_max>} : vector<64x17x96xf32> -> vector<64x17xi32>
    %broadcast_in_dim3A_20 = vector.shape_cast %argmax3A_19 : vector<64x17xi32> to vector<64x17x1xi32>
    %eq3A_21 = vector.broadcast %broadcast_in_dim3A_20 : vector<64x17x1xi32> to vector<64x17x96xi32>
    %eq3A_22 = arith.cmpi eq, %iota3A, %eq3A_21 : vector<64x17x96xi32>
    %jit3A_23 = arith.constant 0xFF800000 : f32
    %broadcast_in_dim3A_24 = vector.broadcast %jit3A_23 : f32 to vector<64x17x96xf32>
    %select_n3A_25 = arith.select %eq3A_22, %broadcast_in_dim3A_24, %select_n3A_15 : vector<64x17x96xi1>, vector<64x17x96xf32>
    %reduce_max3A_26 = arith.constant dense<0xFF800000> : vector<64x17xf32>
    %reduce_max3A_27 = vector.multi_reduction <maximumf>, %select_n3A_25, %reduce_max3A_26 [2] : vector<64x17x96xf32> to vector<64x17xf32>
    %broadcast_in_dim3A_28 = vector.shape_cast %reduce_max3A_27 : vector<64x17xf32> to vector<64x17x1xf32>
    %add3A = arith.addf %broadcast_in_dim3A, %broadcast_in_dim3A_8 : vector<64x17x1xf32>
    %add3A_29 = arith.addf %add3A, %broadcast_in_dim3A_18 : vector<64x17x1xf32>
    %add3A_30 = arith.addf %add3A_29, %broadcast_in_dim3A_28 : vector<64x17x1xf32>
    %mul3A = arith.constant 2.500000e-01 : f32
    %mul3A_31 = vector.broadcast %mul3A : f32 to vector<64x17x1xf32>
    %mul3A_32 = arith.mulf %add3A_30, %mul3A_31 : vector<64x17x1xf32>
    %concatenate3A = tpu.concatenate %broadcast_in_dim3A, %broadcast_in_dim3A_8, %broadcast_in_dim3A_18, %broadcast_in_dim3A_28, %mul3A_32 in 2 : vector<64x17x1xf32>, vector<64x17x1xf32>, vector<64x17x1xf32>, vector<64x17x1xf32>, vector<64x17x1xf32> -> vector<64x17x5xf32>
    %reshape3A_33 = vector.shape_cast %concatenate3A : vector<64x17x5xf32> to vector<64x85xf32>
    %get3A_34 = arith.constant 0 : index
    %get3A_35 = arith.constant 0 : index
    %get3A_36 = vector.load %arg3[%get3A_34, %get3A_35] : memref<64x85xf32, #tpu.memory_space<vmem>>, vector<64x85xf32>
    %dot_general3A = arith.constant dense<0.000000e+00> : vector<64x64xf32>
    %dot_general3A_37 = tpu.matmul %reshape3A_33, %get3A_36, %dot_general3A {dimension_numbers = #tpu.dot_dimension_numbers<[1], [1], [0], [0], [0, 0, 1, 0], [], []>, transpose_lhs_hint = false} : vector<64x85xf32>, vector<64x85xf32>, vector<64x64xf32> -> vector<64x64xf32>
    %get3A_38 = arith.constant 0 : index
    %get3A_39 = arith.constant 0 : index
    %get3A_40 = vector.load %arg4[%get3A_38, %get3A_39] : memref<1x64xf32, #tpu.memory_space<vmem>>, vector<1x64xf32>
    %add3A_41 = vector.broadcast %get3A_40 : vector<1x64xf32> to vector<64x64xf32>
    %add3A_42 = arith.addf %dot_general3A_37, %add3A_41 : vector<64x64xf32>
    %max3A = arith.constant 0.000000e+00 : f32
    %max3A_43 = vector.broadcast %max3A : f32 to vector<64x64xf32>
    %max3A_44 = arith.maximumf %add3A_42, %max3A_43 : vector<64x64xf32>
    %get3A_45 = arith.constant 0 : index
    %get3A_46 = arith.constant 0 : index
    %get3A_47 = vector.load %arg5[%get3A_45, %get3A_46] : memref<1x64xf32, #tpu.memory_space<vmem>>, vector<1x64xf32>
    %mul3A_48 = vector.broadcast %get3A_47 : vector<1x64xf32> to vector<64x64xf32>
    %mul3A_49 = arith.mulf %max3A_44, %mul3A_48 : vector<64x64xf32>
    %reduce_sum3A = arith.constant dense<0.000000e+00> : vector<64xf32>
    %reduce_sum3A_50 = vector.multi_reduction <add>, %mul3A_49, %reduce_sum3A [1] : vector<64x64xf32> to vector<64xf32>
    %broadcast_in_dim3A_51 = vector.shape_cast %reduce_sum3A_50 : vector<64xf32> to vector<64x1xf32>
    %get3A_52 = arith.constant 0 : index
    %get3A_53 = memref.load %arg6[%get3A_52] : memref<1xf32, #tpu.memory_space<smem>>
    %add3A_54 = vector.broadcast %get3A_53 : f32 to vector<64x1xf32>
    %add3A_55 = arith.addf %broadcast_in_dim3A_51, %add3A_54 : vector<64x1xf32>
    %get3A_56 = arith.constant 0 : index
    %get3A_57 = arith.constant 0 : index
    %get3A_58 = vector.load %arg2[%get3A_56, %get3A_57] : memref<64x1xf32, #tpu.memory_space<vmem>>, vector<64x1xf32>
    %add3A_59 = arith.addf %get3A_58, %add3A_55 : vector<64x1xf32>
    %swap3A = arith.constant 0 : index
    %swap3A_60 = arith.constant 0 : index
    %swap3A_61 = vector.load %arg7[%swap3A, %swap3A_60] : memref<64x1xf32, #tpu.memory_space<vmem>>, vector<64x1xf32>
    tpu.vector_store %arg7[%swap3A, %swap3A_60], %add3A_59 {strides = array<i32>} : memref<64x1xf32, #tpu.memory_space<vmem>>, vector<64x1xf32>,
    return
  }
  func.func @transform_0(%arg0: i32) -> (i32, i32) {
    %c0_i32 = arith.constant 0 : i32
    %c0_i32_0 = arith.constant 0 : i32
    return %arg0, %c0_i32 : i32, i32
  }
  func.func @transform_1(%arg0: i32) -> (i32, i32) {
    %c0_i32 = arith.constant 0 : i32
    %c0_i32_0 = arith.constant 0 : i32
    return %arg0, %c0_i32 : i32, i32
  }
  func.func @transform_2(%arg0: i32) -> (i32, i32) {
    %c0_i32 = arith.constant 0 : i32
    %c0_i32_0 = arith.constant 0 : i32
    %c0_i32_1 = arith.constant 0 : i32
    return %c0_i32, %c0_i32_0 : i32, i32
  }
  func.func @transform_3(%arg0: i32) -> (i32, i32) {
    %c0_i32 = arith.constant 0 : i32
    %c0_i32_0 = arith.constant 0 : i32
    %c0_i32_1 = arith.constant 0 : i32
    return %c0_i32, %c0_i32_0 : i32, i32
  }
  func.func @transform_4(%arg0: i32) -> (i32, i32) {
    %c0_i32 = arith.constant 0 : i32
    %c0_i32_0 = arith.constant 0 : i32
    %c0_i32_1 = arith.constant 0 : i32
    return %c0_i32, %c0_i32_0 : i32, i32
  }
  func.func @transform_5(%arg0: i32) -> i32 {
    %c0_i32 = arith.constant 0 : i32
    %c0_i32_0 = arith.constant 0 : i32
    return %c0_i32 : i32
  }
  func.func @transform_6(%arg0: i32) -> (i32, i32) {
    %c0_i32 = arith.constant 0 : i32
    %c0_i32_0 = arith.constant 0 : i32
    return %arg0, %c0_i32 : i32, i32
  }
}

</mosaic_0001>

<sc_bundles>
// kernel: kernel.4.cloned.1.call-start
scs
__scs_entry_jumppad:
0x0: {  	(pc) =	sbr.rel $0x88, $3  }
0x1: {  	(tag) =	ssettag $0x0;
	lr =	simm.s32 $0x1  }
0x2: {  	[smem:$0x3F9A] =	sst lr;
	_ =	strace $0xD0000000  }
0x3: {  	_ = 	snop  }
0x4: {  	_ = 	snop  }
0x5: {  	_ = 	snop  }
0x6: {  	_ = 	snop  }
0x7: {  	_ = 	snop  }
__scs_overlays_trampoline_lowered:
0x8: {  	[smem:$0x3FA9] =	sst s0  }
0x9: {  	[smem:$0x3FAA] =	sst s1  }
0xa: {  	[smem:$0x3FAB] =	sst s2  }
0xb: {  	[smem:$0x3FAC] =	sst s3  }
0xc: {  	[smem:$0x3FAD] =	sst s4  }
0xd: {  	[smem:$0x3FAE] =	sst s5  }
0xe: {  	[smem:$0x3FAF] =	sst s6  }
0xf: {  	[smem:$0x3FB0] =	sst s7  }
0x10: {  	[smem:$0x3FB1] =	sst s8  }
0x11: {  	[smem:$0x3FB2] =	sst s9;
	s0 =	simm.s32 @!p0 $0x0  }
0x12: {  	s1 =	sld [smem:$0x3F98];
	s0 =	simm.s32 @p0 $0x1  }
0x13: {  	[smem:$0x3FB3] =	sst s0;
	s0 =	simm.s32 @!p1 $0x0  }
0x14: {  	s2 =	sld [smem:$0x3F97];
	s0 =	simm.s32 @p1 $0x1  }
0x15: {  	[smem:$0x3FB4] =	sst s0;
	s0 =	simm.s32 @!p2 $0x0  }
0x16: {  	s3 =	sld [smem:$0x3FDB];
	s0 =	simm.s32 @p2 $0x1  }
0x17: {  	s4 =	simm.s32 $0x1BF5;
	[smem:$0x3FB6] =	sst s0  }
0x18: {  	s0 =	sld [smem:$0x3F99];
	_ =	swait.ge [sflag:s4], $0x0  }
0x19: {  	s7 =	sld [smem:$0x3F9A]  }
0x1a: {  	s8 =	sadd.s32 $0xFFFFE003, lr  }
0x1b: {  	s9 =	sadd.s32 $0xFFFFFEF7, lr;
	s5 =	simm.s32 $0xFFFFFFFF;
	p2 =	slt.u32 s8, $0xFFFFF086  }
0x1c: {  	p1 =	slt.u32 s9, $0xF7A;
	s5 =	simm.s32 @!p2 $0x0  }
0x1d: {  	s5 =	simm.s32 @p1 $0x1;
	p0 =	seq.s32 s7, s2  }
0x1e: {  	s7 =	smul.u32 @!p0 $0xF7A, s2;
	p2 =	seq.s32 @!p0 s5, $0x0  }
0x1f: {  	s9 =	smul.u32 $0xF7A, s1;
	s8 =	simm.s32 @!p0 $0x1BF5;
	p2 =	por !p2, p0  }
0x20: {  	[sflag:s8] =	ssyncset.s32 @!p0 $0xFFFFF086;
	s6 =	sadd.s32 @!p0 s3, s7;
	s7 =	simm.s32 @!p0 $0x108  }
0x21: {  	s3 =	sadd.s32 s3, s9;
	s6 =	sadd.s32 @!p0 $0x88, s6;
	s7 =	simm.s32 @p2 $0x1082  }
0x22: {  	[simem:s7], [sflag:s8] =	dma.local @!p0 [hbm:s6], $0xF7A  }
0x23: {  	s9 =	sor.u32 $0xD0000000, s2;
	s6 =	simm.s32 $0x108;
	_ =	swait.ge @!p0 [sflag:s8], $0x0  }
0x24: {  	s3 =	sadd.s32 $0x88, s3;
	s6 =	simm.s32 @!p1 $0x1082;
	[sflag:s4] =	ssyncset.s32 $0xFFFFF086  }
0x25: {  	[simem:s6], [sflag:s4] =	dma.local [hbm:s3], $0xF7A  }
0x26: {  	[smem:$0x3F9A] =	sst s1;
	(tag) =	ssettag s2;
	_ =	strace s9  }
0x27: {  	s1 =	sld [smem:$0x3FAA]  }
0x28: {  	s2 =	sld [smem:$0x3FAB]  }
0x29: {  	s4 =	sld [smem:$0x3FAD]  }
0x2a: {  	p0 =	seq.s32 s5, $0x0;
	s5 =	sld [smem:$0x3FAE]  }
0x2b: {  	s6 =	sld [smem:$0x3FAF]  }
0x2c: {  	s7 =	sld [smem:$0x3FB0]  }
0x2d: {  	s3 =	simm.s32 $0x108;
	s8 =	sld [smem:$0x3FB1]  }
0x2e: {  	s3 =	simm.s32 @!p0 $0x1082;
	s9 =	sld [smem:$0x3FB2]  }
0x2f: {  	lr =	sadd.s32 s0, s3;
	s0 =	sld [smem:$0x3FA9]  }
0x30: {  	s3 =	sld [smem:$0x3FAC]  }
0x31: {  	[smem:$0x3FB5] =	sst s10  }
0x32: {  	s10 =	sld [smem:$0x3FB3];
	_ =	sdelay $0x3  }
0x33: {  	p0 =	seq.s32 s10, $0x1;
	s10 =	sld [smem:$0x3FB5];
	_ =	sdelay $0x3  }
0x34: {  	[smem:$0x3FB5] =	sst s10  }
0x35: {  	s10 =	sld [smem:$0x3FB4];
	_ =	sdelay $0x3  }
0x36: {  	p1 =	seq.s32 s10, $0x1;
	s10 =	sld [smem:$0x3FB5];
	_ =	sdelay $0x3  }
0x37: {  	[smem:$0x3FB5] =	sst s10  }
0x38: {  	s10 =	sld [smem:$0x3FB6]  }
0x39: {  	_ = 	snop;
	(pc) =	sbr.ind lr, $3  }
0x3a: {  	_ = 	snop  }
0x3b: {  	_ = 	snop  }
0x3c: {  	p2 =	seq.s32 s10, $0x1;
	s10 =	sld [smem:$0x3FB5]  }
0x3d: {  	_ =	shalt  }
0x3e: {  	_ =	shalt  }
0x3f: {  	_ =	shalt  }
0x40: {  	_ =	shalt  }
0x41: {  	_ =	shalt  }
0x42: {  	_ =	shalt  }
0x43: {  	_ =	shalt  }
0x44: {  	_ =	shalt  }
0x45: {  	_ =	shalt  }
0x46: {  	_ =	shalt  }
0x47: {  	_ =	shalt  }
0x48: {  	_ =	shalt  }
0x49: {  	_ =	shalt  }
0x4a: {  	_ =	shalt  }
0x4b: {  	_ =	shalt  }
0x4c: {  	_ =	shalt  }
0x4d: {  	_ =	shalt  }
0x4e: {  	_ =	shalt  }
0x4f: {  	_ =	shalt  }
0x50: {  	_ =	shalt  }
0x51: {  	_ =	shalt  }
0x52: {  	_ =	shalt  }
0x53: {  	_ =	shalt  }
0x54: {  	_ =	shalt  }
0x55: {  	_ =	shalt  }
0x56: {  	_ =	shalt  }
0x57: {  	_ =	shalt  }
0x58: {  	_ =	shalt  }
0x59: {  	_ =	shalt  }
0x5a: {  	_ =	shalt  }
0x5b: {  	_ =	shalt  }
0x5c: {  	_ =	shalt  }
0x5d: {  	_ =	shalt  }
0x5e: {  	_ =	shalt  }
0x5f: {  	_ =	shalt  }
0x60: {  	_ =	shalt  }
0x61: {  	_ =	shalt  }
0x62: {  	_ =	shalt  }
0x63: {  	_ =	shalt  }
0x64: {  	_ =	shalt  }
0x65: {  	_ =	shalt  }
0x66: {  	_ =	shalt  }
0x67: {  	_ =	shalt  }
0x68: {  	_ =	shalt  }
0x69: {  	_ =	shalt  }
0x6a: {  	_ =	shalt  }
0x6b: {  	_ =	shalt  }
0x6c: {  	_ =	shalt  }
0x6d: {  	_ =	shalt  }
0x6e: {  	_ =	shalt  }
0x6f: {  	_ =	shalt  }
0x70: {  	_ =	shalt  }
0x71: {  	_ =	shalt  }
0x72: {  	_ =	shalt  }
0x73: {  	_ =	shalt  }
0x74: {  	_ =	shalt  }
0x75: {  	_ =	shalt  }
0x76: {  	_ =	shalt  }
0x77: {  	_ =	shalt  }
0x78: {  	_ =	shalt  }
0x79: {  	_ =	shalt  }
0x7a: {  	_ =	shalt  }
0x7b: {  	_ =	shalt  }
0x7c: {  	_ =	shalt  }
0x7d: {  	_ =	shalt  }
0x7e: {  	_ =	shalt  }
0x7f: {  	_ =	shalt  }
0x80: {  	_ =	shalt  }
0x81: {  	_ =	shalt  }
0x82: {  	_ =	shalt  }
0x83: {  	_ =	shalt  }
0x84: {  	_ =	shalt  }
0x85: {  	_ =	shalt  }
0x86: {  	_ =	shalt  }
0x87: {  	_ =	shalt  }
.Lfunc_end0:
.L_simem_size_0:
called_computation_lowered:
.L_overlay_start_0:
0x88: {  	s2 =	sld [smem:$0x3FD9]  }
0x89: {  	s3 =	sld [smem:$0x3FFE];
	_ =	sdelay $0x1  }
0x8a: {  	s1 =	srdreg.scid  }
0x8b: {  	s0 =	sand.u32 $0x1, s1  }
0x8c: {  	s16 =	sshll.u32 s0, $0xA;
	s2 =	sadd.s32 s3, s2  }
0x8d: {  	s2 =	sadd.s32 s2, s16  }
0x8e: {  	[smem:$0x3FC1] =	sst s2  }
0x8f: {  	_ = 	snop  }
0x90: {  	(tm) =	ssettm $0x1  }
0x91: {  	s17 =	sld [smem:$0x3FFB];
	_ =	sdelay $0x3  }
0x92: {  	_ =	strace s17  }
0x93: {  	s2 =	sld [smem:$0x3FFC];
	_ =	sdelay $0x3  }
0x94: {  	_ =	strace s2  }
0x95: {  	s2 =	sld [smem:$0x3FFD];
	_ =	sdelay $0x3  }
0x96: {  	_ =	strace s2  }
0x97: {  	_ =	strace $0x8FFFFFFF  }
0x98: {  	s18 =	sld [smem:$0x3FDB];
	_ =	sdelay $0x1  }
0x99: {  	s19 =	simm.s32 $_scs_section_size  }
0x9a: {  	s4 =	simm.s32 $_size__tile_overlayer_lowered;
	s5 =	simm.s32 $_tile_overlayer_lowered  }
0x9b: {  	s22 =	simm.s32 $0x1BFF;
	s21 =	sshll.u32 s5, $0x1;
	s2 =	sadd.s32 s19, s18  }
0x9c: {  	s6 =	simm.s32 $0x0;
	s20 =	sshll.u32 s4, $0x1;
	s4 =	sadd.s32 s21, s2  }
0x9d: {  	[timem:s6], [sflag:s22] =	dma.local [hbm:s4], s20  }
0x9e: {  	_ =	swait.ge [sflag:s22], s20  }
0x9f: {  	s3 =	ssub.s32 $0x0, s20;
	[sflag:s22] =	ssyncset.done $0x0  }
0xa0: {  	[sflag:s22] =	ssyncadd.s32 s3;
	_ =	sdelay $0x1  }
0xa1: {  	s23 =	simm.s32 $0x1B8B  }
0xa2: {  	_ =	swait.ge [sflag:s23], $0x1  }
0xa3: {  	[sflag:s23] =	ssyncset.done $0x0  }
0xa4: {  	s25 =	simm.s32 $0x1B8E;
	s24 =	sld [smem:$0x3FFE];
	[sflag:s23] =	ssyncadd.s32 $0xFFFFFFFF  }
0xa5: {  	s26 =	simm.s32 $execute0_lowered;
	[smem:$0x3FD2] =	sst s25  }
0xa6: {  	s4 =	sshll.u32 s26, $0x1;
	_ =	strace $0x80000046;
	[dreg:$0x1] =	wrdreg $0xFFFFFFFF  }
0xa7: {  	s28 =	simm.s32 $_size_execute0_lowered;
	s2 =	sadd.s32 s2, s4;
	[dreg:$0x0] =	wrdreg $0x0  }
0xa8: {  	s4 =	sshll.u32 s28, $0x1;
	[dreg:$0x2] =	wrdreg s2  }
0xa9: {  	[dreg:$0x3] =	wrdreg s4  }
0xaa: {  	[dreg:$0x4] =	wrdreg $0xC0  }
0xab: {  	_ =	task [dreg:s6], $0x5FFFF  }
0xac: {  	[dreg:$0x1] =	wrdreg $0xFFFFFFFF  }
0xad: {  	[dreg:$0x0] =	wrdreg $0x60  }
0xae: {  	[dreg:$0x2] =	wrdreg s24  }
0xaf: {  	[dreg:$0x3] =	wrdreg $0x9  }
0xb0: {  	_ =	task.clear_ibuf [dreg:s6], $0x4FFFF;
	_ =	strace $0x90000046  }
0xb1: {  	s29 =	simm.s32 $0x9;
	_ =	strace $0x80000048  }
0xb2: {  	_ =	swait.ge [sflag:s29], $0x1  }
0xb3: {  	[sflag:s29] =	ssyncadd.s32 $0xFFFFFFFF  }
0xb4: {  	_ =	strace $0x90000048  }
0xb5: {  	_ =	sfence  }
0xb6: {  	s30 =	sld [smem:$0x0];
	_ =	sdelay $0x2  }
0xb7: {  	s31 =	sshll.u32 s1, $0xD;
	s1 =	sshrl.u32 s1, $0x2  }
0xb8: {  	s3 =	sand.u32 $0x4000, s31;
	s1 =	sadd.s32 s1, s30  }
0xb9: {  	s0 =	sor.u32 s3, s0;
	s1 =	sshll.u32 s1, $0x11  }
0xba: {  	s0 =	sor.u32 s1, s0  }
0xbb: {  	s0 =	sadd.s32 $0x8F2B, s0  }
0xbc: {  	[sflag:s0] =	ssyncadd.remote.s32 $0x1  }
0xbd: {  	_ =	sfence.sel $0xFFFF  }
0xbe: {  	[dreg:$0x0] =	wrdreg $0xFFFFFFFF;
	(pc) =	sbr.abs _section_cstart, $3  }
0xbf: {  	[dreg:$0x1] =	wrdreg $0xFFFFFFFF  }
0xc0: {  	_ =	task.clear_ibuf [dreg:s6], $0x2FFFF;
	_ =	strace $0x9FFFFFFF  }
0xc1: {  	(tm) =	ssettm $0x7FFFFFFF  }
tec
execute0_lowered:
.L_overlay_start_1:
0x0: {  	(tag) =	ssettag $0x1  }
0x1: {  	s0 =	rddreg [dreg:$0x0];
	s1 =	simm.s32 $0x0;
	s3 =	srdreg.scid  }
0x2: {  	s7 =	stileid.u32;
	s29 =	simm.s32 $0x4;
	s30 =	simm.s32 $0xDB00  }
0x3: {  	s31 =	simm.s32 $0x5;
	[smem:$0x7FF] =	sst s1;
	s2 =	sadd.s32 $0x23200, s0  }
0x4: {  	s4 =	sadd.s32 $0x1200, s0;
	s5 =	sadd.s32 $0x401200, s0;
	s3 =	sand.u32 $0x1, s3  }
0x5: {  	s6 =	sadd.s32 $0x34200, s0;
	s8 =	ssub.s32 $0x2, s3;
	s3 =	sshll.u32 s3, $0x4  }
0x6: {  	_ =	strace $0x80000047;
	s15 =	sshrl.u32 s8, $0x1;
	s7 =	sor.u32 s7, s3  }
0x7: {  	s0 =	ssub.s32 s8, s15;
	s3 =	sshll.u32 s7, $0x4;
	s16 =	sshll.u32 s7, $0x5  }
0x8: {  	s18 =	sor.u32 $0x20, s7;
	s9 =	smul.u32 $0x300, s7;
	s10 =	sor.u32 $0x40, s7  }
0x9: {  	s24 =	sor.u32 $0x60, s7;
	s3 =	sadd.s32 s2, s3;
	s17 =	sadd.s32 s4, s16  }
0xa: {  	s19 =	sshll.u32 s18, $0x4;
	s20 =	sshll.u32 s18, $0x5;
	s11 =	sshll.u32 s10, $0x4  }
0xb: {  	s23 =	sshll.u32 s10, $0x5;
	s25 =	sshll.u32 s24, $0x4;
	[dreg:$0x2] =	wrdreg s3  }
0xc: {  	s0 =	smax.u32 s0, $0x1;
	[dreg:$0x3] =	wrdreg s17;
	s8 =	sadd.s32 s2, s19  }
0xd: {  	s21 =	sadd.s32 s6, s9;
	s22 =	sadd.s32 s2, s11;
	[dreg:$0xc] =	wrdreg s0  }
0xe: {  	s3 =	smul.u32 $0x300, s18;
	s9 =	sshll.u32 s24, $0x5;
	[dreg:$0x4] =	wrdreg s8  }
0xf: {  	s26 =	sadd.s32 s2, s25;
	s19 =	simm.s32 $0x100;
	[dreg:$0x6] =	wrdreg s21  }
0x10: {  	s24 =	simm.s32 $0x2;
	s0 =	simm.s32 $0x6;
	[dreg:$0x7] =	wrdreg s22  }
0x11: {  	s8 =	sadd.s32 s4, s20;
	[dreg:$0xa] =	wrdreg s26;
	s28 =	sadd.s32 s4, s9  }
0x12: {  	s20 =	simm.s32 $0x80;
	s21 =	simm.s32 $0x200;
	[dreg:$0x5] =	wrdreg s8  }
0x13: {  	s22 =	simm.s32 $0x1;
	s8 =	sadd.s32 s4, s23;
	[dreg:$0xb] =	wrdreg s28  }
0x14: {  	v0 =	vimm.s32 $0x0;
	vm0 =	vcmask $0x300;
	s26 =	simm.s32 $0x3;
	s3 =	sadd.s32 s6, s3;
	[dreg:$0x8] =	wrdreg s8  }
0x15: {  	v0 =	vsel vm0, $0x3, v0;
	s23 =	simm.s32 $0x300;
	[dreg:$0x9] =	wrdreg s3;
	s8 =	simm.s32 $0x0  }
.LBB2_1:
0x16: {  	[dreg:$0xd] =	wrdreg s8  }
0x17: {  	s3 =	rddreg [dreg:$0x2]  }
0x18: {  	[tilespmem:s1], [sflag:$0x1] =	stream.linear.gather [hbm4b:s3+s1], $0x80, $0x38;
	[tilespmem:$0xF300] =	vst v63  }
0x19: {  	s13 =	rddreg [dreg:$0x3]  }
0x1a: {  	[tilespmem:s19], [sflag:$0x1] =	stream.linear.gather [hbm4b:s13+s1], $0x100, $0x38;
	[tilespmem:$0xF300] =	vst v63  }
0x1b: {  	s14 =	rddreg [dreg:$0x4]  }
0x1c: {  	[tilespmem:s20], [sflag:$0x2] =	stream.linear.gather [hbm4b:s14+s1], $0x80, $0x38;
	[tilespmem:$0xF300] =	vst v63  }
0x1d: {  	s15 =	rddreg [dreg:$0x5]  }
0x1e: {  	[tilespmem:s21], [sflag:$0x2] =	stream.linear.gather [hbm4b:s15+s1], $0x100, $0x38;
	[tilespmem:$0xF300] =	vst v63  }
0x1f: {  	_ =	swait.ge [sflag:s22], $0x80  }
0x20: {  	[sflag:s22] =	ssyncset.done $0x0  }
0x21: {  	[sflag:s22] =	ssyncadd.s32 $0xFFFFFF80  }
0x22: {  	_ =	swait.ge [sflag:s22], $0x100  }
0x23: {  	[sflag:s22] =	ssyncset.done $0x0  }
0x24: {  	[sflag:s22] =	ssyncadd.s32 $0xFFFFFF00  }
0x25: {  	[tilespmem:s23], [sflag:$0x3] =	stream.indirect.gather [hbm4b:s5+s20], $0xC0, s1, s20, $0xb8;
	[tilespmem:$0xF300] =	vst v63  }
0x26: {  	s16 =	simm.s32 $0xC;
	_ =	swait.ge [sflag:s24], $0x80  }
0x27: {  	v1 =	vmov s16;
	[sflag:s24] =	ssyncset.done $0x0  }
0x28: {  	v1 =	vshrl.u32 v1, $0x3;
	[sflag:s24] =	ssyncadd.s32 $0xFFFFFF80  }
0x29: {  	v1 =	vshll.u32 v1, v0;
	_ =	swait.ge [sflag:s24], $0x100  }
0x2a: {  	v2 =	vadd.s32 $0x4, v1;
	[sflag:s24] =	ssyncset.done $0x0  }
0x2b: {  	s17 =	simm.s32 $0x6300;
	v3 =	vadd.s32 $0x5, v1;
	v2 =	vbroadcast v2, $0x0;
	[sflag:s24] =	ssyncadd.s32 $0xFFFFFF00  }
0x2c: {  	v3 =	vbroadcast v3, $0x0;
	[tilespmem:s17], [sflag:$0x4] =	stream.indirect.gather [hbm4b:s5+s20], $0xC0, s20, s20, $0xb8;
	[tilespmem:$0xF300] =	vst v63  }
0x2d: {  	v4 =	vadd.s32 $0x6, v1;
	_ =	swait.ge [sflag:s26], $0x6000  }
0x2e: {  	v4 =	vbroadcast v4, $0x0;
	[sflag:s26] =	ssyncset.done $0x0  }
0x2f: {  	s9 =	simm.s32 $0x600;
	v1 =	vadd.s32 $0x7, v1;
	[sflag:s26] =	ssyncadd.s32 $0xFFFFA000  }
0x30: {  	v1 =	vbroadcast v1, $0x0;
	v5 =	vld [tilespmem:s9+$0x180]  }
0x31: {  	s18 =	simm.s32 $0x4;
	v25 =	vld.idx.msk [tilespmem:v2+s19+$0x0], $0xffff  }
0x32: {  	s10 =	simm.s32 $0x8;
	v2 =	vmov s18;
	v26 =	vld.idx.msk [tilespmem:v3+s19+$0x0], $0xffff  }
0x33: {  	v3 =	vmov s10;
	v6 =	vld [tilespmem:s9+$0x1E0];
	v2 =	vshrl.u32 v2, $0x3  }
0x34: {  	v7 =	vmov s1;
	v27 =	vld.idx.msk [tilespmem:v4+s19+$0x0], $0xffff;
	v3 =	vshrl.u32 v3, $0x3;
	v8 =	vshll.u32 v2, v0  }
0x35: {  	v4 =	vld [tilespmem:s9+$0x240];
	v2 =	vshrl.u32 v7, $0x3;
	v11 =	vshll.u32 v3, v0;
	v3 =	vadd.s32 $0x4, v8  }
0x36: {  	v28 =	vld.idx.msk [tilespmem:v1+s19+$0x0], $0xffff;
	v7 =	vadd.s32 $0x5, v8;
	v9 =	vadd.s32 $0x1, v11;
	v3 =	vbroadcast v3, $0x0  }
0x37: {  	v10 =	vshll.u32 v2, v0;
	v1 =	vbroadcast v7, $0x0;
	v7 =	vbroadcast v9, $0x0;
	v9 =	vld [tilespmem:s9+$0x2A0]  }
0x38: {  	v2 =	vadd.s32 $0x1, v10;
	v5 =	vmul.f32 v5, v25;
	v6 =	vmul.f32 v6, v26  }
0x39: {  	v12 =	vbroadcast v2, $0x0  }
0x3a: {  	v13 =	vbroadcast v11, $0x0;
	v4 =	vmul.f32 v4, v27;
	v5 =	vadd.f32 v6, v5  }
0x3b: {  	v15 =	vld [tilespmem:s9+$0xFFFFFD00]  }
0x3c: {  	v2 =	vld.idx.msk [tilespmem:v3+s19+$0x0], $0xffff;
	v3 =	vadd.f32 v4, v5;
	v5 =	vmul.f32 v9, v28  }
0x3d: {  	v17 =	vld [tilespmem:s9+$0xFFFFFD60];
	v6 =	vbroadcast v10, $0x0  }
0x3e: {  	v4 =	vld.idx.msk [tilespmem:v7+s19+$0x0], $0xffff;
	v7 =	vadd.f32 v5, v3  }
0x3f: {  	s8 =	simm.s32 $0xC3C0;
	v5 =	vld.idx.msk [tilespmem:v12+s19+$0x0], $0xffff  }
0x40: {  	v3 =	vld.idx.msk [tilespmem:v13+s19+$0x0], $0xffff;
	[tilespmem:s8+$0x60] =	vst v7  }
0x41: {  	v9 =	vld [tilespmem:s9+$0x190]  }
0x42: {  	v12 =	vld [tilespmem:s9+$0x1F0]  }
0x43: {  	v7 =	vld.idx.msk [tilespmem:v6+s19+$0x0], $0xffff  }
0x44: {  	v13 =	vadd.s32 $0x6, v8;
	v8 =	vadd.s32 $0x7, v8;
	v6 =	vld [tilespmem:s9+$0x250]  }
0x45: {  	v18 =	vld [tilespmem:s9+$0xFFFFFE80];
	v8 =	vbroadcast v8, $0x0  }
0x46: {  	v13 =	vbroadcast v13, $0x0;
	v16 =	vld [tilespmem:s9+$0x2B0]  }
0x47: {  	v19 =	vld [tilespmem:s9+$0xFFFFFEE0];
	v14 =	vadd.s32 $0x2, v10;
	v9 =	vmul.f32 v9, v25;
	v12 =	vmul.f32 v12, v26  }
0x48: {  	v20 =	vld [tilespmem:s9+$0x0];
	v14 =	vbroadcast v14, $0x0  }
0x49: {  	v30 =	vld [tilespmem:s9+$0xFFFFFFA0];
	v6 =	vmul.f32 v6, v27;
	v9 =	vadd.f32 v12, v9  }
0x4a: {  	v1 =	vld.idx.msk [tilespmem:v1+s19+$0x0], $0xffff  }
0x4b: {  	v10 =	vadd.s32 $0x3, v10;
	v8 =	vld.idx.msk [tilespmem:v8+s19+$0x0], $0xffff;
	v12 =	vmul.f32 v16, v28;
	v6 =	vadd.f32 v6, v9  }
0x4c: {  	v16 =	vbroadcast v10, $0x0;
	v10 =	vld.idx.msk [tilespmem:v13+s19+$0x0], $0xffff  }
0x4d: {  	v13 =	vld [tilespmem:s9+$0xFFFFFF40];
	v6 =	vadd.f32 v12, v6  }
0x4e: {  	v9 =	vld.idx.msk [tilespmem:v14+s19+$0x0], $0xffff  }
0x4f: {  	v12 =	vld [tilespmem:s9+$0xFFFFFDC0];
	[tilespmem:s8+$0x70] =	vst v6  }
0x50: {  	v14 =	vld [tilespmem:s9+$0x1A0]  }
0x51: {  	v17 =	vmul.f32 v17, v5;
	v15 =	vmul.f32 v15, v7;
	v6 =	vadd.s32 $0x2, v11;
	v22 =	vld [tilespmem:s9+$0x200]  }
0x52: {  	v18 =	vmul.f32 v18, v2;
	v11 =	vadd.s32 $0x3, v11;
	v23 =	vbroadcast v6, $0x0;
	v6 =	vld.idx.msk [tilespmem:v16+s19+$0x0], $0xffff  }
0x53: {  	v15 =	vadd.f32 v17, v15;
	v17 =	vmul.f32 v19, v1;
	v16 =	vld [tilespmem:s9+$0x260];
	v11 =	vbroadcast v11, $0x0  }
0x54: {  	v24 =	vld [tilespmem:s9+$0xFFFFFE20]  }
0x55: {  	v17 =	vadd.f32 v17, v18;
	v13 =	vmul.f32 v13, v10;
	v29 =	vld [tilespmem:s9+$0x2C0]  }
0x56: {  	v21 =	vld [tilespmem:s9+$0x60];
	v14 =	vmul.f32 v14, v25;
	v22 =	vmul.f32 v22, v26  }
0x57: {  	v18 =	vld [tilespmem:s9+$0xC0];
	v13 =	vadd.f32 v13, v17;
	v17 =	vmul.f32 v30, v8;
	v19 =	vmul.f32 v12, v9  }
0x58: {  	v16 =	vmul.f32 v16, v27;
	v12 =	vld.idx.msk [tilespmem:v23+s19+$0x0], $0xffff;
	v14 =	vadd.f32 v22, v14  }
0x59: {  	v13 =	vadd.f32 v17, v13;
	v15 =	vadd.f32 v19, v15;
	v19 =	vmul.f32 v24, v6;
	v11 =	vld.idx.msk [tilespmem:v11+s19+$0x0], $0xffff  }
0x5a: {  	v22 =	vld [tilespmem:s9+$0x120];
	v14 =	vadd.f32 v16, v14;
	v16 =	vmul.f32 v29, v28  }
0x5b: {  	v21 =	vmul.f32 v21, v4;
	v20 =	vmul.f32 v20, v3;
	[tilespmem:s8+$0xFFFFFFA0] =	vst v13;
	v15 =	vadd.f32 v19, v15  }
0x5c: {  	v24 =	vld [tilespmem:s9+$0xFFFFFFB0];
	v14 =	vadd.f32 v16, v14  }
0x5d: {  	v23 =	vld [tilespmem:s9+$0xFFFFFF50];
	[tilespmem:s8+$0xFFFFFF40] =	vst v15;
	v15 =	vadd.f32 v21, v20;
	v16 =	vmul.f32 v18, v12  }
0x5e: {  	v19 =	vld [tilespmem:s9+$0xFFFFFEF0];
	[tilespmem:s8+$0x80] =	vst v14  }
0x5f: {  	v15 =	vadd.f32 v16, v15;
	v16 =	vmul.f32 v22, v11;
	v14 =	vld [tilespmem:s9+$0x1B0]  }
0x60: {  	v13 =	vld [tilespmem:s9+$0x210]  }
0x61: {  	v18 =	vld [tilespmem:s9+$0xFFFFFE90];
	v15 =	vadd.f32 v16, v15  }
0x62: {  	v16 =	vld [tilespmem:s9+$0x270]  }
0x63: {  	[tilespmem:s8+$0x0] =	vst v15;
	v15 =	vld [tilespmem:s9+$0x2D0]  }
0x64: {  	v20 =	vld [tilespmem:s9+$0x10]  }
0x65: {  	v21 =	vld [tilespmem:s9+$0x70];
	v14 =	vmul.f32 v14, v25;
	v13 =	vmul.f32 v13, v26  }
0x66: {  	v17 =	vld [tilespmem:s9+$0xFFFFFD10]  }
0x67: {  	v22 =	vld [tilespmem:s9+$0xFFFFFD70];
	v13 =	vadd.f32 v13, v14;
	v14 =	vmul.f32 v16, v27  }
0x68: {  	v19 =	vmul.f32 v19, v1;
	v16 =	vld [tilespmem:s9+$0xD0]  }
0x69: {  	v18 =	vmul.f32 v18, v2;
	v13 =	vadd.f32 v14, v13;
	v14 =	vmul.f32 v15, v28;
	v15 =	vld [tilespmem:s9+$0xFFFFFDD0]  }
0x6a: {  	v29 =	vld [tilespmem:s9+$0x130];
	v20 =	vmul.f32 v20, v3;
	v21 =	vmul.f32 v21, v4  }
0x6b: {  	v18 =	vadd.f32 v19, v18;
	v13 =	vadd.f32 v14, v13;
	v14 =	vmul.f32 v23, v10  }
0x6c: {  	v17 =	vmul.f32 v17, v7;
	v19 =	vmul.f32 v22, v5;
	v22 =	vld [tilespmem:s9+$0xFFFFFE30];
	v20 =	vadd.f32 v21, v20  }
0x6d: {  	[tilespmem:s8+$0x90] =	vst v13;
	v13 =	vmul.f32 v16, v12;
	v14 =	vadd.f32 v14, v18;
	v16 =	vmul.f32 v24, v8  }
0x6e: {  	v17 =	vadd.f32 v19, v17;
	v18 =	vld [tilespmem:s9+$0x1C0];
	v15 =	vmul.f32 v15, v9  }
0x6f: {  	v19 =	vld [tilespmem:s9+$0x220];
	v13 =	vadd.f32 v13, v20;
	v20 =	vmul.f32 v29, v11;
	v14 =	vadd.f32 v16, v14  }
0x70: {  	v16 =	vld [tilespmem:s9+$0x280]  }
0x71: {  	v15 =	vadd.f32 v15, v17;
	v17 =	vmul.f32 v22, v6;
	v13 =	vadd.f32 v20, v13;
	v20 =	vld [tilespmem:s9+$0x2E0];
	[tilespmem:s8+$0xFFFFFFB0] =	vst v14  }
0x72: {  	v14 =	vld [tilespmem:s9+$0xFFFFFEA0]  }
0x73: {  	v15 =	vadd.f32 v17, v15;
	[tilespmem:s8+$0x10] =	vst v13;
	v13 =	vld [tilespmem:s9+$0xFFFFFF00]  }
0x74: {  	v17 =	vld [tilespmem:s9+$0x20]  }
0x75: {  	[tilespmem:s8+$0xFFFFFF50] =	vst v15;
	v15 =	vld [tilespmem:s9+$0x80]  }
0x76: {  	v18 =	vmul.f32 v18, v25;
	v19 =	vmul.f32 v19, v26;
	v23 =	vld [tilespmem:s9+$0xE0]  }
0x77: {  	v21 =	vld [tilespmem:s9+$0xFFFFFD20]  }
0x78: {  	v16 =	vmul.f32 v16, v27;
	v18 =	vadd.f32 v19, v18;
	v19 =	vld [tilespmem:s9+$0xFFFFFF60]  }
0x79: {  	v22 =	vld [tilespmem:s9+$0xFFFFFD80]  }
0x7a: {  	v16 =	vadd.f32 v16, v18;
	v18 =	vmul.f32 v20, v28;
	v20 =	vld [tilespmem:s9+$0xFFFFFFC0]  }
0x7b: {  	v14 =	vmul.f32 v14, v2;
	v13 =	vmul.f32 v13, v1  }
0x7c: {  	v16 =	vadd.f32 v18, v16;
	v17 =	vmul.f32 v17, v3;
	v15 =	vmul.f32 v15, v4;
	v18 =	vld [tilespmem:s9+$0x140]  }
0x7d: {  	s10 =	simm.s32 $0xC00;
	v24 =	vld [tilespmem:s9+$0xFFFFFDE0];
	v13 =	vadd.f32 v13, v14;
	v19 =	vmul.f32 v19, v10  }
0x7e: {  	v47 =	vld [tilespmem:s10+$0x240];
	v14 =	vmul.f32 v21, v7;
	v21 =	vmul.f32 v22, v5;
	v15 =	vadd.f32 v15, v17  }
0x7f: {  	v22 =	vld [tilespmem:s9+$0xFFFFFE40];
	v17 =	vmul.f32 v23, v12;
	[tilespmem:s8+$0xA0] =	vst v16;
	v13 =	vadd.f32 v19, v13;
	v16 =	vmul.f32 v20, v8  }
0x80: {  	v50 =	vld [tilespmem:s10+$0x2A0]  }
0x81: {  	v52 =	vld [tilespmem:s10+$0xFFFFFE80];
	v15 =	vadd.f32 v17, v15;
	v13 =	vadd.f32 v16, v13;
	v16 =	vmul.f32 v18, v11  }
0x82: {  	v55 =	vld [tilespmem:s10+$0xFFFFFEE0];
	v14 =	vadd.f32 v21, v14;
	v17 =	vmul.f32 v24, v9  }
0x83: {  	v57 =	vld [tilespmem:s10+$0x0];
	[tilespmem:s8+$0xFFFFFFC0] =	vst v13;
	v13 =	vadd.f32 v16, v15  }
0x84: {  	s25 =	simm.s32 $0x1C;
	v58 =	vld [tilespmem:s10+$0x60];
	v14 =	vadd.f32 v17, v14;
	v17 =	vmul.f32 v22, v6  }
0x85: {  	v29 =	vld [tilespmem:s9+$0x1D0];
	[tilespmem:s8+$0x20] =	vst v13;
	v13 =	vmov s25  }
0x86: {  	v32 =	vld [tilespmem:s9+$0x230];
	v14 =	vadd.f32 v17, v14;
	v13 =	vshrl.u32 v13, $0x3  }
0x87: {  	v30 =	vld [tilespmem:s9+$0x290];
	v13 =	vshll.u32 v13, v0  }
0x88: {  	v31 =	vld [tilespmem:s9+$0x2F0];
	[tilespmem:s8+$0xFFFFFF60] =	vst v14;
	v14 =	vadd.s32 $0x4, v13  }
0x89: {  	v18 =	vld [tilespmem:s10+$0x180];
	v15 =	vadd.s32 $0x5, v13;
	v14 =	vbroadcast v14, $0x0  }
0x8a: {  	v19 =	vld [tilespmem:s9+$0xFFFFFEB0];
	v15 =	vbroadcast v15, $0x0  }
0x8b: {  	v20 =	vld [tilespmem:s9+$0xFFFFFF10]  }
0x8c: {  	s28 =	simm.s32 $0x14;
	v40 =	vld [tilespmem:s9+$0xFFFFFF70];
	v16 =	vadd.s32 $0x6, v13  }
0x8d: {  	v43 =	vld [tilespmem:s9+$0xFFFFFFD0];
	v17 =	vmov s28;
	v16 =	vbroadcast v16, $0x0  }
0x8e: {  	s11 =	simm.s32 $0x10;
	v17 =	vshrl.u32 v17, $0x3;
	v24 =	vld [tilespmem:s9+$0x30];
	v13 =	vadd.s32 $0x7, v13  }
0x8f: {  	s12 =	simm.s32 $0x18;
	v21 =	vmov s11;
	v23 =	vshll.u32 v17, v0;
	v13 =	vbroadcast v13, $0x0;
	v35 =	vld.idx.msk [tilespmem:v14+s19+$0x0], $0xffff  }
0x90: {  	v22 =	vmov s12;
	v17 =	vshrl.u32 v21, $0x3;
	v21 =	vadd.s32 $0x4, v23;
	v36 =	vld.idx.msk [tilespmem:v15+s19+$0x0], $0xffff  }
0x91: {  	v14 =	vshrl.u32 v22, $0x3;
	v15 =	vbroadcast v21, $0x0;
	v21 =	vld [tilespmem:s10+$0x1E0]  }
0x92: {  	v37 =	vld [tilespmem:s9+$0x90];
	v45 =	vshll.u32 v14, v0;
	v14 =	vadd.s32 $0x5, v23  }
0x93: {  	v46 =	vshll.u32 v17, v0;
	v34 =	vld.idx.msk [tilespmem:v16+s19+$0x0], $0xffff;
	v17 =	vadd.s32 $0x1, v45;
	v14 =	vbroadcast v14, $0x0  }
0x94: {  	v41 =	vld [tilespmem:s9+$0xF0];
	v22 =	vbroadcast v17, $0x0  }
0x95: {  	v33 =	vld.idx.msk [tilespmem:v13+s19+$0x0], $0xffff  }
0x96: {  	v44 =	vld [tilespmem:s9+$0x150];
	v13 =	vmul.f32 v18, v35;
	v21 =	vmul.f32 v21, v36  }
0x97: {  	v38 =	vld [tilespmem:s9+$0xFFFFFD30];
	v16 =	vadd.s32 $0x1, v46  }
0x98: {  	v16 =	vbroadcast v16, $0x0;
	v18 =	vld.idx.msk [tilespmem:v15+s19+$0x0], $0xffff;
	v15 =	vadd.f32 v21, v13;
	v21 =	vmul.f32 v47, v34  }
0x99: {  	v17 =	vld.idx.msk [tilespmem:v14+s19+$0x0], $0xffff  }
0x9a: {  	v14 =	vld.idx.msk [tilespmem:v22+s19+$0x0], $0xffff;
	v21 =	vadd.f32 v21, v15;
	v22 =	vmul.f32 v50, v33  }
0x9b: {  	v39 =	vld [tilespmem:s9+$0xFFFFFD90];
	v49 =	vbroadcast v46, $0x0  }
0x9c: {  	v42 =	vld [tilespmem:s9+$0xFFFFFDF0];
	v21 =	vadd.f32 v22, v21  }
0x9d: {  	s11 =	simm.s32 $0xC540;
	v51 =	vld [tilespmem:s9+$0xFFFFFE50]  }
0x9e: {  	v13 =	vld.idx.msk [tilespmem:v16+s19+$0x0], $0xffff;
	[tilespmem:s11+$0x60] =	vst v21  }
0x9f: {  	v48 =	vbroadcast v45, $0x0;
	v21 =	vld [tilespmem:s10+$0x190]  }
0xa0: {  	v53 =	vadd.s32 $0x2, v46;
	v60 =	vld [tilespmem:s10+$0x1F0]  }
0xa1: {  	v53 =	vbroadcast v53, $0x0;
	v16 =	vld.idx.msk [tilespmem:v49+s19+$0x0], $0xffff  }
0xa2: {  	v22 =	vadd.s32 $0x6, v23;
	v54 =	vld [tilespmem:s10+$0x250]  }
0xa3: {  	v46 =	vadd.s32 $0x3, v46;
	v47 =	vld [tilespmem:s10+$0xFFFFFD00];
	v22 =	vbroadcast v22, $0x0  }
0xa4: {  	v63 =	vmul.f32 v19, v2;
	v46 =	vbroadcast v46, $0x0;
	v56 =	vld [tilespmem:s10+$0x2B0]  }
0xa5: {  	v61 =	vadd.s32 $0x2, v45;
	v15 =	vld.idx.msk [tilespmem:v48+s19+$0x0], $0xffff;
	v21 =	vmul.f32 v21, v35;
	v49 =	vmul.f32 v60, v36  }
0xa6: {  	v20 =	vmul.f32 v20, v1;
	v48 =	vld [tilespmem:s10+$0xFFFFFD60];
	v50 =	vbroadcast v61, $0x0;
	v23 =	vadd.s32 $0x7, v23  }
0xa7: {  	v59 =	vbroadcast v23, $0x0;
	v23 =	vld.idx.msk [tilespmem:v53+s19+$0x0], $0xffff;
	v54 =	vmul.f32 v54, v34;
	v49 =	vadd.f32 v49, v21  }
0xa8: {  	v40 =	vmul.f32 v40, v10;
	v53 =	vld [tilespmem:s10+$0xFFFFFDC0]  }
0xa9: {  	v20 =	vadd.f32 v20, v63;
	v22 =	vld.idx.msk [tilespmem:v22+s19+$0x0], $0xffff;
	v62 =	vmul.f32 v56, v33;
	v49 =	vadd.f32 v54, v49  }
0xaa: {  	v56 =	vld [tilespmem:s10+$0xFFFFFF40]  }
0xab: {  	v60 =	vadd.f32 v40, v20;
	v20 =	vld.idx.msk [tilespmem:v46+s19+$0x0], $0xffff;
	v19 =	vadd.f32 v62, v49  }
0xac: {  	v24 =	vmul.f32 v24, v3;
	v37 =	vmul.f32 v37, v4;
	v21 =	vld.idx.msk [tilespmem:v50+s19+$0x0], $0xffff  }
0xad: {  	v38 =	vmul.f32 v38, v7;
	v39 =	vmul.f32 v39, v5;
	v45 =	vadd.s32 $0x3, v45;
	[tilespmem:s11+$0x70] =	vst v19;
	v19 =	vld.idx.msk [tilespmem:v59+s19+$0x0], $0xffff  }
0xae: {  	v24 =	vadd.f32 v37, v24;
	v45 =	vbroadcast v45, $0x0;
	v61 =	vmul.f32 v41, v12;
	v50 =	vld [tilespmem:s10+$0x1A0]  }
0xaf: {  	v62 =	vmul.f32 v43, v8;
	v59 =	vmul.f32 v42, v9;
	v42 =	vld [tilespmem:s10+$0x200]  }
0xb0: {  	v38 =	vadd.f32 v39, v38;
	v40 =	vadd.f32 v61, v24;
	v61 =	vmul.f32 v52, v18;
	v39 =	vld [tilespmem:s10+$0x260]  }
0xb1: {  	v54 =	vmul.f32 v47, v16;
	v37 =	vadd.f32 v62, v60;
	v60 =	vmul.f32 v48, v13;
	v62 =	vld [tilespmem:s10+$0x2C0]  }
0xb2: {  	v52 =	vmul.f32 v55, v17;
	v43 =	vmul.f32 v44, v11;
	v38 =	vadd.f32 v59, v38;
	v59 =	vld [tilespmem:s10+$0xFFFFFE20]  }
0xb3: {  	v63 =	vmul.f32 v51, v6;
	v41 =	vadd.f32 v60, v54;
	v54 =	vld [tilespmem:s10+$0xFFFFFFA0]  }
0xb4: {  	v53 =	vmul.f32 v53, v23;
	v24 =	vld.idx.msk [tilespmem:v45+s19+$0x0], $0xffff;
	v45 =	vadd.f32 v52, v61;
	v40 =	vadd.f32 v43, v40  }
0xb5: {  	v55 =	vld [tilespmem:s10+$0x120];
	v44 =	vadd.f32 v63, v38;
	v63 =	vmul.f32 v50, v35;
	v42 =	vmul.f32 v42, v36  }
0xb6: {  	v49 =	vld [tilespmem:s10+$0xC0];
	[tilespmem:s8+$0xFFFFFFD0] =	vst v37;
	v60 =	vmul.f32 v56, v22;
	v41 =	vadd.f32 v53, v41;
	v39 =	vmul.f32 v39, v34  }
0xb7: {  	[tilespmem:s8+$0x30] =	vst v40;
	v37 =	vld [tilespmem:s9+$0xFFFFFEC0];
	v61 =	vmul.f32 v62, v33;
	v59 =	vmul.f32 v59, v20;
	v42 =	vadd.f32 v42, v63  }
0xb8: {  	v51 =	vld [tilespmem:s9+$0x40];
	v40 =	vadd.f32 v60, v45;
	v62 =	vmul.f32 v57, v15;
	v50 =	vmul.f32 v54, v19  }
0xb9: {  	v38 =	vld [tilespmem:s9+$0xFFFFFF20];
	v63 =	vmul.f32 v58, v14;
	v41 =	vadd.f32 v59, v41;
	v39 =	vadd.f32 v39, v42  }
0xba: {  	v45 =	vld [tilespmem:s9+$0xA0];
	[tilespmem:s8+$0xFFFFFF70] =	vst v44;
	v40 =	vadd.f32 v50, v40  }
0xbb: {  	v53 =	vmul.f32 v49, v21;
	v52 =	vadd.f32 v63, v62;
	[tilespmem:s11+$0xFFFFFF40] =	vst v41;
	v42 =	vadd.f32 v61, v39;
	v39 =	vld [tilespmem:s9+$0xFFFFFD40]  }
0xbc: {  	[tilespmem:s11+$0xFFFFFFA0] =	vst v40;
	v44 =	vld [tilespmem:s10+$0xFFFFFD10]  }
0xbd: {  	v43 =	vmul.f32 v55, v24;
	v41 =	vadd.f32 v53, v52;
	v46 =	vld [tilespmem:s10+$0xFFFFFE90];
	[tilespmem:s11+$0x80] =	vst v42  }
0xbe: {  	v42 =	vld [tilespmem:s10+$0x1B0]  }
0xbf: {  	v41 =	vadd.f32 v43, v41;
	v54 =	vld [tilespmem:s10+$0x210]  }
0xc0: {  	v55 =	vld [tilespmem:s10+$0x270]  }
0xc1: {  	v56 =	vld [tilespmem:s10+$0x2D0];
	[tilespmem:s11+$0x0] =	vst v41  }
0xc2: {  	v57 =	vld [tilespmem:s10+$0x10]  }
0xc3: {  	v58 =	vld [tilespmem:s10+$0x70]  }
0xc4: {  	v47 =	vld [tilespmem:s10+$0xFFFFFEF0]  }
0xc5: {  	v61 =	vld [tilespmem:s10+$0xD0];
	v42 =	vmul.f32 v42, v35;
	v40 =	vmul.f32 v54, v36  }
0xc6: {  	v60 =	vld [tilespmem:s10+$0xFFFFFF50]  }
0xc7: {  	v59 =	vmul.f32 v55, v34;
	v41 =	vmul.f32 v56, v33;
	v56 =	vld [tilespmem:s10+$0x130];
	v40 =	vadd.f32 v40, v42  }
0xc8: {  	v50 =	vld [tilespmem:s10+$0xFFFFFD70];
	v48 =	vmul.f32 v57, v15;
	v49 =	vmul.f32 v58, v14  }
0xc9: {  	v62 =	vld [tilespmem:s10+$0xFFFFFDD0];
	v54 =	vmul.f32 v46, v18;
	v55 =	vmul.f32 v47, v17;
	v40 =	vadd.f32 v59, v40  }
0xca: {  	v63 =	vld [tilespmem:s10+$0xFFFFFFB0];
	v52 =	vmul.f32 v61, v21;
	v48 =	vadd.f32 v49, v48  }
0xcb: {  	v43 =	vmul.f32 v60, v22;
	v57 =	vld [tilespmem:s10+$0xFFFFFE30];
	v40 =	vadd.f32 v41, v40;
	v41 =	vadd.f32 v55, v54  }
0xcc: {  	v47 =	vmul.f32 v56, v24;
	v48 =	vadd.f32 v52, v48;
	v52 =	vld [tilespmem:s9+$0xFFFFFF80]  }
0xcd: {  	v41 =	vadd.f32 v43, v41;
	v43 =	vld [tilespmem:s9+$0xFFFFFDA0]  }
0xce: {  	[tilespmem:s11+$0x90] =	vst v40;
	v47 =	vadd.f32 v47, v48;
	v48 =	vld [tilespmem:s9+$0x100]  }
0xcf: {  	v44 =	vmul.f32 v44, v16;
	v50 =	vmul.f32 v50, v13;
	v58 =	vld [tilespmem:s10+$0x1C0]  }
0xd0: {  	v59 =	vld [tilespmem:s10+$0x220]  }
0xd1: {  	v53 =	vmul.f32 v63, v19;
	v44 =	vadd.f32 v50, v44;
	v42 =	vmul.f32 v62, v23;
	v60 =	vld [tilespmem:s10+$0x280]  }
0xd2: {  	v61 =	vld [tilespmem:s10+$0x2E0];
	[tilespmem:s11+$0x10] =	vst v47  }
0xd3: {  	v42 =	vadd.f32 v42, v44;
	v40 =	vmul.f32 v57, v20;
	v41 =	vadd.f32 v53, v41;
	v47 =	vld [tilespmem:s10+$0x20]  }
0xd4: {  	v56 =	vld [tilespmem:s10+$0x80]  }
0xd5: {  	v25 =	vmul.f32 v29, v25;
	v40 =	vadd.f32 v40, v42;
	v29 =	vld [tilespmem:s10+$0xE0];
	[tilespmem:s11+$0xFFFFFFB0] =	vst v41  }
0xd6: {  	v53 =	vld [tilespmem:s10+$0xFFFFFEA0];
	v62 =	vmul.f32 v58, v35;
	v63 =	vmul.f32 v59, v36  }
0xd7: {  	[tilespmem:s11+$0xFFFFFF50] =	vst v40;
	v54 =	vld [tilespmem:s10+$0xFFFFFF00]  }
0xd8: {  	v57 =	vld [tilespmem:s10+$0xFFFFFD20];
	v55 =	vmul.f32 v60, v34;
	v41 =	vadd.f32 v63, v62  }
0xd9: {  	v26 =	vmul.f32 v32, v26;
	v58 =	vld [tilespmem:s10+$0xFFFFFD80]  }
0xda: {  	v44 =	vmul.f32 v61, v33;
	v59 =	vld [tilespmem:s10+$0xFFFFFF60];
	v41 =	vadd.f32 v55, v41  }
0xdb: {  	v25 =	vadd.f32 v26, v25;
	v26 =	vmul.f32 v30, v27;
	v61 =	vld [tilespmem:s10+$0xFFFFFFC0]  }
0xdc: {  	v27 =	vmul.f32 v31, v28;
	v37 =	vmul.f32 v37, v2;
	v62 =	vld [tilespmem:s10+$0xFFFFFDE0];
	v41 =	vadd.f32 v44, v41  }
0xdd: {  	v25 =	vadd.f32 v26, v25;
	v38 =	vmul.f32 v38, v1;
	v30 =	vmul.f32 v53, v18;
	v53 =	vld [tilespmem:s10+$0x140]  }
0xde: {  	v26 =	vmul.f32 v47, v15;
	v31 =	vmul.f32 v54, v17;
	v55 =	vld [tilespmem:s10+$0xFFFFFE40];
	[tilespmem:s11+$0xA0] =	vst v41  }
0xdf: {  	v25 =	vadd.f32 v27, v25;
	v40 =	vmul.f32 v56, v14;
	v29 =	vmul.f32 v29, v21;
	v60 =	vld [tilespmem:s10+$0x1D0]  }
0xe0: {  	v47 =	vmul.f32 v43, v5;
	v27 =	vadd.f32 v31, v30;
	v30 =	vld [tilespmem:s9+$0xFFFFFE00];
	v31 =	vmul.f32 v59, v22  }
0xe1: {  	v46 =	vmul.f32 v57, v16;
	v26 =	vadd.f32 v40, v26;
	v63 =	vmul.f32 v58, v13;
	v28 =	vld [tilespmem:s10+$0x230]  }
0xe2: {  	v57 =	vmul.f32 v61, v19;
	v61 =	vmul.f32 v51, v3;
	v59 =	vld [tilespmem:s9+$0xFFFFFFE0];
	v27 =	vadd.f32 v31, v27  }
0xe3: {  	v26 =	vadd.f32 v29, v26;
	v54 =	vadd.f32 v63, v46;
	v58 =	vmul.f32 v62, v23;
	v56 =	vld [tilespmem:s10+$0x290]  }
0xe4: {  	v62 =	vld [tilespmem:s9+$0x160];
	v27 =	vadd.f32 v57, v27;
	v31 =	vmul.f32 v60, v35;
	v60 =	vmul.f32 v53, v24  }
0xe5: {  	v37 =	vadd.f32 v38, v37;
	v63 =	vld [tilespmem:s9+$0xFFFFFE60];
	v46 =	vmul.f32 v39, v7;
	v44 =	vmul.f32 v55, v20  }
0xe6: {  	v29 =	vld [tilespmem:s10+$0x2F0];
	[tilespmem:s11+$0xFFFFFFC0] =	vst v27;
	v28 =	vmul.f32 v28, v36;
	v36 =	vadd.f32 v58, v54;
	v26 =	vadd.f32 v60, v26  }
0xe7: {  	v51 =	vadd.f32 v47, v46;
	v27 =	vmul.f32 v45, v4;
	v49 =	vld [tilespmem:s10+$0xFFFFFEB0];
	v53 =	vmul.f32 v52, v10  }
0xe8: {  	v28 =	vadd.f32 v28, v31;
	v31 =	vmul.f32 v56, v34;
	v50 =	vadd.f32 v44, v36;
	[tilespmem:s11+$0x20] =	vst v26;
	v26 =	vld [tilespmem:s10+$0xFFFFFF10]  }
0xe9: {  	v55 =	vmul.f32 v48, v12;
	v30 =	vmul.f32 v30, v9;
	v27 =	vadd.f32 v27, v61;
	v54 =	vld [tilespmem:s10+$0x30]  }
0xea: {  	v57 =	vmul.f32 v59, v8;
	v56 =	vadd.f32 v53, v37;
	v28 =	vadd.f32 v31, v28;
	[tilespmem:s11+$0xFFFFFF60] =	vst v50;
	v31 =	vld [tilespmem:s10+$0x90]  }
0xeb: {  	v30 =	vadd.f32 v30, v51;
	v29 =	vmul.f32 v29, v33;
	v60 =	vmul.f32 v63, v6;
	v58 =	vld [tilespmem:s10+$0xFFFFFD30]  }
0xec: {  	v27 =	vadd.f32 v55, v27;
	v32 =	vadd.f32 v57, v56;
	v59 =	vld [tilespmem:s10+$0xFFFFFD90]  }
0xed: {  	[tilespmem:s8+$0xB0] =	vst v25;
	v25 =	vld [tilespmem:s10+$0xFFFFFF70];
	v30 =	vadd.f32 v60, v30;
	v28 =	vadd.f32 v29, v28;
	v29 =	vmul.f32 v62, v11  }
0xee: {  	v61 =	vmul.f32 v49, v18;
	v34 =	vld [tilespmem:s10+$0x150];
	[tilespmem:s8+$0xFFFFFFE0] =	vst v32;
	v26 =	vmul.f32 v26, v17  }
0xef: {  	v32 =	vld [tilespmem:s10+$0xFFFFFFD0];
	[tilespmem:s8+$0xFFFFFF80] =	vst v30;
	v27 =	vadd.f32 v29, v27;
	v62 =	vmul.f32 v54, v15;
	v63 =	vmul.f32 v31, v14  }
0xf0: {  	s13 =	simm.s32 $0xC00;
	[tilespmem:s11+$0xB0] =	vst v28;
	v28 =	vld [tilespmem:s10+$0xF0];
	v35 =	vmul.f32 v58, v16  }
0xf1: {  	s14 =	simm.s32 $0x4;
	s15 =	simm.s32 $0x20;
	s12 =	simm.s32 $0xC540;
	v29 =	vld [tilespmem:s10+$0xFFFFFDF0];
	[tilespmem:s8+$0x40] =	vst v27;
	v36 =	vmul.f32 v59, v13;
	v31 =	vadd.f32 v26, v61;
	v30 =	vadd.f32 v63, v62  }
.LBB2_2:
0xf2: {  	v26 =	vmov s15;
	s16 =	sadd.s32 $0x4, s15;
	s17 =	sadd.s32 $0x8, s15;
	s18 =	sadd.s32 $0xC, s15;
	v37 =	vld [tilespmem:s10+$0xFFFFFE50];
	v38 =	vmul.f32 v25, v22  }
0xf3: {  	v25 =	vmov s16;
	v27 =	vmov s17;
	v33 =	vmov s18;
	v39 =	vld [tilespmem:s9+$0xFFFFFED0]  }
0xf4: {  	v25 =	vshrl.u32 v25, $0x3;
	v27 =	vshrl.u32 v27, $0x3;
	v33 =	vshrl.u32 v33, $0x3;
	v40 =	vld [tilespmem:s9+$0xFFFFFF30]  }
0xf5: {  	v26 =	vshrl.u32 v26, $0x3;
	v41 =	vshll.u32 v25, v0;
	v25 =	vshll.u32 v33, v0;
	v42 =	vld [tilespmem:s9+$0x50]  }
0xf6: {  	v33 =	vshll.u32 v26, v0;
	v27 =	vshll.u32 v27, v0;
	v26 =	vadd.s32 $0x4, v25;
	v43 =	vld [tilespmem:s9+$0xB0]  }
0xf7: {  	v44 =	vadd.s32 $0x4, v41;
	v45 =	vadd.s32 $0x5, v25;
	v26 =	vbroadcast v26, $0x0;
	v46 =	vld [tilespmem:s9+$0xFFFFFD50]  }
0xf8: {  	s14 =	sadd.s32 $0x4, s14;
	v47 =	vadd.s32 $0x5, v41;
	v48 =	vadd.s32 $0x1, v27;
	v45 =	vbroadcast v45, $0x0;
	v49 =	vld [tilespmem:s9+$0xFFFFFDB0]  }
0xf9: {  	p0 =	slt.u32 s14, $0x3C;
	v50 =	vadd.s32 $0x1, v33;
	v51 =	vadd.s32 $0x6, v25;
	v44 =	vbroadcast v44, $0x0;
	v52 =	vld [tilespmem:s9+$0xFFFFFF90]  }
0xfa: {  	v53 =	vadd.s32 $0x6, v41;
	v47 =	vbroadcast v47, $0x0;
	v51 =	vbroadcast v51, $0x0;
	v54 =	vld [tilespmem:s9+$0x110]  }
0xfb: {  	s10 =	sadd.s32 $0x600, s10;
	v25 =	vadd.s32 $0x7, v25;
	v50 =	vbroadcast v50, $0x0;
	v48 =	vbroadcast v48, $0x0;
	v55 =	vld [tilespmem:s9+$0xFFFFFE10]  }
0xfc: {  	v56 =	vbroadcast v27, $0x0;
	v57 =	vadd.s32 $0x2, v27;
	v58 =	vbroadcast v25, $0x0;
	v59 =	vld [tilespmem:s10+$0x180]  }
0xfd: {  	v60 =	vbroadcast v33, $0x0;
	v61 =	vadd.s32 $0x2, v33;
	v53 =	vbroadcast v53, $0x0;
	v25 =	vld.idx.msk [tilespmem:v26+s19+$0x0], $0xffff  }
0xfe: {  	v41 =	vadd.s32 $0x7, v41;
	v61 =	vbroadcast v61, $0x0;
	v57 =	vbroadcast v57, $0x0;
	v26 =	vld.idx.msk [tilespmem:v45+s19+$0x0], $0xffff  }
0xff: {  	v33 =	vadd.s32 $0x3, v33;
	v27 =	vadd.s32 $0x3, v27;
	v41 =	vbroadcast v41, $0x0;
	v45 =	vld [tilespmem:s10+$0x1E0]  }
0x100: {  	v35 =	vadd.f32 v36, v35;
	v33 =	vbroadcast v33, $0x0;
	v62 =	vbroadcast v27, $0x0;
	v27 =	vld.idx.msk [tilespmem:v51+s19+$0x0], $0xffff  }
0x101: {  	v29 =	vmul.f32 v29, v23;
	v31 =	vadd.f32 v38, v31;
	v38 =	vmul.f32 v28, v21;
	v36 =	vld [tilespmem:s10+$0x240]  }
0x102: {  	v32 =	vmul.f32 v32, v19;
	v34 =	vmul.f32 v34, v24;
	v28 =	vld.idx.msk [tilespmem:v58+s19+$0x0], $0xffff  }
0x103: {  	v29 =	vadd.f32 v29, v35;
	v30 =	vadd.f32 v38, v30;
	v35 =	vmul.f32 v37, v20;
	v51 =	vld [tilespmem:s10+$0x2A0]  }
0x104: {  	v31 =	vadd.f32 v32, v31;
	v38 =	vmul.f32 v59, v25;
	v37 =	vld.idx.msk [tilespmem:v44+s19+$0x0], $0xffff;
	v44 =	vmul.f32 v45, v26  }
0x105: {  	v30 =	vadd.f32 v34, v30;
	v34 =	vmul.f32 v39, v2;
	v29 =	vadd.f32 v35, v29;
	v32 =	vld.idx.msk [tilespmem:v47+s19+$0x0], $0xffff  }
0x106: {  	v2 =	vmov v18;
	v35 =	vld.idx.msk [tilespmem:v48+s19+$0x0], $0xffff;
	v38 =	vadd.f32 v44, v38;
	v36 =	vmul.f32 v36, v27;
	[tilespmem:s11+$0xFFFFFFD0] =	vst v31  }
0x107: {  	v39 =	vmul.f32 v40, v1;
	v1 =	vmov v17;
	v31 =	vld.idx.msk [tilespmem:v50+s19+$0x0], $0xffff;
	[tilespmem:s11+$0x30] =	vst v30;
	v30 =	vmul.f32 v42, v3  }
0x108: {  	v3 =	vmov v15;
	v40 =	vadd.f32 v36, v38;
	v36 =	vmul.f32 v51, v28;
	[tilespmem:s11+$0xFFFFFF70] =	vst v29;
	v15 =	vld.idx.msk [tilespmem:v56+s19+$0x0], $0xffff  }
0x109: {  	v7 =	vmul.f32 v46, v7;
	v42 =	vmul.f32 v43, v4;
	v29 =	vadd.f32 v39, v34;
	v38 =	vld.idx.msk [tilespmem:v60+s19+$0x0], $0xffff  }
0x10a: {  	v43 =	vmul.f32 v52, v10;
	v18 =	vmovc v37;
	v34 =	vld [tilespmem:s10+$0xFFFFFD00];
	v36 =	vadd.f32 v36, v40;
	v40 =	vmul.f32 v49, v5  }
0x10b: {  	v44 =	vmul.f32 v55, v9;
	s11 =	sadd.s32 $0x180, s11;
	v39 =	vadd.f32 v42, v30;
	v42 =	vmul.f32 v54, v12;
	v17 =	vmovc v32;
	v37 =	vld [tilespmem:s10+$0xFFFFFD60]  }
0x10c: {  	v4 =	vmovc v14;
	v30 =	vadd.f32 v43, v29;
	v14 =	vmov v35;
	v32 =	vld [tilespmem:s10+$0xFFFFFE80];
	[tilespmem:s11+$0x60] =	vst v36;
	v36 =	vadd.f32 v40, v7  }
0x10d: {  	v10 =	vmovc v22;
	v5 =	vmovc v13;
	v29 =	vadd.f32 v42, v39;
	v13 =	vmov v31;
	v7 =	vmov v16;
	v35 =	vld [tilespmem:s10+$0x190]  }
0x10e: {  	v9 =	vmov v23;
	v12 =	vmov v21;
	v22 =	vld [tilespmem:s10+$0x1F0];
	v31 =	vadd.f32 v44, v36  }
0x10f: {  	v16 =	vmov v38;
	v21 =	vmul.f32 v34, v38;
	v23 =	vld [tilespmem:s10+$0xFFFFFEE0]  }
0x110: {  	v34 =	vmul.f32 v37, v13;
	v36 =	vld [tilespmem:s10+$0x250]  }
0x111: {  	v32 =	vmul.f32 v32, v18;
	v37 =	vld [tilespmem:s10+$0x0]  }
0x112: {  	v38 =	vadd.f32 v34, v21;
	v34 =	vld [tilespmem:s10+$0x2B0]  }
0x113: {  	v35 =	vmul.f32 v35, v25;
	v39 =	vld [tilespmem:s10+$0x60];
	v40 =	vmul.f32 v22, v26  }
0x114: {  	v22 =	vld.idx.msk [tilespmem:v53+s19+$0x0], $0xffff;
	v42 =	vmul.f32 v23, v17  }
0x115: {  	v21 =	vld.idx.msk [tilespmem:v57+s19+$0x0], $0xffff;
	v35 =	vadd.f32 v40, v35;
	v36 =	vmul.f32 v36, v27  }
0x116: {  	v23 =	vld.idx.msk [tilespmem:v61+s19+$0x0], $0xffff;
	v40 =	vadd.f32 v42, v32;
	v32 =	vmul.f32 v37, v15  }
0x117: {  	v37 =	vld [tilespmem:s10+$0xFFFFFDC0];
	v35 =	vadd.f32 v36, v35;
	v34 =	vmul.f32 v34, v28  }
0x118: {  	v36 =	vld [tilespmem:s10+$0xFFFFFF40];
	v39 =	vmul.f32 v39, v14  }
0x119: {  	v42 =	vld [tilespmem:s10+$0xC0];
	v35 =	vadd.f32 v34, v35  }
0x11a: {  	v34 =	vld.idx.msk [tilespmem:v41+s19+$0x0], $0xffff;
	v39 =	vadd.f32 v39, v32  }
0x11b: {  	v32 =	vld.idx.msk [tilespmem:v62+s19+$0x0], $0xffff;
	[tilespmem:s11+$0x70] =	vst v35  }
0x11c: {  	v35 =	vmul.f32 v37, v23;
	v37 =	vld [tilespmem:s10+$0x1A0]  }
0x11d: {  	v36 =	vmul.f32 v36, v22;
	v41 =	vld [tilespmem:s10+$0x200]  }
0x11e: {  	v33 =	vld.idx.msk [tilespmem:v33+s19+$0x0], $0xffff;
	v35 =	vadd.f32 v35, v38;
	v38 =	vmul.f32 v42, v21  }
0x11f: {  	v36 =	vadd.f32 v36, v40;
	v40 =	vld [tilespmem:s10+$0x260]  }
0x120: {  	v42 =	vld [tilespmem:s10+$0xFFFFFE20];
	v38 =	vadd.f32 v38, v39  }
0x121: {  	v39 =	vld [tilespmem:s10+$0x2C0]  }
0x122: {  	v37 =	vmul.f32 v37, v25;
	v43 =	vld [tilespmem:s10+$0xFFFFFFA0];
	v41 =	vmul.f32 v41, v26  }
0x123: {  	v44 =	vld [tilespmem:s10+$0x120]  }
0x124: {  	v37 =	vadd.f32 v41, v37;
	v40 =	vmul.f32 v40, v27;
	v41 =	vld [tilespmem:s13+$0xFFFFFEC0]  }
0x125: {  	v42 =	vmul.f32 v42, v33;
	v45 =	vld [tilespmem:s13+$0xFFFFFF20]  }
0x126: {  	v37 =	vadd.f32 v40, v37;
	v39 =	vmul.f32 v39, v28;
	v40 =	vld [tilespmem:s13+$0x40]  }
0x127: {  	v35 =	vadd.f32 v42, v35;
	v42 =	vmul.f32 v43, v34;
	v43 =	vld [tilespmem:s13+$0xA0]  }
0x128: {  	v44 =	vmul.f32 v44, v32;
	v37 =	vadd.f32 v39, v37;
	v39 =	vld [tilespmem:s13+$0xFFFFFD40]  }
0x129: {  	[tilespmem:s11+$0xFFFFFF40] =	vst v35;
	v35 =	vadd.f32 v42, v36;
	v36 =	vld [tilespmem:s13+$0xFFFFFDA0];
	v41 =	vmul.f32 v41, v2  }
0x12a: {  	v42 =	vld [tilespmem:s10+$0xFFFFFD10];
	v38 =	vadd.f32 v44, v38;
	[tilespmem:s11+$0x80] =	vst v37;
	v37 =	vmul.f32 v45, v1  }
0x12b: {  	[tilespmem:s11+$0xFFFFFFA0] =	vst v35;
	v35 =	vld [tilespmem:s10+$0x1B0];
	v40 =	vmul.f32 v40, v3  }
0x12c: {  	[tilespmem:s11+$0x0] =	vst v38;
	v38 =	vld [tilespmem:s10+$0x210];
	v37 =	vadd.f32 v37, v41;
	v41 =	vmul.f32 v43, v4  }
0x12d: {  	v43 =	vld [tilespmem:s10+$0xFFFFFE90];
	v39 =	vmul.f32 v39, v7  }
0x12e: {  	v44 =	vld [tilespmem:s10+$0x270];
	v36 =	vmul.f32 v36, v5;
	v40 =	vadd.f32 v41, v40  }
0x12f: {  	v41 =	vmul.f32 v42, v16;
	v42 =	vld [tilespmem:s10+$0xFFFFFEF0]  }
0x130: {  	v45 =	vld [tilespmem:s10+$0x2D0];
	v36 =	vadd.f32 v36, v39  }
0x131: {  	v35 =	vmul.f32 v35, v25;
	v39 =	vld [tilespmem:s10+$0x10];
	v38 =	vmul.f32 v38, v26  }
0x132: {  	v43 =	vmul.f32 v43, v18;
	v46 =	vld [tilespmem:s10+$0x70]  }
0x133: {  	v47 =	vld [tilespmem:s10+$0xFFFFFD70];
	v35 =	vadd.f32 v38, v35;
	v38 =	vmul.f32 v44, v27  }
0x134: {  	v42 =	vmul.f32 v42, v17;
	v44 =	vld [tilespmem:s10+$0xFFFFFF50]  }
0x135: {  	v48 =	vld [tilespmem:s10+$0xD0];
	v35 =	vadd.f32 v38, v35;
	v38 =	vmul.f32 v45, v28  }
0x136: {  	v45 =	vld [tilespmem:s10+$0xFFFFFDD0];
	v42 =	vadd.f32 v42, v43;
	v39 =	vmul.f32 v39, v15  }
0x137: {  	v43 =	vld [tilespmem:s10+$0xFFFFFFB0];
	v46 =	vmul.f32 v46, v14;
	v35 =	vadd.f32 v38, v35  }
0x138: {  	v38 =	vmul.f32 v47, v13;
	v47 =	vld [tilespmem:s10+$0x130]  }
0x139: {  	v49 =	vld [tilespmem:s10+$0xFFFFFE30];
	v44 =	vmul.f32 v44, v22;
	v39 =	vadd.f32 v46, v39;
	[tilespmem:s11+$0x90] =	vst v35  }
0x13a: {  	v35 =	vadd.f32 v38, v41;
	v38 =	vmul.f32 v48, v21;
	v41 =	vld [tilespmem:s10+$0x1C0]  }
0x13b: {  	v45 =	vmul.f32 v45, v23;
	v42 =	vadd.f32 v44, v42;
	v44 =	vld [tilespmem:s10+$0x220]  }
0x13c: {  	v43 =	vmul.f32 v43, v34;
	v38 =	vadd.f32 v38, v39;
	v39 =	vld [tilespmem:s13+$0xFFFFFF80]  }
0x13d: {  	v35 =	vadd.f32 v45, v35;
	v45 =	vmul.f32 v47, v32;
	v46 =	vld [tilespmem:s10+$0x280]  }
0x13e: {  	v47 =	vmul.f32 v49, v33;
	v42 =	vadd.f32 v43, v42;
	v43 =	vld [tilespmem:s13+$0x100]  }
0x13f: {  	v38 =	vadd.f32 v45, v38;
	v45 =	vld [tilespmem:s10+$0x2E0]  }
0x140: {  	v41 =	vmul.f32 v41, v25;
	v35 =	vadd.f32 v47, v35;
	[tilespmem:s11+$0xFFFFFFB0] =	vst v42;
	v42 =	vmul.f32 v44, v26;
	v44 =	vld [tilespmem:s13+$0xFFFFFE00]  }
0x141: {  	v47 =	vld [tilespmem:s10+$0xFFFFFEA0];
	[tilespmem:s11+$0x10] =	vst v38;
	v38 =	vmul.f32 v39, v10  }
0x142: {  	[tilespmem:s11+$0xFFFFFF50] =	vst v35;
	v35 =	vld [tilespmem:s10+$0xFFFFFF00];
	v39 =	vadd.f32 v42, v41;
	v41 =	vmul.f32 v46, v27  }
0x143: {  	v42 =	vld [tilespmem:s10+$0x20];
	v37 =	vadd.f32 v38, v37;
	v38 =	vmul.f32 v43, v12  }
0x144: {  	v43 =	vld [tilespmem:s10+$0x80];
	v39 =	vadd.f32 v41, v39;
	v41 =	vmul.f32 v45, v28  }
0x145: {  	v45 =	vld [tilespmem:s10+$0xFFFFFD20];
	v44 =	vmul.f32 v44, v9;
	v38 =	vadd.f32 v38, v40  }
0x146: {  	v40 =	vld [tilespmem:s10+$0xFFFFFD80];
	v46 =	vmul.f32 v47, v18;
	v39 =	vadd.f32 v41, v39  }
0x147: {  	v35 =	vmul.f32 v35, v17;
	v41 =	vld [tilespmem:s10+$0xFFFFFF60];
	v36 =	vadd.f32 v44, v36  }
0x148: {  	v42 =	vmul.f32 v42, v15;
	v44 =	vld [tilespmem:s10+$0xE0];
	[tilespmem:s11+$0xA0] =	vst v39  }
0x149: {  	v35 =	vadd.f32 v35, v46;
	v39 =	vmul.f32 v43, v14;
	v43 =	vld [tilespmem:s10+$0x1D0]  }
0x14a: {  	v45 =	vmul.f32 v45, v16;
	v46 =	vld [tilespmem:s10+$0x230]  }
0x14b: {  	v40 =	vmul.f32 v40, v13;
	v47 =	vld [tilespmem:s10+$0xFFFFFDE0];
	v39 =	vadd.f32 v39, v42  }
0x14c: {  	v41 =	vmul.f32 v41, v22;
	v42 =	vld [tilespmem:s10+$0x290]  }
0x14d: {  	v40 =	vadd.f32 v40, v45;
	v45 =	vld [tilespmem:s10+$0xFFFFFFC0];
	v44 =	vmul.f32 v44, v21  }
0x14e: {  	v35 =	vadd.f32 v41, v35;
	v41 =	vld [tilespmem:s10+$0x2F0]  }
0x14f: {  	v25 =	vmul.f32 v43, v25;
	v39 =	vadd.f32 v44, v39;
	v44 =	vld [tilespmem:s10+$0x140];
	v26 =	vmul.f32 v46, v26  }
0x150: {  	v43 =	vmul.f32 v47, v23;
	v46 =	vld [tilespmem:s10+$0xFFFFFE40]  }
0x151: {  	v25 =	vadd.f32 v26, v25;
	v26 =	vmul.f32 v42, v27;
	v27 =	vld [tilespmem:s13+$0xFFFFFFE0]  }
0x152: {  	v40 =	vadd.f32 v43, v40;
	v42 =	vmul.f32 v45, v34;
	v43 =	vld [tilespmem:s13+$0x160]  }
0x153: {  	v25 =	vadd.f32 v26, v25;
	v26 =	vmul.f32 v41, v28;
	v28 =	vld [tilespmem:s13+$0xFFFFFE60]  }
0x154: {  	v35 =	vadd.f32 v42, v35;
	v41 =	vmul.f32 v44, v32;
	v42 =	vld [tilespmem:s9+$0xFFFFFFF0]  }
0x155: {  	v44 =	vmul.f32 v46, v33;
	v25 =	vadd.f32 v26, v25;
	v26 =	vld [tilespmem:s9+$0x170]  }
0x156: {  	[tilespmem:s11+$0xFFFFFFC0] =	vst v35;
	v35 =	vadd.f32 v41, v39;
	v27 =	vmul.f32 v27, v19;
	v39 =	vld [tilespmem:s9+$0xFFFFFE70];
	s9 =	smov.u32 s13;
	s13 =	smov.u32 s10  }
0x157: {  	v40 =	vadd.f32 v44, v40;
	v41 =	vld [tilespmem:s10+$0xFFFFFEB0];
	[tilespmem:s11+$0xB0] =	vst v25;
	v25 =	vmul.f32 v43, v24  }
0x158: {  	v43 =	vld [tilespmem:s10+$0xFFFFFF10];
	[tilespmem:s11+$0x20] =	vst v35;
	v28 =	vmul.f32 v28, v20;
	v27 =	vadd.f32 v27, v37  }
0x159: {  	[tilespmem:s11+$0xFFFFFF60] =	vst v40;
	v35 =	vld [tilespmem:s10+$0x30];
	v25 =	vadd.f32 v25, v38;
	v37 =	vmul.f32 v42, v8;
	v8 =	vmovc v19;
	v19 =	vmov v34  }
0x15a: {  	v34 =	vld [tilespmem:s10+$0x90];
	v28 =	vadd.f32 v28, v36;
	[tilespmem:s12+$0xFFFFFFE0] =	vst v27;
	v26 =	vmul.f32 v26, v11;
	v11 =	vmovc v24;
	v24 =	vmov v32  }
0x15b: {  	v27 =	vld [tilespmem:s10+$0xFFFFFD30];
	[tilespmem:s12+$0x40] =	vst v25;
	v32 =	vmul.f32 v39, v6;
	v30 =	vadd.f32 v37, v30;
	v6 =	vmovc v20;
	v20 =	vmov v33  }
0x15c: {  	v33 =	vld [tilespmem:s10+$0xFFFFFD90];
	v36 =	vmul.f32 v41, v18;
	[tilespmem:s12+$0xFFFFFF80] =	vst v28;
	v26 =	vadd.f32 v26, v29  }
.Ltmp0:
0x15d: {  	v37 =	vmul.f32 v43, v17;
	v25 =	vld [tilespmem:s10+$0xFFFFFF70];
	v32 =	vadd.f32 v32, v31;
	[tilespmem:s8+$0xFFFFFFF0] =	vst v30;
	(pc) =	sbr.rel @p0 .LBB2_2-.Ltmp0, $4  }
0x15e: {  	v30 =	vmul.f32 v35, v15;
	v28 =	vld [tilespmem:s10+$0xF0];
	[tilespmem:s8+$0x50] =	vst v26  }
0x15f: {  	v29 =	vld [tilespmem:s10+$0xFFFFFDF0];
	v31 =	vadd.f32 v37, v36;
	v26 =	vmul.f32 v34, v14;
	[tilespmem:s8+$0xFFFFFF90] =	vst v32;
	s8 =	smov.u32 s12;
	s12 =	smov.u32 s11  }
0x160: {  	v35 =	vmul.f32 v27, v16;
	v32 =	vld [tilespmem:s10+$0xFFFFFFD0]  }
0x161: {  	s15 =	sadd.s32 $0x10, s15;
	v36 =	vmul.f32 v33, v13;
	v30 =	vadd.f32 v26, v30;
	v34 =	vld [tilespmem:s10+$0x150]  }
0x162: {  	v26 =	vld [tilespmem:s10+$0xFFFFFE50]  }
0x163: {  	v27 =	vld [tilespmem:s9+$0xFFFFFED0]  }
0x164: {  	v25 =	vmul.f32 v25, v22;
	v33 =	vld [tilespmem:s9+$0xFFFFFF30]  }
0x165: {  	v49 =	vld [tilespmem:s9+$0x50]  }
0x166: {  	v50 =	vld [tilespmem:s9+$0xB0];
	v28 =	vmul.f32 v28, v21;
	v25 =	vadd.f32 v25, v31;
	v31 =	vmul.f32 v32, v19  }
0x167: {  	v42 =	vld [tilespmem:s9+$0xFFFFFF90]  }
0x168: {  	v53 =	vld [tilespmem:s9+$0x110];
	v28 =	vadd.f32 v28, v30;
	v34 =	vmul.f32 v34, v24;
	v25 =	vadd.f32 v31, v25  }
0x169: {  	v55 =	vld [tilespmem:s9+$0xFFFFFE10]  }
0x16a: {  	v58 =	vld [tilespmem:s9+$0x170];
	v35 =	vadd.f32 v36, v35;
	v29 =	vmul.f32 v29, v23;
	v28 =	vadd.f32 v34, v28;
	[tilespmem:s11+$0xFFFFFFD0] =	vst v25  }
0x16b: {  	v25 =	vld [tilespmem:s13+$0xFFFFFEC0]  }
0x16c: {  	v29 =	vadd.f32 v29, v35;
	v26 =	vmul.f32 v26, v20;
	[tilespmem:s11+$0x30] =	vst v28;
	v28 =	vld [tilespmem:s13+$0xFFFFFF20]  }
0x16d: {  	v37 =	vld [tilespmem:s13+$0xFFFFFF80]  }
0x16e: {  	v26 =	vadd.f32 v26, v29;
	v39 =	vld [tilespmem:s13+$0xFFFFFFE0]  }
0x16f: {  	v29 =	vld [tilespmem:s13+$0x40]  }
0x170: {  	[tilespmem:s11+$0xFFFFFF70] =	vst v26;
	v26 =	vld [tilespmem:s13+$0xA0]  }
0x171: {  	v38 =	vld [tilespmem:s13+$0x100]  }
0x172: {  	v51 =	vld [tilespmem:s13+$0xFFFFFD40];
	v25 =	vmul.f32 v25, v18;
	v28 =	vmul.f32 v28, v17  }
0x173: {  	v52 =	vld [tilespmem:s13+$0xFFFFFDA0]  }
0x174: {  	v41 =	vld [tilespmem:s13+$0x160];
	v25 =	vadd.f32 v28, v25;
	v28 =	vmul.f32 v37, v22  }
0x175: {  	v40 =	vld [tilespmem:s13+$0xFFFFFE00];
	v29 =	vmul.f32 v29, v15;
	v26 =	vmul.f32 v26, v14  }
0x176: {  	v59 =	vld [tilespmem:s9+$0xFFFFFE70];
	v54 =	vmul.f32 v39, v19;
	v25 =	vadd.f32 v28, v25  }
0x177: {  	v3 =	vmul.f32 v49, v3;
	v26 =	vadd.f32 v26, v29;
	v29 =	vld [tilespmem:s13+$0xFFFFFE60];
	v28 =	vmul.f32 v38, v21  }
0x178: {  	v31 =	vld [tilespmem:s9+$0xFFFFFDB0];
	v34 =	vmul.f32 v51, v16;
	v35 =	vmul.f32 v52, v13;
	v25 =	vadd.f32 v54, v25  }
0x179: {  	v30 =	vld [tilespmem:s9+$0xFFFFFD50];
	v4 =	vmul.f32 v50, v4;
	v57 =	vmul.f32 v41, v24;
	v26 =	vadd.f32 v28, v26  }
0x17a: {  	v2 =	vmul.f32 v27, v2;
	v56 =	vmul.f32 v40, v23;
	v34 =	vadd.f32 v35, v34;
	v28 =	vld [tilespmem:s9+$0xFFFFFFF0];
	[tilespmem:s12+$0xFFFFFFE0] =	vst v25  }
0x17b: {  	v1 =	vmul.f32 v33, v1;
	v3 =	vadd.f32 v4, v3;
	v26 =	vadd.f32 v57, v26;
	v25 =	vld [tilespmem:s13+$0xFFFFFED0]  }
0x17c: {  	v4 =	vmul.f32 v53, v12;
	v34 =	vadd.f32 v56, v34;
	v29 =	vmul.f32 v29, v20;
	v12 =	vld [tilespmem:s13+$0xFFFFFF90]  }
0x17d: {  	v1 =	vadd.f32 v1, v2;
	v2 =	vmul.f32 v31, v5;
	v5 =	vmul.f32 v42, v10;
	[tilespmem:s12+$0x40] =	vst v26;
	v26 =	vld [tilespmem:s13+$0xFFFFFF30]  }
0x17e: {  	v29 =	vadd.f32 v29, v34;
	v27 =	vld [tilespmem:s13+$0x50]  }
0x17f: {  	v1 =	vadd.f32 v5, v1;
	v5 =	vld [tilespmem:s13+$0x110]  }
0x180: {  	v7 =	vmul.f32 v30, v7;
	[tilespmem:s12+$0xFFFFFF80] =	vst v29;
	v29 =	vld [tilespmem:s13+$0xB0]  }
0x181: {  	v30 =	vld [tilespmem:s13+$0xFFFFFD50]  }
0x182: {  	v9 =	vmul.f32 v55, v9;
	v2 =	vadd.f32 v2, v7;
	v10 =	vld [tilespmem:s13+$0xFFFFFDB0]  }
0x183: {  	v6 =	vmul.f32 v59, v6;
	v3 =	vadd.f32 v4, v3;
	v4 =	vmul.f32 v28, v8;
	v8 =	vld [tilespmem:s13+$0xFFFFFE10]  }
0x184: {  	v7 =	vmul.f32 v58, v11;
	v2 =	vadd.f32 v9, v2;
	v11 =	vld [tilespmem:s13+$0xFFFFFFF0];
	v9 =	vmul.f32 v25, v18  }
0x185: {  	v1 =	vadd.f32 v4, v1;
	v4 =	vmul.f32 v26, v17;
	v17 =	vld [tilespmem:s13+$0x170];
	v15 =	vmul.f32 v27, v15  }
0x186: {  	v3 =	vadd.f32 v7, v3;
	v14 =	vmul.f32 v29, v14;
	v7 =	vmul.f32 v30, v16;
	v16 =	vld [tilespmem:s13+$0xFFFFFE70]  }
0x187: {  	v4 =	vadd.f32 v4, v9;
	v9 =	vmul.f32 v10, v13;
	v10 =	vmul.f32 v12, v22  }
0x188: {  	v5 =	vmul.f32 v5, v21;
	v8 =	vmul.f32 v8, v23;
	v12 =	vadd.f32 v14, v15  }
0x189: {  	v7 =	vadd.f32 v9, v7;
	v4 =	vadd.f32 v10, v4;
	v9 =	vmul.f32 v11, v19  }
0x18a: {  	v2 =	vadd.f32 v6, v2;
	[tilespmem:s8+$0xFFFFFFF0] =	vst v1;
	v1 =	vadd.f32 v5, v12;
	v5 =	vmul.f32 v17, v24  }
0x18b: {  	[tilespmem:s8+$0x50] =	vst v3;
	v3 =	vadd.f32 v8, v7;
	v4 =	vadd.f32 v9, v4;
	v6 =	vmul.f32 v16, v20  }
0x18c: {  	[tilespmem:s8+$0xFFFFFF90] =	vst v2;
	v1 =	vadd.f32 v5, v1  }
0x18d: {  	[tilespmem:s12+$0xFFFFFFF0] =	vst v4;
	v2 =	vadd.f32 v6, v3  }
0x18e: {  	[tilespmem:s12+$0x50] =	vst v1  }
0x18f: {  	[tilespmem:s12+$0xFFFFFF90] =	vst v2  }
0x190: {  	s28 =	simm.s32 $0x0;
	s11 =	simm.s32 $0xC300;
	s3 =	rddreg [dreg:$0x6]  }
0x191: {  	[hbm4b:s3+s28] =	stream.linear.scatter [tilespmem:s11], [sflag:$0x5], $0x1800, $0x38;
	[tilespmem:$0xF300] =	vst v63  }
0x192: {  	s12 =	rddreg [dreg:$0x7]  }
0x193: {  	[tilespmem:s28], [sflag:$0x1] =	stream.linear.gather [hbm4b:s12+s28], $0x80, $0x38;
	[tilespmem:$0xF300] =	vst v63  }
0x194: {  	s13 =	rddreg [dreg:$0x8]  }
0x195: {  	[tilespmem:s19], [sflag:$0x1] =	stream.linear.gather [hbm4b:s13+s28], $0x100, $0x38;
	[tilespmem:$0xF300] =	vst v63  }
0x196: {  	s14 =	simm.s32 $0xC;
	_ =	swait.ge [sflag:s22], $0x80  }
0x197: {  	v1 =	vmov s14;
	[sflag:s22] =	ssyncset.done $0x0  }
0x198: {  	v1 =	vshrl.u32 v1, $0x3;
	[sflag:s22] =	ssyncadd.s32 $0xFFFFFF80  }
0x199: {  	v1 =	vshll.u32 v1, v0;
	_ =	swait.ge [sflag:s22], $0x100  }
0x19a: {  	v2 =	vadd.s32 $0x4, v1;
	[sflag:s22] =	ssyncset.done $0x0  }
0x19b: {  	v3 =	vadd.s32 $0x5, v1;
	v2 =	vbroadcast v2, $0x0;
	[sflag:s22] =	ssyncadd.s32 $0xFFFFFF00  }
0x19c: {  	v3 =	vbroadcast v3, $0x0;
	[tilespmem:s23], [sflag:$0x3] =	stream.indirect.gather [hbm4b:s5+s20], $0xC0, s28, s20, $0xb8;
	[tilespmem:$0xF300] =	vst v63  }
0x19d: {  	v4 =	vadd.s32 $0x6, v1;
	_ =	swait.ge [sflag:s29], $0x6000  }
0x19e: {  	v4 =	vbroadcast v4, $0x0;
	[sflag:s29] =	ssyncset.done $0x0  }
0x19f: {  	s9 =	simm.s32 $0x6600;
	v1 =	vadd.s32 $0x7, v1;
	[sflag:s29] =	ssyncadd.s32 $0xFFFFA000  }
0x1a0: {  	v1 =	vbroadcast v1, $0x0;
	v5 =	vld [tilespmem:s9+$0x180]  }
0x1a1: {  	s15 =	simm.s32 $0x4;
	v25 =	vld.idx.msk [tilespmem:v2+s21+$0x0], $0xffff  }
0x1a2: {  	s16 =	simm.s32 $0x8;
	v2 =	vmov s15;
	v26 =	vld.idx.msk [tilespmem:v3+s21+$0x0], $0xffff  }
0x1a3: {  	v3 =	vmov s16;
	v6 =	vld [tilespmem:s9+$0x1E0];
	v2 =	vshrl.u32 v2, $0x3  }
0x1a4: {  	v7 =	vmov s28;
	v27 =	vld.idx.msk [tilespmem:v4+s21+$0x0], $0xffff;
	v3 =	vshrl.u32 v3, $0x3;
	v8 =	vshll.u32 v2, v0  }
0x1a5: {  	v4 =	vld [tilespmem:s9+$0x240];
	v2 =	vshrl.u32 v7, $0x3;
	v11 =	vshll.u32 v3, v0;
	v3 =	vadd.s32 $0x4, v8  }
0x1a6: {  	v28 =	vld.idx.msk [tilespmem:v1+s21+$0x0], $0xffff;
	v7 =	vadd.s32 $0x5, v8;
	v9 =	vadd.s32 $0x1, v11;
	v3 =	vbroadcast v3, $0x0  }
0x1a7: {  	v10 =	vshll.u32 v2, v0;
	v1 =	vbroadcast v7, $0x0;
	v7 =	vbroadcast v9, $0x0;
	v9 =	vld [tilespmem:s9+$0x2A0]  }
0x1a8: {  	v2 =	vadd.s32 $0x1, v10;
	v5 =	vmul.f32 v5, v25;
	v6 =	vmul.f32 v6, v26  }
0x1a9: {  	v12 =	vbroadcast v2, $0x0  }
0x1aa: {  	v13 =	vbroadcast v11, $0x0;
	v4 =	vmul.f32 v4, v27;
	v5 =	vadd.f32 v6, v5  }
0x1ab: {  	v15 =	vld [tilespmem:s9+$0xFFFFFD00]  }
0x1ac: {  	v2 =	vld.idx.msk [tilespmem:v3+s21+$0x0], $0xffff;
	v3 =	vadd.f32 v4, v5;
	v5 =	vmul.f32 v9, v28  }
0x1ad: {  	v17 =	vld [tilespmem:s9+$0xFFFFFD60];
	v6 =	vbroadcast v10, $0x0  }
0x1ae: {  	v4 =	vld.idx.msk [tilespmem:v7+s21+$0x0], $0xffff;
	v7 =	vadd.f32 v5, v3  }
0x1af: {  	s8 =	simm.s32 $0xDBC0;
	v5 =	vld.idx.msk [tilespmem:v12+s21+$0x0], $0xffff  }
0x1b0: {  	v3 =	vld.idx.msk [tilespmem:v13+s21+$0x0], $0xffff;
	[tilespmem:s8+$0x60] =	vst v7  }
0x1b1: {  	v9 =	vld [tilespmem:s9+$0x190]  }
0x1b2: {  	v12 =	vld [tilespmem:s9+$0x1F0]  }
0x1b3: {  	v7 =	vld.idx.msk [tilespmem:v6+s21+$0x0], $0xffff  }
0x1b4: {  	v13 =	vadd.s32 $0x6, v8;
	v8 =	vadd.s32 $0x7, v8;
	v6 =	vld [tilespmem:s9+$0x250]  }
0x1b5: {  	v18 =	vld [tilespmem:s9+$0xFFFFFE80];
	v8 =	vbroadcast v8, $0x0  }
0x1b6: {  	v13 =	vbroadcast v13, $0x0;
	v16 =	vld [tilespmem:s9+$0x2B0]  }
0x1b7: {  	v19 =	vld [tilespmem:s9+$0xFFFFFEE0];
	v14 =	vadd.s32 $0x2, v10;
	v9 =	vmul.f32 v9, v25;
	v12 =	vmul.f32 v12, v26  }
0x1b8: {  	v20 =	vld [tilespmem:s9+$0x0];
	v14 =	vbroadcast v14, $0x0  }
0x1b9: {  	v30 =	vld [tilespmem:s9+$0xFFFFFFA0];
	v6 =	vmul.f32 v6, v27;
	v9 =	vadd.f32 v12, v9  }
0x1ba: {  	v1 =	vld.idx.msk [tilespmem:v1+s21+$0x0], $0xffff  }
0x1bb: {  	v10 =	vadd.s32 $0x3, v10;
	v8 =	vld.idx.msk [tilespmem:v8+s21+$0x0], $0xffff;
	v12 =	vmul.f32 v16, v28;
	v6 =	vadd.f32 v6, v9  }
0x1bc: {  	v16 =	vbroadcast v10, $0x0;
	v10 =	vld.idx.msk [tilespmem:v13+s21+$0x0], $0xffff  }
0x1bd: {  	v13 =	vld [tilespmem:s9+$0xFFFFFF40];
	v6 =	vadd.f32 v12, v6  }
0x1be: {  	v9 =	vld.idx.msk [tilespmem:v14+s21+$0x0], $0xffff  }
0x1bf: {  	v12 =	vld [tilespmem:s9+$0xFFFFFDC0];
	[tilespmem:s8+$0x70] =	vst v6  }
0x1c0: {  	v14 =	vld [tilespmem:s9+$0x1A0]  }
0x1c1: {  	v17 =	vmul.f32 v17, v5;
	v15 =	vmul.f32 v15, v7;
	v6 =	vadd.s32 $0x2, v11;
	v22 =	vld [tilespmem:s9+$0x200]  }
0x1c2: {  	v18 =	vmul.f32 v18, v2;
	v11 =	vadd.s32 $0x3, v11;
	v23 =	vbroadcast v6, $0x0;
	v6 =	vld.idx.msk [tilespmem:v16+s21+$0x0], $0xffff  }
0x1c3: {  	v15 =	vadd.f32 v17, v15;
	v17 =	vmul.f32 v19, v1;
	v16 =	vld [tilespmem:s9+$0x260];
	v11 =	vbroadcast v11, $0x0  }
0x1c4: {  	v24 =	vld [tilespmem:s9+$0xFFFFFE20]  }
0x1c5: {  	v17 =	vadd.f32 v17, v18;
	v13 =	vmul.f32 v13, v10;
	v29 =	vld [tilespmem:s9+$0x2C0]  }
0x1c6: {  	v21 =	vld [tilespmem:s9+$0x60];
	v14 =	vmul.f32 v14, v25;
	v22 =	vmul.f32 v22, v26  }
0x1c7: {  	v18 =	vld [tilespmem:s9+$0xC0];
	v13 =	vadd.f32 v13, v17;
	v17 =	vmul.f32 v30, v8;
	v19 =	vmul.f32 v12, v9  }
0x1c8: {  	v16 =	vmul.f32 v16, v27;
	v12 =	vld.idx.msk [tilespmem:v23+s21+$0x0], $0xffff;
	v14 =	vadd.f32 v22, v14  }
0x1c9: {  	v13 =	vadd.f32 v17, v13;
	v15 =	vadd.f32 v19, v15;
	v19 =	vmul.f32 v24, v6;
	v11 =	vld.idx.msk [tilespmem:v11+s21+$0x0], $0xffff  }
0x1ca: {  	v22 =	vld [tilespmem:s9+$0x120];
	v14 =	vadd.f32 v16, v14;
	v16 =	vmul.f32 v29, v28  }
0x1cb: {  	v21 =	vmul.f32 v21, v4;
	v20 =	vmul.f32 v20, v3;
	[tilespmem:s8+$0xFFFFFFA0] =	vst v13;
	v15 =	vadd.f32 v19, v15  }
0x1cc: {  	v24 =	vld [tilespmem:s9+$0xFFFFFFB0];
	v14 =	vadd.f32 v16, v14  }
0x1cd: {  	v23 =	vld [tilespmem:s9+$0xFFFFFF50];
	[tilespmem:s8+$0xFFFFFF40] =	vst v15;
	v15 =	vadd.f32 v21, v20;
	v16 =	vmul.f32 v18, v12  }
0x1ce: {  	v19 =	vld [tilespmem:s9+$0xFFFFFEF0];
	[tilespmem:s8+$0x80] =	vst v14  }
0x1cf: {  	v15 =	vadd.f32 v16, v15;
	v16 =	vmul.f32 v22, v11;
	v14 =	vld [tilespmem:s9+$0x1B0]  }
0x1d0: {  	v13 =	vld [tilespmem:s9+$0x210]  }
0x1d1: {  	v18 =	vld [tilespmem:s9+$0xFFFFFE90];
	v15 =	vadd.f32 v16, v15  }
0x1d2: {  	v16 =	vld [tilespmem:s9+$0x270]  }
0x1d3: {  	[tilespmem:s8+$0x0] =	vst v15;
	v15 =	vld [tilespmem:s9+$0x2D0]  }
0x1d4: {  	v20 =	vld [tilespmem:s9+$0x10]  }
0x1d5: {  	v21 =	vld [tilespmem:s9+$0x70];
	v14 =	vmul.f32 v14, v25;
	v13 =	vmul.f32 v13, v26  }
0x1d6: {  	v17 =	vld [tilespmem:s9+$0xFFFFFD10]  }
0x1d7: {  	v22 =	vld [tilespmem:s9+$0xFFFFFD70];
	v13 =	vadd.f32 v13, v14;
	v14 =	vmul.f32 v16, v27  }
0x1d8: {  	v19 =	vmul.f32 v19, v1;
	v16 =	vld [tilespmem:s9+$0xD0]  }
0x1d9: {  	v18 =	vmul.f32 v18, v2;
	v13 =	vadd.f32 v14, v13;
	v14 =	vmul.f32 v15, v28;
	v15 =	vld [tilespmem:s9+$0xFFFFFDD0]  }
0x1da: {  	v29 =	vld [tilespmem:s9+$0x130];
	v20 =	vmul.f32 v20, v3;
	v21 =	vmul.f32 v21, v4  }
0x1db: {  	v18 =	vadd.f32 v19, v18;
	v13 =	vadd.f32 v14, v13;
	v14 =	vmul.f32 v23, v10  }
0x1dc: {  	v17 =	vmul.f32 v17, v7;
	v19 =	vmul.f32 v22, v5;
	v22 =	vld [tilespmem:s9+$0xFFFFFE30];
	v20 =	vadd.f32 v21, v20  }
0x1dd: {  	[tilespmem:s8+$0x90] =	vst v13;
	v13 =	vmul.f32 v16, v12;
	v14 =	vadd.f32 v14, v18;
	v16 =	vmul.f32 v24, v8  }
0x1de: {  	v17 =	vadd.f32 v19, v17;
	v18 =	vld [tilespmem:s9+$0x1C0];
	v15 =	vmul.f32 v15, v9  }
0x1df: {  	v19 =	vld [tilespmem:s9+$0x220];
	v13 =	vadd.f32 v13, v20;
	v20 =	vmul.f32 v29, v11;
	v14 =	vadd.f32 v16, v14  }
0x1e0: {  	v16 =	vld [tilespmem:s9+$0x280]  }
0x1e1: {  	v15 =	vadd.f32 v15, v17;
	v17 =	vmul.f32 v22, v6;
	v13 =	vadd.f32 v20, v13;
	v20 =	vld [tilespmem:s9+$0x2E0];
	[tilespmem:s8+$0xFFFFFFB0] =	vst v14  }
0x1e2: {  	v14 =	vld [tilespmem:s9+$0xFFFFFEA0]  }
0x1e3: {  	v15 =	vadd.f32 v17, v15;
	[tilespmem:s8+$0x10] =	vst v13;
	v13 =	vld [tilespmem:s9+$0xFFFFFF00]  }
0x1e4: {  	v17 =	vld [tilespmem:s9+$0x20]  }
0x1e5: {  	[tilespmem:s8+$0xFFFFFF50] =	vst v15;
	v15 =	vld [tilespmem:s9+$0x80]  }
0x1e6: {  	v18 =	vmul.f32 v18, v25;
	v19 =	vmul.f32 v19, v26;
	v23 =	vld [tilespmem:s9+$0xE0]  }
0x1e7: {  	v21 =	vld [tilespmem:s9+$0xFFFFFD20]  }
0x1e8: {  	v16 =	vmul.f32 v16, v27;
	v18 =	vadd.f32 v19, v18;
	v19 =	vld [tilespmem:s9+$0xFFFFFF60]  }
0x1e9: {  	v22 =	vld [tilespmem:s9+$0xFFFFFD80]  }
0x1ea: {  	v16 =	vadd.f32 v16, v18;
	v18 =	vmul.f32 v20, v28;
	v20 =	vld [tilespmem:s9+$0xFFFFFFC0]  }
0x1eb: {  	v14 =	vmul.f32 v14, v2;
	v13 =	vmul.f32 v13, v1  }
0x1ec: {  	v16 =	vadd.f32 v18, v16;
	v17 =	vmul.f32 v17, v3;
	v15 =	vmul.f32 v15, v4;
	v18 =	vld [tilespmem:s9+$0x140]  }
0x1ed: {  	s10 =	simm.s32 $0x6C00;
	v24 =	vld [tilespmem:s9+$0xFFFFFDE0];
	v13 =	vadd.f32 v13, v14;
	v19 =	vmul.f32 v19, v10  }
0x1ee: {  	v47 =	vld [tilespmem:s10+$0x240];
	v14 =	vmul.f32 v21, v7;
	v21 =	vmul.f32 v22, v5;
	v15 =	vadd.f32 v15, v17  }
0x1ef: {  	v22 =	vld [tilespmem:s9+$0xFFFFFE40];
	v17 =	vmul.f32 v23, v12;
	[tilespmem:s8+$0xA0] =	vst v16;
	v13 =	vadd.f32 v19, v13;
	v16 =	vmul.f32 v20, v8  }
0x1f0: {  	v50 =	vld [tilespmem:s10+$0x2A0]  }
0x1f1: {  	v52 =	vld [tilespmem:s10+$0xFFFFFE80];
	v15 =	vadd.f32 v17, v15;
	v13 =	vadd.f32 v16, v13;
	v16 =	vmul.f32 v18, v11  }
0x1f2: {  	v55 =	vld [tilespmem:s10+$0xFFFFFEE0];
	v14 =	vadd.f32 v21, v14;
	v17 =	vmul.f32 v24, v9  }
0x1f3: {  	v57 =	vld [tilespmem:s10+$0x0];
	[tilespmem:s8+$0xFFFFFFC0] =	vst v13;
	v13 =	vadd.f32 v16, v15  }
0x1f4: {  	s17 =	simm.s32 $0x1C;
	v58 =	vld [tilespmem:s10+$0x60];
	v14 =	vadd.f32 v17, v14;
	v17 =	vmul.f32 v22, v6  }
0x1f5: {  	v29 =	vld [tilespmem:s9+$0x1D0];
	[tilespmem:s8+$0x20] =	vst v13;
	v13 =	vmov s17  }
0x1f6: {  	v32 =	vld [tilespmem:s9+$0x230];
	v14 =	vadd.f32 v17, v14;
	v13 =	vshrl.u32 v13, $0x3  }
0x1f7: {  	v30 =	vld [tilespmem:s9+$0x290];
	v13 =	vshll.u32 v13, v0  }
0x1f8: {  	v31 =	vld [tilespmem:s9+$0x2F0];
	[tilespmem:s8+$0xFFFFFF60] =	vst v14;
	v14 =	vadd.s32 $0x4, v13  }
0x1f9: {  	v18 =	vld [tilespmem:s10+$0x180];
	v15 =	vadd.s32 $0x5, v13;
	v14 =	vbroadcast v14, $0x0  }
0x1fa: {  	v19 =	vld [tilespmem:s9+$0xFFFFFEB0];
	v15 =	vbroadcast v15, $0x0  }
0x1fb: {  	v20 =	vld [tilespmem:s9+$0xFFFFFF10]  }
0x1fc: {  	s18 =	simm.s32 $0x14;
	v40 =	vld [tilespmem:s9+$0xFFFFFF70];
	v16 =	vadd.s32 $0x6, v13  }
0x1fd: {  	v43 =	vld [tilespmem:s9+$0xFFFFFFD0];
	v17 =	vmov s18;
	v16 =	vbroadcast v16, $0x0  }
0x1fe: {  	s25 =	simm.s32 $0x10;
	v17 =	vshrl.u32 v17, $0x3;
	v24 =	vld [tilespmem:s9+$0x30];
	v13 =	vadd.s32 $0x7, v13  }
0x1ff: {  	s28 =	simm.s32 $0x18;
	v21 =	vmov s25;
	v23 =	vshll.u32 v17, v0;
	v13 =	vbroadcast v13, $0x0;
	v35 =	vld.idx.msk [tilespmem:v14+s21+$0x0], $0xffff  }
0x200: {  	v22 =	vmov s28;
	v17 =	vshrl.u32 v21, $0x3;
	v21 =	vadd.s32 $0x4, v23;
	v36 =	vld.idx.msk [tilespmem:v15+s21+$0x0], $0xffff  }
0x201: {  	v14 =	vshrl.u32 v22, $0x3;
	v15 =	vbroadcast v21, $0x0;
	v21 =	vld [tilespmem:s10+$0x1E0]  }
0x202: {  	v37 =	vld [tilespmem:s9+$0x90];
	v45 =	vshll.u32 v14, v0;
	v14 =	vadd.s32 $0x5, v23  }
0x203: {  	v46 =	vshll.u32 v17, v0;
	v34 =	vld.idx.msk [tilespmem:v16+s21+$0x0], $0xffff;
	v17 =	vadd.s32 $0x1, v45;
	v14 =	vbroadcast v14, $0x0  }
0x204: {  	v41 =	vld [tilespmem:s9+$0xF0];
	v22 =	vbroadcast v17, $0x0  }
0x205: {  	v33 =	vld.idx.msk [tilespmem:v13+s21+$0x0], $0xffff  }
0x206: {  	v44 =	vld [tilespmem:s9+$0x150];
	v13 =	vmul.f32 v18, v35;
	v21 =	vmul.f32 v21, v36  }
0x207: {  	v38 =	vld [tilespmem:s9+$0xFFFFFD30];
	v16 =	vadd.s32 $0x1, v46  }
0x208: {  	v16 =	vbroadcast v16, $0x0;
	v18 =	vld.idx.msk [tilespmem:v15+s21+$0x0], $0xffff;
	v15 =	vadd.f32 v21, v13;
	v21 =	vmul.f32 v47, v34  }
0x209: {  	v17 =	vld.idx.msk [tilespmem:v14+s21+$0x0], $0xffff  }
0x20a: {  	v14 =	vld.idx.msk [tilespmem:v22+s21+$0x0], $0xffff;
	v21 =	vadd.f32 v21, v15;
	v22 =	vmul.f32 v50, v33  }
0x20b: {  	v39 =	vld [tilespmem:s9+$0xFFFFFD90];
	v49 =	vbroadcast v46, $0x0  }
0x20c: {  	v42 =	vld [tilespmem:s9+$0xFFFFFDF0];
	v21 =	vadd.f32 v22, v21  }
0x20d: {  	s11 =	simm.s32 $0xDD40;
	v51 =	vld [tilespmem:s9+$0xFFFFFE50]  }
0x20e: {  	v13 =	vld.idx.msk [tilespmem:v16+s21+$0x0], $0xffff;
	[tilespmem:s11+$0x60] =	vst v21  }
0x20f: {  	v48 =	vbroadcast v45, $0x0;
	v21 =	vld [tilespmem:s10+$0x190]  }
0x210: {  	v53 =	vadd.s32 $0x2, v46;
	v60 =	vld [tilespmem:s10+$0x1F0]  }
0x211: {  	v53 =	vbroadcast v53, $0x0;
	v16 =	vld.idx.msk [tilespmem:v49+s21+$0x0], $0xffff  }
0x212: {  	v22 =	vadd.s32 $0x6, v23;
	v54 =	vld [tilespmem:s10+$0x250]  }
0x213: {  	v46 =	vadd.s32 $0x3, v46;
	v47 =	vld [tilespmem:s10+$0xFFFFFD00];
	v22 =	vbroadcast v22, $0x0  }
0x214: {  	v63 =	vmul.f32 v19, v2;
	v46 =	vbroadcast v46, $0x0;
	v56 =	vld [tilespmem:s10+$0x2B0]  }
0x215: {  	v61 =	vadd.s32 $0x2, v45;
	v15 =	vld.idx.msk [tilespmem:v48+s21+$0x0], $0xffff;
	v21 =	vmul.f32 v21, v35;
	v49 =	vmul.f32 v60, v36  }
0x216: {  	v20 =	vmul.f32 v20, v1;
	v48 =	vld [tilespmem:s10+$0xFFFFFD60];
	v50 =	vbroadcast v61, $0x0;
	v23 =	vadd.s32 $0x7, v23  }
0x217: {  	v59 =	vbroadcast v23, $0x0;
	v23 =	vld.idx.msk [tilespmem:v53+s21+$0x0], $0xffff;
	v54 =	vmul.f32 v54, v34;
	v49 =	vadd.f32 v49, v21  }
0x218: {  	v40 =	vmul.f32 v40, v10;
	v53 =	vld [tilespmem:s10+$0xFFFFFDC0]  }
0x219: {  	v20 =	vadd.f32 v20, v63;
	v22 =	vld.idx.msk [tilespmem:v22+s21+$0x0], $0xffff;
	v62 =	vmul.f32 v56, v33;
	v49 =	vadd.f32 v54, v49  }
0x21a: {  	v56 =	vld [tilespmem:s10+$0xFFFFFF40]  }
0x21b: {  	v60 =	vadd.f32 v40, v20;
	v20 =	vld.idx.msk [tilespmem:v46+s21+$0x0], $0xffff;
	v19 =	vadd.f32 v62, v49  }
0x21c: {  	v24 =	vmul.f32 v24, v3;
	v37 =	vmul.f32 v37, v4;
	v21 =	vld.idx.msk [tilespmem:v50+s21+$0x0], $0xffff  }
0x21d: {  	v38 =	vmul.f32 v38, v7;
	v39 =	vmul.f32 v39, v5;
	v45 =	vadd.s32 $0x3, v45;
	[tilespmem:s11+$0x70] =	vst v19;
	v19 =	vld.idx.msk [tilespmem:v59+s21+$0x0], $0xffff  }
0x21e: {  	v24 =	vadd.f32 v37, v24;
	v45 =	vbroadcast v45, $0x0;
	v61 =	vmul.f32 v41, v12;
	v50 =	vld [tilespmem:s10+$0x1A0]  }
0x21f: {  	v62 =	vmul.f32 v43, v8;
	v59 =	vmul.f32 v42, v9;
	v42 =	vld [tilespmem:s10+$0x200]  }
0x220: {  	v38 =	vadd.f32 v39, v38;
	v40 =	vadd.f32 v61, v24;
	v61 =	vmul.f32 v52, v18;
	v39 =	vld [tilespmem:s10+$0x260]  }
0x221: {  	v54 =	vmul.f32 v47, v16;
	v37 =	vadd.f32 v62, v60;
	v60 =	vmul.f32 v48, v13;
	v62 =	vld [tilespmem:s10+$0x2C0]  }
0x222: {  	v52 =	vmul.f32 v55, v17;
	v43 =	vmul.f32 v44, v11;
	v38 =	vadd.f32 v59, v38;
	v59 =	vld [tilespmem:s10+$0xFFFFFE20]  }
0x223: {  	v63 =	vmul.f32 v51, v6;
	v41 =	vadd.f32 v60, v54;
	v54 =	vld [tilespmem:s10+$0xFFFFFFA0]  }
0x224: {  	v53 =	vmul.f32 v53, v23;
	v24 =	vld.idx.msk [tilespmem:v45+s21+$0x0], $0xffff;
	v45 =	vadd.f32 v52, v61;
	v40 =	vadd.f32 v43, v40  }
0x225: {  	v55 =	vld [tilespmem:s10+$0x120];
	v44 =	vadd.f32 v63, v38;
	v63 =	vmul.f32 v50, v35;
	v42 =	vmul.f32 v42, v36  }
0x226: {  	v49 =	vld [tilespmem:s10+$0xC0];
	[tilespmem:s8+$0xFFFFFFD0] =	vst v37;
	v60 =	vmul.f32 v56, v22;
	v41 =	vadd.f32 v53, v41;
	v39 =	vmul.f32 v39, v34  }
0x227: {  	[tilespmem:s8+$0x30] =	vst v40;
	v37 =	vld [tilespmem:s9+$0xFFFFFEC0];
	v61 =	vmul.f32 v62, v33;
	v59 =	vmul.f32 v59, v20;
	v42 =	vadd.f32 v42, v63  }
0x228: {  	v51 =	vld [tilespmem:s9+$0x40];
	v40 =	vadd.f32 v60, v45;
	v62 =	vmul.f32 v57, v15;
	v50 =	vmul.f32 v54, v19  }
0x229: {  	v38 =	vld [tilespmem:s9+$0xFFFFFF20];
	v63 =	vmul.f32 v58, v14;
	v41 =	vadd.f32 v59, v41;
	v39 =	vadd.f32 v39, v42  }
0x22a: {  	v45 =	vld [tilespmem:s9+$0xA0];
	[tilespmem:s8+$0xFFFFFF70] =	vst v44;
	v40 =	vadd.f32 v50, v40  }
0x22b: {  	v53 =	vmul.f32 v49, v21;
	v52 =	vadd.f32 v63, v62;
	[tilespmem:s11+$0xFFFFFF40] =	vst v41;
	v42 =	vadd.f32 v61, v39;
	v39 =	vld [tilespmem:s9+$0xFFFFFD40]  }
0x22c: {  	[tilespmem:s11+$0xFFFFFFA0] =	vst v40;
	v44 =	vld [tilespmem:s10+$0xFFFFFD10]  }
0x22d: {  	v43 =	vmul.f32 v55, v24;
	v41 =	vadd.f32 v53, v52;
	v46 =	vld [tilespmem:s10+$0xFFFFFE90];
	[tilespmem:s11+$0x80] =	vst v42  }
0x22e: {  	v42 =	vld [tilespmem:s10+$0x1B0]  }
0x22f: {  	v41 =	vadd.f32 v43, v41;
	v54 =	vld [tilespmem:s10+$0x210]  }
0x230: {  	v55 =	vld [tilespmem:s10+$0x270]  }
0x231: {  	v56 =	vld [tilespmem:s10+$0x2D0];
	[tilespmem:s11+$0x0] =	vst v41  }
0x232: {  	v57 =	vld [tilespmem:s10+$0x10]  }
0x233: {  	v58 =	vld [tilespmem:s10+$0x70]  }
0x234: {  	v47 =	vld [tilespmem:s10+$0xFFFFFEF0]  }
0x235: {  	v61 =	vld [tilespmem:s10+$0xD0];
	v42 =	vmul.f32 v42, v35;
	v40 =	vmul.f32 v54, v36  }
0x236: {  	v60 =	vld [tilespmem:s10+$0xFFFFFF50]  }
0x237: {  	v59 =	vmul.f32 v55, v34;
	v41 =	vmul.f32 v56, v33;
	v56 =	vld [tilespmem:s10+$0x130];
	v40 =	vadd.f32 v40, v42  }
0x238: {  	v50 =	vld [tilespmem:s10+$0xFFFFFD70];
	v48 =	vmul.f32 v57, v15;
	v49 =	vmul.f32 v58, v14  }
0x239: {  	v62 =	vld [tilespmem:s10+$0xFFFFFDD0];
	v54 =	vmul.f32 v46, v18;
	v55 =	vmul.f32 v47, v17;
	v40 =	vadd.f32 v59, v40  }
0x23a: {  	v63 =	vld [tilespmem:s10+$0xFFFFFFB0];
	v52 =	vmul.f32 v61, v21;
	v48 =	vadd.f32 v49, v48  }
0x23b: {  	v43 =	vmul.f32 v60, v22;
	v57 =	vld [tilespmem:s10+$0xFFFFFE30];
	v40 =	vadd.f32 v41, v40;
	v41 =	vadd.f32 v55, v54  }
0x23c: {  	v47 =	vmul.f32 v56, v24;
	v48 =	vadd.f32 v52, v48;
	v52 =	vld [tilespmem:s9+$0xFFFFFF80]  }
0x23d: {  	v41 =	vadd.f32 v43, v41;
	v43 =	vld [tilespmem:s9+$0xFFFFFDA0]  }
0x23e: {  	[tilespmem:s11+$0x90] =	vst v40;
	v47 =	vadd.f32 v47, v48;
	v48 =	vld [tilespmem:s9+$0x100]  }
0x23f: {  	v44 =	vmul.f32 v44, v16;
	v50 =	vmul.f32 v50, v13;
	v58 =	vld [tilespmem:s10+$0x1C0]  }
0x240: {  	v59 =	vld [tilespmem:s10+$0x220]  }
0x241: {  	v53 =	vmul.f32 v63, v19;
	v44 =	vadd.f32 v50, v44;
	v42 =	vmul.f32 v62, v23;
	v60 =	vld [tilespmem:s10+$0x280]  }
0x242: {  	v61 =	vld [tilespmem:s10+$0x2E0];
	[tilespmem:s11+$0x10] =	vst v47  }
0x243: {  	v42 =	vadd.f32 v42, v44;
	v40 =	vmul.f32 v57, v20;
	v41 =	vadd.f32 v53, v41;
	v47 =	vld [tilespmem:s10+$0x20]  }
0x244: {  	v56 =	vld [tilespmem:s10+$0x80]  }
0x245: {  	v25 =	vmul.f32 v29, v25;
	v40 =	vadd.f32 v40, v42;
	v29 =	vld [tilespmem:s10+$0xE0];
	[tilespmem:s11+$0xFFFFFFB0] =	vst v41  }
0x246: {  	v53 =	vld [tilespmem:s10+$0xFFFFFEA0];
	v62 =	vmul.f32 v58, v35;
	v63 =	vmul.f32 v59, v36  }
0x247: {  	[tilespmem:s11+$0xFFFFFF50] =	vst v40;
	v54 =	vld [tilespmem:s10+$0xFFFFFF00]  }
0x248: {  	v57 =	vld [tilespmem:s10+$0xFFFFFD20];
	v55 =	vmul.f32 v60, v34;
	v41 =	vadd.f32 v63, v62  }
0x249: {  	v26 =	vmul.f32 v32, v26;
	v58 =	vld [tilespmem:s10+$0xFFFFFD80]  }
0x24a: {  	v44 =	vmul.f32 v61, v33;
	v59 =	vld [tilespmem:s10+$0xFFFFFF60];
	v41 =	vadd.f32 v55, v41  }
0x24b: {  	v25 =	vadd.f32 v26, v25;
	v26 =	vmul.f32 v30, v27;
	v61 =	vld [tilespmem:s10+$0xFFFFFFC0]  }
0x24c: {  	v27 =	vmul.f32 v31, v28;
	v37 =	vmul.f32 v37, v2;
	v62 =	vld [tilespmem:s10+$0xFFFFFDE0];
	v41 =	vadd.f32 v44, v41  }
0x24d: {  	v25 =	vadd.f32 v26, v25;
	v38 =	vmul.f32 v38, v1;
	v30 =	vmul.f32 v53, v18;
	v53 =	vld [tilespmem:s10+$0x140]  }
0x24e: {  	v26 =	vmul.f32 v47, v15;
	v31 =	vmul.f32 v54, v17;
	v55 =	vld [tilespmem:s10+$0xFFFFFE40];
	[tilespmem:s11+$0xA0] =	vst v41  }
0x24f: {  	v25 =	vadd.f32 v27, v25;
	v40 =	vmul.f32 v56, v14;
	v29 =	vmul.f32 v29, v21;
	v60 =	vld [tilespmem:s10+$0x1D0]  }
0x250: {  	v47 =	vmul.f32 v43, v5;
	v27 =	vadd.f32 v31, v30;
	v30 =	vld [tilespmem:s9+$0xFFFFFE00];
	v31 =	vmul.f32 v59, v22  }
0x251: {  	v46 =	vmul.f32 v57, v16;
	v26 =	vadd.f32 v40, v26;
	v63 =	vmul.f32 v58, v13;
	v28 =	vld [tilespmem:s10+$0x230]  }
0x252: {  	v57 =	vmul.f32 v61, v19;
	v61 =	vmul.f32 v51, v3;
	v59 =	vld [tilespmem:s9+$0xFFFFFFE0];
	v27 =	vadd.f32 v31, v27  }
0x253: {  	v26 =	vadd.f32 v29, v26;
	v54 =	vadd.f32 v63, v46;
	v58 =	vmul.f32 v62, v23;
	v56 =	vld [tilespmem:s10+$0x290]  }
0x254: {  	v62 =	vld [tilespmem:s9+$0x160];
	v27 =	vadd.f32 v57, v27;
	v31 =	vmul.f32 v60, v35;
	v60 =	vmul.f32 v53, v24  }
0x255: {  	v37 =	vadd.f32 v38, v37;
	v63 =	vld [tilespmem:s9+$0xFFFFFE60];
	v46 =	vmul.f32 v39, v7;
	v44 =	vmul.f32 v55, v20  }
0x256: {  	v29 =	vld [tilespmem:s10+$0x2F0];
	[tilespmem:s11+$0xFFFFFFC0] =	vst v27;
	v28 =	vmul.f32 v28, v36;
	v36 =	vadd.f32 v58, v54;
	v26 =	vadd.f32 v60, v26  }
0x257: {  	v51 =	vadd.f32 v47, v46;
	v27 =	vmul.f32 v45, v4;
	v49 =	vld [tilespmem:s10+$0xFFFFFEB0];
	v53 =	vmul.f32 v52, v10  }
0x258: {  	v28 =	vadd.f32 v28, v31;
	v31 =	vmul.f32 v56, v34;
	v50 =	vadd.f32 v44, v36;
	[tilespmem:s11+$0x20] =	vst v26;
	v26 =	vld [tilespmem:s10+$0xFFFFFF10]  }
0x259: {  	v55 =	vmul.f32 v48, v12;
	v30 =	vmul.f32 v30, v9;
	v27 =	vadd.f32 v27, v61;
	v54 =	vld [tilespmem:s10+$0x30]  }
0x25a: {  	v57 =	vmul.f32 v59, v8;
	v56 =	vadd.f32 v53, v37;
	v28 =	vadd.f32 v31, v28;
	[tilespmem:s11+$0xFFFFFF60] =	vst v50;
	v31 =	vld [tilespmem:s10+$0x90]  }
0x25b: {  	v30 =	vadd.f32 v30, v51;
	v29 =	vmul.f32 v29, v33;
	v60 =	vmul.f32 v63, v6;
	v58 =	vld [tilespmem:s10+$0xFFFFFD30]  }
0x25c: {  	v27 =	vadd.f32 v55, v27;
	v32 =	vadd.f32 v57, v56;
	v59 =	vld [tilespmem:s10+$0xFFFFFD90]  }
0x25d: {  	[tilespmem:s8+$0xB0] =	vst v25;
	v25 =	vld [tilespmem:s10+$0xFFFFFF70];
	v30 =	vadd.f32 v60, v30;
	v28 =	vadd.f32 v29, v28;
	v29 =	vmul.f32 v62, v11  }
0x25e: {  	v61 =	vmul.f32 v49, v18;
	v34 =	vld [tilespmem:s10+$0x150];
	[tilespmem:s8+$0xFFFFFFE0] =	vst v32;
	v26 =	vmul.f32 v26, v17  }
0x25f: {  	v32 =	vld [tilespmem:s10+$0xFFFFFFD0];
	[tilespmem:s8+$0xFFFFFF80] =	vst v30;
	v27 =	vadd.f32 v29, v27;
	v62 =	vmul.f32 v54, v15;
	v63 =	vmul.f32 v31, v14  }
0x260: {  	s14 =	simm.s32 $0x4;
	[tilespmem:s11+$0xB0] =	vst v28;
	v28 =	vld [tilespmem:s10+$0xF0];
	v35 =	vmul.f32 v58, v16  }
0x261: {  	s12 =	simm.s32 $0xDD40;
	s13 =	simm.s32 $0x6C00;
	s15 =	simm.s32 $0x20;
	v29 =	vld [tilespmem:s10+$0xFFFFFDF0];
	[tilespmem:s8+$0x40] =	vst v27;
	v36 =	vmul.f32 v59, v13;
	v31 =	vadd.f32 v26, v61;
	v30 =	vadd.f32 v63, v62  }
.LBB2_4:
0x262: {  	v26 =	vmov s15;
	s16 =	sadd.s32 $0x4, s15;
	s17 =	sadd.s32 $0x8, s15;
	s18 =	sadd.s32 $0xC, s15;
	v37 =	vld [tilespmem:s10+$0xFFFFFE50];
	v38 =	vmul.f32 v25, v22  }
0x263: {  	v25 =	vmov s16;
	v27 =	vmov s17;
	v33 =	vmov s18;
	v39 =	vld [tilespmem:s9+$0xFFFFFED0]  }
0x264: {  	v25 =	vshrl.u32 v25, $0x3;
	v27 =	vshrl.u32 v27, $0x3;
	v33 =	vshrl.u32 v33, $0x3;
	v40 =	vld [tilespmem:s9+$0xFFFFFF30]  }
0x265: {  	v26 =	vshrl.u32 v26, $0x3;
	v41 =	vshll.u32 v25, v0;
	v25 =	vshll.u32 v33, v0;
	v42 =	vld [tilespmem:s9+$0x50]  }
0x266: {  	v33 =	vshll.u32 v26, v0;
	v27 =	vshll.u32 v27, v0;
	v26 =	vadd.s32 $0x4, v25;
	v43 =	vld [tilespmem:s9+$0xB0]  }
0x267: {  	v44 =	vadd.s32 $0x4, v41;
	v45 =	vadd.s32 $0x5, v25;
	v26 =	vbroadcast v26, $0x0;
	v46 =	vld [tilespmem:s9+$0xFFFFFD50]  }
0x268: {  	s14 =	sadd.s32 $0x4, s14;
	v47 =	vadd.s32 $0x5, v41;
	v48 =	vadd.s32 $0x1, v27;
	v45 =	vbroadcast v45, $0x0;
	v49 =	vld [tilespmem:s9+$0xFFFFFDB0]  }
0x269: {  	p0 =	slt.u32 s14, $0x3C;
	v50 =	vadd.s32 $0x1, v33;
	v51 =	vadd.s32 $0x6, v25;
	v44 =	vbroadcast v44, $0x0;
	v52 =	vld [tilespmem:s9+$0xFFFFFF90]  }
0x26a: {  	v53 =	vadd.s32 $0x6, v41;
	v47 =	vbroadcast v47, $0x0;
	v51 =	vbroadcast v51, $0x0;
	v54 =	vld [tilespmem:s9+$0x110]  }
0x26b: {  	s10 =	sadd.s32 $0x600, s10;
	v25 =	vadd.s32 $0x7, v25;
	v50 =	vbroadcast v50, $0x0;
	v48 =	vbroadcast v48, $0x0;
	v55 =	vld [tilespmem:s9+$0xFFFFFE10]  }
0x26c: {  	v56 =	vbroadcast v27, $0x0;
	v57 =	vadd.s32 $0x2, v27;
	v58 =	vbroadcast v25, $0x0;
	v59 =	vld [tilespmem:s10+$0x180]  }
0x26d: {  	v60 =	vbroadcast v33, $0x0;
	v61 =	vadd.s32 $0x2, v33;
	v53 =	vbroadcast v53, $0x0;
	v25 =	vld.idx.msk [tilespmem:v26+s21+$0x0], $0xffff  }
0x26e: {  	v41 =	vadd.s32 $0x7, v41;
	v61 =	vbroadcast v61, $0x0;
	v57 =	vbroadcast v57, $0x0;
	v26 =	vld.idx.msk [tilespmem:v45+s21+$0x0], $0xffff  }
0x26f: {  	v33 =	vadd.s32 $0x3, v33;
	v27 =	vadd.s32 $0x3, v27;
	v41 =	vbroadcast v41, $0x0;
	v45 =	vld [tilespmem:s10+$0x1E0]  }
0x270: {  	v35 =	vadd.f32 v36, v35;
	v33 =	vbroadcast v33, $0x0;
	v62 =	vbroadcast v27, $0x0;
	v27 =	vld.idx.msk [tilespmem:v51+s21+$0x0], $0xffff  }
0x271: {  	v29 =	vmul.f32 v29, v23;
	v31 =	vadd.f32 v38, v31;
	v38 =	vmul.f32 v28, v21;
	v36 =	vld [tilespmem:s10+$0x240]  }
0x272: {  	v32 =	vmul.f32 v32, v19;
	v34 =	vmul.f32 v34, v24;
	v28 =	vld.idx.msk [tilespmem:v58+s21+$0x0], $0xffff  }
0x273: {  	v29 =	vadd.f32 v29, v35;
	v30 =	vadd.f32 v38, v30;
	v35 =	vmul.f32 v37, v20;
	v51 =	vld [tilespmem:s10+$0x2A0]  }
0x274: {  	v31 =	vadd.f32 v32, v31;
	v38 =	vmul.f32 v59, v25;
	v37 =	vld.idx.msk [tilespmem:v44+s21+$0x0], $0xffff;
	v44 =	vmul.f32 v45, v26  }
0x275: {  	v30 =	vadd.f32 v34, v30;
	v34 =	vmul.f32 v39, v2;
	v29 =	vadd.f32 v35, v29;
	v32 =	vld.idx.msk [tilespmem:v47+s21+$0x0], $0xffff  }
0x276: {  	v2 =	vmov v18;
	v35 =	vld.idx.msk [tilespmem:v48+s21+$0x0], $0xffff;
	v38 =	vadd.f32 v44, v38;
	v36 =	vmul.f32 v36, v27;
	[tilespmem:s11+$0xFFFFFFD0] =	vst v31  }
0x277: {  	v39 =	vmul.f32 v40, v1;
	v1 =	vmov v17;
	v31 =	vld.idx.msk [tilespmem:v50+s21+$0x0], $0xffff;
	[tilespmem:s11+$0x30] =	vst v30;
	v30 =	vmul.f32 v42, v3  }
0x278: {  	v3 =	vmov v15;
	v40 =	vadd.f32 v36, v38;
	v36 =	vmul.f32 v51, v28;
	[tilespmem:s11+$0xFFFFFF70] =	vst v29;
	v15 =	vld.idx.msk [tilespmem:v56+s21+$0x0], $0xffff  }
0x279: {  	v7 =	vmul.f32 v46, v7;
	v42 =	vmul.f32 v43, v4;
	v29 =	vadd.f32 v39, v34;
	v38 =	vld.idx.msk [tilespmem:v60+s21+$0x0], $0xffff  }
0x27a: {  	v43 =	vmul.f32 v52, v10;
	v18 =	vmovc v37;
	v34 =	vld [tilespmem:s10+$0xFFFFFD00];
	v36 =	vadd.f32 v36, v40;
	v40 =	vmul.f32 v49, v5  }
0x27b: {  	v44 =	vmul.f32 v55, v9;
	s11 =	sadd.s32 $0x180, s11;
	v39 =	vadd.f32 v42, v30;
	v42 =	vmul.f32 v54, v12;
	v17 =	vmovc v32;
	v37 =	vld [tilespmem:s10+$0xFFFFFD60]  }
0x27c: {  	v4 =	vmovc v14;
	v30 =	vadd.f32 v43, v29;
	v14 =	vmov v35;
	v32 =	vld [tilespmem:s10+$0xFFFFFE80];
	[tilespmem:s11+$0x60] =	vst v36;
	v36 =	vadd.f32 v40, v7  }
0x27d: {  	v10 =	vmovc v22;
	v5 =	vmovc v13;
	v29 =	vadd.f32 v42, v39;
	v13 =	vmov v31;
	v7 =	vmov v16;
	v35 =	vld [tilespmem:s10+$0x190]  }
0x27e: {  	v9 =	vmov v23;
	v12 =	vmov v21;
	v22 =	vld [tilespmem:s10+$0x1F0];
	v31 =	vadd.f32 v44, v36  }
0x27f: {  	v16 =	vmov v38;
	v21 =	vmul.f32 v34, v38;
	v23 =	vld [tilespmem:s10+$0xFFFFFEE0]  }
0x280: {  	v34 =	vmul.f32 v37, v13;
	v36 =	vld [tilespmem:s10+$0x250]  }
0x281: {  	v32 =	vmul.f32 v32, v18;
	v37 =	vld [tilespmem:s10+$0x0]  }
0x282: {  	v38 =	vadd.f32 v34, v21;
	v34 =	vld [tilespmem:s10+$0x2B0]  }
0x283: {  	v35 =	vmul.f32 v35, v25;
	v39 =	vld [tilespmem:s10+$0x60];
	v40 =	vmul.f32 v22, v26  }
0x284: {  	v22 =	vld.idx.msk [tilespmem:v53+s21+$0x0], $0xffff;
	v42 =	vmul.f32 v23, v17  }
0x285: {  	v21 =	vld.idx.msk [tilespmem:v57+s21+$0x0], $0xffff;
	v35 =	vadd.f32 v40, v35;
	v36 =	vmul.f32 v36, v27  }
0x286: {  	v23 =	vld.idx.msk [tilespmem:v61+s21+$0x0], $0xffff;
	v40 =	vadd.f32 v42, v32;
	v32 =	vmul.f32 v37, v15  }
0x287: {  	v37 =	vld [tilespmem:s10+$0xFFFFFDC0];
	v35 =	vadd.f32 v36, v35;
	v34 =	vmul.f32 v34, v28  }
0x288: {  	v36 =	vld [tilespmem:s10+$0xFFFFFF40];
	v39 =	vmul.f32 v39, v14  }
0x289: {  	v42 =	vld [tilespmem:s10+$0xC0];
	v35 =	vadd.f32 v34, v35  }
0x28a: {  	v34 =	vld.idx.msk [tilespmem:v41+s21+$0x0], $0xffff;
	v39 =	vadd.f32 v39, v32  }
0x28b: {  	v32 =	vld.idx.msk [tilespmem:v62+s21+$0x0], $0xffff;
	[tilespmem:s11+$0x70] =	vst v35  }
0x28c: {  	v35 =	vmul.f32 v37, v23;
	v37 =	vld [tilespmem:s10+$0x1A0]  }
0x28d: {  	v36 =	vmul.f32 v36, v22;
	v41 =	vld [tilespmem:s10+$0x200]  }
0x28e: {  	v33 =	vld.idx.msk [tilespmem:v33+s21+$0x0], $0xffff;
	v35 =	vadd.f32 v35, v38;
	v38 =	vmul.f32 v42, v21  }
0x28f: {  	v36 =	vadd.f32 v36, v40;
	v40 =	vld [tilespmem:s10+$0x260]  }
0x290: {  	v42 =	vld [tilespmem:s10+$0xFFFFFE20];
	v38 =	vadd.f32 v38, v39  }
0x291: {  	v39 =	vld [tilespmem:s10+$0x2C0]  }
0x292: {  	v37 =	vmul.f32 v37, v25;
	v43 =	vld [tilespmem:s10+$0xFFFFFFA0];
	v41 =	vmul.f32 v41, v26  }
0x293: {  	v44 =	vld [tilespmem:s10+$0x120]  }
0x294: {  	v37 =	vadd.f32 v41, v37;
	v40 =	vmul.f32 v40, v27;
	v41 =	vld [tilespmem:s13+$0xFFFFFEC0]  }
0x295: {  	v42 =	vmul.f32 v42, v33;
	v45 =	vld [tilespmem:s13+$0xFFFFFF20]  }
0x296: {  	v37 =	vadd.f32 v40, v37;
	v39 =	vmul.f32 v39, v28;
	v40 =	vld [tilespmem:s13+$0x40]  }
0x297: {  	v35 =	vadd.f32 v42, v35;
	v42 =	vmul.f32 v43, v34;
	v43 =	vld [tilespmem:s13+$0xA0]  }
0x298: {  	v44 =	vmul.f32 v44, v32;
	v37 =	vadd.f32 v39, v37;
	v39 =	vld [tilespmem:s13+$0xFFFFFD40]  }
0x299: {  	[tilespmem:s11+$0xFFFFFF40] =	vst v35;
	v35 =	vadd.f32 v42, v36;
	v36 =	vld [tilespmem:s13+$0xFFFFFDA0];
	v41 =	vmul.f32 v41, v2  }
0x29a: {  	v42 =	vld [tilespmem:s10+$0xFFFFFD10];
	v38 =	vadd.f32 v44, v38;
	[tilespmem:s11+$0x80] =	vst v37;
	v37 =	vmul.f32 v45, v1  }
0x29b: {  	[tilespmem:s11+$0xFFFFFFA0] =	vst v35;
	v35 =	vld [tilespmem:s10+$0x1B0];
	v40 =	vmul.f32 v40, v3  }
0x29c: {  	[tilespmem:s11+$0x0] =	vst v38;
	v38 =	vld [tilespmem:s10+$0x210];
	v37 =	vadd.f32 v37, v41;
	v41 =	vmul.f32 v43, v4  }
0x29d: {  	v43 =	vld [tilespmem:s10+$0xFFFFFE90];
	v39 =	vmul.f32 v39, v7  }
0x29e: {  	v44 =	vld [tilespmem:s10+$0x270];
	v36 =	vmul.f32 v36, v5;
	v40 =	vadd.f32 v41, v40  }
0x29f: {  	v41 =	vmul.f32 v42, v16;
	v42 =	vld [tilespmem:s10+$0xFFFFFEF0]  }
0x2a0: {  	v45 =	vld [tilespmem:s10+$0x2D0];
	v36 =	vadd.f32 v36, v39  }
0x2a1: {  	v35 =	vmul.f32 v35, v25;
	v39 =	vld [tilespmem:s10+$0x10];
	v38 =	vmul.f32 v38, v26  }
0x2a2: {  	v43 =	vmul.f32 v43, v18;
	v46 =	vld [tilespmem:s10+$0x70]  }
0x2a3: {  	v47 =	vld [tilespmem:s10+$0xFFFFFD70];
	v35 =	vadd.f32 v38, v35;
	v38 =	vmul.f32 v44, v27  }
0x2a4: {  	v42 =	vmul.f32 v42, v17;
	v44 =	vld [tilespmem:s10+$0xFFFFFF50]  }
0x2a5: {  	v48 =	vld [tilespmem:s10+$0xD0];
	v35 =	vadd.f32 v38, v35;
	v38 =	vmul.f32 v45, v28  }
0x2a6: {  	v45 =	vld [tilespmem:s10+$0xFFFFFDD0];
	v42 =	vadd.f32 v42, v43;
	v39 =	vmul.f32 v39, v15  }
0x2a7: {  	v43 =	vld [tilespmem:s10+$0xFFFFFFB0];
	v46 =	vmul.f32 v46, v14;
	v35 =	vadd.f32 v38, v35  }
0x2a8: {  	v38 =	vmul.f32 v47, v13;
	v47 =	vld [tilespmem:s10+$0x130]  }
0x2a9: {  	v49 =	vld [tilespmem:s10+$0xFFFFFE30];
	v44 =	vmul.f32 v44, v22;
	v39 =	vadd.f32 v46, v39;
	[tilespmem:s11+$0x90] =	vst v35  }
0x2aa: {  	v35 =	vadd.f32 v38, v41;
	v38 =	vmul.f32 v48, v21;
	v41 =	vld [tilespmem:s10+$0x1C0]  }
0x2ab: {  	v45 =	vmul.f32 v45, v23;
	v42 =	vadd.f32 v44, v42;
	v44 =	vld [tilespmem:s10+$0x220]  }
0x2ac: {  	v43 =	vmul.f32 v43, v34;
	v38 =	vadd.f32 v38, v39;
	v39 =	vld [tilespmem:s13+$0xFFFFFF80]  }
0x2ad: {  	v35 =	vadd.f32 v45, v35;
	v45 =	vmul.f32 v47, v32;
	v46 =	vld [tilespmem:s10+$0x280]  }
0x2ae: {  	v47 =	vmul.f32 v49, v33;
	v42 =	vadd.f32 v43, v42;
	v43 =	vld [tilespmem:s13+$0x100]  }
0x2af: {  	v38 =	vadd.f32 v45, v38;
	v45 =	vld [tilespmem:s10+$0x2E0]  }
0x2b0: {  	v41 =	vmul.f32 v41, v25;
	v35 =	vadd.f32 v47, v35;
	[tilespmem:s11+$0xFFFFFFB0] =	vst v42;
	v42 =	vmul.f32 v44, v26;
	v44 =	vld [tilespmem:s13+$0xFFFFFE00]  }
0x2b1: {  	v47 =	vld [tilespmem:s10+$0xFFFFFEA0];
	[tilespmem:s11+$0x10] =	vst v38;
	v38 =	vmul.f32 v39, v10  }
0x2b2: {  	[tilespmem:s11+$0xFFFFFF50] =	vst v35;
	v35 =	vld [tilespmem:s10+$0xFFFFFF00];
	v39 =	vadd.f32 v42, v41;
	v41 =	vmul.f32 v46, v27  }
0x2b3: {  	v42 =	vld [tilespmem:s10+$0x20];
	v37 =	vadd.f32 v38, v37;
	v38 =	vmul.f32 v43, v12  }
0x2b4: {  	v43 =	vld [tilespmem:s10+$0x80];
	v39 =	vadd.f32 v41, v39;
	v41 =	vmul.f32 v45, v28  }
0x2b5: {  	v45 =	vld [tilespmem:s10+$0xFFFFFD20];
	v44 =	vmul.f32 v44, v9;
	v38 =	vadd.f32 v38, v40  }
0x2b6: {  	v40 =	vld [tilespmem:s10+$0xFFFFFD80];
	v46 =	vmul.f32 v47, v18;
	v39 =	vadd.f32 v41, v39  }
0x2b7: {  	v35 =	vmul.f32 v35, v17;
	v41 =	vld [tilespmem:s10+$0xFFFFFF60];
	v36 =	vadd.f32 v44, v36  }
0x2b8: {  	v42 =	vmul.f32 v42, v15;
	v44 =	vld [tilespmem:s10+$0xE0];
	[tilespmem:s11+$0xA0] =	vst v39  }
0x2b9: {  	v35 =	vadd.f32 v35, v46;
	v39 =	vmul.f32 v43, v14;
	v43 =	vld [tilespmem:s10+$0x1D0]  }
0x2ba: {  	v45 =	vmul.f32 v45, v16;
	v46 =	vld [tilespmem:s10+$0x230]  }
0x2bb: {  	v40 =	vmul.f32 v40, v13;
	v47 =	vld [tilespmem:s10+$0xFFFFFDE0];
	v39 =	vadd.f32 v39, v42  }
0x2bc: {  	v41 =	vmul.f32 v41, v22;
	v42 =	vld [tilespmem:s10+$0x290]  }
0x2bd: {  	v40 =	vadd.f32 v40, v45;
	v45 =	vld [tilespmem:s10+$0xFFFFFFC0];
	v44 =	vmul.f32 v44, v21  }
0x2be: {  	v35 =	vadd.f32 v41, v35;
	v41 =	vld [tilespmem:s10+$0x2F0]  }
0x2bf: {  	v25 =	vmul.f32 v43, v25;
	v39 =	vadd.f32 v44, v39;
	v44 =	vld [tilespmem:s10+$0x140];
	v26 =	vmul.f32 v46, v26  }
0x2c0: {  	v43 =	vmul.f32 v47, v23;
	v46 =	vld [tilespmem:s10+$0xFFFFFE40]  }
0x2c1: {  	v25 =	vadd.f32 v26, v25;
	v26 =	vmul.f32 v42, v27;
	v27 =	vld [tilespmem:s13+$0xFFFFFFE0]  }
0x2c2: {  	v40 =	vadd.f32 v43, v40;
	v42 =	vmul.f32 v45, v34;
	v43 =	vld [tilespmem:s13+$0x160]  }
0x2c3: {  	v25 =	vadd.f32 v26, v25;
	v26 =	vmul.f32 v41, v28;
	v28 =	vld [tilespmem:s13+$0xFFFFFE60]  }
0x2c4: {  	v35 =	vadd.f32 v42, v35;
	v41 =	vmul.f32 v44, v32;
	v42 =	vld [tilespmem:s9+$0xFFFFFFF0]  }
0x2c5: {  	v44 =	vmul.f32 v46, v33;
	v25 =	vadd.f32 v26, v25;
	v26 =	vld [tilespmem:s9+$0x170]  }
0x2c6: {  	[tilespmem:s11+$0xFFFFFFC0] =	vst v35;
	v35 =	vadd.f32 v41, v39;
	v27 =	vmul.f32 v27, v19;
	v39 =	vld [tilespmem:s9+$0xFFFFFE70];
	s9 =	smov.u32 s13;
	s13 =	smov.u32 s10  }
0x2c7: {  	v40 =	vadd.f32 v44, v40;
	v41 =	vld [tilespmem:s10+$0xFFFFFEB0];
	[tilespmem:s11+$0xB0] =	vst v25;
	v25 =	vmul.f32 v43, v24  }
0x2c8: {  	v43 =	vld [tilespmem:s10+$0xFFFFFF10];
	[tilespmem:s11+$0x20] =	vst v35;
	v28 =	vmul.f32 v28, v20;
	v27 =	vadd.f32 v27, v37  }
0x2c9: {  	[tilespmem:s11+$0xFFFFFF60] =	vst v40;
	v35 =	vld [tilespmem:s10+$0x30];
	v25 =	vadd.f32 v25, v38;
	v37 =	vmul.f32 v42, v8;
	v8 =	vmovc v19;
	v19 =	vmov v34  }
0x2ca: {  	v34 =	vld [tilespmem:s10+$0x90];
	v28 =	vadd.f32 v28, v36;
	[tilespmem:s12+$0xFFFFFFE0] =	vst v27;
	v26 =	vmul.f32 v26, v11;
	v11 =	vmovc v24;
	v24 =	vmov v32  }
0x2cb: {  	v27 =	vld [tilespmem:s10+$0xFFFFFD30];
	[tilespmem:s12+$0x40] =	vst v25;
	v32 =	vmul.f32 v39, v6;
	v30 =	vadd.f32 v37, v30;
	v6 =	vmovc v20;
	v20 =	vmov v33  }
0x2cc: {  	v33 =	vld [tilespmem:s10+$0xFFFFFD90];
	v36 =	vmul.f32 v41, v18;
	[tilespmem:s12+$0xFFFFFF80] =	vst v28;
	v26 =	vadd.f32 v26, v29  }
.Ltmp1:
0x2cd: {  	v37 =	vmul.f32 v43, v17;
	v25 =	vld [tilespmem:s10+$0xFFFFFF70];
	v32 =	vadd.f32 v32, v31;
	[tilespmem:s8+$0xFFFFFFF0] =	vst v30;
	(pc) =	sbr.rel @p0 .LBB2_4-.Ltmp1, $4  }
0x2ce: {  	v30 =	vmul.f32 v35, v15;
	v28 =	vld [tilespmem:s10+$0xF0];
	[tilespmem:s8+$0x50] =	vst v26  }
0x2cf: {  	v29 =	vld [tilespmem:s10+$0xFFFFFDF0];
	v31 =	vadd.f32 v37, v36;
	v26 =	vmul.f32 v34, v14;
	[tilespmem:s8+$0xFFFFFF90] =	vst v32;
	s8 =	smov.u32 s12;
	s12 =	smov.u32 s11  }
0x2d0: {  	v35 =	vmul.f32 v27, v16;
	v32 =	vld [tilespmem:s10+$0xFFFFFFD0]  }
0x2d1: {  	s15 =	sadd.s32 $0x10, s15;
	v36 =	vmul.f32 v33, v13;
	v30 =	vadd.f32 v26, v30;
	v34 =	vld [tilespmem:s10+$0x150]  }
0x2d2: {  	v26 =	vld [tilespmem:s10+$0xFFFFFE50]  }
0x2d3: {  	v27 =	vld [tilespmem:s9+$0xFFFFFED0]  }
0x2d4: {  	v25 =	vmul.f32 v25, v22;
	v33 =	vld [tilespmem:s9+$0xFFFFFF30]  }
0x2d5: {  	v45 =	vld [tilespmem:s9+$0xFFFFFD50]  }
0x2d6: {  	v46 =	vld [tilespmem:s9+$0xFFFFFDB0];
	v25 =	vadd.f32 v25, v31;
	v44 =	vmul.f32 v32, v19  }
0x2d7: {  	v42 =	vld [tilespmem:s9+$0xFFFFFF90]  }
0x2d8: {  	v54 =	vld [tilespmem:s9+$0x110];
	v28 =	vmul.f32 v28, v21;
	v25 =	vadd.f32 v44, v25  }
0x2d9: {  	v57 =	vld [tilespmem:s9+$0xFFFFFE10]  }
0x2da: {  	v59 =	vld [tilespmem:s9+$0xFFFFFFF0];
	v28 =	vadd.f32 v28, v30;
	v34 =	vmul.f32 v34, v24;
	[tilespmem:s11+$0xFFFFFFD0] =	vst v25  }
0x2db: {  	v35 =	vadd.f32 v36, v35;
	v29 =	vmul.f32 v29, v23;
	v25 =	vld [tilespmem:s13+$0xFFFFFEC0]  }
0x2dc: {  	v28 =	vadd.f32 v34, v28;
	v47 =	vld [tilespmem:s13+$0xFFFFFF20]  }
0x2dd: {  	v29 =	vadd.f32 v29, v35;
	v26 =	vmul.f32 v26, v20;
	v37 =	vld [tilespmem:s13+$0xFFFFFF80]  }
0x2de: {  	[tilespmem:s11+$0x30] =	vst v28;
	v39 =	vld [tilespmem:s13+$0xFFFFFFE0]  }
0x2df: {  	v26 =	vadd.f32 v26, v29;
	v48 =	vld [tilespmem:s13+$0x40]  }
0x2e0: {  	v49 =	vld [tilespmem:s13+$0xA0]  }
0x2e1: {  	[tilespmem:s11+$0xFFFFFF70] =	vst v26;
	v38 =	vld [tilespmem:s13+$0x100]  }
0x2e2: {  	v50 =	vld [tilespmem:s13+$0xFFFFFD40];
	v25 =	vmul.f32 v25, v18;
	v28 =	vmul.f32 v47, v17  }
0x2e3: {  	v51 =	vld [tilespmem:s13+$0xFFFFFDA0]  }
0x2e4: {  	v41 =	vld [tilespmem:s13+$0x160];
	v52 =	vmul.f32 v37, v22;
	v25 =	vadd.f32 v28, v25  }
0x2e5: {  	v40 =	vld [tilespmem:s13+$0xFFFFFE00];
	v56 =	vmul.f32 v39, v19  }
0x2e6: {  	v61 =	vld [tilespmem:s9+$0x170];
	v29 =	vmul.f32 v48, v15;
	v26 =	vmul.f32 v49, v14;
	v25 =	vadd.f32 v52, v25  }
0x2e7: {  	v53 =	vld [tilespmem:s13+$0xFFFFFE60];
	v55 =	vmul.f32 v38, v21;
	v34 =	vmul.f32 v50, v16  }
0x2e8: {  	v62 =	vld [tilespmem:s9+$0xFFFFFE70];
	v35 =	vmul.f32 v51, v13;
	v26 =	vadd.f32 v26, v29;
	v25 =	vadd.f32 v56, v25  }
0x2e9: {  	v36 =	vld [tilespmem:s9+$0xB0];
	v60 =	vmul.f32 v41, v24  }
0x2ea: {  	v32 =	vld [tilespmem:s9+$0x50];
	v58 =	vmul.f32 v40, v23;
	v34 =	vadd.f32 v35, v34;
	v26 =	vadd.f32 v55, v26;
	[tilespmem:s12+$0xFFFFFFE0] =	vst v25  }
0x2eb: {  	v2 =	vmul.f32 v27, v2;
	v25 =	vld [tilespmem:s13+$0xFFFFFED0]  }
0x2ec: {  	v29 =	vmul.f32 v53, v20;
	v34 =	vadd.f32 v58, v34;
	v26 =	vadd.f32 v60, v26;
	v63 =	vld [tilespmem:s13+$0xFFFFFF30]  }
0x2ed: {  	v1 =	vmul.f32 v33, v1;
	v7 =	vmul.f32 v45, v7;
	v45 =	vld [tilespmem:s13+$0xFFFFFF90]  }
0x2ee: {  	v29 =	vadd.f32 v29, v34;
	[tilespmem:s12+$0x40] =	vst v26;
	v51 =	vld [tilespmem:s13+$0xFFFFFFF0]  }
0x2ef: {  	v1 =	vadd.f32 v1, v2;
	v2 =	vmul.f32 v46, v5;
	v34 =	vld [tilespmem:s13+$0x50]  }
0x2f0: {  	v4 =	vmul.f32 v36, v4;
	v3 =	vmul.f32 v32, v3;
	[tilespmem:s12+$0xFFFFFF80] =	vst v29;
	v40 =	vld [tilespmem:s13+$0xB0]  }
0x2f1: {  	v42 =	vmul.f32 v42, v10;
	v9 =	vmul.f32 v57, v9;
	v2 =	vadd.f32 v2, v7;
	v41 =	vld [tilespmem:s13+$0xFFFFFD50]  }
0x2f2: {  	v44 =	vmul.f32 v54, v12;
	v6 =	vmul.f32 v62, v6;
	v3 =	vadd.f32 v4, v3;
	v43 =	vld [tilespmem:s13+$0xFFFFFDB0]  }
0x2f3: {  	v1 =	vadd.f32 v42, v1;
	v2 =	vadd.f32 v9, v2;
	v47 =	vmul.f32 v59, v8;
	v46 =	vld [tilespmem:s13+$0x110]  }
0x2f4: {  	v3 =	vadd.f32 v44, v3;
	v48 =	vmul.f32 v61, v11;
	v49 =	vld [tilespmem:s13+$0xFFFFFE10];
	v50 =	vmul.f32 v25, v18  }
0x2f5: {  	v1 =	vadd.f32 v47, v1;
	v54 =	vld [tilespmem:s13+$0x170];
	v52 =	vmul.f32 v63, v17;
	v59 =	vmul.f32 v45, v22  }
0x2f6: {  	v3 =	vadd.f32 v48, v3;
	v57 =	vld [tilespmem:s13+$0xFFFFFE70];
	v53 =	vmul.f32 v34, v15;
	v56 =	vmul.f32 v40, v14  }
0x2f7: {  	v55 =	vmul.f32 v41, v16;
	v4 =	vadd.f32 v52, v50;
	v58 =	vmul.f32 v43, v13  }
0x2f8: {  	v61 =	vmul.f32 v51, v19;
	v5 =	vmul.f32 v46, v21;
	v60 =	vadd.f32 v56, v53  }
0x2f9: {  	v8 =	vmul.f32 v49, v23;
	v7 =	vadd.f32 v58, v55;
	v4 =	vadd.f32 v59, v4  }
0x2fa: {  	v2 =	vadd.f32 v6, v2;
	[tilespmem:s8+$0xFFFFFFF0] =	vst v1;
	v62 =	vmul.f32 v54, v24;
	v1 =	vadd.f32 v5, v60  }
0x2fb: {  	[tilespmem:s8+$0x50] =	vst v3;
	v63 =	vmul.f32 v57, v20;
	v3 =	vadd.f32 v8, v7;
	v4 =	vadd.f32 v61, v4  }
0x2fc: {  	[tilespmem:s8+$0xFFFFFF90] =	vst v2;
	v1 =	vadd.f32 v62, v1  }
0x2fd: {  	v2 =	vadd.f32 v63, v3;
	[tilespmem:s12+$0xFFFFFFF0] =	vst v4  }
0x2fe: {  	[tilespmem:s12+$0x50] =	vst v1  }
0x2ff: {  	[tilespmem:s12+$0xFFFFFF90] =	vst v2  }
0x300: {  	s8 =	simm.s32 $0x0;
	s3 =	rddreg [dreg:$0x9]  }
0x301: {  	[hbm4b:s3+s8] =	stream.linear.scatter [tilespmem:s30], [sflag:$0x6], $0x1800, $0x38;
	[tilespmem:$0xF300] =	vst v63  }
0x302: {  	s25 =	rddreg [dreg:$0xa]  }
0x303: {  	[tilespmem:s20], [sflag:$0x2] =	stream.linear.gather [hbm4b:s25+s8], $0x80, $0x38;
	[tilespmem:$0xF300] =	vst v63  }
0x304: {  	s9 =	simm.s32 $0x0;
	s28 =	rddreg [dreg:$0xb]  }
0x305: {  	[tilespmem:s21], [sflag:$0x2] =	stream.linear.gather [hbm4b:s28+s8], $0x100, $0x38;
	[tilespmem:$0xF300] =	vst v63  }
.LBB2_6:
0x306: {  	_ =	swait.ge [sflag:s24], $0x80  }
0x307: {  	[sflag:s24] =	ssyncset.done $0x0  }
0x308: {  	[sflag:s24] =	ssyncadd.s32 $0xFFFFFF80  }
0x309: {  	s10 =	simm.s32 $0xC;
	_ =	swait.ge [sflag:s24], $0x100  }
0x30a: {  	v1 =	vmov s10;
	[sflag:s24] =	ssyncset.done $0x0  }
0x30b: {  	s3 =	simm.s32 $0x6300;
	v1 =	vshrl.u32 v1, $0x3;
	[sflag:s24] =	ssyncadd.s32 $0xFFFFFF00  }
0x30c: {  	v1 =	vshll.u32 v1, v0;
	[tilespmem:s3], [sflag:$0x4] =	stream.indirect.gather [hbm4b:s5+s20], $0xC0, s20, s20, $0xb8;
	[tilespmem:$0xF300] =	vst v63  }
0x30d: {  	v2 =	vadd.s32 $0x4, v1;
	_ =	swait.ge [sflag:s26], $0x6000  }
0x30e: {  	v3 =	vadd.s32 $0x5, v1;
	v2 =	vbroadcast v2, $0x0;
	[sflag:s26] =	ssyncset.done $0x0  }
0x30f: {  	v3 =	vbroadcast v3, $0x0;
	[sflag:s26] =	ssyncadd.s32 $0xFFFFA000  }
0x310: {  	v4 =	vadd.s32 $0x6, v1;
	_ =	swait.ge [sflag:s31], $0x1800  }
0x311: {  	v4 =	vbroadcast v4, $0x0;
	[sflag:s31] =	ssyncset.done $0x0  }
0x312: {  	s11 =	simm.s32 $0x600;
	v1 =	vadd.s32 $0x7, v1;
	[sflag:s31] =	ssyncadd.s32 $0xFFFFE800  }
0x313: {  	v1 =	vbroadcast v1, $0x0;
	v5 =	vld [tilespmem:s11+$0x180]  }
0x314: {  	s18 =	simm.s32 $0x4;
	v25 =	vld.idx.msk [tilespmem:v2+s19+$0x0], $0xffff  }
0x315: {  	s12 =	simm.s32 $0x8;
	v2 =	vmov s18;
	v26 =	vld.idx.msk [tilespmem:v3+s19+$0x0], $0xffff  }
0x316: {  	v3 =	vmov s12;
	v6 =	vld [tilespmem:s11+$0x1E0];
	v2 =	vshrl.u32 v2, $0x3  }
0x317: {  	v7 =	vmov s8;
	v27 =	vld.idx.msk [tilespmem:v4+s19+$0x0], $0xffff;
	v3 =	vshrl.u32 v3, $0x3;
	v8 =	vshll.u32 v2, v0  }
0x318: {  	v4 =	vld [tilespmem:s11+$0x240];
	v2 =	vshrl.u32 v7, $0x3;
	v11 =	vshll.u32 v3, v0;
	v3 =	vadd.s32 $0x4, v8  }
0x319: {  	v28 =	vld.idx.msk [tilespmem:v1+s19+$0x0], $0xffff;
	v7 =	vadd.s32 $0x5, v8;
	v9 =	vadd.s32 $0x1, v11;
	v3 =	vbroadcast v3, $0x0  }
0x31a: {  	v10 =	vshll.u32 v2, v0;
	v1 =	vbroadcast v7, $0x0;
	v7 =	vbroadcast v9, $0x0;
	v9 =	vld [tilespmem:s11+$0x2A0]  }
0x31b: {  	v2 =	vadd.s32 $0x1, v10;
	v5 =	vmul.f32 v5, v25;
	v6 =	vmul.f32 v6, v26  }
0x31c: {  	v12 =	vbroadcast v2, $0x0  }
0x31d: {  	v13 =	vbroadcast v11, $0x0;
	v4 =	vmul.f32 v4, v27;
	v5 =	vadd.f32 v6, v5  }
0x31e: {  	v15 =	vld [tilespmem:s11+$0xFFFFFD00]  }
0x31f: {  	v2 =	vld.idx.msk [tilespmem:v3+s19+$0x0], $0xffff;
	v3 =	vadd.f32 v4, v5;
	v5 =	vmul.f32 v9, v28  }
0x320: {  	v17 =	vld [tilespmem:s11+$0xFFFFFD60];
	v6 =	vbroadcast v10, $0x0  }
0x321: {  	v4 =	vld.idx.msk [tilespmem:v7+s19+$0x0], $0xffff;
	v7 =	vadd.f32 v5, v3  }
0x322: {  	s10 =	simm.s32 $0xC3C0;
	v5 =	vld.idx.msk [tilespmem:v12+s19+$0x0], $0xffff  }
0x323: {  	v3 =	vld.idx.msk [tilespmem:v13+s19+$0x0], $0xffff;
	[tilespmem:s10+$0x60] =	vst v7  }
0x324: {  	v9 =	vld [tilespmem:s11+$0x190]  }
0x325: {  	v12 =	vld [tilespmem:s11+$0x1F0]  }
0x326: {  	v7 =	vld.idx.msk [tilespmem:v6+s19+$0x0], $0xffff  }
0x327: {  	v13 =	vadd.s32 $0x6, v8;
	v8 =	vadd.s32 $0x7, v8;
	v6 =	vld [tilespmem:s11+$0x250]  }
0x328: {  	v18 =	vld [tilespmem:s11+$0xFFFFFE80];
	v8 =	vbroadcast v8, $0x0  }
0x329: {  	v13 =	vbroadcast v13, $0x0;
	v16 =	vld [tilespmem:s11+$0x2B0]  }
0x32a: {  	v19 =	vld [tilespmem:s11+$0xFFFFFEE0];
	v14 =	vadd.s32 $0x2, v10;
	v9 =	vmul.f32 v9, v25;
	v12 =	vmul.f32 v12, v26  }
0x32b: {  	v20 =	vld [tilespmem:s11+$0x0];
	v14 =	vbroadcast v14, $0x0  }
0x32c: {  	v30 =	vld [tilespmem:s11+$0xFFFFFFA0];
	v6 =	vmul.f32 v6, v27;
	v9 =	vadd.f32 v12, v9  }
0x32d: {  	v1 =	vld.idx.msk [tilespmem:v1+s19+$0x0], $0xffff  }
0x32e: {  	v10 =	vadd.s32 $0x3, v10;
	v8 =	vld.idx.msk [tilespmem:v8+s19+$0x0], $0xffff;
	v12 =	vmul.f32 v16, v28;
	v6 =	vadd.f32 v6, v9  }
0x32f: {  	v16 =	vbroadcast v10, $0x0;
	v10 =	vld.idx.msk [tilespmem:v13+s19+$0x0], $0xffff  }
0x330: {  	v13 =	vld [tilespmem:s11+$0xFFFFFF40];
	v6 =	vadd.f32 v12, v6  }
0x331: {  	v9 =	vld.idx.msk [tilespmem:v14+s19+$0x0], $0xffff  }
0x332: {  	v12 =	vld [tilespmem:s11+$0xFFFFFDC0];
	[tilespmem:s10+$0x70] =	vst v6  }
0x333: {  	v14 =	vld [tilespmem:s11+$0x1A0]  }
0x334: {  	v17 =	vmul.f32 v17, v5;
	v15 =	vmul.f32 v15, v7;
	v6 =	vadd.s32 $0x2, v11;
	v22 =	vld [tilespmem:s11+$0x200]  }
0x335: {  	v18 =	vmul.f32 v18, v2;
	v11 =	vadd.s32 $0x3, v11;
	v23 =	vbroadcast v6, $0x0;
	v6 =	vld.idx.msk [tilespmem:v16+s19+$0x0], $0xffff  }
0x336: {  	v15 =	vadd.f32 v17, v15;
	v17 =	vmul.f32 v19, v1;
	v16 =	vld [tilespmem:s11+$0x260];
	v11 =	vbroadcast v11, $0x0  }
0x337: {  	v24 =	vld [tilespmem:s11+$0xFFFFFE20]  }
0x338: {  	v17 =	vadd.f32 v17, v18;
	v13 =	vmul.f32 v13, v10;
	v29 =	vld [tilespmem:s11+$0x2C0]  }
0x339: {  	v21 =	vld [tilespmem:s11+$0x60];
	v14 =	vmul.f32 v14, v25;
	v22 =	vmul.f32 v22, v26  }
0x33a: {  	v18 =	vld [tilespmem:s11+$0xC0];
	v13 =	vadd.f32 v13, v17;
	v17 =	vmul.f32 v30, v8;
	v19 =	vmul.f32 v12, v9  }
0x33b: {  	v16 =	vmul.f32 v16, v27;
	v12 =	vld.idx.msk [tilespmem:v23+s19+$0x0], $0xffff;
	v14 =	vadd.f32 v22, v14  }
0x33c: {  	v13 =	vadd.f32 v17, v13;
	v15 =	vadd.f32 v19, v15;
	v19 =	vmul.f32 v24, v6;
	v11 =	vld.idx.msk [tilespmem:v11+s19+$0x0], $0xffff  }
0x33d: {  	v22 =	vld [tilespmem:s11+$0x120];
	v14 =	vadd.f32 v16, v14;
	v16 =	vmul.f32 v29, v28  }
0x33e: {  	v21 =	vmul.f32 v21, v4;
	v20 =	vmul.f32 v20, v3;
	[tilespmem:s10+$0xFFFFFFA0] =	vst v13;
	v15 =	vadd.f32 v19, v15  }
0x33f: {  	v24 =	vld [tilespmem:s11+$0xFFFFFFB0];
	v14 =	vadd.f32 v16, v14  }
0x340: {  	v23 =	vld [tilespmem:s11+$0xFFFFFF50];
	[tilespmem:s10+$0xFFFFFF40] =	vst v15;
	v15 =	vadd.f32 v21, v20;
	v16 =	vmul.f32 v18, v12  }
0x341: {  	v19 =	vld [tilespmem:s11+$0xFFFFFEF0];
	[tilespmem:s10+$0x80] =	vst v14  }
0x342: {  	v15 =	vadd.f32 v16, v15;
	v16 =	vmul.f32 v22, v11;
	v14 =	vld [tilespmem:s11+$0x1B0]  }
0x343: {  	v13 =	vld [tilespmem:s11+$0x210]  }
0x344: {  	v18 =	vld [tilespmem:s11+$0xFFFFFE90];
	v15 =	vadd.f32 v16, v15  }
0x345: {  	v16 =	vld [tilespmem:s11+$0x270]  }
0x346: {  	[tilespmem:s10+$0x0] =	vst v15;
	v15 =	vld [tilespmem:s11+$0x2D0]  }
0x347: {  	v20 =	vld [tilespmem:s11+$0x10]  }
0x348: {  	v21 =	vld [tilespmem:s11+$0x70];
	v14 =	vmul.f32 v14, v25;
	v13 =	vmul.f32 v13, v26  }
0x349: {  	v17 =	vld [tilespmem:s11+$0xFFFFFD10]  }
0x34a: {  	v22 =	vld [tilespmem:s11+$0xFFFFFD70];
	v13 =	vadd.f32 v13, v14;
	v14 =	vmul.f32 v16, v27  }
0x34b: {  	v19 =	vmul.f32 v19, v1;
	v16 =	vld [tilespmem:s11+$0xD0]  }
0x34c: {  	v18 =	vmul.f32 v18, v2;
	v13 =	vadd.f32 v14, v13;
	v14 =	vmul.f32 v15, v28;
	v15 =	vld [tilespmem:s11+$0xFFFFFDD0]  }
0x34d: {  	v29 =	vld [tilespmem:s11+$0x130];
	v20 =	vmul.f32 v20, v3;
	v21 =	vmul.f32 v21, v4  }
0x34e: {  	v18 =	vadd.f32 v19, v18;
	v13 =	vadd.f32 v14, v13;
	v14 =	vmul.f32 v23, v10  }
0x34f: {  	v17 =	vmul.f32 v17, v7;
	v19 =	vmul.f32 v22, v5;
	v22 =	vld [tilespmem:s11+$0xFFFFFE30];
	v20 =	vadd.f32 v21, v20  }
0x350: {  	[tilespmem:s10+$0x90] =	vst v13;
	v13 =	vmul.f32 v16, v12;
	v14 =	vadd.f32 v14, v18;
	v16 =	vmul.f32 v24, v8  }
0x351: {  	v17 =	vadd.f32 v19, v17;
	v18 =	vld [tilespmem:s11+$0x1C0];
	v15 =	vmul.f32 v15, v9  }
0x352: {  	v19 =	vld [tilespmem:s11+$0x220];
	v13 =	vadd.f32 v13, v20;
	v20 =	vmul.f32 v29, v11;
	v14 =	vadd.f32 v16, v14  }
0x353: {  	v16 =	vld [tilespmem:s11+$0x280]  }
0x354: {  	v15 =	vadd.f32 v15, v17;
	v17 =	vmul.f32 v22, v6;
	v13 =	vadd.f32 v20, v13;
	v20 =	vld [tilespmem:s11+$0x2E0];
	[tilespmem:s10+$0xFFFFFFB0] =	vst v14  }
0x355: {  	v14 =	vld [tilespmem:s11+$0xFFFFFEA0]  }
0x356: {  	v15 =	vadd.f32 v17, v15;
	[tilespmem:s10+$0x10] =	vst v13;
	v13 =	vld [tilespmem:s11+$0xFFFFFF00]  }
0x357: {  	v17 =	vld [tilespmem:s11+$0x20]  }
0x358: {  	[tilespmem:s10+$0xFFFFFF50] =	vst v15;
	v15 =	vld [tilespmem:s11+$0x80]  }
0x359: {  	v18 =	vmul.f32 v18, v25;
	v19 =	vmul.f32 v19, v26;
	v23 =	vld [tilespmem:s11+$0xE0]  }
0x35a: {  	v21 =	vld [tilespmem:s11+$0xFFFFFD20]  }
0x35b: {  	v16 =	vmul.f32 v16, v27;
	v18 =	vadd.f32 v19, v18;
	v19 =	vld [tilespmem:s11+$0xFFFFFF60]  }
0x35c: {  	v22 =	vld [tilespmem:s11+$0xFFFFFD80]  }
0x35d: {  	v16 =	vadd.f32 v16, v18;
	v18 =	vmul.f32 v20, v28;
	v20 =	vld [tilespmem:s11+$0xFFFFFFC0]  }
0x35e: {  	v14 =	vmul.f32 v14, v2;
	v13 =	vmul.f32 v13, v1  }
0x35f: {  	v16 =	vadd.f32 v18, v16;
	v17 =	vmul.f32 v17, v3;
	v15 =	vmul.f32 v15, v4;
	v18 =	vld [tilespmem:s11+$0x140]  }
0x360: {  	s12 =	simm.s32 $0xC00;
	v24 =	vld [tilespmem:s11+$0xFFFFFDE0];
	v13 =	vadd.f32 v13, v14;
	v19 =	vmul.f32 v19, v10  }
0x361: {  	v47 =	vld [tilespmem:s12+$0x240];
	v14 =	vmul.f32 v21, v7;
	v21 =	vmul.f32 v22, v5;
	v15 =	vadd.f32 v15, v17  }
0x362: {  	v22 =	vld [tilespmem:s11+$0xFFFFFE40];
	v17 =	vmul.f32 v23, v12;
	[tilespmem:s10+$0xA0] =	vst v16;
	v13 =	vadd.f32 v19, v13;
	v16 =	vmul.f32 v20, v8  }
0x363: {  	v50 =	vld [tilespmem:s12+$0x2A0]  }
0x364: {  	v52 =	vld [tilespmem:s12+$0xFFFFFE80];
	v15 =	vadd.f32 v17, v15;
	v13 =	vadd.f32 v16, v13;
	v16 =	vmul.f32 v18, v11  }
0x365: {  	v55 =	vld [tilespmem:s12+$0xFFFFFEE0];
	v14 =	vadd.f32 v21, v14;
	v17 =	vmul.f32 v24, v9  }
0x366: {  	v57 =	vld [tilespmem:s12+$0x0];
	[tilespmem:s10+$0xFFFFFFC0] =	vst v13;
	v13 =	vadd.f32 v16, v15  }
0x367: {  	s25 =	simm.s32 $0x1C;
	v58 =	vld [tilespmem:s12+$0x60];
	v14 =	vadd.f32 v17, v14;
	v17 =	vmul.f32 v22, v6  }
0x368: {  	v29 =	vld [tilespmem:s11+$0x1D0];
	[tilespmem:s10+$0x20] =	vst v13;
	v13 =	vmov s25  }
0x369: {  	v32 =	vld [tilespmem:s11+$0x230];
	v14 =	vadd.f32 v17, v14;
	v13 =	vshrl.u32 v13, $0x3  }
0x36a: {  	v30 =	vld [tilespmem:s11+$0x290];
	v13 =	vshll.u32 v13, v0  }
0x36b: {  	v31 =	vld [tilespmem:s11+$0x2F0];
	[tilespmem:s10+$0xFFFFFF60] =	vst v14;
	v14 =	vadd.s32 $0x4, v13  }
0x36c: {  	v18 =	vld [tilespmem:s12+$0x180];
	v15 =	vadd.s32 $0x5, v13;
	v14 =	vbroadcast v14, $0x0  }
0x36d: {  	v19 =	vld [tilespmem:s11+$0xFFFFFEB0];
	v15 =	vbroadcast v15, $0x0  }
0x36e: {  	v20 =	vld [tilespmem:s11+$0xFFFFFF10]  }
0x36f: {  	s28 =	simm.s32 $0x14;
	v40 =	vld [tilespmem:s11+$0xFFFFFF70];
	v16 =	vadd.s32 $0x6, v13  }
0x370: {  	v43 =	vld [tilespmem:s11+$0xFFFFFFD0];
	v17 =	vmov s28;
	v16 =	vbroadcast v16, $0x0  }
0x371: {  	s13 =	simm.s32 $0x10;
	v17 =	vshrl.u32 v17, $0x3;
	v24 =	vld [tilespmem:s11+$0x30];
	v13 =	vadd.s32 $0x7, v13  }
0x372: {  	s14 =	simm.s32 $0x18;
	v21 =	vmov s13;
	v23 =	vshll.u32 v17, v0;
	v13 =	vbroadcast v13, $0x0;
	v35 =	vld.idx.msk [tilespmem:v14+s19+$0x0], $0xffff  }
0x373: {  	v22 =	vmov s14;
	v17 =	vshrl.u32 v21, $0x3;
	v21 =	vadd.s32 $0x4, v23;
	v36 =	vld.idx.msk [tilespmem:v15+s19+$0x0], $0xffff  }
0x374: {  	v14 =	vshrl.u32 v22, $0x3;
	v15 =	vbroadcast v21, $0x0;
	v21 =	vld [tilespmem:s12+$0x1E0]  }
0x375: {  	v37 =	vld [tilespmem:s11+$0x90];
	v45 =	vshll.u32 v14, v0;
	v14 =	vadd.s32 $0x5, v23  }
0x376: {  	v46 =	vshll.u32 v17, v0;
	v34 =	vld.idx.msk [tilespmem:v16+s19+$0x0], $0xffff;
	v17 =	vadd.s32 $0x1, v45;
	v14 =	vbroadcast v14, $0x0  }
0x377: {  	v41 =	vld [tilespmem:s11+$0xF0];
	v22 =	vbroadcast v17, $0x0  }
0x378: {  	v33 =	vld.idx.msk [tilespmem:v13+s19+$0x0], $0xffff  }
0x379: {  	v44 =	vld [tilespmem:s11+$0x150];
	v13 =	vmul.f32 v18, v35;
	v21 =	vmul.f32 v21, v36  }
0x37a: {  	v38 =	vld [tilespmem:s11+$0xFFFFFD30];
	v16 =	vadd.s32 $0x1, v46  }
0x37b: {  	v16 =	vbroadcast v16, $0x0;
	v18 =	vld.idx.msk [tilespmem:v15+s19+$0x0], $0xffff;
	v15 =	vadd.f32 v21, v13;
	v21 =	vmul.f32 v47, v34  }
0x37c: {  	v17 =	vld.idx.msk [tilespmem:v14+s19+$0x0], $0xffff  }
0x37d: {  	v14 =	vld.idx.msk [tilespmem:v22+s19+$0x0], $0xffff;
	v21 =	vadd.f32 v21, v15;
	v22 =	vmul.f32 v50, v33  }
0x37e: {  	v39 =	vld [tilespmem:s11+$0xFFFFFD90];
	v49 =	vbroadcast v46, $0x0  }
0x37f: {  	v42 =	vld [tilespmem:s11+$0xFFFFFDF0];
	v21 =	vadd.f32 v22, v21  }
0x380: {  	s13 =	simm.s32 $0xC540;
	v51 =	vld [tilespmem:s11+$0xFFFFFE50]  }
0x381: {  	v13 =	vld.idx.msk [tilespmem:v16+s19+$0x0], $0xffff;
	[tilespmem:s13+$0x60] =	vst v21  }
0x382: {  	v48 =	vbroadcast v45, $0x0;
	v21 =	vld [tilespmem:s12+$0x190]  }
0x383: {  	v53 =	vadd.s32 $0x2, v46;
	v60 =	vld [tilespmem:s12+$0x1F0]  }
0x384: {  	v53 =	vbroadcast v53, $0x0;
	v16 =	vld.idx.msk [tilespmem:v49+s19+$0x0], $0xffff  }
0x385: {  	v22 =	vadd.s32 $0x6, v23;
	v54 =	vld [tilespmem:s12+$0x250]  }
0x386: {  	v46 =	vadd.s32 $0x3, v46;
	v47 =	vld [tilespmem:s12+$0xFFFFFD00];
	v22 =	vbroadcast v22, $0x0  }
0x387: {  	v63 =	vmul.f32 v19, v2;
	v46 =	vbroadcast v46, $0x0;
	v56 =	vld [tilespmem:s12+$0x2B0]  }
0x388: {  	v61 =	vadd.s32 $0x2, v45;
	v15 =	vld.idx.msk [tilespmem:v48+s19+$0x0], $0xffff;
	v21 =	vmul.f32 v21, v35;
	v49 =	vmul.f32 v60, v36  }
0x389: {  	v20 =	vmul.f32 v20, v1;
	v48 =	vld [tilespmem:s12+$0xFFFFFD60];
	v50 =	vbroadcast v61, $0x0;
	v23 =	vadd.s32 $0x7, v23  }
0x38a: {  	v59 =	vbroadcast v23, $0x0;
	v23 =	vld.idx.msk [tilespmem:v53+s19+$0x0], $0xffff;
	v54 =	vmul.f32 v54, v34;
	v49 =	vadd.f32 v49, v21  }
0x38b: {  	v40 =	vmul.f32 v40, v10;
	v53 =	vld [tilespmem:s12+$0xFFFFFDC0]  }
0x38c: {  	v20 =	vadd.f32 v20, v63;
	v22 =	vld.idx.msk [tilespmem:v22+s19+$0x0], $0xffff;
	v62 =	vmul.f32 v56, v33;
	v49 =	vadd.f32 v54, v49  }
0x38d: {  	v56 =	vld [tilespmem:s12+$0xFFFFFF40]  }
0x38e: {  	v60 =	vadd.f32 v40, v20;
	v20 =	vld.idx.msk [tilespmem:v46+s19+$0x0], $0xffff;
	v19 =	vadd.f32 v62, v49  }
0x38f: {  	v24 =	vmul.f32 v24, v3;
	v37 =	vmul.f32 v37, v4;
	v21 =	vld.idx.msk [tilespmem:v50+s19+$0x0], $0xffff  }
0x390: {  	v38 =	vmul.f32 v38, v7;
	v39 =	vmul.f32 v39, v5;
	v45 =	vadd.s32 $0x3, v45;
	[tilespmem:s13+$0x70] =	vst v19;
	v19 =	vld.idx.msk [tilespmem:v59+s19+$0x0], $0xffff  }
0x391: {  	v24 =	vadd.f32 v37, v24;
	v45 =	vbroadcast v45, $0x0;
	v61 =	vmul.f32 v41, v12;
	v50 =	vld [tilespmem:s12+$0x1A0]  }
0x392: {  	v62 =	vmul.f32 v43, v8;
	v59 =	vmul.f32 v42, v9;
	v42 =	vld [tilespmem:s12+$0x200]  }
0x393: {  	v38 =	vadd.f32 v39, v38;
	v40 =	vadd.f32 v61, v24;
	v61 =	vmul.f32 v52, v18;
	v39 =	vld [tilespmem:s12+$0x260]  }
0x394: {  	v54 =	vmul.f32 v47, v16;
	v37 =	vadd.f32 v62, v60;
	v60 =	vmul.f32 v48, v13;
	v62 =	vld [tilespmem:s12+$0x2C0]  }
0x395: {  	v52 =	vmul.f32 v55, v17;
	v43 =	vmul.f32 v44, v11;
	v38 =	vadd.f32 v59, v38;
	v59 =	vld [tilespmem:s12+$0xFFFFFE20]  }
0x396: {  	v63 =	vmul.f32 v51, v6;
	v41 =	vadd.f32 v60, v54;
	v54 =	vld [tilespmem:s12+$0xFFFFFFA0]  }
0x397: {  	v53 =	vmul.f32 v53, v23;
	v24 =	vld.idx.msk [tilespmem:v45+s19+$0x0], $0xffff;
	v45 =	vadd.f32 v52, v61;
	v40 =	vadd.f32 v43, v40  }
0x398: {  	v55 =	vld [tilespmem:s12+$0x120];
	v44 =	vadd.f32 v63, v38;
	v63 =	vmul.f32 v50, v35;
	v42 =	vmul.f32 v42, v36  }
0x399: {  	v49 =	vld [tilespmem:s12+$0xC0];
	[tilespmem:s10+$0xFFFFFFD0] =	vst v37;
	v60 =	vmul.f32 v56, v22;
	v41 =	vadd.f32 v53, v41;
	v39 =	vmul.f32 v39, v34  }
0x39a: {  	[tilespmem:s10+$0x30] =	vst v40;
	v37 =	vld [tilespmem:s11+$0xFFFFFEC0];
	v61 =	vmul.f32 v62, v33;
	v59 =	vmul.f32 v59, v20;
	v42 =	vadd.f32 v42, v63  }
0x39b: {  	v51 =	vld [tilespmem:s11+$0x40];
	v40 =	vadd.f32 v60, v45;
	v62 =	vmul.f32 v57, v15;
	v50 =	vmul.f32 v54, v19  }
0x39c: {  	v38 =	vld [tilespmem:s11+$0xFFFFFF20];
	v63 =	vmul.f32 v58, v14;
	v41 =	vadd.f32 v59, v41;
	v39 =	vadd.f32 v39, v42  }
0x39d: {  	v45 =	vld [tilespmem:s11+$0xA0];
	[tilespmem:s10+$0xFFFFFF70] =	vst v44;
	v40 =	vadd.f32 v50, v40  }
0x39e: {  	v53 =	vmul.f32 v49, v21;
	v52 =	vadd.f32 v63, v62;
	[tilespmem:s13+$0xFFFFFF40] =	vst v41;
	v42 =	vadd.f32 v61, v39;
	v39 =	vld [tilespmem:s11+$0xFFFFFD40]  }
0x39f: {  	[tilespmem:s13+$0xFFFFFFA0] =	vst v40;
	v44 =	vld [tilespmem:s12+$0xFFFFFD10]  }
0x3a0: {  	v43 =	vmul.f32 v55, v24;
	v41 =	vadd.f32 v53, v52;
	v46 =	vld [tilespmem:s12+$0xFFFFFE90];
	[tilespmem:s13+$0x80] =	vst v42  }
0x3a1: {  	v42 =	vld [tilespmem:s12+$0x1B0]  }
0x3a2: {  	v41 =	vadd.f32 v43, v41;
	v54 =	vld [tilespmem:s12+$0x210]  }
0x3a3: {  	v55 =	vld [tilespmem:s12+$0x270]  }
0x3a4: {  	v56 =	vld [tilespmem:s12+$0x2D0];
	[tilespmem:s13+$0x0] =	vst v41  }
0x3a5: {  	v57 =	vld [tilespmem:s12+$0x10]  }
0x3a6: {  	v58 =	vld [tilespmem:s12+$0x70]  }
0x3a7: {  	v47 =	vld [tilespmem:s12+$0xFFFFFEF0]  }
0x3a8: {  	v61 =	vld [tilespmem:s12+$0xD0];
	v42 =	vmul.f32 v42, v35;
	v40 =	vmul.f32 v54, v36  }
0x3a9: {  	v60 =	vld [tilespmem:s12+$0xFFFFFF50]  }
0x3aa: {  	v59 =	vmul.f32 v55, v34;
	v41 =	vmul.f32 v56, v33;
	v56 =	vld [tilespmem:s12+$0x130];
	v40 =	vadd.f32 v40, v42  }
0x3ab: {  	v50 =	vld [tilespmem:s12+$0xFFFFFD70];
	v48 =	vmul.f32 v57, v15;
	v49 =	vmul.f32 v58, v14  }
0x3ac: {  	v62 =	vld [tilespmem:s12+$0xFFFFFDD0];
	v54 =	vmul.f32 v46, v18;
	v55 =	vmul.f32 v47, v17;
	v40 =	vadd.f32 v59, v40  }
0x3ad: {  	v63 =	vld [tilespmem:s12+$0xFFFFFFB0];
	v52 =	vmul.f32 v61, v21;
	v48 =	vadd.f32 v49, v48  }
0x3ae: {  	v43 =	vmul.f32 v60, v22;
	v57 =	vld [tilespmem:s12+$0xFFFFFE30];
	v40 =	vadd.f32 v41, v40;
	v41 =	vadd.f32 v55, v54  }
0x3af: {  	v47 =	vmul.f32 v56, v24;
	v48 =	vadd.f32 v52, v48;
	v52 =	vld [tilespmem:s11+$0xFFFFFF80]  }
0x3b0: {  	v41 =	vadd.f32 v43, v41;
	v43 =	vld [tilespmem:s11+$0xFFFFFDA0]  }
0x3b1: {  	[tilespmem:s13+$0x90] =	vst v40;
	v47 =	vadd.f32 v47, v48;
	v48 =	vld [tilespmem:s11+$0x100]  }
0x3b2: {  	v44 =	vmul.f32 v44, v16;
	v50 =	vmul.f32 v50, v13;
	v58 =	vld [tilespmem:s12+$0x1C0]  }
0x3b3: {  	v59 =	vld [tilespmem:s12+$0x220]  }
0x3b4: {  	v53 =	vmul.f32 v63, v19;
	v44 =	vadd.f32 v50, v44;
	v42 =	vmul.f32 v62, v23;
	v60 =	vld [tilespmem:s12+$0x280]  }
0x3b5: {  	v61 =	vld [tilespmem:s12+$0x2E0];
	[tilespmem:s13+$0x10] =	vst v47  }
0x3b6: {  	v42 =	vadd.f32 v42, v44;
	v40 =	vmul.f32 v57, v20;
	v41 =	vadd.f32 v53, v41;
	v47 =	vld [tilespmem:s12+$0x20]  }
0x3b7: {  	v56 =	vld [tilespmem:s12+$0x80]  }
0x3b8: {  	v25 =	vmul.f32 v29, v25;
	v40 =	vadd.f32 v40, v42;
	v29 =	vld [tilespmem:s12+$0xE0];
	[tilespmem:s13+$0xFFFFFFB0] =	vst v41  }
0x3b9: {  	v53 =	vld [tilespmem:s12+$0xFFFFFEA0];
	v62 =	vmul.f32 v58, v35;
	v63 =	vmul.f32 v59, v36  }
0x3ba: {  	[tilespmem:s13+$0xFFFFFF50] =	vst v40;
	v54 =	vld [tilespmem:s12+$0xFFFFFF00]  }
0x3bb: {  	v57 =	vld [tilespmem:s12+$0xFFFFFD20];
	v55 =	vmul.f32 v60, v34;
	v41 =	vadd.f32 v63, v62  }
0x3bc: {  	v26 =	vmul.f32 v32, v26;
	v58 =	vld [tilespmem:s12+$0xFFFFFD80]  }
0x3bd: {  	v44 =	vmul.f32 v61, v33;
	v59 =	vld [tilespmem:s12+$0xFFFFFF60];
	v41 =	vadd.f32 v55, v41  }
0x3be: {  	v25 =	vadd.f32 v26, v25;
	v26 =	vmul.f32 v30, v27;
	v61 =	vld [tilespmem:s12+$0xFFFFFFC0]  }
0x3bf: {  	v27 =	vmul.f32 v31, v28;
	v37 =	vmul.f32 v37, v2;
	v62 =	vld [tilespmem:s12+$0xFFFFFDE0];
	v41 =	vadd.f32 v44, v41  }
0x3c0: {  	v25 =	vadd.f32 v26, v25;
	v38 =	vmul.f32 v38, v1;
	v30 =	vmul.f32 v53, v18;
	v53 =	vld [tilespmem:s12+$0x140]  }
0x3c1: {  	v26 =	vmul.f32 v47, v15;
	v31 =	vmul.f32 v54, v17;
	v55 =	vld [tilespmem:s12+$0xFFFFFE40];
	[tilespmem:s13+$0xA0] =	vst v41  }
0x3c2: {  	v25 =	vadd.f32 v27, v25;
	v40 =	vmul.f32 v56, v14;
	v29 =	vmul.f32 v29, v21;
	v60 =	vld [tilespmem:s12+$0x1D0]  }
0x3c3: {  	v47 =	vmul.f32 v43, v5;
	v27 =	vadd.f32 v31, v30;
	v30 =	vld [tilespmem:s11+$0xFFFFFE00];
	v31 =	vmul.f32 v59, v22  }
0x3c4: {  	v46 =	vmul.f32 v57, v16;
	v26 =	vadd.f32 v40, v26;
	v63 =	vmul.f32 v58, v13;
	v28 =	vld [tilespmem:s12+$0x230]  }
0x3c5: {  	v57 =	vmul.f32 v61, v19;
	v61 =	vmul.f32 v51, v3;
	v59 =	vld [tilespmem:s11+$0xFFFFFFE0];
	v27 =	vadd.f32 v31, v27  }
0x3c6: {  	v26 =	vadd.f32 v29, v26;
	v54 =	vadd.f32 v63, v46;
	v58 =	vmul.f32 v62, v23;
	v56 =	vld [tilespmem:s12+$0x290]  }
0x3c7: {  	v62 =	vld [tilespmem:s11+$0x160];
	v27 =	vadd.f32 v57, v27;
	v31 =	vmul.f32 v60, v35;
	v60 =	vmul.f32 v53, v24  }
0x3c8: {  	v37 =	vadd.f32 v38, v37;
	v63 =	vld [tilespmem:s11+$0xFFFFFE60];
	v46 =	vmul.f32 v39, v7;
	v44 =	vmul.f32 v55, v20  }
0x3c9: {  	v29 =	vld [tilespmem:s12+$0x2F0];
	[tilespmem:s13+$0xFFFFFFC0] =	vst v27;
	v28 =	vmul.f32 v28, v36;
	v36 =	vadd.f32 v58, v54;
	v26 =	vadd.f32 v60, v26  }
0x3ca: {  	v51 =	vadd.f32 v47, v46;
	v27 =	vmul.f32 v45, v4;
	v49 =	vld [tilespmem:s12+$0xFFFFFEB0];
	v53 =	vmul.f32 v52, v10  }
0x3cb: {  	v28 =	vadd.f32 v28, v31;
	v31 =	vmul.f32 v56, v34;
	v50 =	vadd.f32 v44, v36;
	[tilespmem:s13+$0x20] =	vst v26;
	v26 =	vld [tilespmem:s12+$0xFFFFFF10]  }
0x3cc: {  	v55 =	vmul.f32 v48, v12;
	v30 =	vmul.f32 v30, v9;
	v27 =	vadd.f32 v27, v61;
	v54 =	vld [tilespmem:s12+$0x30]  }
0x3cd: {  	v57 =	vmul.f32 v59, v8;
	v56 =	vadd.f32 v53, v37;
	v28 =	vadd.f32 v31, v28;
	[tilespmem:s13+$0xFFFFFF60] =	vst v50;
	v31 =	vld [tilespmem:s12+$0x90]  }
0x3ce: {  	v30 =	vadd.f32 v30, v51;
	v29 =	vmul.f32 v29, v33;
	v60 =	vmul.f32 v63, v6;
	v58 =	vld [tilespmem:s12+$0xFFFFFD30]  }
0x3cf: {  	v27 =	vadd.f32 v55, v27;
	v32 =	vadd.f32 v57, v56;
	v59 =	vld [tilespmem:s12+$0xFFFFFD90]  }
0x3d0: {  	[tilespmem:s10+$0xB0] =	vst v25;
	v25 =	vld [tilespmem:s12+$0xFFFFFF70];
	v30 =	vadd.f32 v60, v30;
	v28 =	vadd.f32 v29, v28;
	v29 =	vmul.f32 v62, v11  }
0x3d1: {  	v61 =	vmul.f32 v49, v18;
	v34 =	vld [tilespmem:s12+$0x150];
	[tilespmem:s10+$0xFFFFFFE0] =	vst v32;
	v26 =	vmul.f32 v26, v17  }
0x3d2: {  	v32 =	vld [tilespmem:s12+$0xFFFFFFD0];
	[tilespmem:s10+$0xFFFFFF80] =	vst v30;
	v27 =	vadd.f32 v29, v27;
	v62 =	vmul.f32 v54, v15;
	v63 =	vmul.f32 v31, v14  }
0x3d3: {  	s16 =	simm.s32 $0x4;
	[tilespmem:s13+$0xB0] =	vst v28;
	v28 =	vld [tilespmem:s12+$0xF0];
	v35 =	vmul.f32 v58, v16  }
0x3d4: {  	s17 =	simm.s32 $0x20;
	s15 =	simm.s32 $0xC00;
	s14 =	simm.s32 $0xC540;
	v29 =	vld [tilespmem:s12+$0xFFFFFDF0];
	[tilespmem:s10+$0x40] =	vst v27;
	v36 =	vmul.f32 v59, v13;
	v31 =	vadd.f32 v26, v61;
	v30 =	vadd.f32 v63, v62  }
.LBB2_7:
0x3d5: {  	v26 =	vmov s17;
	s18 =	sadd.s32 $0x4, s17;
	s3 =	sadd.s32 $0x8, s17;
	s25 =	sadd.s32 $0xC, s17;
	v37 =	vld [tilespmem:s12+$0xFFFFFE50];
	v38 =	vmul.f32 v25, v22  }
0x3d6: {  	v25 =	vmov s18;
	v27 =	vmov s3;
	v33 =	vmov s25;
	v39 =	vld [tilespmem:s11+$0xFFFFFED0]  }
0x3d7: {  	v25 =	vshrl.u32 v25, $0x3;
	v27 =	vshrl.u32 v27, $0x3;
	v33 =	vshrl.u32 v33, $0x3;
	v40 =	vld [tilespmem:s11+$0xFFFFFF30]  }
0x3d8: {  	v26 =	vshrl.u32 v26, $0x3;
	v41 =	vshll.u32 v25, v0;
	v25 =	vshll.u32 v33, v0;
	v42 =	vld [tilespmem:s11+$0x50]  }
0x3d9: {  	v33 =	vshll.u32 v26, v0;
	v27 =	vshll.u32 v27, v0;
	v26 =	vadd.s32 $0x4, v25;
	v43 =	vld [tilespmem:s11+$0xB0]  }
0x3da: {  	v44 =	vadd.s32 $0x4, v41;
	v45 =	vadd.s32 $0x5, v25;
	v26 =	vbroadcast v26, $0x0;
	v46 =	vld [tilespmem:s11+$0xFFFFFD50]  }
0x3db: {  	s16 =	sadd.s32 $0x4, s16;
	v47 =	vadd.s32 $0x5, v41;
	v48 =	vadd.s32 $0x1, v27;
	v45 =	vbroadcast v45, $0x0;
	v49 =	vld [tilespmem:s11+$0xFFFFFDB0]  }
0x3dc: {  	p0 =	slt.u32 s16, $0x3C;
	v50 =	vadd.s32 $0x1, v33;
	v51 =	vadd.s32 $0x6, v25;
	v44 =	vbroadcast v44, $0x0;
	v52 =	vld [tilespmem:s11+$0xFFFFFF90]  }
0x3dd: {  	v53 =	vadd.s32 $0x6, v41;
	v47 =	vbroadcast v47, $0x0;
	v51 =	vbroadcast v51, $0x0;
	v54 =	vld [tilespmem:s11+$0x110]  }
0x3de: {  	s12 =	sadd.s32 $0x600, s12;
	v25 =	vadd.s32 $0x7, v25;
	v50 =	vbroadcast v50, $0x0;
	v48 =	vbroadcast v48, $0x0;
	v55 =	vld [tilespmem:s11+$0xFFFFFE10]  }
0x3df: {  	v56 =	vbroadcast v27, $0x0;
	v57 =	vadd.s32 $0x2, v27;
	v58 =	vbroadcast v25, $0x0;
	v59 =	vld [tilespmem:s12+$0x180]  }
0x3e0: {  	v60 =	vbroadcast v33, $0x0;
	v61 =	vadd.s32 $0x2, v33;
	v53 =	vbroadcast v53, $0x0;
	v25 =	vld.idx.msk [tilespmem:v26+s19+$0x0], $0xffff  }
0x3e1: {  	v41 =	vadd.s32 $0x7, v41;
	v61 =	vbroadcast v61, $0x0;
	v57 =	vbroadcast v57, $0x0;
	v26 =	vld.idx.msk [tilespmem:v45+s19+$0x0], $0xffff  }
0x3e2: {  	v33 =	vadd.s32 $0x3, v33;
	v27 =	vadd.s32 $0x3, v27;
	v41 =	vbroadcast v41, $0x0;
	v45 =	vld [tilespmem:s12+$0x1E0]  }
0x3e3: {  	v35 =	vadd.f32 v36, v35;
	v33 =	vbroadcast v33, $0x0;
	v62 =	vbroadcast v27, $0x0;
	v27 =	vld.idx.msk [tilespmem:v51+s19+$0x0], $0xffff  }
0x3e4: {  	v29 =	vmul.f32 v29, v23;
	v31 =	vadd.f32 v38, v31;
	v38 =	vmul.f32 v28, v21;
	v36 =	vld [tilespmem:s12+$0x240]  }
0x3e5: {  	v32 =	vmul.f32 v32, v19;
	v34 =	vmul.f32 v34, v24;
	v28 =	vld.idx.msk [tilespmem:v58+s19+$0x0], $0xffff  }
0x3e6: {  	v29 =	vadd.f32 v29, v35;
	v30 =	vadd.f32 v38, v30;
	v35 =	vmul.f32 v37, v20;
	v51 =	vld [tilespmem:s12+$0x2A0]  }
0x3e7: {  	v31 =	vadd.f32 v32, v31;
	v38 =	vmul.f32 v59, v25;
	v37 =	vld.idx.msk [tilespmem:v44+s19+$0x0], $0xffff;
	v44 =	vmul.f32 v45, v26  }
0x3e8: {  	v30 =	vadd.f32 v34, v30;
	v34 =	vmul.f32 v39, v2;
	v29 =	vadd.f32 v35, v29;
	v32 =	vld.idx.msk [tilespmem:v47+s19+$0x0], $0xffff  }
0x3e9: {  	v2 =	vmov v18;
	v35 =	vld.idx.msk [tilespmem:v48+s19+$0x0], $0xffff;
	v38 =	vadd.f32 v44, v38;
	v36 =	vmul.f32 v36, v27;
	[tilespmem:s13+$0xFFFFFFD0] =	vst v31  }
0x3ea: {  	v39 =	vmul.f32 v40, v1;
	v1 =	vmov v17;
	v31 =	vld.idx.msk [tilespmem:v50+s19+$0x0], $0xffff;
	[tilespmem:s13+$0x30] =	vst v30;
	v30 =	vmul.f32 v42, v3  }
0x3eb: {  	v3 =	vmov v15;
	v40 =	vadd.f32 v36, v38;
	v36 =	vmul.f32 v51, v28;
	[tilespmem:s13+$0xFFFFFF70] =	vst v29;
	v15 =	vld.idx.msk [tilespmem:v56+s19+$0x0], $0xffff  }
0x3ec: {  	v7 =	vmul.f32 v46, v7;
	v42 =	vmul.f32 v43, v4;
	v29 =	vadd.f32 v39, v34;
	v38 =	vld.idx.msk [tilespmem:v60+s19+$0x0], $0xffff  }
0x3ed: {  	v43 =	vmul.f32 v52, v10;
	v18 =	vmovc v37;
	v34 =	vld [tilespmem:s12+$0xFFFFFD00];
	v36 =	vadd.f32 v36, v40;
	v40 =	vmul.f32 v49, v5  }
0x3ee: {  	v44 =	vmul.f32 v55, v9;
	s13 =	sadd.s32 $0x180, s13;
	v39 =	vadd.f32 v42, v30;
	v42 =	vmul.f32 v54, v12;
	v17 =	vmovc v32;
	v37 =	vld [tilespmem:s12+$0xFFFFFD60]  }
0x3ef: {  	v4 =	vmovc v14;
	v30 =	vadd.f32 v43, v29;
	v14 =	vmov v35;
	v32 =	vld [tilespmem:s12+$0xFFFFFE80];
	[tilespmem:s13+$0x60] =	vst v36;
	v36 =	vadd.f32 v40, v7  }
0x3f0: {  	v10 =	vmovc v22;
	v5 =	vmovc v13;
	v29 =	vadd.f32 v42, v39;
	v13 =	vmov v31;
	v7 =	vmov v16;
	v35 =	vld [tilespmem:s12+$0x190]  }
0x3f1: {  	v9 =	vmov v23;
	v12 =	vmov v21;
	v22 =	vld [tilespmem:s12+$0x1F0];
	v31 =	vadd.f32 v44, v36  }
0x3f2: {  	v16 =	vmov v38;
	v21 =	vmul.f32 v34, v38;
	v23 =	vld [tilespmem:s12+$0xFFFFFEE0]  }
0x3f3: {  	v34 =	vmul.f32 v37, v13;
	v36 =	vld [tilespmem:s12+$0x250]  }
0x3f4: {  	v32 =	vmul.f32 v32, v18;
	v37 =	vld [tilespmem:s12+$0x0]  }
0x3f5: {  	v38 =	vadd.f32 v34, v21;
	v34 =	vld [tilespmem:s12+$0x2B0]  }
0x3f6: {  	v35 =	vmul.f32 v35, v25;
	v39 =	vld [tilespmem:s12+$0x60];
	v40 =	vmul.f32 v22, v26  }
0x3f7: {  	v22 =	vld.idx.msk [tilespmem:v53+s19+$0x0], $0xffff;
	v42 =	vmul.f32 v23, v17  }
0x3f8: {  	v21 =	vld.idx.msk [tilespmem:v57+s19+$0x0], $0xffff;
	v35 =	vadd.f32 v40, v35;
	v36 =	vmul.f32 v36, v27  }
0x3f9: {  	v23 =	vld.idx.msk [tilespmem:v61+s19+$0x0], $0xffff;
	v40 =	vadd.f32 v42, v32;
	v32 =	vmul.f32 v37, v15  }
0x3fa: {  	v37 =	vld [tilespmem:s12+$0xFFFFFDC0];
	v35 =	vadd.f32 v36, v35;
	v34 =	vmul.f32 v34, v28  }
0x3fb: {  	v36 =	vld [tilespmem:s12+$0xFFFFFF40];
	v39 =	vmul.f32 v39, v14  }
0x3fc: {  	v42 =	vld [tilespmem:s12+$0xC0];
	v35 =	vadd.f32 v34, v35  }
0x3fd: {  	v34 =	vld.idx.msk [tilespmem:v41+s19+$0x0], $0xffff;
	v39 =	vadd.f32 v39, v32  }
0x3fe: {  	v32 =	vld.idx.msk [tilespmem:v62+s19+$0x0], $0xffff;
	[tilespmem:s13+$0x70] =	vst v35  }
0x3ff: {  	v35 =	vmul.f32 v37, v23;
	v37 =	vld [tilespmem:s12+$0x1A0]  }
0x400: {  	v36 =	vmul.f32 v36, v22;
	v41 =	vld [tilespmem:s12+$0x200]  }
0x401: {  	v33 =	vld.idx.msk [tilespmem:v33+s19+$0x0], $0xffff;
	v35 =	vadd.f32 v35, v38;
	v38 =	vmul.f32 v42, v21  }
0x402: {  	v36 =	vadd.f32 v36, v40;
	v40 =	vld [tilespmem:s12+$0x260]  }
0x403: {  	v42 =	vld [tilespmem:s12+$0xFFFFFE20];
	v38 =	vadd.f32 v38, v39  }
0x404: {  	v39 =	vld [tilespmem:s12+$0x2C0]  }
0x405: {  	v37 =	vmul.f32 v37, v25;
	v43 =	vld [tilespmem:s12+$0xFFFFFFA0];
	v41 =	vmul.f32 v41, v26  }
0x406: {  	v44 =	vld [tilespmem:s12+$0x120]  }
0x407: {  	v37 =	vadd.f32 v41, v37;
	v40 =	vmul.f32 v40, v27;
	v41 =	vld [tilespmem:s15+$0xFFFFFEC0]  }
0x408: {  	v42 =	vmul.f32 v42, v33;
	v45 =	vld [tilespmem:s15+$0xFFFFFF20]  }
0x409: {  	v37 =	vadd.f32 v40, v37;
	v39 =	vmul.f32 v39, v28;
	v40 =	vld [tilespmem:s15+$0x40]  }
0x40a: {  	v35 =	vadd.f32 v42, v35;
	v42 =	vmul.f32 v43, v34;
	v43 =	vld [tilespmem:s15+$0xA0]  }
0x40b: {  	v44 =	vmul.f32 v44, v32;
	v37 =	vadd.f32 v39, v37;
	v39 =	vld [tilespmem:s15+$0xFFFFFD40]  }
0x40c: {  	[tilespmem:s13+$0xFFFFFF40] =	vst v35;
	v35 =	vadd.f32 v42, v36;
	v36 =	vld [tilespmem:s15+$0xFFFFFDA0];
	v41 =	vmul.f32 v41, v2  }
0x40d: {  	v42 =	vld [tilespmem:s12+$0xFFFFFD10];
	v38 =	vadd.f32 v44, v38;
	[tilespmem:s13+$0x80] =	vst v37;
	v37 =	vmul.f32 v45, v1  }
0x40e: {  	[tilespmem:s13+$0xFFFFFFA0] =	vst v35;
	v35 =	vld [tilespmem:s12+$0x1B0];
	v40 =	vmul.f32 v40, v3  }
0x40f: {  	[tilespmem:s13+$0x0] =	vst v38;
	v38 =	vld [tilespmem:s12+$0x210];
	v37 =	vadd.f32 v37, v41;
	v41 =	vmul.f32 v43, v4  }
0x410: {  	v43 =	vld [tilespmem:s12+$0xFFFFFE90];
	v39 =	vmul.f32 v39, v7  }
0x411: {  	v44 =	vld [tilespmem:s12+$0x270];
	v36 =	vmul.f32 v36, v5;
	v40 =	vadd.f32 v41, v40  }
0x412: {  	v41 =	vmul.f32 v42, v16;
	v42 =	vld [tilespmem:s12+$0xFFFFFEF0]  }
0x413: {  	v45 =	vld [tilespmem:s12+$0x2D0];
	v36 =	vadd.f32 v36, v39  }
0x414: {  	v35 =	vmul.f32 v35, v25;
	v39 =	vld [tilespmem:s12+$0x10];
	v38 =	vmul.f32 v38, v26  }
0x415: {  	v43 =	vmul.f32 v43, v18;
	v46 =	vld [tilespmem:s12+$0x70]  }
0x416: {  	v47 =	vld [tilespmem:s12+$0xFFFFFD70];
	v35 =	vadd.f32 v38, v35;
	v38 =	vmul.f32 v44, v27  }
0x417: {  	v42 =	vmul.f32 v42, v17;
	v44 =	vld [tilespmem:s12+$0xFFFFFF50]  }
0x418: {  	v48 =	vld [tilespmem:s12+$0xD0];
	v35 =	vadd.f32 v38, v35;
	v38 =	vmul.f32 v45, v28  }
0x419: {  	v45 =	vld [tilespmem:s12+$0xFFFFFDD0];
	v42 =	vadd.f32 v42, v43;
	v39 =	vmul.f32 v39, v15  }
0x41a: {  	v43 =	vld [tilespmem:s12+$0xFFFFFFB0];
	v46 =	vmul.f32 v46, v14;
	v35 =	vadd.f32 v38, v35  }
0x41b: {  	v38 =	vmul.f32 v47, v13;
	v47 =	vld [tilespmem:s12+$0x130]  }
0x41c: {  	v49 =	vld [tilespmem:s12+$0xFFFFFE30];
	v44 =	vmul.f32 v44, v22;
	v39 =	vadd.f32 v46, v39;
	[tilespmem:s13+$0x90] =	vst v35  }
0x41d: {  	v35 =	vadd.f32 v38, v41;
	v38 =	vmul.f32 v48, v21;
	v41 =	vld [tilespmem:s12+$0x1C0]  }
0x41e: {  	v45 =	vmul.f32 v45, v23;
	v42 =	vadd.f32 v44, v42;
	v44 =	vld [tilespmem:s12+$0x220]  }
0x41f: {  	v43 =	vmul.f32 v43, v34;
	v38 =	vadd.f32 v38, v39;
	v39 =	vld [tilespmem:s15+$0xFFFFFF80]  }
0x420: {  	v35 =	vadd.f32 v45, v35;
	v45 =	vmul.f32 v47, v32;
	v46 =	vld [tilespmem:s12+$0x280]  }
0x421: {  	v47 =	vmul.f32 v49, v33;
	v42 =	vadd.f32 v43, v42;
	v43 =	vld [tilespmem:s15+$0x100]  }
0x422: {  	v38 =	vadd.f32 v45, v38;
	v45 =	vld [tilespmem:s12+$0x2E0]  }
0x423: {  	v41 =	vmul.f32 v41, v25;
	v35 =	vadd.f32 v47, v35;
	[tilespmem:s13+$0xFFFFFFB0] =	vst v42;
	v42 =	vmul.f32 v44, v26;
	v44 =	vld [tilespmem:s15+$0xFFFFFE00]  }
0x424: {  	v47 =	vld [tilespmem:s12+$0xFFFFFEA0];
	[tilespmem:s13+$0x10] =	vst v38;
	v38 =	vmul.f32 v39, v10  }
0x425: {  	[tilespmem:s13+$0xFFFFFF50] =	vst v35;
	v35 =	vld [tilespmem:s12+$0xFFFFFF00];
	v39 =	vadd.f32 v42, v41;
	v41 =	vmul.f32 v46, v27  }
0x426: {  	v42 =	vld [tilespmem:s12+$0x20];
	v37 =	vadd.f32 v38, v37;
	v38 =	vmul.f32 v43, v12  }
0x427: {  	v43 =	vld [tilespmem:s12+$0x80];
	v39 =	vadd.f32 v41, v39;
	v41 =	vmul.f32 v45, v28  }
0x428: {  	v45 =	vld [tilespmem:s12+$0xFFFFFD20];
	v44 =	vmul.f32 v44, v9;
	v38 =	vadd.f32 v38, v40  }
0x429: {  	v40 =	vld [tilespmem:s12+$0xFFFFFD80];
	v46 =	vmul.f32 v47, v18;
	v39 =	vadd.f32 v41, v39  }
0x42a: {  	v35 =	vmul.f32 v35, v17;
	v41 =	vld [tilespmem:s12+$0xFFFFFF60];
	v36 =	vadd.f32 v44, v36  }
0x42b: {  	v42 =	vmul.f32 v42, v15;
	v44 =	vld [tilespmem:s12+$0xE0];
	[tilespmem:s13+$0xA0] =	vst v39  }
0x42c: {  	v35 =	vadd.f32 v35, v46;
	v39 =	vmul.f32 v43, v14;
	v43 =	vld [tilespmem:s12+$0x1D0]  }
0x42d: {  	v45 =	vmul.f32 v45, v16;
	v46 =	vld [tilespmem:s12+$0x230]  }
0x42e: {  	v40 =	vmul.f32 v40, v13;
	v47 =	vld [tilespmem:s12+$0xFFFFFDE0];
	v39 =	vadd.f32 v39, v42  }
0x42f: {  	v41 =	vmul.f32 v41, v22;
	v42 =	vld [tilespmem:s12+$0x290]  }
0x430: {  	v40 =	vadd.f32 v40, v45;
	v45 =	vld [tilespmem:s12+$0xFFFFFFC0];
	v44 =	vmul.f32 v44, v21  }
0x431: {  	v35 =	vadd.f32 v41, v35;
	v41 =	vld [tilespmem:s12+$0x2F0]  }
0x432: {  	v25 =	vmul.f32 v43, v25;
	v39 =	vadd.f32 v44, v39;
	v44 =	vld [tilespmem:s12+$0x140];
	v26 =	vmul.f32 v46, v26  }
0x433: {  	v43 =	vmul.f32 v47, v23;
	v46 =	vld [tilespmem:s12+$0xFFFFFE40]  }
0x434: {  	v25 =	vadd.f32 v26, v25;
	v26 =	vmul.f32 v42, v27;
	v27 =	vld [tilespmem:s15+$0xFFFFFFE0]  }
0x435: {  	v40 =	vadd.f32 v43, v40;
	v42 =	vmul.f32 v45, v34;
	v43 =	vld [tilespmem:s15+$0x160]  }
0x436: {  	v25 =	vadd.f32 v26, v25;
	v26 =	vmul.f32 v41, v28;
	v28 =	vld [tilespmem:s15+$0xFFFFFE60]  }
0x437: {  	v35 =	vadd.f32 v42, v35;
	v41 =	vmul.f32 v44, v32;
	v42 =	vld [tilespmem:s11+$0xFFFFFFF0]  }
0x438: {  	v44 =	vmul.f32 v46, v33;
	v25 =	vadd.f32 v26, v25;
	v26 =	vld [tilespmem:s11+$0x170]  }
0x439: {  	[tilespmem:s13+$0xFFFFFFC0] =	vst v35;
	v35 =	vadd.f32 v41, v39;
	v27 =	vmul.f32 v27, v19;
	v39 =	vld [tilespmem:s11+$0xFFFFFE70];
	s11 =	smov.u32 s15;
	s15 =	smov.u32 s12  }
0x43a: {  	v40 =	vadd.f32 v44, v40;
	v41 =	vld [tilespmem:s12+$0xFFFFFEB0];
	[tilespmem:s13+$0xB0] =	vst v25;
	v25 =	vmul.f32 v43, v24  }
0x43b: {  	v43 =	vld [tilespmem:s12+$0xFFFFFF10];
	[tilespmem:s13+$0x20] =	vst v35;
	v28 =	vmul.f32 v28, v20;
	v27 =	vadd.f32 v27, v37  }
0x43c: {  	[tilespmem:s13+$0xFFFFFF60] =	vst v40;
	v35 =	vld [tilespmem:s12+$0x30];
	v25 =	vadd.f32 v25, v38;
	v37 =	vmul.f32 v42, v8;
	v8 =	vmovc v19;
	v19 =	vmov v34  }
0x43d: {  	v34 =	vld [tilespmem:s12+$0x90];
	v28 =	vadd.f32 v28, v36;
	[tilespmem:s14+$0xFFFFFFE0] =	vst v27;
	v26 =	vmul.f32 v26, v11;
	v11 =	vmovc v24;
	v24 =	vmov v32  }
0x43e: {  	v27 =	vld [tilespmem:s12+$0xFFFFFD30];
	[tilespmem:s14+$0x40] =	vst v25;
	v32 =	vmul.f32 v39, v6;
	v30 =	vadd.f32 v37, v30;
	v6 =	vmovc v20;
	v20 =	vmov v33  }
0x43f: {  	v33 =	vld [tilespmem:s12+$0xFFFFFD90];
	v36 =	vmul.f32 v41, v18;
	[tilespmem:s14+$0xFFFFFF80] =	vst v28;
	v26 =	vadd.f32 v26, v29  }
.Ltmp2:
0x440: {  	v37 =	vmul.f32 v43, v17;
	v25 =	vld [tilespmem:s12+$0xFFFFFF70];
	v32 =	vadd.f32 v32, v31;
	[tilespmem:s10+$0xFFFFFFF0] =	vst v30;
	(pc) =	sbr.rel @p0 .LBB2_7-.Ltmp2, $4  }
0x441: {  	v30 =	vmul.f32 v35, v15;
	v28 =	vld [tilespmem:s12+$0xF0];
	[tilespmem:s10+$0x50] =	vst v26  }
0x442: {  	v29 =	vld [tilespmem:s12+$0xFFFFFDF0];
	v31 =	vadd.f32 v37, v36;
	v26 =	vmul.f32 v34, v14;
	[tilespmem:s10+$0xFFFFFF90] =	vst v32;
	s10 =	smov.u32 s14;
	s14 =	smov.u32 s13  }
0x443: {  	v35 =	vmul.f32 v27, v16;
	v32 =	vld [tilespmem:s12+$0xFFFFFFD0]  }
0x444: {  	s17 =	sadd.s32 $0x10, s17;
	v36 =	vmul.f32 v33, v13;
	v30 =	vadd.f32 v26, v30;
	v34 =	vld [tilespmem:s12+$0x150]  }
0x445: {  	v26 =	vld [tilespmem:s12+$0xFFFFFE50]  }
0x446: {  	v27 =	vld [tilespmem:s11+$0xFFFFFED0]  }
0x447: {  	v25 =	vmul.f32 v25, v22;
	v33 =	vld [tilespmem:s11+$0xFFFFFF30]  }
0x448: {  	v49 =	vld [tilespmem:s11+$0x50]  }
0x449: {  	v50 =	vld [tilespmem:s11+$0xB0];
	v28 =	vmul.f32 v28, v21;
	v25 =	vadd.f32 v25, v31;
	v31 =	vmul.f32 v32, v19  }
0x44a: {  	v42 =	vld [tilespmem:s11+$0xFFFFFF90]  }
0x44b: {  	v53 =	vld [tilespmem:s11+$0x110];
	v28 =	vadd.f32 v28, v30;
	v34 =	vmul.f32 v34, v24;
	v25 =	vadd.f32 v31, v25  }
0x44c: {  	v55 =	vld [tilespmem:s11+$0xFFFFFE10]  }
0x44d: {  	v58 =	vld [tilespmem:s11+$0x170];
	v35 =	vadd.f32 v36, v35;
	v29 =	vmul.f32 v29, v23;
	v28 =	vadd.f32 v34, v28;
	[tilespmem:s13+$0xFFFFFFD0] =	vst v25  }
0x44e: {  	v25 =	vld [tilespmem:s15+$0xFFFFFEC0]  }
0x44f: {  	v29 =	vadd.f32 v29, v35;
	v26 =	vmul.f32 v26, v20;
	[tilespmem:s13+$0x30] =	vst v28;
	v28 =	vld [tilespmem:s15+$0xFFFFFF20]  }
0x450: {  	v37 =	vld [tilespmem:s15+$0xFFFFFF80]  }
0x451: {  	v26 =	vadd.f32 v26, v29;
	v39 =	vld [tilespmem:s15+$0xFFFFFFE0]  }
0x452: {  	v29 =	vld [tilespmem:s15+$0x40]  }
0x453: {  	[tilespmem:s13+$0xFFFFFF70] =	vst v26;
	v26 =	vld [tilespmem:s15+$0xA0]  }
0x454: {  	v38 =	vld [tilespmem:s15+$0x100]  }
0x455: {  	v51 =	vld [tilespmem:s15+$0xFFFFFD40];
	v25 =	vmul.f32 v25, v18;
	v28 =	vmul.f32 v28, v17  }
0x456: {  	v52 =	vld [tilespmem:s15+$0xFFFFFDA0]  }
0x457: {  	v41 =	vld [tilespmem:s15+$0x160];
	v25 =	vadd.f32 v28, v25;
	v28 =	vmul.f32 v37, v22  }
0x458: {  	v40 =	vld [tilespmem:s15+$0xFFFFFE00];
	v29 =	vmul.f32 v29, v15;
	v26 =	vmul.f32 v26, v14  }
0x459: {  	v59 =	vld [tilespmem:s11+$0xFFFFFE70];
	v54 =	vmul.f32 v39, v19;
	v25 =	vadd.f32 v28, v25  }
0x45a: {  	v3 =	vmul.f32 v49, v3;
	v26 =	vadd.f32 v26, v29;
	v29 =	vld [tilespmem:s15+$0xFFFFFE60];
	v28 =	vmul.f32 v38, v21  }
0x45b: {  	v31 =	vld [tilespmem:s11+$0xFFFFFDB0];
	v34 =	vmul.f32 v51, v16;
	v35 =	vmul.f32 v52, v13;
	v25 =	vadd.f32 v54, v25  }
0x45c: {  	v30 =	vld [tilespmem:s11+$0xFFFFFD50];
	v4 =	vmul.f32 v50, v4;
	v57 =	vmul.f32 v41, v24;
	v26 =	vadd.f32 v28, v26  }
0x45d: {  	v2 =	vmul.f32 v27, v2;
	v56 =	vmul.f32 v40, v23;
	v34 =	vadd.f32 v35, v34;
	v28 =	vld [tilespmem:s11+$0xFFFFFFF0];
	[tilespmem:s14+$0xFFFFFFE0] =	vst v25  }
0x45e: {  	v1 =	vmul.f32 v33, v1;
	v3 =	vadd.f32 v4, v3;
	v26 =	vadd.f32 v57, v26;
	v25 =	vld [tilespmem:s15+$0xFFFFFED0]  }
0x45f: {  	v4 =	vmul.f32 v53, v12;
	v34 =	vadd.f32 v56, v34;
	v29 =	vmul.f32 v29, v20;
	v12 =	vld [tilespmem:s15+$0xFFFFFF90]  }
0x460: {  	v1 =	vadd.f32 v1, v2;
	v2 =	vmul.f32 v31, v5;
	v5 =	vmul.f32 v42, v10;
	[tilespmem:s14+$0x40] =	vst v26;
	v26 =	vld [tilespmem:s15+$0xFFFFFF30]  }
0x461: {  	v29 =	vadd.f32 v29, v34;
	v27 =	vld [tilespmem:s15+$0x50]  }
0x462: {  	v1 =	vadd.f32 v5, v1;
	v5 =	vld [tilespmem:s15+$0x110]  }
0x463: {  	v7 =	vmul.f32 v30, v7;
	[tilespmem:s14+$0xFFFFFF80] =	vst v29;
	v29 =	vld [tilespmem:s15+$0xB0]  }
0x464: {  	v30 =	vld [tilespmem:s15+$0xFFFFFD50]  }
0x465: {  	v9 =	vmul.f32 v55, v9;
	v2 =	vadd.f32 v2, v7;
	v10 =	vld [tilespmem:s15+$0xFFFFFDB0]  }
0x466: {  	v6 =	vmul.f32 v59, v6;
	v3 =	vadd.f32 v4, v3;
	v4 =	vmul.f32 v28, v8;
	v8 =	vld [tilespmem:s15+$0xFFFFFE10]  }
0x467: {  	v7 =	vmul.f32 v58, v11;
	v2 =	vadd.f32 v9, v2;
	v11 =	vld [tilespmem:s15+$0xFFFFFFF0];
	v9 =	vmul.f32 v25, v18  }
0x468: {  	v1 =	vadd.f32 v4, v1;
	v4 =	vmul.f32 v26, v17;
	v17 =	vld [tilespmem:s15+$0x170];
	v15 =	vmul.f32 v27, v15  }
0x469: {  	v3 =	vadd.f32 v7, v3;
	v14 =	vmul.f32 v29, v14;
	v7 =	vmul.f32 v30, v16;
	v16 =	vld [tilespmem:s15+$0xFFFFFE70]  }
0x46a: {  	v4 =	vadd.f32 v4, v9;
	v9 =	vmul.f32 v10, v13;
	v10 =	vmul.f32 v12, v22  }
0x46b: {  	v5 =	vmul.f32 v5, v21;
	v8 =	vmul.f32 v8, v23;
	v12 =	vadd.f32 v14, v15  }
0x46c: {  	v7 =	vadd.f32 v9, v7;
	v4 =	vadd.f32 v10, v4;
	v9 =	vmul.f32 v11, v19  }
0x46d: {  	s9 =	sadd.s32 $0x1, s9;
	v2 =	vadd.f32 v6, v2;
	[tilespmem:s10+$0xFFFFFFF0] =	vst v1;
	v1 =	vadd.f32 v5, v12;
	v5 =	vmul.f32 v17, v24  }
0x46e: {  	s3 =	sshll.u32 s9, $0x6;
	[tilespmem:s10+$0x50] =	vst v3;
	v3 =	vadd.f32 v8, v7;
	v4 =	vadd.f32 v9, v4;
	v6 =	vmul.f32 v16, v20  }
0x46f: {  	[tilespmem:s10+$0xFFFFFF90] =	vst v2;
	s10 =	sor.u32 s7, s3;
	v1 =	vadd.f32 v5, v1  }
0x470: {  	s3 =	smul.u32 $0x300, s10;
	[tilespmem:s14+$0xFFFFFFF0] =	vst v4;
	v2 =	vadd.f32 v6, v3  }
0x471: {  	s18 =	simm.s32 $0x0;
	s28 =	sadd.s32 $0x40, s10;
	[tilespmem:s14+$0x50] =	vst v1  }
0x472: {  	s25 =	simm.s32 $0xC300;
	s13 =	sshll.u32 s28, $0x4;
	s3 =	sadd.s32 s6, s3;
	[tilespmem:s14+$0xFFFFFF90] =	vst v2  }
0x473: {  	[hbm4b:s3+s18] =	stream.linear.scatter [tilespmem:s25], [sflag:$0x5], $0x1800, $0x38;
	[tilespmem:$0xF300] =	vst v63  }
0x474: {  	s12 =	sand.u32 $0x1FFFFDF0, s13;
	s3 =	sshll.u32 s28, $0x5  }
0x475: {  	s12 =	sadd.s32 s2, s12;
	s3 =	sand.u32 $0x1FFFFBE0, s3  }
0x476: {  	[tilespmem:s18], [sflag:$0x1] =	stream.linear.gather [hbm4b:s12+s18], $0x80, $0x38;
	[tilespmem:$0xF300] =	vst v63  }
0x477: {  	s3 =	sadd.s32 s4, s3  }
0x478: {  	[tilespmem:s19], [sflag:$0x1] =	stream.linear.gather [hbm4b:s3+s18], $0x100, $0x38;
	[tilespmem:$0xF300] =	vst v63  }
0x479: {  	_ =	swait.ge [sflag:s22], $0x80  }
0x47a: {  	[sflag:s22] =	ssyncset.done $0x0  }
0x47b: {  	[sflag:s22] =	ssyncadd.s32 $0xFFFFFF80  }
0x47c: {  	s14 =	simm.s32 $0xC;
	_ =	swait.ge [sflag:s22], $0x100  }
0x47d: {  	v1 =	vmov s14;
	[sflag:s22] =	ssyncset.done $0x0  }
0x47e: {  	v1 =	vshrl.u32 v1, $0x3;
	[sflag:s22] =	ssyncadd.s32 $0xFFFFFF00  }
0x47f: {  	v1 =	vshll.u32 v1, v0;
	[tilespmem:s23], [sflag:$0x3] =	stream.indirect.gather [hbm4b:s5+s20], $0xC0, s18, s20, $0xb8;
	[tilespmem:$0xF300] =	vst v63  }
0x480: {  	v2 =	vadd.s32 $0x4, v1;
	_ =	swait.ge [sflag:s29], $0x6000  }
0x481: {  	v3 =	vadd.s32 $0x5, v1;
	v2 =	vbroadcast v2, $0x0;
	[sflag:s29] =	ssyncset.done $0x0  }
0x482: {  	v3 =	vbroadcast v3, $0x0;
	[sflag:s29] =	ssyncadd.s32 $0xFFFFA000  }
0x483: {  	v4 =	vadd.s32 $0x6, v1;
	_ =	swait.ge [sflag:s0], $0x1800  }
0x484: {  	v4 =	vbroadcast v4, $0x0;
	[sflag:s0] =	ssyncset.done $0x0  }
0x485: {  	s12 =	simm.s32 $0x6600;
	v1 =	vadd.s32 $0x7, v1;
	[sflag:s0] =	ssyncadd.s32 $0xFFFFE800  }
0x486: {  	v1 =	vbroadcast v1, $0x0;
	v5 =	vld [tilespmem:s12+$0x180]  }
0x487: {  	s15 =	simm.s32 $0x4;
	v25 =	vld.idx.msk [tilespmem:v2+s21+$0x0], $0xffff  }
0x488: {  	s16 =	simm.s32 $0x8;
	v2 =	vmov s15;
	v26 =	vld.idx.msk [tilespmem:v3+s21+$0x0], $0xffff  }
0x489: {  	v3 =	vmov s16;
	v6 =	vld [tilespmem:s12+$0x1E0];
	v2 =	vshrl.u32 v2, $0x3  }
0x48a: {  	v7 =	vmov s18;
	v27 =	vld.idx.msk [tilespmem:v4+s21+$0x0], $0xffff;
	v3 =	vshrl.u32 v3, $0x3;
	v8 =	vshll.u32 v2, v0  }
0x48b: {  	v4 =	vld [tilespmem:s12+$0x240];
	v2 =	vshrl.u32 v7, $0x3;
	v11 =	vshll.u32 v3, v0;
	v3 =	vadd.s32 $0x4, v8  }
0x48c: {  	v28 =	vld.idx.msk [tilespmem:v1+s21+$0x0], $0xffff;
	v7 =	vadd.s32 $0x5, v8;
	v9 =	vadd.s32 $0x1, v11;
	v3 =	vbroadcast v3, $0x0  }
0x48d: {  	v10 =	vshll.u32 v2, v0;
	v1 =	vbroadcast v7, $0x0;
	v7 =	vbroadcast v9, $0x0;
	v9 =	vld [tilespmem:s12+$0x2A0]  }
0x48e: {  	v2 =	vadd.s32 $0x1, v10;
	v5 =	vmul.f32 v5, v25;
	v6 =	vmul.f32 v6, v26  }
0x48f: {  	v12 =	vbroadcast v2, $0x0  }
0x490: {  	v13 =	vbroadcast v11, $0x0;
	v4 =	vmul.f32 v4, v27;
	v5 =	vadd.f32 v6, v5  }
0x491: {  	v15 =	vld [tilespmem:s12+$0xFFFFFD00]  }
0x492: {  	v2 =	vld.idx.msk [tilespmem:v3+s21+$0x0], $0xffff;
	v3 =	vadd.f32 v4, v5;
	v5 =	vmul.f32 v9, v28  }
0x493: {  	v17 =	vld [tilespmem:s12+$0xFFFFFD60];
	v6 =	vbroadcast v10, $0x0  }
0x494: {  	v4 =	vld.idx.msk [tilespmem:v7+s21+$0x0], $0xffff;
	v7 =	vadd.f32 v5, v3  }
0x495: {  	s11 =	simm.s32 $0xDBC0;
	v5 =	vld.idx.msk [tilespmem:v12+s21+$0x0], $0xffff  }
0x496: {  	v3 =	vld.idx.msk [tilespmem:v13+s21+$0x0], $0xffff;
	[tilespmem:s11+$0x60] =	vst v7  }
0x497: {  	v9 =	vld [tilespmem:s12+$0x190]  }
0x498: {  	v12 =	vld [tilespmem:s12+$0x1F0]  }
0x499: {  	v7 =	vld.idx.msk [tilespmem:v6+s21+$0x0], $0xffff  }
0x49a: {  	v13 =	vadd.s32 $0x6, v8;
	v8 =	vadd.s32 $0x7, v8;
	v6 =	vld [tilespmem:s12+$0x250]  }
0x49b: {  	v18 =	vld [tilespmem:s12+$0xFFFFFE80];
	v8 =	vbroadcast v8, $0x0  }
0x49c: {  	v13 =	vbroadcast v13, $0x0;
	v16 =	vld [tilespmem:s12+$0x2B0]  }
0x49d: {  	v19 =	vld [tilespmem:s12+$0xFFFFFEE0];
	v14 =	vadd.s32 $0x2, v10;
	v9 =	vmul.f32 v9, v25;
	v12 =	vmul.f32 v12, v26  }
0x49e: {  	v20 =	vld [tilespmem:s12+$0x0];
	v14 =	vbroadcast v14, $0x0  }
0x49f: {  	v30 =	vld [tilespmem:s12+$0xFFFFFFA0];
	v6 =	vmul.f32 v6, v27;
	v9 =	vadd.f32 v12, v9  }
0x4a0: {  	v1 =	vld.idx.msk [tilespmem:v1+s21+$0x0], $0xffff  }
0x4a1: {  	v10 =	vadd.s32 $0x3, v10;
	v8 =	vld.idx.msk [tilespmem:v8+s21+$0x0], $0xffff;
	v12 =	vmul.f32 v16, v28;
	v6 =	vadd.f32 v6, v9  }
0x4a2: {  	v16 =	vbroadcast v10, $0x0;
	v10 =	vld.idx.msk [tilespmem:v13+s21+$0x0], $0xffff  }
0x4a3: {  	v13 =	vld [tilespmem:s12+$0xFFFFFF40];
	v6 =	vadd.f32 v12, v6  }
0x4a4: {  	v9 =	vld.idx.msk [tilespmem:v14+s21+$0x0], $0xffff  }
0x4a5: {  	v12 =	vld [tilespmem:s12+$0xFFFFFDC0];
	[tilespmem:s11+$0x70] =	vst v6  }
0x4a6: {  	v14 =	vld [tilespmem:s12+$0x1A0]  }
0x4a7: {  	v17 =	vmul.f32 v17, v5;
	v15 =	vmul.f32 v15, v7;
	v6 =	vadd.s32 $0x2, v11;
	v22 =	vld [tilespmem:s12+$0x200]  }
0x4a8: {  	v18 =	vmul.f32 v18, v2;
	v11 =	vadd.s32 $0x3, v11;
	v23 =	vbroadcast v6, $0x0;
	v6 =	vld.idx.msk [tilespmem:v16+s21+$0x0], $0xffff  }
0x4a9: {  	v15 =	vadd.f32 v17, v15;
	v17 =	vmul.f32 v19, v1;
	v16 =	vld [tilespmem:s12+$0x260];
	v11 =	vbroadcast v11, $0x0  }
0x4aa: {  	v24 =	vld [tilespmem:s12+$0xFFFFFE20]  }
0x4ab: {  	v17 =	vadd.f32 v17, v18;
	v13 =	vmul.f32 v13, v10;
	v29 =	vld [tilespmem:s12+$0x2C0]  }
0x4ac: {  	v21 =	vld [tilespmem:s12+$0x60];
	v14 =	vmul.f32 v14, v25;
	v22 =	vmul.f32 v22, v26  }
0x4ad: {  	v18 =	vld [tilespmem:s12+$0xC0];
	v13 =	vadd.f32 v13, v17;
	v17 =	vmul.f32 v30, v8;
	v19 =	vmul.f32 v12, v9  }
0x4ae: {  	v16 =	vmul.f32 v16, v27;
	v12 =	vld.idx.msk [tilespmem:v23+s21+$0x0], $0xffff;
	v14 =	vadd.f32 v22, v14  }
0x4af: {  	v13 =	vadd.f32 v17, v13;
	v15 =	vadd.f32 v19, v15;
	v19 =	vmul.f32 v24, v6;
	v11 =	vld.idx.msk [tilespmem:v11+s21+$0x0], $0xffff  }
0x4b0: {  	v22 =	vld [tilespmem:s12+$0x120];
	v14 =	vadd.f32 v16, v14;
	v16 =	vmul.f32 v29, v28  }
0x4b1: {  	v21 =	vmul.f32 v21, v4;
	v20 =	vmul.f32 v20, v3;
	[tilespmem:s11+$0xFFFFFFA0] =	vst v13;
	v15 =	vadd.f32 v19, v15  }
0x4b2: {  	v24 =	vld [tilespmem:s12+$0xFFFFFFB0];
	v14 =	vadd.f32 v16, v14  }
0x4b3: {  	v23 =	vld [tilespmem:s12+$0xFFFFFF50];
	[tilespmem:s11+$0xFFFFFF40] =	vst v15;
	v15 =	vadd.f32 v21, v20;
	v16 =	vmul.f32 v18, v12  }
0x4b4: {  	v19 =	vld [tilespmem:s12+$0xFFFFFEF0];
	[tilespmem:s11+$0x80] =	vst v14  }
0x4b5: {  	v15 =	vadd.f32 v16, v15;
	v16 =	vmul.f32 v22, v11;
	v14 =	vld [tilespmem:s12+$0x1B0]  }
0x4b6: {  	v13 =	vld [tilespmem:s12+$0x210]  }
0x4b7: {  	v18 =	vld [tilespmem:s12+$0xFFFFFE90];
	v15 =	vadd.f32 v16, v15  }
0x4b8: {  	v16 =	vld [tilespmem:s12+$0x270]  }
0x4b9: {  	[tilespmem:s11+$0x0] =	vst v15;
	v15 =	vld [tilespmem:s12+$0x2D0]  }
0x4ba: {  	v20 =	vld [tilespmem:s12+$0x10]  }
0x4bb: {  	v21 =	vld [tilespmem:s12+$0x70];
	v14 =	vmul.f32 v14, v25;
	v13 =	vmul.f32 v13, v26  }
0x4bc: {  	v17 =	vld [tilespmem:s12+$0xFFFFFD10]  }
0x4bd: {  	v22 =	vld [tilespmem:s12+$0xFFFFFD70];
	v13 =	vadd.f32 v13, v14;
	v14 =	vmul.f32 v16, v27  }
0x4be: {  	v19 =	vmul.f32 v19, v1;
	v16 =	vld [tilespmem:s12+$0xD0]  }
0x4bf: {  	v18 =	vmul.f32 v18, v2;
	v13 =	vadd.f32 v14, v13;
	v14 =	vmul.f32 v15, v28;
	v15 =	vld [tilespmem:s12+$0xFFFFFDD0]  }
0x4c0: {  	v29 =	vld [tilespmem:s12+$0x130];
	v20 =	vmul.f32 v20, v3;
	v21 =	vmul.f32 v21, v4  }
0x4c1: {  	v18 =	vadd.f32 v19, v18;
	v13 =	vadd.f32 v14, v13;
	v14 =	vmul.f32 v23, v10  }
0x4c2: {  	v17 =	vmul.f32 v17, v7;
	v19 =	vmul.f32 v22, v5;
	v22 =	vld [tilespmem:s12+$0xFFFFFE30];
	v20 =	vadd.f32 v21, v20  }
0x4c3: {  	[tilespmem:s11+$0x90] =	vst v13;
	v13 =	vmul.f32 v16, v12;
	v14 =	vadd.f32 v14, v18;
	v16 =	vmul.f32 v24, v8  }
0x4c4: {  	v17 =	vadd.f32 v19, v17;
	v18 =	vld [tilespmem:s12+$0x1C0];
	v15 =	vmul.f32 v15, v9  }
0x4c5: {  	v19 =	vld [tilespmem:s12+$0x220];
	v13 =	vadd.f32 v13, v20;
	v20 =	vmul.f32 v29, v11;
	v14 =	vadd.f32 v16, v14  }
0x4c6: {  	v16 =	vld [tilespmem:s12+$0x280]  }
0x4c7: {  	v15 =	vadd.f32 v15, v17;
	v17 =	vmul.f32 v22, v6;
	v13 =	vadd.f32 v20, v13;
	v20 =	vld [tilespmem:s12+$0x2E0];
	[tilespmem:s11+$0xFFFFFFB0] =	vst v14  }
0x4c8: {  	v14 =	vld [tilespmem:s12+$0xFFFFFEA0]  }
0x4c9: {  	v15 =	vadd.f32 v17, v15;
	[tilespmem:s11+$0x10] =	vst v13;
	v13 =	vld [tilespmem:s12+$0xFFFFFF00]  }
0x4ca: {  	v17 =	vld [tilespmem:s12+$0x20]  }
0x4cb: {  	[tilespmem:s11+$0xFFFFFF50] =	vst v15;
	v15 =	vld [tilespmem:s12+$0x80]  }
0x4cc: {  	v18 =	vmul.f32 v18, v25;
	v19 =	vmul.f32 v19, v26;
	v23 =	vld [tilespmem:s12+$0xE0]  }
0x4cd: {  	v21 =	vld [tilespmem:s12+$0xFFFFFD20]  }
0x4ce: {  	v16 =	vmul.f32 v16, v27;
	v18 =	vadd.f32 v19, v18;
	v19 =	vld [tilespmem:s12+$0xFFFFFF60]  }
0x4cf: {  	v22 =	vld [tilespmem:s12+$0xFFFFFD80]  }
0x4d0: {  	v16 =	vadd.f32 v16, v18;
	v18 =	vmul.f32 v20, v28;
	v20 =	vld [tilespmem:s12+$0xFFFFFFC0]  }
0x4d1: {  	v14 =	vmul.f32 v14, v2;
	v13 =	vmul.f32 v13, v1  }
0x4d2: {  	v16 =	vadd.f32 v18, v16;
	v17 =	vmul.f32 v17, v3;
	v15 =	vmul.f32 v15, v4;
	v18 =	vld [tilespmem:s12+$0x140]  }
0x4d3: {  	s13 =	simm.s32 $0x6C00;
	v24 =	vld [tilespmem:s12+$0xFFFFFDE0];
	v13 =	vadd.f32 v13, v14;
	v19 =	vmul.f32 v19, v10  }
0x4d4: {  	v47 =	vld [tilespmem:s13+$0x240];
	v14 =	vmul.f32 v21, v7;
	v21 =	vmul.f32 v22, v5;
	v15 =	vadd.f32 v15, v17  }
0x4d5: {  	v22 =	vld [tilespmem:s12+$0xFFFFFE40];
	v17 =	vmul.f32 v23, v12;
	[tilespmem:s11+$0xA0] =	vst v16;
	v13 =	vadd.f32 v19, v13;
	v16 =	vmul.f32 v20, v8  }
0x4d6: {  	v50 =	vld [tilespmem:s13+$0x2A0]  }
0x4d7: {  	v52 =	vld [tilespmem:s13+$0xFFFFFE80];
	v15 =	vadd.f32 v17, v15;
	v13 =	vadd.f32 v16, v13;
	v16 =	vmul.f32 v18, v11  }
0x4d8: {  	v55 =	vld [tilespmem:s13+$0xFFFFFEE0];
	v14 =	vadd.f32 v21, v14;
	v17 =	vmul.f32 v24, v9  }
0x4d9: {  	v57 =	vld [tilespmem:s13+$0x0];
	[tilespmem:s11+$0xFFFFFFC0] =	vst v13;
	v13 =	vadd.f32 v16, v15  }
0x4da: {  	s17 =	simm.s32 $0x1C;
	v58 =	vld [tilespmem:s13+$0x60];
	v14 =	vadd.f32 v17, v14;
	v17 =	vmul.f32 v22, v6  }
0x4db: {  	v29 =	vld [tilespmem:s12+$0x1D0];
	[tilespmem:s11+$0x20] =	vst v13;
	v13 =	vmov s17  }
0x4dc: {  	v32 =	vld [tilespmem:s12+$0x230];
	v14 =	vadd.f32 v17, v14;
	v13 =	vshrl.u32 v13, $0x3  }
0x4dd: {  	v30 =	vld [tilespmem:s12+$0x290];
	v13 =	vshll.u32 v13, v0  }
0x4de: {  	v31 =	vld [tilespmem:s12+$0x2F0];
	[tilespmem:s11+$0xFFFFFF60] =	vst v14;
	v14 =	vadd.s32 $0x4, v13  }
0x4df: {  	v18 =	vld [tilespmem:s13+$0x180];
	v15 =	vadd.s32 $0x5, v13;
	v14 =	vbroadcast v14, $0x0  }
0x4e0: {  	v19 =	vld [tilespmem:s12+$0xFFFFFEB0];
	v15 =	vbroadcast v15, $0x0  }
0x4e1: {  	v20 =	vld [tilespmem:s12+$0xFFFFFF10]  }
0x4e2: {  	s18 =	simm.s32 $0x14;
	v40 =	vld [tilespmem:s12+$0xFFFFFF70];
	v16 =	vadd.s32 $0x6, v13  }
0x4e3: {  	v43 =	vld [tilespmem:s12+$0xFFFFFFD0];
	v17 =	vmov s18;
	v16 =	vbroadcast v16, $0x0  }
0x4e4: {  	s25 =	simm.s32 $0x10;
	v17 =	vshrl.u32 v17, $0x3;
	v24 =	vld [tilespmem:s12+$0x30];
	v13 =	vadd.s32 $0x7, v13  }
0x4e5: {  	s28 =	simm.s32 $0x18;
	v21 =	vmov s25;
	v23 =	vshll.u32 v17, v0;
	v13 =	vbroadcast v13, $0x0;
	v35 =	vld.idx.msk [tilespmem:v14+s21+$0x0], $0xffff  }
0x4e6: {  	v22 =	vmov s28;
	v17 =	vshrl.u32 v21, $0x3;
	v21 =	vadd.s32 $0x4, v23;
	v36 =	vld.idx.msk [tilespmem:v15+s21+$0x0], $0xffff  }
0x4e7: {  	v14 =	vshrl.u32 v22, $0x3;
	v15 =	vbroadcast v21, $0x0;
	v21 =	vld [tilespmem:s13+$0x1E0]  }
0x4e8: {  	v37 =	vld [tilespmem:s12+$0x90];
	v45 =	vshll.u32 v14, v0;
	v14 =	vadd.s32 $0x5, v23  }
0x4e9: {  	v46 =	vshll.u32 v17, v0;
	v34 =	vld.idx.msk [tilespmem:v16+s21+$0x0], $0xffff;
	v17 =	vadd.s32 $0x1, v45;
	v14 =	vbroadcast v14, $0x0  }
0x4ea: {  	v41 =	vld [tilespmem:s12+$0xF0];
	v22 =	vbroadcast v17, $0x0  }
0x4eb: {  	v33 =	vld.idx.msk [tilespmem:v13+s21+$0x0], $0xffff  }
0x4ec: {  	v44 =	vld [tilespmem:s12+$0x150];
	v13 =	vmul.f32 v18, v35;
	v21 =	vmul.f32 v21, v36  }
0x4ed: {  	v38 =	vld [tilespmem:s12+$0xFFFFFD30];
	v16 =	vadd.s32 $0x1, v46  }
0x4ee: {  	v16 =	vbroadcast v16, $0x0;
	v18 =	vld.idx.msk [tilespmem:v15+s21+$0x0], $0xffff;
	v15 =	vadd.f32 v21, v13;
	v21 =	vmul.f32 v47, v34  }
0x4ef: {  	v17 =	vld.idx.msk [tilespmem:v14+s21+$0x0], $0xffff  }
0x4f0: {  	v14 =	vld.idx.msk [tilespmem:v22+s21+$0x0], $0xffff;
	v21 =	vadd.f32 v21, v15;
	v22 =	vmul.f32 v50, v33  }
0x4f1: {  	v39 =	vld [tilespmem:s12+$0xFFFFFD90];
	v49 =	vbroadcast v46, $0x0  }
0x4f2: {  	v42 =	vld [tilespmem:s12+$0xFFFFFDF0];
	v21 =	vadd.f32 v22, v21  }
0x4f3: {  	s14 =	simm.s32 $0xDD40;
	v51 =	vld [tilespmem:s12+$0xFFFFFE50]  }
0x4f4: {  	v13 =	vld.idx.msk [tilespmem:v16+s21+$0x0], $0xffff;
	[tilespmem:s14+$0x60] =	vst v21  }
0x4f5: {  	v48 =	vbroadcast v45, $0x0;
	v21 =	vld [tilespmem:s13+$0x190]  }
0x4f6: {  	v53 =	vadd.s32 $0x2, v46;
	v60 =	vld [tilespmem:s13+$0x1F0]  }
0x4f7: {  	v53 =	vbroadcast v53, $0x0;
	v16 =	vld.idx.msk [tilespmem:v49+s21+$0x0], $0xffff  }
0x4f8: {  	v22 =	vadd.s32 $0x6, v23;
	v54 =	vld [tilespmem:s13+$0x250]  }
0x4f9: {  	v46 =	vadd.s32 $0x3, v46;
	v47 =	vld [tilespmem:s13+$0xFFFFFD00];
	v22 =	vbroadcast v22, $0x0  }
0x4fa: {  	v63 =	vmul.f32 v19, v2;
	v46 =	vbroadcast v46, $0x0;
	v56 =	vld [tilespmem:s13+$0x2B0]  }
0x4fb: {  	v61 =	vadd.s32 $0x2, v45;
	v15 =	vld.idx.msk [tilespmem:v48+s21+$0x0], $0xffff;
	v21 =	vmul.f32 v21, v35;
	v49 =	vmul.f32 v60, v36  }
0x4fc: {  	v20 =	vmul.f32 v20, v1;
	v48 =	vld [tilespmem:s13+$0xFFFFFD60];
	v50 =	vbroadcast v61, $0x0;
	v23 =	vadd.s32 $0x7, v23  }
0x4fd: {  	v59 =	vbroadcast v23, $0x0;
	v23 =	vld.idx.msk [tilespmem:v53+s21+$0x0], $0xffff;
	v54 =	vmul.f32 v54, v34;
	v49 =	vadd.f32 v49, v21  }
0x4fe: {  	v40 =	vmul.f32 v40, v10;
	v53 =	vld [tilespmem:s13+$0xFFFFFDC0]  }
0x4ff: {  	v20 =	vadd.f32 v20, v63;
	v22 =	vld.idx.msk [tilespmem:v22+s21+$0x0], $0xffff;
	v62 =	vmul.f32 v56, v33;
	v49 =	vadd.f32 v54, v49  }
0x500: {  	v56 =	vld [tilespmem:s13+$0xFFFFFF40]  }
0x501: {  	v60 =	vadd.f32 v40, v20;
	v20 =	vld.idx.msk [tilespmem:v46+s21+$0x0], $0xffff;
	v19 =	vadd.f32 v62, v49  }
0x502: {  	v24 =	vmul.f32 v24, v3;
	v37 =	vmul.f32 v37, v4;
	v21 =	vld.idx.msk [tilespmem:v50+s21+$0x0], $0xffff  }
0x503: {  	v38 =	vmul.f32 v38, v7;
	v39 =	vmul.f32 v39, v5;
	v45 =	vadd.s32 $0x3, v45;
	[tilespmem:s14+$0x70] =	vst v19;
	v19 =	vld.idx.msk [tilespmem:v59+s21+$0x0], $0xffff  }
0x504: {  	v24 =	vadd.f32 v37, v24;
	v45 =	vbroadcast v45, $0x0;
	v61 =	vmul.f32 v41, v12;
	v50 =	vld [tilespmem:s13+$0x1A0]  }
0x505: {  	v62 =	vmul.f32 v43, v8;
	v59 =	vmul.f32 v42, v9;
	v42 =	vld [tilespmem:s13+$0x200]  }
0x506: {  	v38 =	vadd.f32 v39, v38;
	v40 =	vadd.f32 v61, v24;
	v61 =	vmul.f32 v52, v18;
	v39 =	vld [tilespmem:s13+$0x260]  }
0x507: {  	v54 =	vmul.f32 v47, v16;
	v37 =	vadd.f32 v62, v60;
	v60 =	vmul.f32 v48, v13;
	v62 =	vld [tilespmem:s13+$0x2C0]  }
0x508: {  	v52 =	vmul.f32 v55, v17;
	v43 =	vmul.f32 v44, v11;
	v38 =	vadd.f32 v59, v38;
	v59 =	vld [tilespmem:s13+$0xFFFFFE20]  }
0x509: {  	v63 =	vmul.f32 v51, v6;
	v41 =	vadd.f32 v60, v54;
	v54 =	vld [tilespmem:s13+$0xFFFFFFA0]  }
0x50a: {  	v53 =	vmul.f32 v53, v23;
	v24 =	vld.idx.msk [tilespmem:v45+s21+$0x0], $0xffff;
	v45 =	vadd.f32 v52, v61;
	v40 =	vadd.f32 v43, v40  }
0x50b: {  	v55 =	vld [tilespmem:s13+$0x120];
	v44 =	vadd.f32 v63, v38;
	v63 =	vmul.f32 v50, v35;
	v42 =	vmul.f32 v42, v36  }
0x50c: {  	v49 =	vld [tilespmem:s13+$0xC0];
	[tilespmem:s11+$0xFFFFFFD0] =	vst v37;
	v60 =	vmul.f32 v56, v22;
	v41 =	vadd.f32 v53, v41;
	v39 =	vmul.f32 v39, v34  }
0x50d: {  	[tilespmem:s11+$0x30] =	vst v40;
	v37 =	vld [tilespmem:s12+$0xFFFFFEC0];
	v61 =	vmul.f32 v62, v33;
	v59 =	vmul.f32 v59, v20;
	v42 =	vadd.f32 v42, v63  }
0x50e: {  	v51 =	vld [tilespmem:s12+$0x40];
	v40 =	vadd.f32 v60, v45;
	v62 =	vmul.f32 v57, v15;
	v50 =	vmul.f32 v54, v19  }
0x50f: {  	v38 =	vld [tilespmem:s12+$0xFFFFFF20];
	v63 =	vmul.f32 v58, v14;
	v41 =	vadd.f32 v59, v41;
	v39 =	vadd.f32 v39, v42  }
0x510: {  	v45 =	vld [tilespmem:s12+$0xA0];
	[tilespmem:s11+$0xFFFFFF70] =	vst v44;
	v40 =	vadd.f32 v50, v40  }
0x511: {  	v53 =	vmul.f32 v49, v21;
	v52 =	vadd.f32 v63, v62;
	[tilespmem:s14+$0xFFFFFF40] =	vst v41;
	v42 =	vadd.f32 v61, v39;
	v39 =	vld [tilespmem:s12+$0xFFFFFD40]  }
0x512: {  	[tilespmem:s14+$0xFFFFFFA0] =	vst v40;
	v44 =	vld [tilespmem:s13+$0xFFFFFD10]  }
0x513: {  	v43 =	vmul.f32 v55, v24;
	v41 =	vadd.f32 v53, v52;
	v46 =	vld [tilespmem:s13+$0xFFFFFE90];
	[tilespmem:s14+$0x80] =	vst v42  }
0x514: {  	v42 =	vld [tilespmem:s13+$0x1B0]  }
0x515: {  	v41 =	vadd.f32 v43, v41;
	v54 =	vld [tilespmem:s13+$0x210]  }
0x516: {  	v55 =	vld [tilespmem:s13+$0x270]  }
0x517: {  	v56 =	vld [tilespmem:s13+$0x2D0];
	[tilespmem:s14+$0x0] =	vst v41  }
0x518: {  	v57 =	vld [tilespmem:s13+$0x10]  }
0x519: {  	v58 =	vld [tilespmem:s13+$0x70]  }
0x51a: {  	v47 =	vld [tilespmem:s13+$0xFFFFFEF0]  }
0x51b: {  	v61 =	vld [tilespmem:s13+$0xD0];
	v42 =	vmul.f32 v42, v35;
	v40 =	vmul.f32 v54, v36  }
0x51c: {  	v60 =	vld [tilespmem:s13+$0xFFFFFF50]  }
0x51d: {  	v59 =	vmul.f32 v55, v34;
	v41 =	vmul.f32 v56, v33;
	v56 =	vld [tilespmem:s13+$0x130];
	v40 =	vadd.f32 v40, v42  }
0x51e: {  	v50 =	vld [tilespmem:s13+$0xFFFFFD70];
	v48 =	vmul.f32 v57, v15;
	v49 =	vmul.f32 v58, v14  }
0x51f: {  	v62 =	vld [tilespmem:s13+$0xFFFFFDD0];
	v54 =	vmul.f32 v46, v18;
	v55 =	vmul.f32 v47, v17;
	v40 =	vadd.f32 v59, v40  }
0x520: {  	v63 =	vld [tilespmem:s13+$0xFFFFFFB0];
	v52 =	vmul.f32 v61, v21;
	v48 =	vadd.f32 v49, v48  }
0x521: {  	v43 =	vmul.f32 v60, v22;
	v57 =	vld [tilespmem:s13+$0xFFFFFE30];
	v40 =	vadd.f32 v41, v40;
	v41 =	vadd.f32 v55, v54  }
0x522: {  	v47 =	vmul.f32 v56, v24;
	v48 =	vadd.f32 v52, v48;
	v52 =	vld [tilespmem:s12+$0xFFFFFF80]  }
0x523: {  	v41 =	vadd.f32 v43, v41;
	v43 =	vld [tilespmem:s12+$0xFFFFFDA0]  }
0x524: {  	[tilespmem:s14+$0x90] =	vst v40;
	v47 =	vadd.f32 v47, v48;
	v48 =	vld [tilespmem:s12+$0x100]  }
0x525: {  	v44 =	vmul.f32 v44, v16;
	v50 =	vmul.f32 v50, v13;
	v58 =	vld [tilespmem:s13+$0x1C0]  }
0x526: {  	v59 =	vld [tilespmem:s13+$0x220]  }
0x527: {  	v53 =	vmul.f32 v63, v19;
	v44 =	vadd.f32 v50, v44;
	v42 =	vmul.f32 v62, v23;
	v60 =	vld [tilespmem:s13+$0x280]  }
0x528: {  	v61 =	vld [tilespmem:s13+$0x2E0];
	[tilespmem:s14+$0x10] =	vst v47  }
0x529: {  	v42 =	vadd.f32 v42, v44;
	v40 =	vmul.f32 v57, v20;
	v41 =	vadd.f32 v53, v41;
	v47 =	vld [tilespmem:s13+$0x20]  }
0x52a: {  	v56 =	vld [tilespmem:s13+$0x80]  }
0x52b: {  	v25 =	vmul.f32 v29, v25;
	v40 =	vadd.f32 v40, v42;
	v29 =	vld [tilespmem:s13+$0xE0];
	[tilespmem:s14+$0xFFFFFFB0] =	vst v41  }
0x52c: {  	v53 =	vld [tilespmem:s13+$0xFFFFFEA0];
	v62 =	vmul.f32 v58, v35;
	v63 =	vmul.f32 v59, v36  }
0x52d: {  	[tilespmem:s14+$0xFFFFFF50] =	vst v40;
	v54 =	vld [tilespmem:s13+$0xFFFFFF00]  }
0x52e: {  	v57 =	vld [tilespmem:s13+$0xFFFFFD20];
	v55 =	vmul.f32 v60, v34;
	v41 =	vadd.f32 v63, v62  }
0x52f: {  	v26 =	vmul.f32 v32, v26;
	v58 =	vld [tilespmem:s13+$0xFFFFFD80]  }
0x530: {  	v44 =	vmul.f32 v61, v33;
	v59 =	vld [tilespmem:s13+$0xFFFFFF60];
	v41 =	vadd.f32 v55, v41  }
0x531: {  	v25 =	vadd.f32 v26, v25;
	v26 =	vmul.f32 v30, v27;
	v61 =	vld [tilespmem:s13+$0xFFFFFFC0]  }
0x532: {  	v27 =	vmul.f32 v31, v28;
	v37 =	vmul.f32 v37, v2;
	v62 =	vld [tilespmem:s13+$0xFFFFFDE0];
	v41 =	vadd.f32 v44, v41  }
0x533: {  	v25 =	vadd.f32 v26, v25;
	v38 =	vmul.f32 v38, v1;
	v30 =	vmul.f32 v53, v18;
	v53 =	vld [tilespmem:s13+$0x140]  }
0x534: {  	v26 =	vmul.f32 v47, v15;
	v31 =	vmul.f32 v54, v17;
	v55 =	vld [tilespmem:s13+$0xFFFFFE40];
	[tilespmem:s14+$0xA0] =	vst v41  }
0x535: {  	v25 =	vadd.f32 v27, v25;
	v40 =	vmul.f32 v56, v14;
	v29 =	vmul.f32 v29, v21;
	v60 =	vld [tilespmem:s13+$0x1D0]  }
0x536: {  	v47 =	vmul.f32 v43, v5;
	v27 =	vadd.f32 v31, v30;
	v30 =	vld [tilespmem:s12+$0xFFFFFE00];
	v31 =	vmul.f32 v59, v22  }
0x537: {  	v46 =	vmul.f32 v57, v16;
	v26 =	vadd.f32 v40, v26;
	v63 =	vmul.f32 v58, v13;
	v28 =	vld [tilespmem:s13+$0x230]  }
0x538: {  	v57 =	vmul.f32 v61, v19;
	v61 =	vmul.f32 v51, v3;
	v59 =	vld [tilespmem:s12+$0xFFFFFFE0];
	v27 =	vadd.f32 v31, v27  }
0x539: {  	v26 =	vadd.f32 v29, v26;
	v54 =	vadd.f32 v63, v46;
	v58 =	vmul.f32 v62, v23;
	v56 =	vld [tilespmem:s13+$0x290]  }
0x53a: {  	v62 =	vld [tilespmem:s12+$0x160];
	v27 =	vadd.f32 v57, v27;
	v31 =	vmul.f32 v60, v35;
	v60 =	vmul.f32 v53, v24  }
0x53b: {  	v37 =	vadd.f32 v38, v37;
	v63 =	vld [tilespmem:s12+$0xFFFFFE60];
	v46 =	vmul.f32 v39, v7;
	v44 =	vmul.f32 v55, v20  }
0x53c: {  	v29 =	vld [tilespmem:s13+$0x2F0];
	[tilespmem:s14+$0xFFFFFFC0] =	vst v27;
	v28 =	vmul.f32 v28, v36;
	v36 =	vadd.f32 v58, v54;
	v26 =	vadd.f32 v60, v26  }
0x53d: {  	v51 =	vadd.f32 v47, v46;
	v27 =	vmul.f32 v45, v4;
	v49 =	vld [tilespmem:s13+$0xFFFFFEB0];
	v53 =	vmul.f32 v52, v10  }
0x53e: {  	v28 =	vadd.f32 v28, v31;
	v31 =	vmul.f32 v56, v34;
	v50 =	vadd.f32 v44, v36;
	[tilespmem:s14+$0x20] =	vst v26;
	v26 =	vld [tilespmem:s13+$0xFFFFFF10]  }
0x53f: {  	v55 =	vmul.f32 v48, v12;
	v30 =	vmul.f32 v30, v9;
	v27 =	vadd.f32 v27, v61;
	v54 =	vld [tilespmem:s13+$0x30]  }
0x540: {  	v57 =	vmul.f32 v59, v8;
	v56 =	vadd.f32 v53, v37;
	v28 =	vadd.f32 v31, v28;
	[tilespmem:s14+$0xFFFFFF60] =	vst v50;
	v31 =	vld [tilespmem:s13+$0x90]  }
0x541: {  	v30 =	vadd.f32 v30, v51;
	v29 =	vmul.f32 v29, v33;
	v60 =	vmul.f32 v63, v6;
	v58 =	vld [tilespmem:s13+$0xFFFFFD30]  }
0x542: {  	v27 =	vadd.f32 v55, v27;
	v32 =	vadd.f32 v57, v56;
	v59 =	vld [tilespmem:s13+$0xFFFFFD90]  }
0x543: {  	[tilespmem:s11+$0xB0] =	vst v25;
	v25 =	vld [tilespmem:s13+$0xFFFFFF70];
	v30 =	vadd.f32 v60, v30;
	v28 =	vadd.f32 v29, v28;
	v29 =	vmul.f32 v62, v11  }
0x544: {  	v61 =	vmul.f32 v49, v18;
	v34 =	vld [tilespmem:s13+$0x150];
	[tilespmem:s11+$0xFFFFFFE0] =	vst v32;
	v26 =	vmul.f32 v26, v17  }
0x545: {  	v32 =	vld [tilespmem:s13+$0xFFFFFFD0];
	[tilespmem:s11+$0xFFFFFF80] =	vst v30;
	v27 =	vadd.f32 v29, v27;
	v62 =	vmul.f32 v54, v15;
	v63 =	vmul.f32 v31, v14  }
0x546: {  	s16 =	simm.s32 $0x6C00;
	[tilespmem:s14+$0xB0] =	vst v28;
	v28 =	vld [tilespmem:s13+$0xF0];
	v35 =	vmul.f32 v58, v16  }
0x547: {  	s15 =	simm.s32 $0xDD40;
	s18 =	simm.s32 $0x20;
	s17 =	simm.s32 $0x4;
	v29 =	vld [tilespmem:s13+$0xFFFFFDF0];
	[tilespmem:s11+$0x40] =	vst v27;
	v36 =	vmul.f32 v59, v13;
	v31 =	vadd.f32 v26, v61;
	v30 =	vadd.f32 v63, v62  }
.LBB2_9:
0x548: {  	v26 =	vmov s18;
	s3 =	sadd.s32 $0x4, s18;
	s25 =	sadd.s32 $0x8, s18;
	s28 =	sadd.s32 $0xC, s18;
	v37 =	vld [tilespmem:s13+$0xFFFFFE50];
	v38 =	vmul.f32 v25, v22  }
0x549: {  	v25 =	vmov s3;
	v27 =	vmov s25;
	v33 =	vmov s28;
	v39 =	vld [tilespmem:s12+$0xFFFFFED0]  }
0x54a: {  	v25 =	vshrl.u32 v25, $0x3;
	v27 =	vshrl.u32 v27, $0x3;
	v33 =	vshrl.u32 v33, $0x3;
	v40 =	vld [tilespmem:s12+$0xFFFFFF30]  }
0x54b: {  	v26 =	vshrl.u32 v26, $0x3;
	v41 =	vshll.u32 v25, v0;
	v25 =	vshll.u32 v33, v0;
	v42 =	vld [tilespmem:s12+$0x50]  }
0x54c: {  	v33 =	vshll.u32 v26, v0;
	v27 =	vshll.u32 v27, v0;
	v26 =	vadd.s32 $0x4, v25;
	v43 =	vld [tilespmem:s12+$0xB0]  }
0x54d: {  	v44 =	vadd.s32 $0x4, v41;
	v45 =	vadd.s32 $0x5, v25;
	v26 =	vbroadcast v26, $0x0;
	v46 =	vld [tilespmem:s12+$0xFFFFFD50]  }
0x54e: {  	s17 =	sadd.s32 $0x4, s17;
	v47 =	vadd.s32 $0x5, v41;
	v48 =	vadd.s32 $0x1, v27;
	v45 =	vbroadcast v45, $0x0;
	v49 =	vld [tilespmem:s12+$0xFFFFFDB0]  }
0x54f: {  	p0 =	slt.u32 s17, $0x3C;
	v50 =	vadd.s32 $0x1, v33;
	v51 =	vadd.s32 $0x6, v25;
	v44 =	vbroadcast v44, $0x0;
	v52 =	vld [tilespmem:s12+$0xFFFFFF90]  }
0x550: {  	v53 =	vadd.s32 $0x6, v41;
	v47 =	vbroadcast v47, $0x0;
	v51 =	vbroadcast v51, $0x0;
	v54 =	vld [tilespmem:s12+$0x110]  }
0x551: {  	s13 =	sadd.s32 $0x600, s13;
	v25 =	vadd.s32 $0x7, v25;
	v50 =	vbroadcast v50, $0x0;
	v48 =	vbroadcast v48, $0x0;
	v55 =	vld [tilespmem:s12+$0xFFFFFE10]  }
0x552: {  	v56 =	vbroadcast v27, $0x0;
	v57 =	vadd.s32 $0x2, v27;
	v58 =	vbroadcast v25, $0x0;
	v59 =	vld [tilespmem:s13+$0x180]  }
0x553: {  	v60 =	vbroadcast v33, $0x0;
	v61 =	vadd.s32 $0x2, v33;
	v53 =	vbroadcast v53, $0x0;
	v25 =	vld.idx.msk [tilespmem:v26+s21+$0x0], $0xffff  }
0x554: {  	v41 =	vadd.s32 $0x7, v41;
	v61 =	vbroadcast v61, $0x0;
	v57 =	vbroadcast v57, $0x0;
	v26 =	vld.idx.msk [tilespmem:v45+s21+$0x0], $0xffff  }
0x555: {  	v33 =	vadd.s32 $0x3, v33;
	v27 =	vadd.s32 $0x3, v27;
	v41 =	vbroadcast v41, $0x0;
	v45 =	vld [tilespmem:s13+$0x1E0]  }
0x556: {  	v35 =	vadd.f32 v36, v35;
	v33 =	vbroadcast v33, $0x0;
	v62 =	vbroadcast v27, $0x0;
	v27 =	vld.idx.msk [tilespmem:v51+s21+$0x0], $0xffff  }
0x557: {  	v29 =	vmul.f32 v29, v23;
	v31 =	vadd.f32 v38, v31;
	v38 =	vmul.f32 v28, v21;
	v36 =	vld [tilespmem:s13+$0x240]  }
0x558: {  	v32 =	vmul.f32 v32, v19;
	v34 =	vmul.f32 v34, v24;
	v28 =	vld.idx.msk [tilespmem:v58+s21+$0x0], $0xffff  }
0x559: {  	v29 =	vadd.f32 v29, v35;
	v30 =	vadd.f32 v38, v30;
	v35 =	vmul.f32 v37, v20;
	v51 =	vld [tilespmem:s13+$0x2A0]  }
0x55a: {  	v31 =	vadd.f32 v32, v31;
	v38 =	vmul.f32 v59, v25;
	v37 =	vld.idx.msk [tilespmem:v44+s21+$0x0], $0xffff;
	v44 =	vmul.f32 v45, v26  }
0x55b: {  	v30 =	vadd.f32 v34, v30;
	v34 =	vmul.f32 v39, v2;
	v29 =	vadd.f32 v35, v29;
	v32 =	vld.idx.msk [tilespmem:v47+s21+$0x0], $0xffff  }
0x55c: {  	v2 =	vmov v18;
	v35 =	vld.idx.msk [tilespmem:v48+s21+$0x0], $0xffff;
	v38 =	vadd.f32 v44, v38;
	v36 =	vmul.f32 v36, v27;
	[tilespmem:s14+$0xFFFFFFD0] =	vst v31  }
0x55d: {  	v39 =	vmul.f32 v40, v1;
	v1 =	vmov v17;
	v31 =	vld.idx.msk [tilespmem:v50+s21+$0x0], $0xffff;
	[tilespmem:s14+$0x30] =	vst v30;
	v30 =	vmul.f32 v42, v3  }
0x55e: {  	v3 =	vmov v15;
	v40 =	vadd.f32 v36, v38;
	v36 =	vmul.f32 v51, v28;
	[tilespmem:s14+$0xFFFFFF70] =	vst v29;
	v15 =	vld.idx.msk [tilespmem:v56+s21+$0x0], $0xffff  }
0x55f: {  	v7 =	vmul.f32 v46, v7;
	v42 =	vmul.f32 v43, v4;
	v29 =	vadd.f32 v39, v34;
	v38 =	vld.idx.msk [tilespmem:v60+s21+$0x0], $0xffff  }
0x560: {  	v43 =	vmul.f32 v52, v10;
	v18 =	vmovc v37;
	v34 =	vld [tilespmem:s13+$0xFFFFFD00];
	v36 =	vadd.f32 v36, v40;
	v40 =	vmul.f32 v49, v5  }
0x561: {  	v44 =	vmul.f32 v55, v9;
	s14 =	sadd.s32 $0x180, s14;
	v39 =	vadd.f32 v42, v30;
	v42 =	vmul.f32 v54, v12;
	v17 =	vmovc v32;
	v37 =	vld [tilespmem:s13+$0xFFFFFD60]  }
0x562: {  	v4 =	vmovc v14;
	v30 =	vadd.f32 v43, v29;
	v14 =	vmov v35;
	v32 =	vld [tilespmem:s13+$0xFFFFFE80];
	[tilespmem:s14+$0x60] =	vst v36;
	v36 =	vadd.f32 v40, v7  }
0x563: {  	v10 =	vmovc v22;
	v5 =	vmovc v13;
	v29 =	vadd.f32 v42, v39;
	v13 =	vmov v31;
	v7 =	vmov v16;
	v35 =	vld [tilespmem:s13+$0x190]  }
0x564: {  	v9 =	vmov v23;
	v12 =	vmov v21;
	v22 =	vld [tilespmem:s13+$0x1F0];
	v31 =	vadd.f32 v44, v36  }
0x565: {  	v16 =	vmov v38;
	v21 =	vmul.f32 v34, v38;
	v23 =	vld [tilespmem:s13+$0xFFFFFEE0]  }
0x566: {  	v34 =	vmul.f32 v37, v13;
	v36 =	vld [tilespmem:s13+$0x250]  }
0x567: {  	v32 =	vmul.f32 v32, v18;
	v37 =	vld [tilespmem:s13+$0x0]  }
0x568: {  	v38 =	vadd.f32 v34, v21;
	v34 =	vld [tilespmem:s13+$0x2B0]  }
0x569: {  	v35 =	vmul.f32 v35, v25;
	v39 =	vld [tilespmem:s13+$0x60];
	v40 =	vmul.f32 v22, v26  }
0x56a: {  	v22 =	vld.idx.msk [tilespmem:v53+s21+$0x0], $0xffff;
	v42 =	vmul.f32 v23, v17  }
0x56b: {  	v21 =	vld.idx.msk [tilespmem:v57+s21+$0x0], $0xffff;
	v35 =	vadd.f32 v40, v35;
	v36 =	vmul.f32 v36, v27  }
0x56c: {  	v23 =	vld.idx.msk [tilespmem:v61+s21+$0x0], $0xffff;
	v40 =	vadd.f32 v42, v32;
	v32 =	vmul.f32 v37, v15  }
0x56d: {  	v37 =	vld [tilespmem:s13+$0xFFFFFDC0];
	v35 =	vadd.f32 v36, v35;
	v34 =	vmul.f32 v34, v28  }
0x56e: {  	v36 =	vld [tilespmem:s13+$0xFFFFFF40];
	v39 =	vmul.f32 v39, v14  }
0x56f: {  	v42 =	vld [tilespmem:s13+$0xC0];
	v35 =	vadd.f32 v34, v35  }
0x570: {  	v34 =	vld.idx.msk [tilespmem:v41+s21+$0x0], $0xffff;
	v39 =	vadd.f32 v39, v32  }
0x571: {  	v32 =	vld.idx.msk [tilespmem:v62+s21+$0x0], $0xffff;
	[tilespmem:s14+$0x70] =	vst v35  }
0x572: {  	v35 =	vmul.f32 v37, v23;
	v37 =	vld [tilespmem:s13+$0x1A0]  }
0x573: {  	v36 =	vmul.f32 v36, v22;
	v41 =	vld [tilespmem:s13+$0x200]  }
0x574: {  	v33 =	vld.idx.msk [tilespmem:v33+s21+$0x0], $0xffff;
	v35 =	vadd.f32 v35, v38;
	v38 =	vmul.f32 v42, v21  }
0x575: {  	v36 =	vadd.f32 v36, v40;
	v40 =	vld [tilespmem:s13+$0x260]  }
0x576: {  	v42 =	vld [tilespmem:s13+$0xFFFFFE20];
	v38 =	vadd.f32 v38, v39  }
0x577: {  	v39 =	vld [tilespmem:s13+$0x2C0]  }
0x578: {  	v37 =	vmul.f32 v37, v25;
	v43 =	vld [tilespmem:s13+$0xFFFFFFA0];
	v41 =	vmul.f32 v41, v26  }
0x579: {  	v44 =	vld [tilespmem:s13+$0x120]  }
0x57a: {  	v37 =	vadd.f32 v41, v37;
	v40 =	vmul.f32 v40, v27;
	v41 =	vld [tilespmem:s16+$0xFFFFFEC0]  }
0x57b: {  	v42 =	vmul.f32 v42, v33;
	v45 =	vld [tilespmem:s16+$0xFFFFFF20]  }
0x57c: {  	v37 =	vadd.f32 v40, v37;
	v39 =	vmul.f32 v39, v28;
	v40 =	vld [tilespmem:s16+$0x40]  }
0x57d: {  	v35 =	vadd.f32 v42, v35;
	v42 =	vmul.f32 v43, v34;
	v43 =	vld [tilespmem:s16+$0xA0]  }
0x57e: {  	v44 =	vmul.f32 v44, v32;
	v37 =	vadd.f32 v39, v37;
	v39 =	vld [tilespmem:s16+$0xFFFFFD40]  }
0x57f: {  	[tilespmem:s14+$0xFFFFFF40] =	vst v35;
	v35 =	vadd.f32 v42, v36;
	v36 =	vld [tilespmem:s16+$0xFFFFFDA0];
	v41 =	vmul.f32 v41, v2  }
0x580: {  	v42 =	vld [tilespmem:s13+$0xFFFFFD10];
	v38 =	vadd.f32 v44, v38;
	[tilespmem:s14+$0x80] =	vst v37;
	v37 =	vmul.f32 v45, v1  }
0x581: {  	[tilespmem:s14+$0xFFFFFFA0] =	vst v35;
	v35 =	vld [tilespmem:s13+$0x1B0];
	v40 =	vmul.f32 v40, v3  }
0x582: {  	[tilespmem:s14+$0x0] =	vst v38;
	v38 =	vld [tilespmem:s13+$0x210];
	v37 =	vadd.f32 v37, v41;
	v41 =	vmul.f32 v43, v4  }
0x583: {  	v43 =	vld [tilespmem:s13+$0xFFFFFE90];
	v39 =	vmul.f32 v39, v7  }
0x584: {  	v44 =	vld [tilespmem:s13+$0x270];
	v36 =	vmul.f32 v36, v5;
	v40 =	vadd.f32 v41, v40  }
0x585: {  	v41 =	vmul.f32 v42, v16;
	v42 =	vld [tilespmem:s13+$0xFFFFFEF0]  }
0x586: {  	v45 =	vld [tilespmem:s13+$0x2D0];
	v36 =	vadd.f32 v36, v39  }
0x587: {  	v35 =	vmul.f32 v35, v25;
	v39 =	vld [tilespmem:s13+$0x10];
	v38 =	vmul.f32 v38, v26  }
0x588: {  	v43 =	vmul.f32 v43, v18;
	v46 =	vld [tilespmem:s13+$0x70]  }
0x589: {  	v47 =	vld [tilespmem:s13+$0xFFFFFD70];
	v35 =	vadd.f32 v38, v35;
	v38 =	vmul.f32 v44, v27  }
0x58a: {  	v42 =	vmul.f32 v42, v17;
	v44 =	vld [tilespmem:s13+$0xFFFFFF50]  }
0x58b: {  	v48 =	vld [tilespmem:s13+$0xD0];
	v35 =	vadd.f32 v38, v35;
	v38 =	vmul.f32 v45, v28  }
0x58c: {  	v45 =	vld [tilespmem:s13+$0xFFFFFDD0];
	v42 =	vadd.f32 v42, v43;
	v39 =	vmul.f32 v39, v15  }
0x58d: {  	v43 =	vld [tilespmem:s13+$0xFFFFFFB0];
	v46 =	vmul.f32 v46, v14;
	v35 =	vadd.f32 v38, v35  }
0x58e: {  	v38 =	vmul.f32 v47, v13;
	v47 =	vld [tilespmem:s13+$0x130]  }
0x58f: {  	v49 =	vld [tilespmem:s13+$0xFFFFFE30];
	v44 =	vmul.f32 v44, v22;
	v39 =	vadd.f32 v46, v39;
	[tilespmem:s14+$0x90] =	vst v35  }
0x590: {  	v35 =	vadd.f32 v38, v41;
	v38 =	vmul.f32 v48, v21;
	v41 =	vld [tilespmem:s13+$0x1C0]  }
0x591: {  	v45 =	vmul.f32 v45, v23;
	v42 =	vadd.f32 v44, v42;
	v44 =	vld [tilespmem:s13+$0x220]  }
0x592: {  	v43 =	vmul.f32 v43, v34;
	v38 =	vadd.f32 v38, v39;
	v39 =	vld [tilespmem:s16+$0xFFFFFF80]  }
0x593: {  	v35 =	vadd.f32 v45, v35;
	v45 =	vmul.f32 v47, v32;
	v46 =	vld [tilespmem:s13+$0x280]  }
0x594: {  	v47 =	vmul.f32 v49, v33;
	v42 =	vadd.f32 v43, v42;
	v43 =	vld [tilespmem:s16+$0x100]  }
0x595: {  	v38 =	vadd.f32 v45, v38;
	v45 =	vld [tilespmem:s13+$0x2E0]  }
0x596: {  	v41 =	vmul.f32 v41, v25;
	v35 =	vadd.f32 v47, v35;
	[tilespmem:s14+$0xFFFFFFB0] =	vst v42;
	v42 =	vmul.f32 v44, v26;
	v44 =	vld [tilespmem:s16+$0xFFFFFE00]  }
0x597: {  	v47 =	vld [tilespmem:s13+$0xFFFFFEA0];
	[tilespmem:s14+$0x10] =	vst v38;
	v38 =	vmul.f32 v39, v10  }
0x598: {  	[tilespmem:s14+$0xFFFFFF50] =	vst v35;
	v35 =	vld [tilespmem:s13+$0xFFFFFF00];
	v39 =	vadd.f32 v42, v41;
	v41 =	vmul.f32 v46, v27  }
0x599: {  	v42 =	vld [tilespmem:s13+$0x20];
	v37 =	vadd.f32 v38, v37;
	v38 =	vmul.f32 v43, v12  }
0x59a: {  	v43 =	vld [tilespmem:s13+$0x80];
	v39 =	vadd.f32 v41, v39;
	v41 =	vmul.f32 v45, v28  }
0x59b: {  	v45 =	vld [tilespmem:s13+$0xFFFFFD20];
	v44 =	vmul.f32 v44, v9;
	v38 =	vadd.f32 v38, v40  }
0x59c: {  	v40 =	vld [tilespmem:s13+$0xFFFFFD80];
	v46 =	vmul.f32 v47, v18;
	v39 =	vadd.f32 v41, v39  }
0x59d: {  	v35 =	vmul.f32 v35, v17;
	v41 =	vld [tilespmem:s13+$0xFFFFFF60];
	v36 =	vadd.f32 v44, v36  }
0x59e: {  	v42 =	vmul.f32 v42, v15;
	v44 =	vld [tilespmem:s13+$0xE0];
	[tilespmem:s14+$0xA0] =	vst v39  }
0x59f: {  	v35 =	vadd.f32 v35, v46;
	v39 =	vmul.f32 v43, v14;
	v43 =	vld [tilespmem:s13+$0x1D0]  }
0x5a0: {  	v45 =	vmul.f32 v45, v16;
	v46 =	vld [tilespmem:s13+$0x230]  }
0x5a1: {  	v40 =	vmul.f32 v40, v13;
	v47 =	vld [tilespmem:s13+$0xFFFFFDE0];
	v39 =	vadd.f32 v39, v42  }
0x5a2: {  	v41 =	vmul.f32 v41, v22;
	v42 =	vld [tilespmem:s13+$0x290]  }
0x5a3: {  	v40 =	vadd.f32 v40, v45;
	v45 =	vld [tilespmem:s13+$0xFFFFFFC0];
	v44 =	vmul.f32 v44, v21  }
0x5a4: {  	v35 =	vadd.f32 v41, v35;
	v41 =	vld [tilespmem:s13+$0x2F0]  }
0x5a5: {  	v25 =	vmul.f32 v43, v25;
	v39 =	vadd.f32 v44, v39;
	v44 =	vld [tilespmem:s13+$0x140];
	v26 =	vmul.f32 v46, v26  }
0x5a6: {  	v43 =	vmul.f32 v47, v23;
	v46 =	vld [tilespmem:s13+$0xFFFFFE40]  }
0x5a7: {  	v25 =	vadd.f32 v26, v25;
	v26 =	vmul.f32 v42, v27;
	v27 =	vld [tilespmem:s16+$0xFFFFFFE0]  }
0x5a8: {  	v40 =	vadd.f32 v43, v40;
	v42 =	vmul.f32 v45, v34;
	v43 =	vld [tilespmem:s16+$0x160]  }
0x5a9: {  	v25 =	vadd.f32 v26, v25;
	v26 =	vmul.f32 v41, v28;
	v28 =	vld [tilespmem:s16+$0xFFFFFE60]  }
0x5aa: {  	v35 =	vadd.f32 v42, v35;
	v41 =	vmul.f32 v44, v32;
	v42 =	vld [tilespmem:s12+$0xFFFFFFF0]  }
0x5ab: {  	v44 =	vmul.f32 v46, v33;
	v25 =	vadd.f32 v26, v25;
	v26 =	vld [tilespmem:s12+$0x170]  }
0x5ac: {  	[tilespmem:s14+$0xFFFFFFC0] =	vst v35;
	v35 =	vadd.f32 v41, v39;
	v27 =	vmul.f32 v27, v19;
	v39 =	vld [tilespmem:s12+$0xFFFFFE70];
	s12 =	smov.u32 s16;
	s16 =	smov.u32 s13  }
0x5ad: {  	v40 =	vadd.f32 v44, v40;
	v41 =	vld [tilespmem:s13+$0xFFFFFEB0];
	[tilespmem:s14+$0xB0] =	vst v25;
	v25 =	vmul.f32 v43, v24  }
0x5ae: {  	v43 =	vld [tilespmem:s13+$0xFFFFFF10];
	[tilespmem:s14+$0x20] =	vst v35;
	v28 =	vmul.f32 v28, v20;
	v27 =	vadd.f32 v27, v37  }
0x5af: {  	[tilespmem:s14+$0xFFFFFF60] =	vst v40;
	v35 =	vld [tilespmem:s13+$0x30];
	v25 =	vadd.f32 v25, v38;
	v37 =	vmul.f32 v42, v8;
	v8 =	vmovc v19;
	v19 =	vmov v34  }
0x5b0: {  	v34 =	vld [tilespmem:s13+$0x90];
	v28 =	vadd.f32 v28, v36;
	[tilespmem:s15+$0xFFFFFFE0] =	vst v27;
	v26 =	vmul.f32 v26, v11;
	v11 =	vmovc v24;
	v24 =	vmov v32  }
0x5b1: {  	v27 =	vld [tilespmem:s13+$0xFFFFFD30];
	[tilespmem:s15+$0x40] =	vst v25;
	v32 =	vmul.f32 v39, v6;
	v30 =	vadd.f32 v37, v30;
	v6 =	vmovc v20;
	v20 =	vmov v33  }
0x5b2: {  	v33 =	vld [tilespmem:s13+$0xFFFFFD90];
	v36 =	vmul.f32 v41, v18;
	[tilespmem:s15+$0xFFFFFF80] =	vst v28;
	v26 =	vadd.f32 v26, v29  }
.Ltmp3:
0x5b3: {  	v37 =	vmul.f32 v43, v17;
	v25 =	vld [tilespmem:s13+$0xFFFFFF70];
	v32 =	vadd.f32 v32, v31;
	[tilespmem:s11+$0xFFFFFFF0] =	vst v30;
	(pc) =	sbr.rel @p0 .LBB2_9-.Ltmp3, $4  }
0x5b4: {  	v30 =	vmul.f32 v35, v15;
	v28 =	vld [tilespmem:s13+$0xF0];
	[tilespmem:s11+$0x50] =	vst v26  }
0x5b5: {  	v29 =	vld [tilespmem:s13+$0xFFFFFDF0];
	v31 =	vadd.f32 v37, v36;
	v26 =	vmul.f32 v34, v14;
	[tilespmem:s11+$0xFFFFFF90] =	vst v32;
	s11 =	smov.u32 s15;
	s15 =	smov.u32 s14  }
0x5b6: {  	v35 =	vmul.f32 v27, v16;
	v32 =	vld [tilespmem:s13+$0xFFFFFFD0]  }
0x5b7: {  	s18 =	sadd.s32 $0x10, s18;
	v36 =	vmul.f32 v33, v13;
	v30 =	vadd.f32 v26, v30;
	v34 =	vld [tilespmem:s13+$0x150]  }
0x5b8: {  	v26 =	vld [tilespmem:s13+$0xFFFFFE50]  }
0x5b9: {  	v27 =	vld [tilespmem:s12+$0xFFFFFED0]  }
0x5ba: {  	v25 =	vmul.f32 v25, v22;
	v33 =	vld [tilespmem:s12+$0xFFFFFF30]  }
0x5bb: {  	v45 =	vld [tilespmem:s12+$0xFFFFFD50]  }
0x5bc: {  	v46 =	vld [tilespmem:s12+$0xFFFFFDB0];
	v25 =	vadd.f32 v25, v31;
	v44 =	vmul.f32 v32, v19  }
0x5bd: {  	v42 =	vld [tilespmem:s12+$0xFFFFFF90]  }
0x5be: {  	v54 =	vld [tilespmem:s12+$0x110];
	v28 =	vmul.f32 v28, v21;
	v25 =	vadd.f32 v44, v25  }
0x5bf: {  	v57 =	vld [tilespmem:s12+$0xFFFFFE10]  }
0x5c0: {  	v59 =	vld [tilespmem:s12+$0xFFFFFFF0];
	v28 =	vadd.f32 v28, v30;
	v34 =	vmul.f32 v34, v24;
	[tilespmem:s14+$0xFFFFFFD0] =	vst v25  }
0x5c1: {  	v35 =	vadd.f32 v36, v35;
	v29 =	vmul.f32 v29, v23;
	v25 =	vld [tilespmem:s16+$0xFFFFFEC0]  }
0x5c2: {  	v28 =	vadd.f32 v34, v28;
	v47 =	vld [tilespmem:s16+$0xFFFFFF20]  }
0x5c3: {  	v29 =	vadd.f32 v29, v35;
	v26 =	vmul.f32 v26, v20;
	v37 =	vld [tilespmem:s16+$0xFFFFFF80]  }
0x5c4: {  	[tilespmem:s14+$0x30] =	vst v28;
	v39 =	vld [tilespmem:s16+$0xFFFFFFE0]  }
0x5c5: {  	v26 =	vadd.f32 v26, v29;
	v48 =	vld [tilespmem:s16+$0x40]  }
0x5c6: {  	v49 =	vld [tilespmem:s16+$0xA0]  }
0x5c7: {  	[tilespmem:s14+$0xFFFFFF70] =	vst v26;
	v38 =	vld [tilespmem:s16+$0x100]  }
0x5c8: {  	v50 =	vld [tilespmem:s16+$0xFFFFFD40];
	v25 =	vmul.f32 v25, v18;
	v28 =	vmul.f32 v47, v17  }
0x5c9: {  	v51 =	vld [tilespmem:s16+$0xFFFFFDA0]  }
0x5ca: {  	v41 =	vld [tilespmem:s16+$0x160];
	v52 =	vmul.f32 v37, v22;
	v25 =	vadd.f32 v28, v25  }
0x5cb: {  	v40 =	vld [tilespmem:s16+$0xFFFFFE00];
	v56 =	vmul.f32 v39, v19  }
0x5cc: {  	v61 =	vld [tilespmem:s12+$0x170];
	v29 =	vmul.f32 v48, v15;
	v26 =	vmul.f32 v49, v14;
	v25 =	vadd.f32 v52, v25  }
0x5cd: {  	v53 =	vld [tilespmem:s16+$0xFFFFFE60];
	v55 =	vmul.f32 v38, v21;
	v34 =	vmul.f32 v50, v16  }
0x5ce: {  	v62 =	vld [tilespmem:s12+$0xFFFFFE70];
	v35 =	vmul.f32 v51, v13;
	v26 =	vadd.f32 v26, v29;
	v25 =	vadd.f32 v56, v25  }
0x5cf: {  	v36 =	vld [tilespmem:s12+$0xB0];
	v60 =	vmul.f32 v41, v24  }
0x5d0: {  	v32 =	vld [tilespmem:s12+$0x50];
	v58 =	vmul.f32 v40, v23;
	v34 =	vadd.f32 v35, v34;
	v26 =	vadd.f32 v55, v26;
	[tilespmem:s15+$0xFFFFFFE0] =	vst v25  }
0x5d1: {  	v2 =	vmul.f32 v27, v2;
	v25 =	vld [tilespmem:s16+$0xFFFFFED0]  }
0x5d2: {  	v29 =	vmul.f32 v53, v20;
	v34 =	vadd.f32 v58, v34;
	v26 =	vadd.f32 v60, v26;
	v63 =	vld [tilespmem:s16+$0xFFFFFF30]  }
0x5d3: {  	v1 =	vmul.f32 v33, v1;
	v7 =	vmul.f32 v45, v7;
	v45 =	vld [tilespmem:s16+$0xFFFFFF90]  }
0x5d4: {  	v29 =	vadd.f32 v29, v34;
	[tilespmem:s15+$0x40] =	vst v26;
	v51 =	vld [tilespmem:s16+$0xFFFFFFF0]  }
0x5d5: {  	v1 =	vadd.f32 v1, v2;
	v2 =	vmul.f32 v46, v5;
	v34 =	vld [tilespmem:s16+$0x50]  }
0x5d6: {  	v4 =	vmul.f32 v36, v4;
	v3 =	vmul.f32 v32, v3;
	[tilespmem:s15+$0xFFFFFF80] =	vst v29;
	v40 =	vld [tilespmem:s16+$0xB0]  }
0x5d7: {  	v42 =	vmul.f32 v42, v10;
	v9 =	vmul.f32 v57, v9;
	v2 =	vadd.f32 v2, v7;
	v41 =	vld [tilespmem:s16+$0xFFFFFD50]  }
0x5d8: {  	v44 =	vmul.f32 v54, v12;
	v6 =	vmul.f32 v62, v6;
	v3 =	vadd.f32 v4, v3;
	v43 =	vld [tilespmem:s16+$0xFFFFFDB0]  }
0x5d9: {  	v1 =	vadd.f32 v42, v1;
	v2 =	vadd.f32 v9, v2;
	v47 =	vmul.f32 v59, v8;
	v46 =	vld [tilespmem:s16+$0x110]  }
0x5da: {  	v3 =	vadd.f32 v44, v3;
	v48 =	vmul.f32 v61, v11;
	v49 =	vld [tilespmem:s16+$0xFFFFFE10];
	v50 =	vmul.f32 v25, v18  }
0x5db: {  	v1 =	vadd.f32 v47, v1;
	v54 =	vld [tilespmem:s16+$0x170];
	v52 =	vmul.f32 v63, v17;
	v59 =	vmul.f32 v45, v22  }
0x5dc: {  	v3 =	vadd.f32 v48, v3;
	v57 =	vld [tilespmem:s16+$0xFFFFFE70];
	v53 =	vmul.f32 v34, v15;
	v56 =	vmul.f32 v40, v14  }
0x5dd: {  	v55 =	vmul.f32 v41, v16;
	v4 =	vadd.f32 v52, v50;
	v58 =	vmul.f32 v43, v13  }
0x5de: {  	v61 =	vmul.f32 v51, v19;
	v5 =	vmul.f32 v46, v21;
	v60 =	vadd.f32 v56, v53  }
0x5df: {  	v8 =	vmul.f32 v49, v23;
	v7 =	vadd.f32 v58, v55;
	v4 =	vadd.f32 v59, v4  }
0x5e0: {  	v2 =	vadd.f32 v6, v2;
	[tilespmem:s11+$0xFFFFFFF0] =	vst v1;
	v62 =	vmul.f32 v54, v24;
	v1 =	vadd.f32 v5, v60  }
0x5e1: {  	s3 =	smul.u32 $0x1800, s10;
	[tilespmem:s11+$0x50] =	vst v3;
	v63 =	vmul.f32 v57, v20;
	v3 =	vadd.f32 v8, v7;
	v4 =	vadd.f32 v61, v4  }
0x5e2: {  	[tilespmem:s11+$0xFFFFFF90] =	vst v2;
	v1 =	vadd.f32 v62, v1  }
0x5e3: {  	s3 =	sshrl.u32 s3, $0x3;
	v2 =	vadd.f32 v63, v3;
	[tilespmem:s15+$0xFFFFFFF0] =	vst v4  }
0x5e4: {  	s28 =	sadd.s32 $0x60, s10;
	s3 =	sadd.s32 s6, s3;
	[tilespmem:s15+$0x50] =	vst v1  }
0x5e5: {  	p0 =	sne.s32 s9, $0x42;
	s10 =	sshll.u32 s28, $0x4;
	s3 =	sadd.s32 $0x6000, s3;
	[tilespmem:s15+$0xFFFFFF90] =	vst v2  }
0x5e6: {  	[hbm4b:s3+s1] =	stream.linear.scatter [tilespmem:s30], [sflag:$0x6], $0x1800, $0x38;
	[tilespmem:$0xF300] =	vst v63  }
.Ltmp4:
0x5e7: {  	s10 =	sand.u32 $0x1FFFFFF0, s10;
	s3 =	sshll.u32 s28, $0x5;
	(pc) =	sbr.rel @p0 .LBB2_6-.Ltmp4, $4  }
0x5e8: {  	s10 =	sadd.s32 s2, s10;
	s3 =	sand.u32 $0x1FFFFFE0, s3  }
0x5e9: {  	[tilespmem:s20], [sflag:$0x2] =	stream.linear.gather [hbm4b:s10+s1], $0x80, $0x38;
	[tilespmem:$0xF300] =	vst v63  }
0x5ea: {  	s3 =	sadd.s32 s4, s3  }
0x5eb: {  	[tilespmem:s21], [sflag:$0x2] =	stream.linear.gather [hbm4b:s3+s1], $0x100, $0x38;
	[tilespmem:$0xF300] =	vst v63  }
0x5ec: {  	_ =	swait.ge [sflag:s26], $0x6000  }
0x5ed: {  	[sflag:s26] =	ssyncset.done $0x0  }
0x5ee: {  	[sflag:s26] =	ssyncadd.s32 $0xFFFFA000  }
0x5ef: {  	_ =	swait.ge [sflag:s24], $0x80  }
0x5f0: {  	[sflag:s24] =	ssyncset.done $0x0  }
0x5f1: {  	[sflag:s24] =	ssyncadd.s32 $0xFFFFFF80  }
0x5f2: {  	_ =	swait.ge [sflag:s24], $0x100  }
0x5f3: {  	[sflag:s24] =	ssyncset.done $0x0  }
0x5f4: {  	[sflag:s24] =	ssyncadd.s32 $0xFFFFFF00  }
0x5f5: {  	_ =	swait.ge [sflag:s31], $0x1800  }
0x5f6: {  	[sflag:s31] =	ssyncset.done $0x0  }
0x5f7: {  	[sflag:s31] =	ssyncadd.s32 $0xFFFFE800  }
0x5f8: {  	_ =	swait.ge [sflag:s0], $0x1800  }
0x5f9: {  	s8 =	rddreg [dreg:$0xd]  }
0x5fa: {  	s3 =	rddreg [dreg:$0xc];
	s8 =	sadd.s32 $0x1, s8  }
0x5fb: {  	p0 =	sne.s32 s8, s3  }
.Ltmp5:
0x5fc: {  	_ = 	snop;
	(pc) =	sbr.rel @p0 .LBB2_1-.Ltmp5, $3  }
0x5fd: {  	_ =	sdelay $0x1  }
0x5fe: {  	[sflag:s0] =	ssyncset.done $0x0  }
0x5ff: {  	[sflag:s0] =	ssyncadd.s32 $0xFFFFE800  }
0x600: {  	_ =	sfence.sel $0x180000  }
0x601: {  	[bflag:$0x0] =	sbarrier.arrive $0xFFFF  }
0x602: {  	_ =	strace $0x90000047  }
0x603: {  	s0 =	stileid.u32;
	[bflag:$0x2] =	sbarrier.arrive $0xFFFF  }
0x604: {  	p0 =	sne.s32 s0, $0x0;
	s0 =	rddreg [dreg:$0x1]  }
0x605: {  	s0 =	sadd.s32 @!p0 $0x100000, s0  }
0x606: {  	[sflag:s0] =	ssyncadd.tile.s32 @!p0 $0x1;
	_ =	shalt  }
.Lfunc_end2:
_tile_overlayer_lowered:
.L_overlay_start_2:
0x607: {  	(tag) =	ssettag $0x2  }
0x608: {  	s0 =	rddreg [dreg:$0x0];
	s2 =	stileid.u32  }
0x609: {  	s1 =	rddreg [dreg:$0x1];
	p0 =	sne.s32 s2, $0x0  }
0x60a: {  	s3 =	rddreg [dreg:$0x2];
	[bflag:$0x3] =	sbarrier.arrive $0xFFFF;
	s2 =	simm.s32 @!p0 $0x1C07  }
0x60b: {  	[timem:s3], [sflag:s2] =	dma.local @!p0 [hbm:s0], s1  }
0x60c: {  	s0 =	simm.s32 @!p0 $0x7  }
0x60d: {  	_ =	swait.ge @!p0 [sflag:s0], s1  }
0x60e: {  	s1 =	ssub.s32 @!p0 $0x0, s1;
	[sflag:s0] =	ssyncset.done @!p0 $0x0  }
0x60f: {  	[sflag:s0] =	ssyncadd.s32 @!p0 s1  }
0x610: {  	[bflag:$0x3] =	sbarrier.arrive $0xFFFF  }
0x611: {  	_ =	shalt  }

</sc_bundles>
